<compile_context>
chip_gen: v7x
topology: tpu7x:2x2x1
jax: 0.10.2.dev20260603
libtpu: 0.0.44.dev20260713+nightly
codegen_flags: <defaults>
</compile_context>

<pallas_src>
import functools

import jax
import jax.numpy as jnp
from jax import lax
from jax.experimental import pallas as pl
from jax.experimental.pallas import tpu as pltpu
from jax.experimental.pallas import tpu_sc as plsc

N = 10000
D = 128
E = 640000

NC = 2
NS = 16
NT = NC * NS

CHUNK = 128
GROUP = 8
NBUF = 2
KCH = 160
TOTC = NT * KCH
EPAD = TOTC * CHUNK
PAD = EPAD - E
NR = 10240
DUMMY = N
RPT = NR // NS

_mesh = plsc.VectorSubcoreMesh(core_axis_name="c", subcore_axis_name="s")



def _deg_body(dsts_hbm, out_hbm, dst_v, ones_v, zz_v, deg_sh, sem):
    c = lax.axis_index("c")
    s = lax.axis_index("s")
    wid = c * NS + s
    ones16 = jnp.ones((16,), jnp.float32)
    zeros16 = jnp.zeros((16,), jnp.float32)
    for j in range(CHUNK // 16):
        ones_v[pl.ds(j * 16, 16)] = ones16
    for j in range(RPT // 16):
        zz_v[pl.ds(j * 16, 16)] = zeros16
    pltpu.sync_copy(zz_v, deg_sh.at[pl.ds(s * RPT, RPT)])
    plsc.subcore_barrier()

    base = wid * KCH

    def grp(g, carry):
        pltpu.sync_copy(dsts_hbm.at[pl.ds(base + g * GROUP, GROUP)], dst_v)
        for j in range(GROUP):
            pltpu.sync_copy(ones_v, deg_sh.at[dst_v.at[j]], add=True)
        return carry

    lax.fori_loop(0, KCH // GROUP, grp, 0)
    plsc.subcore_barrier()
    pltpu.sync_copy(deg_sh.at[pl.ds(s * RPT, RPT)],
                    out_hbm.at[c, pl.ds(s * RPT, RPT)])


_deg_call = pl.kernel(
    _deg_body,
    out_type=jax.ShapeDtypeStruct((NC, NR), jnp.float32),
    mesh=_mesh,
    scratch_types=[
        pltpu.VMEM((GROUP, CHUNK), jnp.int32),
        pltpu.VMEM((CHUNK,), jnp.float32),
        pltpu.VMEM((RPT,), jnp.float32),
        pltpu.VMEM_SHARED((NR,), jnp.float32),
        pltpu.SemaphoreType.DMA,
    ],
)



def _agg_body(y_hbm, srcs_hbm, dsts_hbm, out_hbm, src_v, dst_v, rows_v,
              acc_sh, sem0, sem1):
    c = lax.axis_index("c")
    s = lax.axis_index("s")

    zeros16 = jnp.zeros((16,), jnp.float32)

    def zrow(r, carry):
        for j in range(D // 16):
            rows_v[0, r, pl.ds(j * 16, 16)] = zeros16
        return carry

    lax.fori_loop(0, CHUNK, zrow, 0)
    for k in range(RPT // CHUNK):
        pltpu.sync_copy(rows_v.at[0],
                        acc_sh.at[pl.ds(s * RPT + k * CHUNK, CHUNK)])
    plsc.subcore_barrier()

    sems = (sem0, sem1)

    ngrp = KCH // GROUP
    base = (c * NS + s) * KCH

    pltpu.sync_copy(srcs_hbm.at[pl.ds(base, GROUP)], src_v.at[0])
    pltpu.sync_copy(dsts_hbm.at[pl.ds(base, GROUP)], dst_v.at[0])
    pltpu.async_copy(y_hbm.at[src_v.at[0, 0]], rows_v.at[0], sems[0])

    def grp(g, carry):
        gb = g % 2
        nb = (g + 1) % 2

        @pl.when(g + 1 < ngrp)
        def _load_next():
            off = base + (g + 1) * GROUP
            pltpu.sync_copy(srcs_hbm.at[pl.ds(off, GROUP)], src_v.at[nb])
            pltpu.sync_copy(dsts_hbm.at[pl.ds(off, GROUP)], dst_v.at[nb])

        for j in range(GROUP):
            rb = j % 2
            rn = (j + 1) % 2
            if j + 1 < GROUP:
                pltpu.async_copy(y_hbm.at[src_v.at[gb, j + 1]],
                                 rows_v.at[rn], sems[rn])
            else:
                @pl.when(g + 1 < ngrp)
                def _prefetch_next_group():
                    pltpu.async_copy(y_hbm.at[src_v.at[nb, 0]],
                                     rows_v.at[rn], sems[rn])
            pltpu.make_async_copy(y_hbm.at[src_v.at[gb, j]],
                                  rows_v.at[rb], sems[rb]).wait()
            pltpu.sync_copy(rows_v.at[rb], acc_sh.at[dst_v.at[gb, j]],
                            add=True)
        return carry

    lax.fori_loop(0, ngrp, grp, 0)
    plsc.subcore_barrier()
    pltpu.sync_copy(acc_sh.at[pl.ds(s * RPT, RPT)],
                    out_hbm.at[c, pl.ds(s * RPT, RPT)])


_agg_call = pl.kernel(
    _agg_body,
    out_type=jax.ShapeDtypeStruct((NC, NR, D), jnp.float32),
    mesh=_mesh,
    scratch_types=[
        pltpu.VMEM((2, GROUP, CHUNK), jnp.int32),
        pltpu.VMEM((2, GROUP, CHUNK), jnp.int32),
        pltpu.VMEM((NBUF, CHUNK, D), jnp.float32),
        pltpu.VMEM_SHARED((NR, D), jnp.float32),
        pltpu.SemaphoreType.DMA,
        pltpu.SemaphoreType.DMA,
    ],
)



def _t1_body(x_ref, w_ref, deg_ref, y_ref, dinv_ref):
    dinv = lax.rsqrt(deg_ref[...])
    dinv_ref[...] = dinv
    y_ref[...] = jnp.dot(x_ref[...], w_ref[...],
                         preferred_element_type=jnp.float32) * dinv


_t1_call = pl.pallas_call(
    _t1_body,
    out_shape=[
        jax.ShapeDtypeStruct((N, D), jnp.float32),
        jax.ShapeDtypeStruct((N, 1), jnp.float32),
    ],
)


def _bn_relu(acc_ref, y_ref, dinv_ref, b_ref, g_ref, be_ref):
    agg = acc_ref[0, :N, :] + acc_ref[1, :N, :] + y_ref[...]
    z = agg * dinv_ref[...] + b_ref[...]
    mu = jnp.mean(z, axis=0, keepdims=True)
    zc = z - mu
    var = jnp.mean(zc * zc, axis=0, keepdims=True)
    return jnp.maximum(zc * lax.rsqrt(var + 1e-5) * g_ref[...] + be_ref[...],
                       0.0)


def _mid_body(acc_ref, y_ref, dinv_ref, b_ref, g_ref, be_ref, w_ref, yn_ref):
    h = _bn_relu(acc_ref, y_ref, dinv_ref, b_ref, g_ref, be_ref)
    yn_ref[...] = jnp.dot(h, w_ref[...],
                          preferred_element_type=jnp.float32) * dinv_ref[...]


_mid_call = pl.pallas_call(
    _mid_body,
    out_shape=jax.ShapeDtypeStruct((N, D), jnp.float32),
)


def _fin_body(acc_ref, y_ref, dinv_ref, b_ref, g_ref, be_ref, x_ref, out_ref):
    h = _bn_relu(acc_ref, y_ref, dinv_ref, b_ref, g_ref, be_ref)
    out_ref[...] = jnp.maximum(h + x_ref[...], 0.0)


_fin_call = pl.pallas_call(
    _fin_body,
    out_shape=jax.ShapeDtypeStruct((N, D), jnp.float32),
)



def kernel(x, edge_index, W1, b1, g1, be1, W2, b2, g2, be2, W3, b3, g3, be3):
    src = edge_index[0]
    dst = edge_index[1]
    srcs = jnp.concatenate(
        [src, jnp.zeros((PAD,), jnp.int32)]).reshape(TOTC, CHUNK)
    dsts = jnp.concatenate(
        [dst, jnp.full((PAD,), DUMMY, jnp.int32)]).reshape(TOTC, CHUNK)

    degp = _deg_call(dsts)
    deg_col = (degp[0, :N] + degp[1, :N] + 1.0).reshape(N, 1)

    b1r, g1r, be1r = b1.reshape(1, D), g1.reshape(1, D), be1.reshape(1, D)
    b2r, g2r, be2r = b2.reshape(1, D), g2.reshape(1, D), be2.reshape(1, D)
    b3r, g3r, be3r = b3.reshape(1, D), g3.reshape(1, D), be3.reshape(1, D)

    y1, dinv = _t1_call(x, W1, deg_col)
    acc1 = _agg_call(y1, srcs, dsts)
    y2 = _mid_call(acc1, y1, dinv, b1r, g1r, be1r, W2)
    acc2 = _agg_call(y2, srcs, dsts)
    y3 = _mid_call(acc2, y2, dinv, b2r, g2r, be2r, W3)
    acc3 = _agg_call(y3, srcs, dsts)
    out = _fin_call(acc3, y3, dinv, b3r, g3r, be3r, x)
    return out

# --- scband reference (transcript-rebuilt; emitter-appended) ---
"""Pipeline reference for scband-improved-gcn-30356828848495 (READ-ONLY COPY).

The authoritative reference and input builder live on the scoring server;
editing this copy changes nothing except your own understanding.
"""

import jax, jax.numpy as jnp
import numpy as np

N = 10000
E = 640000
D = 128
DIMS = [D, 128, 128, D]


def setup_inputs(seed: int = 0) -> dict:
    key = jax.random.key(seed)
    ks = jax.random.split(key, 16)
    inp = {}
    inp["x"] = jax.random.normal(ks[0], (N, D), dtype=jnp.float32)
    inp["edge_index"] = jax.random.randint(ks[1], (2, E), 0, N, dtype=jnp.int32)
    # learned parameters: 3 GCNConv layers (W, b) + 3 BatchNorm layers (gamma, beta)
    for i in range(3):
        fan_in, fan_out = DIMS[i], DIMS[i + 1]
        scale = (2.0 / (fan_in + fan_out)) ** 0.5
        inp[f"W{i+1}"] = jax.random.normal(ks[2 + 2 * i], (fan_in, fan_out), dtype=jnp.float32) * scale
        inp[f"b{i+1}"] = jnp.zeros((fan_out,), dtype=jnp.float32)
        inp[f"g{i+1}"] = jnp.ones((fan_out,), dtype=jnp.float32)
        inp[f"be{i+1}"] = jnp.zeros((fan_out,), dtype=jnp.float32)
    return inp


def _gcn_layer(x, src, dst, W, b, n):
    # x' = W x, then symmetric-normalized scatter-add aggregation (PyG GCNConv)
    x = x @ W
    deg = jax.ops.segment_sum(jnp.ones_like(dst, dtype=x.dtype), dst, num_segments=n)
    dinv = jnp.where(deg > 0, 1.0 / jnp.sqrt(deg), 0.0)
    norm = dinv[src] * dinv[dst]
    msg = x[src] * norm[:, None]
    out = jax.ops.segment_sum(msg, dst, num_segments=n)
    return out + b


def _batchnorm(x, g, b, eps=1e-5):
    mu = jnp.mean(x, axis=0)
    var = jnp.var(x, axis=0)
    return (x - mu) / jnp.sqrt(var + eps) * g + b


def reference(x, edge_index, W1, b1, g1, be1, W2, b2, g2, be2, W3, b3, g3, be3):
    n = x.shape[0]
    loop = jnp.arange(n, dtype=edge_index.dtype)
    src = jnp.concatenate([edge_index[0], loop])
    dst = jnp.concatenate([edge_index[1], loop])
    identity = x  # residual_conv is Identity since input_dim == output_dim
    h = x
    params = [(W1, b1, g1, be1), (W2, b2, g2, be2), (W3, b3, g3, be3)]
    for i, (W, b, g, be) in enumerate(params):
        h = _gcn_layer(h, src, dst, W, b, n)
        h = _batchnorm(h, g, be)
        h = jax.nn.relu(h)
        # dropout treated as identity (eval / deterministic)
    out = jax.nn.relu(h + identity)
    return out

if __name__ == "__main__":
    import jax
    _d = setup_inputs()
    print(jax.jit(kernel)(*tuple(_d.values())))

</pallas_src>

<mosaic_0001>
#map = affine_map<(d0, d1) -> (0, 0)>
#map1 = affine_map<(d0, d1) -> (0, 0, 0)>
module attributes {stable_mosaic.version = 14 : i64} {
  func.func @_agg_body(%arg0: i32, %arg1: i32, %arg2: memref<10000x128xf32, #tpu.memory_space<hbm>>, %arg3: memref<5120x128xi32, #tpu.memory_space<hbm>>, %arg4: memref<5120x128xi32, #tpu.memory_space<hbm>>, %arg5: memref<2x10240x128xf32, #tpu.memory_space<hbm>>, %arg6: memref<2x8x128xi32, #tpu.memory_space<vmem>>, %arg7: memref<2x8x128xi32, #tpu.memory_space<vmem>>, %arg8: memref<2x128x128xf32, #tpu.memory_space<vmem>>, %arg9: memref<10240x128xf32, #tpu.memory_space<vmem_shared>>, %arg10: memref<!tpu.dma_semaphore, #tpu.memory_space<semaphore_mem>>, %arg11: memref<!tpu.dma_semaphore, #tpu.memory_space<semaphore_mem>>) attributes {dimension_semantics = [#tpu.dimension_semantics<core_parallel>, #tpu.dimension_semantics<subcore_parallel>], iteration_bounds = array<i64: 2, 16>, scalar_prefetch = 0 : i64, scratch_operands = 6 : i64, tpu.core_type = #tpu.core_type<sc_vector_subcore>, window_params = [{transform_indices = #map}, {transform_indices = #map}, {transform_indices = #map}, {transform_indices = #map1}]} {
    %broadcast_in_dim3A = arith.constant 0.000000e+00 : f32
    %broadcast_in_dim3A_0 = vector.broadcast %broadcast_in_dim3A : f32 to vector<16xf32>
    %scan3A = arith.constant 0 : i32
    %scan3A_1 = arith.constant 0 : i32
    %scan3A_2 = arith.constant 128 : i32
    %scan3A_3 = arith.addi %scan3A_1, %scan3A_2 : i32
    %scan3A_4 = arith.constant 1 : i32
    scf.for %scan3A_58 = %scan3A_1 to %scan3A_3 step %scan3A_4  : i32 {
      %swap3A = arith.constant 0 : i32
      %swap3A_59 = arith.index_cast %swap3A : i32 to index
      %swap3A_60 = arith.index_cast %scan3A_58 : i32 to index
      %swap3A_61 = arith.constant 0 : index
      %swap3A_62 = tpu.vector_load %arg8[%swap3A_59, %swap3A_60, %swap3A_61] {strides = array<i32>} : memref<2x128x128xf32, #tpu.memory_space<vmem>>, vector<1x1x16xf32>,
      %swap3A_63 = vector.shape_cast %swap3A_62 : vector<1x1x16xf32> to vector<16xf32>
      %swap3A_64 = vector.shape_cast %broadcast_in_dim3A_0 : vector<16xf32> to vector<1x1x16xf32>
      tpu.vector_store %arg8[%swap3A_59, %swap3A_60, %swap3A_61], %swap3A_64 {strides = array<i32>} : memref<2x128x128xf32, #tpu.memory_space<vmem>>, vector<1x1x16xf32>,
      %swap3A_65 = arith.constant 0 : i32
      %swap3A_66 = arith.index_cast %swap3A_65 : i32 to index
      %swap3A_67 = arith.index_cast %scan3A_58 : i32 to index
      %swap3A_68 = arith.constant 16 : index
      %swap3A_69 = tpu.vector_load %arg8[%swap3A_66, %swap3A_67, %swap3A_68] {strides = array<i32>} : memref<2x128x128xf32, #tpu.memory_space<vmem>>, vector<1x1x16xf32>,
      %swap3A_70 = vector.shape_cast %swap3A_69 : vector<1x1x16xf32> to vector<16xf32>
      %swap3A_71 = vector.shape_cast %broadcast_in_dim3A_0 : vector<16xf32> to vector<1x1x16xf32>
      tpu.vector_store %arg8[%swap3A_66, %swap3A_67, %swap3A_68], %swap3A_71 {strides = array<i32>} : memref<2x128x128xf32, #tpu.memory_space<vmem>>, vector<1x1x16xf32>,
      %swap3A_72 = arith.constant 0 : i32
      %swap3A_73 = arith.index_cast %swap3A_72 : i32 to index
      %swap3A_74 = arith.index_cast %scan3A_58 : i32 to index
      %swap3A_75 = arith.constant 32 : index
      %swap3A_76 = tpu.vector_load %arg8[%swap3A_73, %swap3A_74, %swap3A_75] {strides = array<i32>} : memref<2x128x128xf32, #tpu.memory_space<vmem>>, vector<1x1x16xf32>,
      %swap3A_77 = vector.shape_cast %swap3A_76 : vector<1x1x16xf32> to vector<16xf32>
      %swap3A_78 = vector.shape_cast %broadcast_in_dim3A_0 : vector<16xf32> to vector<1x1x16xf32>
      tpu.vector_store %arg8[%swap3A_73, %swap3A_74, %swap3A_75], %swap3A_78 {strides = array<i32>} : memref<2x128x128xf32, #tpu.memory_space<vmem>>, vector<1x1x16xf32>,
      %swap3A_79 = arith.constant 0 : i32
      %swap3A_80 = arith.index_cast %swap3A_79 : i32 to index
      %swap3A_81 = arith.index_cast %scan3A_58 : i32 to index
      %swap3A_82 = arith.constant 48 : index
      %swap3A_83 = tpu.vector_load %arg8[%swap3A_80, %swap3A_81, %swap3A_82] {strides = array<i32>} : memref<2x128x128xf32, #tpu.memory_space<vmem>>, vector<1x1x16xf32>,
      %swap3A_84 = vector.shape_cast %swap3A_83 : vector<1x1x16xf32> to vector<16xf32>
      %swap3A_85 = vector.shape_cast %broadcast_in_dim3A_0 : vector<16xf32> to vector<1x1x16xf32>
      tpu.vector_store %arg8[%swap3A_80, %swap3A_81, %swap3A_82], %swap3A_85 {strides = array<i32>} : memref<2x128x128xf32, #tpu.memory_space<vmem>>, vector<1x1x16xf32>,
      %swap3A_86 = arith.constant 0 : i32
      %swap3A_87 = arith.index_cast %swap3A_86 : i32 to index
      %swap3A_88 = arith.index_cast %scan3A_58 : i32 to index
      %swap3A_89 = arith.constant 64 : index
      %swap3A_90 = tpu.vector_load %arg8[%swap3A_87, %swap3A_88, %swap3A_89] {strides = array<i32>} : memref<2x128x128xf32, #tpu.memory_space<vmem>>, vector<1x1x16xf32>,
      %swap3A_91 = vector.shape_cast %swap3A_90 : vector<1x1x16xf32> to vector<16xf32>
      %swap3A_92 = vector.shape_cast %broadcast_in_dim3A_0 : vector<16xf32> to vector<1x1x16xf32>
      tpu.vector_store %arg8[%swap3A_87, %swap3A_88, %swap3A_89], %swap3A_92 {strides = array<i32>} : memref<2x128x128xf32, #tpu.memory_space<vmem>>, vector<1x1x16xf32>,
      %swap3A_93 = arith.constant 0 : i32
      %swap3A_94 = arith.index_cast %swap3A_93 : i32 to index
      %swap3A_95 = arith.index_cast %scan3A_58 : i32 to index
      %swap3A_96 = arith.constant 80 : index
      %swap3A_97 = tpu.vector_load %arg8[%swap3A_94, %swap3A_95, %swap3A_96] {strides = array<i32>} : memref<2x128x128xf32, #tpu.memory_space<vmem>>, vector<1x1x16xf32>,
      %swap3A_98 = vector.shape_cast %swap3A_97 : vector<1x1x16xf32> to vector<16xf32>
      %swap3A_99 = vector.shape_cast %broadcast_in_dim3A_0 : vector<16xf32> to vector<1x1x16xf32>
      tpu.vector_store %arg8[%swap3A_94, %swap3A_95, %swap3A_96], %swap3A_99 {strides = array<i32>} : memref<2x128x128xf32, #tpu.memory_space<vmem>>, vector<1x1x16xf32>,
      %swap3A_100 = arith.constant 0 : i32
      %swap3A_101 = arith.index_cast %swap3A_100 : i32 to index
      %swap3A_102 = arith.index_cast %scan3A_58 : i32 to index
      %swap3A_103 = arith.constant 96 : index
      %swap3A_104 = tpu.vector_load %arg8[%swap3A_101, %swap3A_102, %swap3A_103] {strides = array<i32>} : memref<2x128x128xf32, #tpu.memory_space<vmem>>, vector<1x1x16xf32>,
      %swap3A_105 = vector.shape_cast %swap3A_104 : vector<1x1x16xf32> to vector<16xf32>
      %swap3A_106 = vector.shape_cast %broadcast_in_dim3A_0 : vector<16xf32> to vector<1x1x16xf32>
      tpu.vector_store %arg8[%swap3A_101, %swap3A_102, %swap3A_103], %swap3A_106 {strides = array<i32>} : memref<2x128x128xf32, #tpu.memory_space<vmem>>, vector<1x1x16xf32>,
      %swap3A_107 = arith.constant 0 : i32
      %swap3A_108 = arith.index_cast %swap3A_107 : i32 to index
      %swap3A_109 = arith.index_cast %scan3A_58 : i32 to index
      %swap3A_110 = arith.constant 112 : index
      %swap3A_111 = tpu.vector_load %arg8[%swap3A_108, %swap3A_109, %swap3A_110] {strides = array<i32>} : memref<2x128x128xf32, #tpu.memory_space<vmem>>, vector<1x1x16xf32>,
      %swap3A_112 = vector.shape_cast %swap3A_111 : vector<1x1x16xf32> to vector<16xf32>
      %swap3A_113 = vector.shape_cast %broadcast_in_dim3A_0 : vector<16xf32> to vector<1x1x16xf32>
      tpu.vector_store %arg8[%swap3A_108, %swap3A_109, %swap3A_110], %swap3A_113 {strides = array<i32>} : memref<2x128x128xf32, #tpu.memory_space<vmem>>, vector<1x1x16xf32>,
    }
    %scan3A_5 = arith.constant 128 : i32
    %mul3A = arith.constant 640 : i32
    %mul3A_6 = arith.muli %arg1, %mul3A : i32
    %add3A = arith.constant 0 : i32
    %add3A_7 = arith.addi %mul3A_6, %add3A : i32
    %run_scoped3A = arith.constant 0 : i32
    "tpu.region"() ({
      %run_scoped3A_58 = tpu.sem_alloc : memref<!tpu.dma_semaphore, #tpu.memory_space<semaphore_mem>>
      %dma_start3A_59 = arith.constant 0 : i32
      %dma_start3A_60 = arith.constant 0 : i32
      %dma_start3A_61 = tpu.memref_slice %arg8[%run_scoped3A, %dma_start3A_59, %dma_start3A_60] : memref<2x128x128xf32, #tpu.memory_space<vmem>> -> memref<1x128x128xf32, #tpu.memory_space<vmem>>
      %dma_start3A_62 = tpu.memref_squeeze %dma_start3A_61 : memref<1x128x128xf32, #tpu.memory_space<vmem>> -> memref<128x128xf32, #tpu.memory_space<vmem>>
      %dma_start3A_63 = arith.constant 0 : i32
      %dma_start3A_64 = tpu.memref_slice %arg9[%add3A_7, %dma_start3A_63] : memref<10240x128xf32, #tpu.memory_space<vmem_shared>> -> memref<128x128xf32, #tpu.memory_space<vmem_shared>>
      %dma_start3A_65 = arith.constant 0 : i32
      %dma_start3A_66 = tpu.memref_slice %arg9[%add3A_7, %dma_start3A_65] : memref<10240x128xf32, #tpu.memory_space<vmem_shared>> -> memref<128x128xf32, #tpu.memory_space<vmem_shared>>
      %dma_start3A_67 = arith.constant 0 : i32
      %dma_start3A_68 = arith.constant 0 : i32
      %dma_start3A_69 = tpu.memref_slice %arg8[%run_scoped3A, %dma_start3A_67, %dma_start3A_68] : memref<2x128x128xf32, #tpu.memory_space<vmem>> -> memref<1x128x128xf32, #tpu.memory_space<vmem>>
      %dma_start3A_70 = tpu.memref_squeeze %dma_start3A_69 : memref<1x128x128xf32, #tpu.memory_space<vmem>> -> memref<128x128xf32, #tpu.memory_space<vmem>>
      tpu.enqueue_dma source(%dma_start3A_70 : memref<128x128xf32, #tpu.memory_space<vmem>>) target(%dma_start3A_66 : memref<128x128xf32, #tpu.memory_space<vmem_shared>>) target_semaphore(%run_scoped3A_58 : memref<!tpu.dma_semaphore, #tpu.memory_space<semaphore_mem>>)
      %dma_wait3A = arith.constant 0 : i32
      %dma_wait3A_71 = arith.constant 0 : i32
      %dma_wait3A_72 = tpu.memref_slice %arg8[%run_scoped3A, %dma_wait3A, %dma_wait3A_71] : memref<2x128x128xf32, #tpu.memory_space<vmem>> -> memref<1x128x128xf32, #tpu.memory_space<vmem>>
      %dma_wait3A_73 = tpu.memref_squeeze %dma_wait3A_72 : memref<1x128x128xf32, #tpu.memory_space<vmem>> -> memref<128x128xf32, #tpu.memory_space<vmem>>
      %dma_wait3A_74 = arith.constant 0 : i32
      %dma_wait3A_75 = tpu.memref_slice %arg9[%add3A_7, %dma_wait3A_74] : memref<10240x128xf32, #tpu.memory_space<vmem_shared>> -> memref<128x128xf32, #tpu.memory_space<vmem_shared>>
      %dma_wait3A_76 = arith.constant 0 : i32
      %dma_wait3A_77 = tpu.memref_slice %arg9[%add3A_7, %dma_wait3A_76] : memref<10240x128xf32, #tpu.memory_space<vmem_shared>> -> memref<128x128xf32, #tpu.memory_space<vmem_shared>>
      %dma_wait3A_78 = arith.constant 0 : i32
      %dma_wait3A_79 = arith.constant 0 : i32
      %dma_wait3A_80 = tpu.memref_slice %arg8[%run_scoped3A, %dma_wait3A_78, %dma_wait3A_79] : memref<2x128x128xf32, #tpu.memory_space<vmem>> -> memref<1x128x128xf32, #tpu.memory_space<vmem>>
      %dma_wait3A_81 = tpu.memref_squeeze %dma_wait3A_80 : memref<1x128x128xf32, #tpu.memory_space<vmem>> -> memref<128x128xf32, #tpu.memory_space<vmem>>
      tpu.wait_dma2 semaphore(%run_scoped3A_58 : memref<!tpu.dma_semaphore, #tpu.memory_space<semaphore_mem>>) src(%dma_wait3A_81 : memref<128x128xf32, #tpu.memory_space<vmem>>) dst(%dma_wait3A_77 : memref<128x128xf32, #tpu.memory_space<vmem_shared>>)
      tpu.yield
    }) : () -> ()
    %mul3A_8 = arith.constant 640 : i32
    %mul3A_9 = arith.muli %arg1, %mul3A_8 : i32
    %add3A_10 = arith.constant 128 : i32
    %add3A_11 = arith.addi %mul3A_9, %add3A_10 : i32
    %run_scoped3A_12 = arith.constant 0 : i32
    "tpu.region"() ({
      %run_scoped3A_58 = tpu.sem_alloc : memref<!tpu.dma_semaphore, #tpu.memory_space<semaphore_mem>>
      %dma_start3A_59 = arith.constant 0 : i32
      %dma_start3A_60 = arith.constant 0 : i32
      %dma_start3A_61 = tpu.memref_slice %arg8[%run_scoped3A_12, %dma_start3A_59, %dma_start3A_60] : memref<2x128x128xf32, #tpu.memory_space<vmem>> -> memref<1x128x128xf32, #tpu.memory_space<vmem>>
      %dma_start3A_62 = tpu.memref_squeeze %dma_start3A_61 : memref<1x128x128xf32, #tpu.memory_space<vmem>> -> memref<128x128xf32, #tpu.memory_space<vmem>>
      %dma_start3A_63 = arith.constant 0 : i32
      %dma_start3A_64 = tpu.memref_slice %arg9[%add3A_11, %dma_start3A_63] : memref<10240x128xf32, #tpu.memory_space<vmem_shared>> -> memref<128x128xf32, #tpu.memory_space<vmem_shared>>
      %dma_start3A_65 = arith.constant 0 : i32
      %dma_start3A_66 = tpu.memref_slice %arg9[%add3A_11, %dma_start3A_65] : memref<10240x128xf32, #tpu.memory_space<vmem_shared>> -> memref<128x128xf32, #tpu.memory_space<vmem_shared>>
      %dma_start3A_67 = arith.constant 0 : i32
      %dma_start3A_68 = arith.constant 0 : i32
      %dma_start3A_69 = tpu.memref_slice %arg8[%run_scoped3A_12, %dma_start3A_67, %dma_start3A_68] : memref<2x128x128xf32, #tpu.memory_space<vmem>> -> memref<1x128x128xf32, #tpu.memory_space<vmem>>
      %dma_start3A_70 = tpu.memref_squeeze %dma_start3A_69 : memref<1x128x128xf32, #tpu.memory_space<vmem>> -> memref<128x128xf32, #tpu.memory_space<vmem>>
      tpu.enqueue_dma source(%dma_start3A_70 : memref<128x128xf32, #tpu.memory_space<vmem>>) target(%dma_start3A_66 : memref<128x128xf32, #tpu.memory_space<vmem_shared>>) target_semaphore(%run_scoped3A_58 : memref<!tpu.dma_semaphore, #tpu.memory_space<semaphore_mem>>)
      %dma_wait3A = arith.constant 0 : i32
      %dma_wait3A_71 = arith.constant 0 : i32
      %dma_wait3A_72 = tpu.memref_slice %arg8[%run_scoped3A_12, %dma_wait3A, %dma_wait3A_71] : memref<2x128x128xf32, #tpu.memory_space<vmem>> -> memref<1x128x128xf32, #tpu.memory_space<vmem>>
      %dma_wait3A_73 = tpu.memref_squeeze %dma_wait3A_72 : memref<1x128x128xf32, #tpu.memory_space<vmem>> -> memref<128x128xf32, #tpu.memory_space<vmem>>
      %dma_wait3A_74 = arith.constant 0 : i32
      %dma_wait3A_75 = tpu.memref_slice %arg9[%add3A_11, %dma_wait3A_74] : memref<10240x128xf32, #tpu.memory_space<vmem_shared>> -> memref<128x128xf32, #tpu.memory_space<vmem_shared>>
      %dma_wait3A_76 = arith.constant 0 : i32
      %dma_wait3A_77 = tpu.memref_slice %arg9[%add3A_11, %dma_wait3A_76] : memref<10240x128xf32, #tpu.memory_space<vmem_shared>> -> memref<128x128xf32, #tpu.memory_space<vmem_shared>>
      %dma_wait3A_78 = arith.constant 0 : i32
      %dma_wait3A_79 = arith.constant 0 : i32
      %dma_wait3A_80 = tpu.memref_slice %arg8[%run_scoped3A_12, %dma_wait3A_78, %dma_wait3A_79] : memref<2x128x128xf32, #tpu.memory_space<vmem>> -> memref<1x128x128xf32, #tpu.memory_space<vmem>>
      %dma_wait3A_81 = tpu.memref_squeeze %dma_wait3A_80 : memref<1x128x128xf32, #tpu.memory_space<vmem>> -> memref<128x128xf32, #tpu.memory_space<vmem>>
      tpu.wait_dma2 semaphore(%run_scoped3A_58 : memref<!tpu.dma_semaphore, #tpu.memory_space<semaphore_mem>>) src(%dma_wait3A_81 : memref<128x128xf32, #tpu.memory_space<vmem>>) dst(%dma_wait3A_77 : memref<128x128xf32, #tpu.memory_space<vmem_shared>>)
      tpu.yield
    }) : () -> ()
    %mul3A_13 = arith.constant 640 : i32
    %mul3A_14 = arith.muli %arg1, %mul3A_13 : i32
    %add3A_15 = arith.constant 256 : i32
    %add3A_16 = arith.addi %mul3A_14, %add3A_15 : i32
    %run_scoped3A_17 = arith.constant 0 : i32
    "tpu.region"() ({
      %run_scoped3A_58 = tpu.sem_alloc : memref<!tpu.dma_semaphore, #tpu.memory_space<semaphore_mem>>
      %dma_start3A_59 = arith.constant 0 : i32
      %dma_start3A_60 = arith.constant 0 : i32
      %dma_start3A_61 = tpu.memref_slice %arg8[%run_scoped3A_17, %dma_start3A_59, %dma_start3A_60] : memref<2x128x128xf32, #tpu.memory_space<vmem>> -> memref<1x128x128xf32, #tpu.memory_space<vmem>>
      %dma_start3A_62 = tpu.memref_squeeze %dma_start3A_61 : memref<1x128x128xf32, #tpu.memory_space<vmem>> -> memref<128x128xf32, #tpu.memory_space<vmem>>
      %dma_start3A_63 = arith.constant 0 : i32
      %dma_start3A_64 = tpu.memref_slice %arg9[%add3A_16, %dma_start3A_63] : memref<10240x128xf32, #tpu.memory_space<vmem_shared>> -> memref<128x128xf32, #tpu.memory_space<vmem_shared>>
      %dma_start3A_65 = arith.constant 0 : i32
      %dma_start3A_66 = tpu.memref_slice %arg9[%add3A_16, %dma_start3A_65] : memref<10240x128xf32, #tpu.memory_space<vmem_shared>> -> memref<128x128xf32, #tpu.memory_space<vmem_shared>>
      %dma_start3A_67 = arith.constant 0 : i32
      %dma_start3A_68 = arith.constant 0 : i32
      %dma_start3A_69 = tpu.memref_slice %arg8[%run_scoped3A_17, %dma_start3A_67, %dma_start3A_68] : memref<2x128x128xf32, #tpu.memory_space<vmem>> -> memref<1x128x128xf32, #tpu.memory_space<vmem>>
      %dma_start3A_70 = tpu.memref_squeeze %dma_start3A_69 : memref<1x128x128xf32, #tpu.memory_space<vmem>> -> memref<128x128xf32, #tpu.memory_space<vmem>>
      tpu.enqueue_dma source(%dma_start3A_70 : memref<128x128xf32, #tpu.memory_space<vmem>>) target(%dma_start3A_66 : memref<128x128xf32, #tpu.memory_space<vmem_shared>>) target_semaphore(%run_scoped3A_58 : memref<!tpu.dma_semaphore, #tpu.memory_space<semaphore_mem>>)
      %dma_wait3A = arith.constant 0 : i32
      %dma_wait3A_71 = arith.constant 0 : i32
      %dma_wait3A_72 = tpu.memref_slice %arg8[%run_scoped3A_17, %dma_wait3A, %dma_wait3A_71] : memref<2x128x128xf32, #tpu.memory_space<vmem>> -> memref<1x128x128xf32, #tpu.memory_space<vmem>>
      %dma_wait3A_73 = tpu.memref_squeeze %dma_wait3A_72 : memref<1x128x128xf32, #tpu.memory_space<vmem>> -> memref<128x128xf32, #tpu.memory_space<vmem>>
      %dma_wait3A_74 = arith.constant 0 : i32
      %dma_wait3A_75 = tpu.memref_slice %arg9[%add3A_16, %dma_wait3A_74] : memref<10240x128xf32, #tpu.memory_space<vmem_shared>> -> memref<128x128xf32, #tpu.memory_space<vmem_shared>>
      %dma_wait3A_76 = arith.constant 0 : i32
      %dma_wait3A_77 = tpu.memref_slice %arg9[%add3A_16, %dma_wait3A_76] : memref<10240x128xf32, #tpu.memory_space<vmem_shared>> -> memref<128x128xf32, #tpu.memory_space<vmem_shared>>
      %dma_wait3A_78 = arith.constant 0 : i32
      %dma_wait3A_79 = arith.constant 0 : i32
      %dma_wait3A_80 = tpu.memref_slice %arg8[%run_scoped3A_17, %dma_wait3A_78, %dma_wait3A_79] : memref<2x128x128xf32, #tpu.memory_space<vmem>> -> memref<1x128x128xf32, #tpu.memory_space<vmem>>
      %dma_wait3A_81 = tpu.memref_squeeze %dma_wait3A_80 : memref<1x128x128xf32, #tpu.memory_space<vmem>> -> memref<128x128xf32, #tpu.memory_space<vmem>>
      tpu.wait_dma2 semaphore(%run_scoped3A_58 : memref<!tpu.dma_semaphore, #tpu.memory_space<semaphore_mem>>) src(%dma_wait3A_81 : memref<128x128xf32, #tpu.memory_space<vmem>>) dst(%dma_wait3A_77 : memref<128x128xf32, #tpu.memory_space<vmem_shared>>)
      tpu.yield
    }) : () -> ()
    %mul3A_18 = arith.constant 640 : i32
    %mul3A_19 = arith.muli %arg1, %mul3A_18 : i32
    %add3A_20 = arith.constant 384 : i32
    %add3A_21 = arith.addi %mul3A_19, %add3A_20 : i32
    %run_scoped3A_22 = arith.constant 0 : i32
    "tpu.region"() ({
      %run_scoped3A_58 = tpu.sem_alloc : memref<!tpu.dma_semaphore, #tpu.memory_space<semaphore_mem>>
      %dma_start3A_59 = arith.constant 0 : i32
      %dma_start3A_60 = arith.constant 0 : i32
      %dma_start3A_61 = tpu.memref_slice %arg8[%run_scoped3A_22, %dma_start3A_59, %dma_start3A_60] : memref<2x128x128xf32, #tpu.memory_space<vmem>> -> memref<1x128x128xf32, #tpu.memory_space<vmem>>
      %dma_start3A_62 = tpu.memref_squeeze %dma_start3A_61 : memref<1x128x128xf32, #tpu.memory_space<vmem>> -> memref<128x128xf32, #tpu.memory_space<vmem>>
      %dma_start3A_63 = arith.constant 0 : i32
      %dma_start3A_64 = tpu.memref_slice %arg9[%add3A_21, %dma_start3A_63] : memref<10240x128xf32, #tpu.memory_space<vmem_shared>> -> memref<128x128xf32, #tpu.memory_space<vmem_shared>>
      %dma_start3A_65 = arith.constant 0 : i32
      %dma_start3A_66 = tpu.memref_slice %arg9[%add3A_21, %dma_start3A_65] : memref<10240x128xf32, #tpu.memory_space<vmem_shared>> -> memref<128x128xf32, #tpu.memory_space<vmem_shared>>
      %dma_start3A_67 = arith.constant 0 : i32
      %dma_start3A_68 = arith.constant 0 : i32
      %dma_start3A_69 = tpu.memref_slice %arg8[%run_scoped3A_22, %dma_start3A_67, %dma_start3A_68] : memref<2x128x128xf32, #tpu.memory_space<vmem>> -> memref<1x128x128xf32, #tpu.memory_space<vmem>>
      %dma_start3A_70 = tpu.memref_squeeze %dma_start3A_69 : memref<1x128x128xf32, #tpu.memory_space<vmem>> -> memref<128x128xf32, #tpu.memory_space<vmem>>
      tpu.enqueue_dma source(%dma_start3A_70 : memref<128x128xf32, #tpu.memory_space<vmem>>) target(%dma_start3A_66 : memref<128x128xf32, #tpu.memory_space<vmem_shared>>) target_semaphore(%run_scoped3A_58 : memref<!tpu.dma_semaphore, #tpu.memory_space<semaphore_mem>>)
      %dma_wait3A = arith.constant 0 : i32
      %dma_wait3A_71 = arith.constant 0 : i32
      %dma_wait3A_72 = tpu.memref_slice %arg8[%run_scoped3A_22, %dma_wait3A, %dma_wait3A_71] : memref<2x128x128xf32, #tpu.memory_space<vmem>> -> memref<1x128x128xf32, #tpu.memory_space<vmem>>
      %dma_wait3A_73 = tpu.memref_squeeze %dma_wait3A_72 : memref<1x128x128xf32, #tpu.memory_space<vmem>> -> memref<128x128xf32, #tpu.memory_space<vmem>>
      %dma_wait3A_74 = arith.constant 0 : i32
      %dma_wait3A_75 = tpu.memref_slice %arg9[%add3A_21, %dma_wait3A_74] : memref<10240x128xf32, #tpu.memory_space<vmem_shared>> -> memref<128x128xf32, #tpu.memory_space<vmem_shared>>
      %dma_wait3A_76 = arith.constant 0 : i32
      %dma_wait3A_77 = tpu.memref_slice %arg9[%add3A_21, %dma_wait3A_76] : memref<10240x128xf32, #tpu.memory_space<vmem_shared>> -> memref<128x128xf32, #tpu.memory_space<vmem_shared>>
      %dma_wait3A_78 = arith.constant 0 : i32
      %dma_wait3A_79 = arith.constant 0 : i32
      %dma_wait3A_80 = tpu.memref_slice %arg8[%run_scoped3A_22, %dma_wait3A_78, %dma_wait3A_79] : memref<2x128x128xf32, #tpu.memory_space<vmem>> -> memref<1x128x128xf32, #tpu.memory_space<vmem>>
      %dma_wait3A_81 = tpu.memref_squeeze %dma_wait3A_80 : memref<1x128x128xf32, #tpu.memory_space<vmem>> -> memref<128x128xf32, #tpu.memory_space<vmem>>
      tpu.wait_dma2 semaphore(%run_scoped3A_58 : memref<!tpu.dma_semaphore, #tpu.memory_space<semaphore_mem>>) src(%dma_wait3A_81 : memref<128x128xf32, #tpu.memory_space<vmem>>) dst(%dma_wait3A_77 : memref<128x128xf32, #tpu.memory_space<vmem_shared>>)
      tpu.yield
    }) : () -> ()
    %mul3A_23 = arith.constant 640 : i32
    %mul3A_24 = arith.muli %arg1, %mul3A_23 : i32
    %add3A_25 = arith.constant 512 : i32
    %add3A_26 = arith.addi %mul3A_24, %add3A_25 : i32
    %run_scoped3A_27 = arith.constant 0 : i32
    "tpu.region"() ({
      %run_scoped3A_58 = tpu.sem_alloc : memref<!tpu.dma_semaphore, #tpu.memory_space<semaphore_mem>>
      %dma_start3A_59 = arith.constant 0 : i32
      %dma_start3A_60 = arith.constant 0 : i32
      %dma_start3A_61 = tpu.memref_slice %arg8[%run_scoped3A_27, %dma_start3A_59, %dma_start3A_60] : memref<2x128x128xf32, #tpu.memory_space<vmem>> -> memref<1x128x128xf32, #tpu.memory_space<vmem>>
      %dma_start3A_62 = tpu.memref_squeeze %dma_start3A_61 : memref<1x128x128xf32, #tpu.memory_space<vmem>> -> memref<128x128xf32, #tpu.memory_space<vmem>>
      %dma_start3A_63 = arith.constant 0 : i32
      %dma_start3A_64 = tpu.memref_slice %arg9[%add3A_26, %dma_start3A_63] : memref<10240x128xf32, #tpu.memory_space<vmem_shared>> -> memref<128x128xf32, #tpu.memory_space<vmem_shared>>
      %dma_start3A_65 = arith.constant 0 : i32
      %dma_start3A_66 = tpu.memref_slice %arg9[%add3A_26, %dma_start3A_65] : memref<10240x128xf32, #tpu.memory_space<vmem_shared>> -> memref<128x128xf32, #tpu.memory_space<vmem_shared>>
      %dma_start3A_67 = arith.constant 0 : i32
      %dma_start3A_68 = arith.constant 0 : i32
      %dma_start3A_69 = tpu.memref_slice %arg8[%run_scoped3A_27, %dma_start3A_67, %dma_start3A_68] : memref<2x128x128xf32, #tpu.memory_space<vmem>> -> memref<1x128x128xf32, #tpu.memory_space<vmem>>
      %dma_start3A_70 = tpu.memref_squeeze %dma_start3A_69 : memref<1x128x128xf32, #tpu.memory_space<vmem>> -> memref<128x128xf32, #tpu.memory_space<vmem>>
      tpu.enqueue_dma source(%dma_start3A_70 : memref<128x128xf32, #tpu.memory_space<vmem>>) target(%dma_start3A_66 : memref<128x128xf32, #tpu.memory_space<vmem_shared>>) target_semaphore(%run_scoped3A_58 : memref<!tpu.dma_semaphore, #tpu.memory_space<semaphore_mem>>)
      %dma_wait3A = arith.constant 0 : i32
      %dma_wait3A_71 = arith.constant 0 : i32
      %dma_wait3A_72 = tpu.memref_slice %arg8[%run_scoped3A_27, %dma_wait3A, %dma_wait3A_71] : memref<2x128x128xf32, #tpu.memory_space<vmem>> -> memref<1x128x128xf32, #tpu.memory_space<vmem>>
      %dma_wait3A_73 = tpu.memref_squeeze %dma_wait3A_72 : memref<1x128x128xf32, #tpu.memory_space<vmem>> -> memref<128x128xf32, #tpu.memory_space<vmem>>
      %dma_wait3A_74 = arith.constant 0 : i32
      %dma_wait3A_75 = tpu.memref_slice %arg9[%add3A_26, %dma_wait3A_74] : memref<10240x128xf32, #tpu.memory_space<vmem_shared>> -> memref<128x128xf32, #tpu.memory_space<vmem_shared>>
      %dma_wait3A_76 = arith.constant 0 : i32
      %dma_wait3A_77 = tpu.memref_slice %arg9[%add3A_26, %dma_wait3A_76] : memref<10240x128xf32, #tpu.memory_space<vmem_shared>> -> memref<128x128xf32, #tpu.memory_space<vmem_shared>>
      %dma_wait3A_78 = arith.constant 0 : i32
      %dma_wait3A_79 = arith.constant 0 : i32
      %dma_wait3A_80 = tpu.memref_slice %arg8[%run_scoped3A_27, %dma_wait3A_78, %dma_wait3A_79] : memref<2x128x128xf32, #tpu.memory_space<vmem>> -> memref<1x128x128xf32, #tpu.memory_space<vmem>>
      %dma_wait3A_81 = tpu.memref_squeeze %dma_wait3A_80 : memref<1x128x128xf32, #tpu.memory_space<vmem>> -> memref<128x128xf32, #tpu.memory_space<vmem>>
      tpu.wait_dma2 semaphore(%run_scoped3A_58 : memref<!tpu.dma_semaphore, #tpu.memory_space<semaphore_mem>>) src(%dma_wait3A_81 : memref<128x128xf32, #tpu.memory_space<vmem>>) dst(%dma_wait3A_77 : memref<128x128xf32, #tpu.memory_space<vmem_shared>>)
      tpu.yield
    }) : () -> ()
    %barrier3A = arith.constant 0 : index
    tpu.barrier barrier_id(%barrier3A)
    %mul3A_28 = arith.constant 16 : i32
    %mul3A_29 = arith.muli %arg0, %mul3A_28 : i32
    %add3A_30 = arith.addi %mul3A_29, %arg1 : i32
    %mul3A_31 = arith.constant 160 : i32
    %mul3A_32 = arith.muli %add3A_30, %mul3A_31 : i32
    %run_scoped3A_33 = arith.constant 0 : i32
    "tpu.region"() ({
      %run_scoped3A_58 = tpu.sem_alloc : memref<!tpu.dma_semaphore, #tpu.memory_space<semaphore_mem>>
      %dma_start3A_59 = arith.constant 0 : i32
      %dma_start3A_60 = arith.constant 0 : i32
      %dma_start3A_61 = tpu.memref_slice %arg6[%run_scoped3A_33, %dma_start3A_59, %dma_start3A_60] : memref<2x8x128xi32, #tpu.memory_space<vmem>> -> memref<1x8x128xi32, #tpu.memory_space<vmem>>
      %dma_start3A_62 = tpu.memref_squeeze %dma_start3A_61 : memref<1x8x128xi32, #tpu.memory_space<vmem>> -> memref<8x128xi32, #tpu.memory_space<vmem>>
      %dma_start3A_63 = arith.constant 0 : i32
      %dma_start3A_64 = tpu.memref_slice %arg3[%mul3A_32, %dma_start3A_63] : memref<5120x128xi32, #tpu.memory_space<hbm>> -> memref<8x128xi32, #tpu.memory_space<hbm>>
      %dma_start3A_65 = arith.constant 0 : i32
      %dma_start3A_66 = arith.constant 0 : i32
      %dma_start3A_67 = tpu.memref_slice %arg6[%run_scoped3A_33, %dma_start3A_65, %dma_start3A_66] : memref<2x8x128xi32, #tpu.memory_space<vmem>> -> memref<1x8x128xi32, #tpu.memory_space<vmem>>
      %dma_start3A_68 = tpu.memref_squeeze %dma_start3A_67 : memref<1x8x128xi32, #tpu.memory_space<vmem>> -> memref<8x128xi32, #tpu.memory_space<vmem>>
      %dma_start3A_69 = arith.constant 0 : i32
      %dma_start3A_70 = tpu.memref_slice %arg3[%mul3A_32, %dma_start3A_69] : memref<5120x128xi32, #tpu.memory_space<hbm>> -> memref<8x128xi32, #tpu.memory_space<hbm>>
      tpu.enqueue_dma source(%dma_start3A_70 : memref<8x128xi32, #tpu.memory_space<hbm>>) target(%dma_start3A_68 : memref<8x128xi32, #tpu.memory_space<vmem>>) target_semaphore(%run_scoped3A_58 : memref<!tpu.dma_semaphore, #tpu.memory_space<semaphore_mem>>)
      %dma_wait3A = arith.constant 0 : i32
      %dma_wait3A_71 = arith.constant 0 : i32
      %dma_wait3A_72 = tpu.memref_slice %arg6[%run_scoped3A_33, %dma_wait3A, %dma_wait3A_71] : memref<2x8x128xi32, #tpu.memory_space<vmem>> -> memref<1x8x128xi32, #tpu.memory_space<vmem>>
      %dma_wait3A_73 = tpu.memref_squeeze %dma_wait3A_72 : memref<1x8x128xi32, #tpu.memory_space<vmem>> -> memref<8x128xi32, #tpu.memory_space<vmem>>
      %dma_wait3A_74 = arith.constant 0 : i32
      %dma_wait3A_75 = tpu.memref_slice %arg3[%mul3A_32, %dma_wait3A_74] : memref<5120x128xi32, #tpu.memory_space<hbm>> -> memref<8x128xi32, #tpu.memory_space<hbm>>
      %dma_wait3A_76 = arith.constant 0 : i32
      %dma_wait3A_77 = arith.constant 0 : i32
      %dma_wait3A_78 = tpu.memref_slice %arg6[%run_scoped3A_33, %dma_wait3A_76, %dma_wait3A_77] : memref<2x8x128xi32, #tpu.memory_space<vmem>> -> memref<1x8x128xi32, #tpu.memory_space<vmem>>
      %dma_wait3A_79 = tpu.memref_squeeze %dma_wait3A_78 : memref<1x8x128xi32, #tpu.memory_space<vmem>> -> memref<8x128xi32, #tpu.memory_space<vmem>>
      %dma_wait3A_80 = arith.constant 0 : i32
      %dma_wait3A_81 = tpu.memref_slice %arg3[%mul3A_32, %dma_wait3A_80] : memref<5120x128xi32, #tpu.memory_space<hbm>> -> memref<8x128xi32, #tpu.memory_space<hbm>>
      tpu.wait_dma2 semaphore(%run_scoped3A_58 : memref<!tpu.dma_semaphore, #tpu.memory_space<semaphore_mem>>) src(%dma_wait3A_81 : memref<8x128xi32, #tpu.memory_space<hbm>>) dst(%dma_wait3A_79 : memref<8x128xi32, #tpu.memory_space<vmem>>)
      tpu.yield
    }) : () -> ()
    %run_scoped3A_34 = arith.constant 0 : i32
    "tpu.region"() ({
      %run_scoped3A_58 = tpu.sem_alloc : memref<!tpu.dma_semaphore, #tpu.memory_space<semaphore_mem>>
      %dma_start3A_59 = arith.constant 0 : i32
      %dma_start3A_60 = arith.constant 0 : i32
      %dma_start3A_61 = tpu.memref_slice %arg7[%run_scoped3A_34, %dma_start3A_59, %dma_start3A_60] : memref<2x8x128xi32, #tpu.memory_space<vmem>> -> memref<1x8x128xi32, #tpu.memory_space<vmem>>
      %dma_start3A_62 = tpu.memref_squeeze %dma_start3A_61 : memref<1x8x128xi32, #tpu.memory_space<vmem>> -> memref<8x128xi32, #tpu.memory_space<vmem>>
      %dma_start3A_63 = arith.constant 0 : i32
      %dma_start3A_64 = tpu.memref_slice %arg4[%mul3A_32, %dma_start3A_63] : memref<5120x128xi32, #tpu.memory_space<hbm>> -> memref<8x128xi32, #tpu.memory_space<hbm>>
      %dma_start3A_65 = arith.constant 0 : i32
      %dma_start3A_66 = arith.constant 0 : i32
      %dma_start3A_67 = tpu.memref_slice %arg7[%run_scoped3A_34, %dma_start3A_65, %dma_start3A_66] : memref<2x8x128xi32, #tpu.memory_space<vmem>> -> memref<1x8x128xi32, #tpu.memory_space<vmem>>
      %dma_start3A_68 = tpu.memref_squeeze %dma_start3A_67 : memref<1x8x128xi32, #tpu.memory_space<vmem>> -> memref<8x128xi32, #tpu.memory_space<vmem>>
      %dma_start3A_69 = arith.constant 0 : i32
      %dma_start3A_70 = tpu.memref_slice %arg4[%mul3A_32, %dma_start3A_69] : memref<5120x128xi32, #tpu.memory_space<hbm>> -> memref<8x128xi32, #tpu.memory_space<hbm>>
      tpu.enqueue_dma source(%dma_start3A_70 : memref<8x128xi32, #tpu.memory_space<hbm>>) target(%dma_start3A_68 : memref<8x128xi32, #tpu.memory_space<vmem>>) target_semaphore(%run_scoped3A_58 : memref<!tpu.dma_semaphore, #tpu.memory_space<semaphore_mem>>)
      %dma_wait3A = arith.constant 0 : i32
      %dma_wait3A_71 = arith.constant 0 : i32
      %dma_wait3A_72 = tpu.memref_slice %arg7[%run_scoped3A_34, %dma_wait3A, %dma_wait3A_71] : memref<2x8x128xi32, #tpu.memory_space<vmem>> -> memref<1x8x128xi32, #tpu.memory_space<vmem>>
      %dma_wait3A_73 = tpu.memref_squeeze %dma_wait3A_72 : memref<1x8x128xi32, #tpu.memory_space<vmem>> -> memref<8x128xi32, #tpu.memory_space<vmem>>
      %dma_wait3A_74 = arith.constant 0 : i32
      %dma_wait3A_75 = tpu.memref_slice %arg4[%mul3A_32, %dma_wait3A_74] : memref<5120x128xi32, #tpu.memory_space<hbm>> -> memref<8x128xi32, #tpu.memory_space<hbm>>
      %dma_wait3A_76 = arith.constant 0 : i32
      %dma_wait3A_77 = arith.constant 0 : i32
      %dma_wait3A_78 = tpu.memref_slice %arg7[%run_scoped3A_34, %dma_wait3A_76, %dma_wait3A_77] : memref<2x8x128xi32, #tpu.memory_space<vmem>> -> memref<1x8x128xi32, #tpu.memory_space<vmem>>
      %dma_wait3A_79 = tpu.memref_squeeze %dma_wait3A_78 : memref<1x8x128xi32, #tpu.memory_space<vmem>> -> memref<8x128xi32, #tpu.memory_space<vmem>>
      %dma_wait3A_80 = arith.constant 0 : i32
      %dma_wait3A_81 = tpu.memref_slice %arg4[%mul3A_32, %dma_wait3A_80] : memref<5120x128xi32, #tpu.memory_space<hbm>> -> memref<8x128xi32, #tpu.memory_space<hbm>>
      tpu.wait_dma2 semaphore(%run_scoped3A_58 : memref<!tpu.dma_semaphore, #tpu.memory_space<semaphore_mem>>) src(%dma_wait3A_81 : memref<8x128xi32, #tpu.memory_space<hbm>>) dst(%dma_wait3A_79 : memref<8x128xi32, #tpu.memory_space<vmem>>)
      tpu.yield
    }) : () -> ()
    %dma_start3A = arith.constant 0 : i32
    %dma_start3A_35 = arith.constant 0 : i32
    %dma_start3A_36 = arith.constant 0 : i32
    %dma_start3A_37 = arith.constant 0 : i32
    %dma_start3A_38 = arith.constant 0 : i32
    %dma_start3A_39 = tpu.memref_slice %arg8[%dma_start3A_36, %dma_start3A_37, %dma_start3A_38] : memref<2x128x128xf32, #tpu.memory_space<vmem>> -> memref<1x128x128xf32, #tpu.memory_space<vmem>>
    %dma_start3A_40 = tpu.memref_squeeze %dma_start3A_39 : memref<1x128x128xf32, #tpu.memory_space<vmem>> -> memref<128x128xf32, #tpu.memory_space<vmem>>
    %dma_start3A_41 = arith.constant 0 : i32
    %dma_start3A_42 = tpu.memref_slice %arg6[%dma_start3A, %dma_start3A_35, %dma_start3A_41] : memref<2x8x128xi32, #tpu.memory_space<vmem>> -> memref<1x1x128xi32, #tpu.memory_space<vmem>>
    %dma_start3A_43 = tpu.memref_squeeze %dma_start3A_42 : memref<1x1x128xi32, #tpu.memory_space<vmem>> -> memref<128xi32, #tpu.memory_space<vmem>>
    %dma_start3A_44 = arith.constant 0 : i32
    %dma_start3A_45 = arith.constant 0 : i32
    %dma_start3A_46 = tpu.memref_slice %arg2[%dma_start3A_44, %dma_start3A_45] : memref<10000x128xf32, #tpu.memory_space<hbm>> -> memref<10000x128xf32, #tpu.memory_space<hbm>>
    tpu.enqueue_indirect_dma source(%dma_start3A_46 : memref<10000x128xf32, #tpu.memory_space<hbm>>) target(%dma_start3A_40 : memref<128x128xf32, #tpu.memory_space<vmem>>) offsets(%dma_start3A_43 : memref<128xi32, #tpu.memory_space<vmem>>) semaphore(%arg10 : memref<!tpu.dma_semaphore, #tpu.memory_space<semaphore_mem>>)
    %scan3A_47 = arith.constant 0 : i32
    %scan3A_48 = arith.constant 0 : i32
    %scan3A_49 = arith.constant 20 : i32
    %scan3A_50 = arith.addi %scan3A_48, %scan3A_49 : i32
    %scan3A_51 = arith.constant 1 : i32
    scf.for %scan3A_58 = %scan3A_48 to %scan3A_50 step %scan3A_51  : i32 {
      %jit3A = arith.constant 2 : i32
      %eq3A = arith.constant 0 : i32
      %eq3A_59 = arith.cmpi eq, %jit3A, %eq3A : i32
      %jit3A_60 = arith.constant 1 : i32
      %select_n3A = arith.select %eq3A_59, %jit3A_60, %jit3A : i32
      %rem3A = arith.remsi %scan3A_58, %select_n3A : i32
      %ne3A = arith.constant 0 : i32
      %ne3A_61 = arith.cmpi ne, %rem3A, %ne3A : i32
      %lt3A = arith.constant 0 : i32
      %lt3A_62 = arith.cmpi slt, %rem3A, %lt3A : i32
      %lt3A_63 = arith.constant 0 : i32
      %lt3A_64 = arith.cmpi slt, %select_n3A, %lt3A_63 : i32
      %ne3A_65 = arith.xori %lt3A_62, %lt3A_64 : i1
      %and3A = arith.andi %ne3A_65, %ne3A_61 : i1
      %add3A_66 = arith.addi %rem3A, %select_n3A : i32
      %select_n3A_67 = arith.select %and3A, %add3A_66, %rem3A : i32
      %add3A_68 = arith.constant 1 : i32
      %add3A_69 = arith.addi %scan3A_58, %add3A_68 : i32
      %jit3A_70 = arith.constant 2 : i32
      %eq3A_71 = arith.constant 0 : i32
      %eq3A_72 = arith.cmpi eq, %jit3A_70, %eq3A_71 : i32
      %jit3A_73 = arith.constant 1 : i32
      %select_n3A_74 = arith.select %eq3A_72, %jit3A_73, %jit3A_70 : i32
      %rem3A_75 = arith.remsi %add3A_69, %select_n3A_74 : i32
      %ne3A_76 = arith.constant 0 : i32
      %ne3A_77 = arith.cmpi ne, %rem3A_75, %ne3A_76 : i32
      %lt3A_78 = arith.constant 0 : i32
      %lt3A_79 = arith.cmpi slt, %rem3A_75, %lt3A_78 : i32
      %lt3A_80 = arith.constant 0 : i32
      %lt3A_81 = arith.cmpi slt, %select_n3A_74, %lt3A_80 : i32
      %ne3A_82 = arith.xori %lt3A_79, %lt3A_81 : i1
      %and3A_83 = arith.andi %ne3A_82, %ne3A_77 : i1
      %add3A_84 = arith.addi %rem3A_75, %select_n3A_74 : i32
      %select_n3A_85 = arith.select %and3A_83, %add3A_84, %rem3A_75 : i32
      %add3A_86 = arith.constant 1 : i32
      %add3A_87 = arith.addi %scan3A_58, %add3A_86 : i32
      %lt3A_88 = arith.constant 20 : i32
      %lt3A_89 = arith.cmpi slt, %add3A_87, %lt3A_88 : i32
      %convert_element_type3A = arith.extui %lt3A_89 : i1 to i32
      %cond3A = arith.constant 0 : i32
      %cond3A_90 = arith.cmpi ne, %convert_element_type3A, %cond3A : i32
      scf.if %cond3A_90 {
        %add3A_293 = arith.constant 1 : i32
        %add3A_294 = arith.addi %scan3A_58, %add3A_293 : i32
        %mul3A_295 = arith.constant 8 : i32
        %mul3A_296 = arith.muli %add3A_294, %mul3A_295 : i32
        %add3A_297 = arith.addi %mul3A_32, %mul3A_296 : i32
        "tpu.region"() ({
          %run_scoped3A_298 = tpu.sem_alloc : memref<!tpu.dma_semaphore, #tpu.memory_space<semaphore_mem>>
          %dma_start3A_299 = arith.constant 0 : i32
          %dma_start3A_300 = arith.constant 0 : i32
          %dma_start3A_301 = tpu.memref_slice %arg6[%select_n3A_85, %dma_start3A_299, %dma_start3A_300] : memref<2x8x128xi32, #tpu.memory_space<vmem>> -> memref<1x8x128xi32, #tpu.memory_space<vmem>>
          %dma_start3A_302 = tpu.memref_squeeze %dma_start3A_301 : memref<1x8x128xi32, #tpu.memory_space<vmem>> -> memref<8x128xi32, #tpu.memory_space<vmem>>
          %dma_start3A_303 = arith.constant 0 : i32
          %dma_start3A_304 = tpu.memref_slice %arg3[%add3A_297, %dma_start3A_303] : memref<5120x128xi32, #tpu.memory_space<hbm>> -> memref<8x128xi32, #tpu.memory_space<hbm>>
          %dma_start3A_305 = arith.constant 0 : i32
          %dma_start3A_306 = arith.constant 0 : i32
          %dma_start3A_307 = tpu.memref_slice %arg6[%select_n3A_85, %dma_start3A_305, %dma_start3A_306] : memref<2x8x128xi32, #tpu.memory_space<vmem>> -> memref<1x8x128xi32, #tpu.memory_space<vmem>>
          %dma_start3A_308 = tpu.memref_squeeze %dma_start3A_307 : memref<1x8x128xi32, #tpu.memory_space<vmem>> -> memref<8x128xi32, #tpu.memory_space<vmem>>
          %dma_start3A_309 = arith.constant 0 : i32
          %dma_start3A_310 = tpu.memref_slice %arg3[%add3A_297, %dma_start3A_309] : memref<5120x128xi32, #tpu.memory_space<hbm>> -> memref<8x128xi32, #tpu.memory_space<hbm>>
          tpu.enqueue_dma source(%dma_start3A_310 : memref<8x128xi32, #tpu.memory_space<hbm>>) target(%dma_start3A_308 : memref<8x128xi32, #tpu.memory_space<vmem>>) target_semaphore(%run_scoped3A_298 : memref<!tpu.dma_semaphore, #tpu.memory_space<semaphore_mem>>)
          %dma_wait3A_311 = arith.constant 0 : i32
          %dma_wait3A_312 = arith.constant 0 : i32
          %dma_wait3A_313 = tpu.memref_slice %arg6[%select_n3A_85, %dma_wait3A_311, %dma_wait3A_312] : memref<2x8x128xi32, #tpu.memory_space<vmem>> -> memref<1x8x128xi32, #tpu.memory_space<vmem>>
          %dma_wait3A_314 = tpu.memref_squeeze %dma_wait3A_313 : memref<1x8x128xi32, #tpu.memory_space<vmem>> -> memref<8x128xi32, #tpu.memory_space<vmem>>
          %dma_wait3A_315 = arith.constant 0 : i32
          %dma_wait3A_316 = tpu.memref_slice %arg3[%add3A_297, %dma_wait3A_315] : memref<5120x128xi32, #tpu.memory_space<hbm>> -> memref<8x128xi32, #tpu.memory_space<hbm>>
          %dma_wait3A_317 = arith.constant 0 : i32
          %dma_wait3A_318 = arith.constant 0 : i32
          %dma_wait3A_319 = tpu.memref_slice %arg6[%select_n3A_85, %dma_wait3A_317, %dma_wait3A_318] : memref<2x8x128xi32, #tpu.memory_space<vmem>> -> memref<1x8x128xi32, #tpu.memory_space<vmem>>
          %dma_wait3A_320 = tpu.memref_squeeze %dma_wait3A_319 : memref<1x8x128xi32, #tpu.memory_space<vmem>> -> memref<8x128xi32, #tpu.memory_space<vmem>>
          %dma_wait3A_321 = arith.constant 0 : i32
          %dma_wait3A_322 = tpu.memref_slice %arg3[%add3A_297, %dma_wait3A_321] : memref<5120x128xi32, #tpu.memory_space<hbm>> -> memref<8x128xi32, #tpu.memory_space<hbm>>
          tpu.wait_dma2 semaphore(%run_scoped3A_298 : memref<!tpu.dma_semaphore, #tpu.memory_space<semaphore_mem>>) src(%dma_wait3A_322 : memref<8x128xi32, #tpu.memory_space<hbm>>) dst(%dma_wait3A_320 : memref<8x128xi32, #tpu.memory_space<vmem>>)
          tpu.yield
        }) : () -> ()
        "tpu.region"() ({
          %run_scoped3A_298 = tpu.sem_alloc : memref<!tpu.dma_semaphore, #tpu.memory_space<semaphore_mem>>
          %dma_start3A_299 = arith.constant 0 : i32
          %dma_start3A_300 = arith.constant 0 : i32
          %dma_start3A_301 = tpu.memref_slice %arg7[%select_n3A_85, %dma_start3A_299, %dma_start3A_300] : memref<2x8x128xi32, #tpu.memory_space<vmem>> -> memref<1x8x128xi32, #tpu.memory_space<vmem>>
          %dma_start3A_302 = tpu.memref_squeeze %dma_start3A_301 : memref<1x8x128xi32, #tpu.memory_space<vmem>> -> memref<8x128xi32, #tpu.memory_space<vmem>>
          %dma_start3A_303 = arith.constant 0 : i32
          %dma_start3A_304 = tpu.memref_slice %arg4[%add3A_297, %dma_start3A_303] : memref<5120x128xi32, #tpu.memory_space<hbm>> -> memref<8x128xi32, #tpu.memory_space<hbm>>
          %dma_start3A_305 = arith.constant 0 : i32
          %dma_start3A_306 = arith.constant 0 : i32
          %dma_start3A_307 = tpu.memref_slice %arg7[%select_n3A_85, %dma_start3A_305, %dma_start3A_306] : memref<2x8x128xi32, #tpu.memory_space<vmem>> -> memref<1x8x128xi32, #tpu.memory_space<vmem>>
          %dma_start3A_308 = tpu.memref_squeeze %dma_start3A_307 : memref<1x8x128xi32, #tpu.memory_space<vmem>> -> memref<8x128xi32, #tpu.memory_space<vmem>>
          %dma_start3A_309 = arith.constant 0 : i32
          %dma_start3A_310 = tpu.memref_slice %arg4[%add3A_297, %dma_start3A_309] : memref<5120x128xi32, #tpu.memory_space<hbm>> -> memref<8x128xi32, #tpu.memory_space<hbm>>
          tpu.enqueue_dma source(%dma_start3A_310 : memref<8x128xi32, #tpu.memory_space<hbm>>) target(%dma_start3A_308 : memref<8x128xi32, #tpu.memory_space<vmem>>) target_semaphore(%run_scoped3A_298 : memref<!tpu.dma_semaphore, #tpu.memory_space<semaphore_mem>>)
          %dma_wait3A_311 = arith.constant 0 : i32
          %dma_wait3A_312 = arith.constant 0 : i32
          %dma_wait3A_313 = tpu.memref_slice %arg7[%select_n3A_85, %dma_wait3A_311, %dma_wait3A_312] : memref<2x8x128xi32, #tpu.memory_space<vmem>> -> memref<1x8x128xi32, #tpu.memory_space<vmem>>
          %dma_wait3A_314 = tpu.memref_squeeze %dma_wait3A_313 : memref<1x8x128xi32, #tpu.memory_space<vmem>> -> memref<8x128xi32, #tpu.memory_space<vmem>>
          %dma_wait3A_315 = arith.constant 0 : i32
          %dma_wait3A_316 = tpu.memref_slice %arg4[%add3A_297, %dma_wait3A_315] : memref<5120x128xi32, #tpu.memory_space<hbm>> -> memref<8x128xi32, #tpu.memory_space<hbm>>
          %dma_wait3A_317 = arith.constant 0 : i32
          %dma_wait3A_318 = arith.constant 0 : i32
          %dma_wait3A_319 = tpu.memref_slice %arg7[%select_n3A_85, %dma_wait3A_317, %dma_wait3A_318] : memref<2x8x128xi32, #tpu.memory_space<vmem>> -> memref<1x8x128xi32, #tpu.memory_space<vmem>>
          %dma_wait3A_320 = tpu.memref_squeeze %dma_wait3A_319 : memref<1x8x128xi32, #tpu.memory_space<vmem>> -> memref<8x128xi32, #tpu.memory_space<vmem>>
          %dma_wait3A_321 = arith.constant 0 : i32
          %dma_wait3A_322 = tpu.memref_slice %arg4[%add3A_297, %dma_wait3A_321] : memref<5120x128xi32, #tpu.memory_space<hbm>> -> memref<8x128xi32, #tpu.memory_space<hbm>>
          tpu.wait_dma2 semaphore(%run_scoped3A_298 : memref<!tpu.dma_semaphore, #tpu.memory_space<semaphore_mem>>) src(%dma_wait3A_322 : memref<8x128xi32, #tpu.memory_space<hbm>>) dst(%dma_wait3A_320 : memref<8x128xi32, #tpu.memory_space<vmem>>)
          tpu.yield
        }) : () -> ()
      } else {
      }
      %dma_start3A_91 = arith.constant 1 : i32
      %dma_start3A_92 = arith.constant 1 : i32
      %dma_start3A_93 = arith.constant 0 : i32
      %dma_start3A_94 = arith.constant 0 : i32
      %dma_start3A_95 = tpu.memref_slice %arg8[%dma_start3A_92, %dma_start3A_93, %dma_start3A_94] : memref<2x128x128xf32, #tpu.memory_space<vmem>> -> memref<1x128x128xf32, #tpu.memory_space<vmem>>
      %dma_start3A_96 = tpu.memref_squeeze %dma_start3A_95 : memref<1x128x128xf32, #tpu.memory_space<vmem>> -> memref<128x128xf32, #tpu.memory_space<vmem>>
      %dma_start3A_97 = arith.constant 0 : i32
      %dma_start3A_98 = tpu.memref_slice %arg6[%select_n3A_67, %dma_start3A_91, %dma_start3A_97] : memref<2x8x128xi32, #tpu.memory_space<vmem>> -> memref<1x1x128xi32, #tpu.memory_space<vmem>>
      %dma_start3A_99 = tpu.memref_squeeze %dma_start3A_98 : memref<1x1x128xi32, #tpu.memory_space<vmem>> -> memref<128xi32, #tpu.memory_space<vmem>>
      %dma_start3A_100 = arith.constant 0 : i32
      %dma_start3A_101 = arith.constant 0 : i32
      %dma_start3A_102 = tpu.memref_slice %arg2[%dma_start3A_100, %dma_start3A_101] : memref<10000x128xf32, #tpu.memory_space<hbm>> -> memref<10000x128xf32, #tpu.memory_space<hbm>>
      tpu.enqueue_indirect_dma source(%dma_start3A_102 : memref<10000x128xf32, #tpu.memory_space<hbm>>) target(%dma_start3A_96 : memref<128x128xf32, #tpu.memory_space<vmem>>) offsets(%dma_start3A_99 : memref<128xi32, #tpu.memory_space<vmem>>) semaphore(%arg11 : memref<!tpu.dma_semaphore, #tpu.memory_space<semaphore_mem>>)
      %dma_wait3A = arith.constant 0 : i32
      %dma_wait3A_103 = arith.constant 0 : i32
      %dma_wait3A_104 = arith.constant 0 : i32
      %dma_wait3A_105 = arith.constant 0 : i32
      %dma_wait3A_106 = tpu.memref_slice %arg8[%dma_wait3A_103, %dma_wait3A_104, %dma_wait3A_105] : memref<2x128x128xf32, #tpu.memory_space<vmem>> -> memref<1x128x128xf32, #tpu.memory_space<vmem>>
      %dma_wait3A_107 = tpu.memref_squeeze %dma_wait3A_106 : memref<1x128x128xf32, #tpu.memory_space<vmem>> -> memref<128x128xf32, #tpu.memory_space<vmem>>
      %dma_wait3A_108 = arith.constant 0 : i32
      %dma_wait3A_109 = tpu.memref_slice %arg6[%select_n3A_67, %dma_wait3A, %dma_wait3A_108] : memref<2x8x128xi32, #tpu.memory_space<vmem>> -> memref<1x1x128xi32, #tpu.memory_space<vmem>>
      %dma_wait3A_110 = tpu.memref_squeeze %dma_wait3A_109 : memref<1x1x128xi32, #tpu.memory_space<vmem>> -> memref<128xi32, #tpu.memory_space<vmem>>
      %dma_wait3A_111 = arith.constant 0 : i32
      %dma_wait3A_112 = arith.constant 0 : i32
      %dma_wait3A_113 = tpu.memref_slice %arg2[%dma_wait3A_111, %dma_wait3A_112] : memref<10000x128xf32, #tpu.memory_space<hbm>> -> memref<10000x128xf32, #tpu.memory_space<hbm>>
      tpu.wait_indirect_dma semaphore(%arg10 : memref<!tpu.dma_semaphore, #tpu.memory_space<semaphore_mem>>) src(%dma_wait3A_113 : memref<10000x128xf32, #tpu.memory_space<hbm>>) dst(%dma_wait3A_107 : memref<128x128xf32, #tpu.memory_space<vmem>>)
      %run_scoped3A_114 = arith.constant 0 : i32
      %run_scoped3A_115 = arith.constant 0 : i32
      "tpu.region"() ({
        %run_scoped3A_293 = tpu.sem_alloc : memref<!tpu.dma_semaphore, #tpu.memory_space<semaphore_mem>>
        %dma_start3A_294 = arith.constant 0 : i32
        %dma_start3A_295 = arith.constant 0 : i32
        %dma_start3A_296 = tpu.memref_slice %arg8[%run_scoped3A_114, %dma_start3A_294, %dma_start3A_295] : memref<2x128x128xf32, #tpu.memory_space<vmem>> -> memref<1x128x128xf32, #tpu.memory_space<vmem>>
        %dma_start3A_297 = tpu.memref_squeeze %dma_start3A_296 : memref<1x128x128xf32, #tpu.memory_space<vmem>> -> memref<128x128xf32, #tpu.memory_space<vmem>>
        %dma_start3A_298 = arith.constant 0 : i32
        %dma_start3A_299 = tpu.memref_slice %arg7[%select_n3A_67, %run_scoped3A_115, %dma_start3A_298] : memref<2x8x128xi32, #tpu.memory_space<vmem>> -> memref<1x1x128xi32, #tpu.memory_space<vmem>>
        %dma_start3A_300 = tpu.memref_squeeze %dma_start3A_299 : memref<1x1x128xi32, #tpu.memory_space<vmem>> -> memref<128xi32, #tpu.memory_space<vmem>>
        %dma_start3A_301 = arith.constant 0 : i32
        %dma_start3A_302 = arith.constant 0 : i32
        %dma_start3A_303 = tpu.memref_slice %arg9[%dma_start3A_301, %dma_start3A_302] : memref<10240x128xf32, #tpu.memory_space<vmem_shared>> -> memref<10240x128xf32, #tpu.memory_space<vmem_shared>>
        tpu.enqueue_indirect_dma source(%dma_start3A_297 : memref<128x128xf32, #tpu.memory_space<vmem>>) target(%dma_start3A_303 : memref<10240x128xf32, #tpu.memory_space<vmem_shared>>) offsets(%dma_start3A_300 : memref<128xi32, #tpu.memory_space<vmem>>) semaphore(%run_scoped3A_293 : memref<!tpu.dma_semaphore, #tpu.memory_space<semaphore_mem>>) {add = true}
        %dma_wait3A_304 = arith.constant 0 : i32
        %dma_wait3A_305 = arith.constant 0 : i32
        %dma_wait3A_306 = tpu.memref_slice %arg8[%run_scoped3A_114, %dma_wait3A_304, %dma_wait3A_305] : memref<2x128x128xf32, #tpu.memory_space<vmem>> -> memref<1x128x128xf32, #tpu.memory_space<vmem>>
        %dma_wait3A_307 = tpu.memref_squeeze %dma_wait3A_306 : memref<1x128x128xf32, #tpu.memory_space<vmem>> -> memref<128x128xf32, #tpu.memory_space<vmem>>
        %dma_wait3A_308 = arith.constant 0 : i32
        %dma_wait3A_309 = tpu.memref_slice %arg7[%select_n3A_67, %run_scoped3A_115, %dma_wait3A_308] : memref<2x8x128xi32, #tpu.memory_space<vmem>> -> memref<1x1x128xi32, #tpu.memory_space<vmem>>
        %dma_wait3A_310 = tpu.memref_squeeze %dma_wait3A_309 : memref<1x1x128xi32, #tpu.memory_space<vmem>> -> memref<128xi32, #tpu.memory_space<vmem>>
        %dma_wait3A_311 = arith.constant 0 : i32
        %dma_wait3A_312 = arith.constant 0 : i32
        %dma_wait3A_313 = tpu.memref_slice %arg9[%dma_wait3A_311, %dma_wait3A_312] : memref<10240x128xf32, #tpu.memory_space<vmem_shared>> -> memref<10240x128xf32, #tpu.memory_space<vmem_shared>>
        tpu.wait_indirect_dma semaphore(%run_scoped3A_293 : memref<!tpu.dma_semaphore, #tpu.memory_space<semaphore_mem>>) src(%dma_wait3A_307 : memref<128x128xf32, #tpu.memory_space<vmem>>) dst(%dma_wait3A_313 : memref<10240x128xf32, #tpu.memory_space<vmem_shared>>)
        tpu.yield
      }) : () -> ()
      %dma_start3A_116 = arith.constant 2 : i32
      %dma_start3A_117 = arith.constant 0 : i32
      %dma_start3A_118 = arith.constant 0 : i32
      %dma_start3A_119 = arith.constant 0 : i32
      %dma_start3A_120 = tpu.memref_slice %arg8[%dma_start3A_117, %dma_start3A_118, %dma_start3A_119] : memref<2x128x128xf32, #tpu.memory_space<vmem>> -> memref<1x128x128xf32, #tpu.memory_space<vmem>>
      %dma_start3A_121 = tpu.memref_squeeze %dma_start3A_120 : memref<1x128x128xf32, #tpu.memory_space<vmem>> -> memref<128x128xf32, #tpu.memory_space<vmem>>
      %dma_start3A_122 = arith.constant 0 : i32
      %dma_start3A_123 = tpu.memref_slice %arg6[%select_n3A_67, %dma_start3A_116, %dma_start3A_122] : memref<2x8x128xi32, #tpu.memory_space<vmem>> -> memref<1x1x128xi32, #tpu.memory_space<vmem>>
      %dma_start3A_124 = tpu.memref_squeeze %dma_start3A_123 : memref<1x1x128xi32, #tpu.memory_space<vmem>> -> memref<128xi32, #tpu.memory_space<vmem>>
      %dma_start3A_125 = arith.constant 0 : i32
      %dma_start3A_126 = arith.constant 0 : i32
      %dma_start3A_127 = tpu.memref_slice %arg2[%dma_start3A_125, %dma_start3A_126] : memref<10000x128xf32, #tpu.memory_space<hbm>> -> memref<10000x128xf32, #tpu.memory_space<hbm>>
      tpu.enqueue_indirect_dma source(%dma_start3A_127 : memref<10000x128xf32, #tpu.memory_space<hbm>>) target(%dma_start3A_121 : memref<128x128xf32, #tpu.memory_space<vmem>>) offsets(%dma_start3A_124 : memref<128xi32, #tpu.memory_space<vmem>>) semaphore(%arg10 : memref<!tpu.dma_semaphore, #tpu.memory_space<semaphore_mem>>)
      %dma_wait3A_128 = arith.constant 1 : i32
      %dma_wait3A_129 = arith.constant 1 : i32
      %dma_wait3A_130 = arith.constant 0 : i32
      %dma_wait3A_131 = arith.constant 0 : i32
      %dma_wait3A_132 = tpu.memref_slice %arg8[%dma_wait3A_129, %dma_wait3A_130, %dma_wait3A_131] : memref<2x128x128xf32, #tpu.memory_space<vmem>> -> memref<1x128x128xf32, #tpu.memory_space<vmem>>
      %dma_wait3A_133 = tpu.memref_squeeze %dma_wait3A_132 : memref<1x128x128xf32, #tpu.memory_space<vmem>> -> memref<128x128xf32, #tpu.memory_space<vmem>>
      %dma_wait3A_134 = arith.constant 0 : i32
      %dma_wait3A_135 = tpu.memref_slice %arg6[%select_n3A_67, %dma_wait3A_128, %dma_wait3A_134] : memref<2x8x128xi32, #tpu.memory_space<vmem>> -> memref<1x1x128xi32, #tpu.memory_space<vmem>>
      %dma_wait3A_136 = tpu.memref_squeeze %dma_wait3A_135 : memref<1x1x128xi32, #tpu.memory_space<vmem>> -> memref<128xi32, #tpu.memory_space<vmem>>
      %dma_wait3A_137 = arith.constant 0 : i32
      %dma_wait3A_138 = arith.constant 0 : i32
      %dma_wait3A_139 = tpu.memref_slice %arg2[%dma_wait3A_137, %dma_wait3A_138] : memref<10000x128xf32, #tpu.memory_space<hbm>> -> memref<10000x128xf32, #tpu.memory_space<hbm>>
      tpu.wait_indirect_dma semaphore(%arg11 : memref<!tpu.dma_semaphore, #tpu.memory_space<semaphore_mem>>) src(%dma_wait3A_139 : memref<10000x128xf32, #tpu.memory_space<hbm>>) dst(%dma_wait3A_133 : memref<128x128xf32, #tpu.memory_space<vmem>>)
      %run_scoped3A_140 = arith.constant 1 : i32
      %run_scoped3A_141 = arith.constant 1 : i32
      "tpu.region"() ({
        %run_scoped3A_293 = tpu.sem_alloc : memref<!tpu.dma_semaphore, #tpu.memory_space<semaphore_mem>>
        %dma_start3A_294 = arith.constant 0 : i32
        %dma_start3A_295 = arith.constant 0 : i32
        %dma_start3A_296 = tpu.memref_slice %arg8[%run_scoped3A_140, %dma_start3A_294, %dma_start3A_295] : memref<2x128x128xf32, #tpu.memory_space<vmem>> -> memref<1x128x128xf32, #tpu.memory_space<vmem>>
        %dma_start3A_297 = tpu.memref_squeeze %dma_start3A_296 : memref<1x128x128xf32, #tpu.memory_space<vmem>> -> memref<128x128xf32, #tpu.memory_space<vmem>>
        %dma_start3A_298 = arith.constant 0 : i32
        %dma_start3A_299 = tpu.memref_slice %arg7[%select_n3A_67, %run_scoped3A_141, %dma_start3A_298] : memref<2x8x128xi32, #tpu.memory_space<vmem>> -> memref<1x1x128xi32, #tpu.memory_space<vmem>>
        %dma_start3A_300 = tpu.memref_squeeze %dma_start3A_299 : memref<1x1x128xi32, #tpu.memory_space<vmem>> -> memref<128xi32, #tpu.memory_space<vmem>>
        %dma_start3A_301 = arith.constant 0 : i32
        %dma_start3A_302 = arith.constant 0 : i32
        %dma_start3A_303 = tpu.memref_slice %arg9[%dma_start3A_301, %dma_start3A_302] : memref<10240x128xf32, #tpu.memory_space<vmem_shared>> -> memref<10240x128xf32, #tpu.memory_space<vmem_shared>>
        tpu.enqueue_indirect_dma source(%dma_start3A_297 : memref<128x128xf32, #tpu.memory_space<vmem>>) target(%dma_start3A_303 : memref<10240x128xf32, #tpu.memory_space<vmem_shared>>) offsets(%dma_start3A_300 : memref<128xi32, #tpu.memory_space<vmem>>) semaphore(%run_scoped3A_293 : memref<!tpu.dma_semaphore, #tpu.memory_space<semaphore_mem>>) {add = true}
        %dma_wait3A_304 = arith.constant 0 : i32
        %dma_wait3A_305 = arith.constant 0 : i32
        %dma_wait3A_306 = tpu.memref_slice %arg8[%run_scoped3A_140, %dma_wait3A_304, %dma_wait3A_305] : memref<2x128x128xf32, #tpu.memory_space<vmem>> -> memref<1x128x128xf32, #tpu.memory_space<vmem>>
        %dma_wait3A_307 = tpu.memref_squeeze %dma_wait3A_306 : memref<1x128x128xf32, #tpu.memory_space<vmem>> -> memref<128x128xf32, #tpu.memory_space<vmem>>
        %dma_wait3A_308 = arith.constant 0 : i32
        %dma_wait3A_309 = tpu.memref_slice %arg7[%select_n3A_67, %run_scoped3A_141, %dma_wait3A_308] : memref<2x8x128xi32, #tpu.memory_space<vmem>> -> memref<1x1x128xi32, #tpu.memory_space<vmem>>
        %dma_wait3A_310 = tpu.memref_squeeze %dma_wait3A_309 : memref<1x1x128xi32, #tpu.memory_space<vmem>> -> memref<128xi32, #tpu.memory_space<vmem>>
        %dma_wait3A_311 = arith.constant 0 : i32
        %dma_wait3A_312 = arith.constant 0 : i32
        %dma_wait3A_313 = tpu.memref_slice %arg9[%dma_wait3A_311, %dma_wait3A_312] : memref<10240x128xf32, #tpu.memory_space<vmem_shared>> -> memref<10240x128xf32, #tpu.memory_space<vmem_shared>>
        tpu.wait_indirect_dma semaphore(%run_scoped3A_293 : memref<!tpu.dma_semaphore, #tpu.memory_space<semaphore_mem>>) src(%dma_wait3A_307 : memref<128x128xf32, #tpu.memory_space<vmem>>) dst(%dma_wait3A_313 : memref<10240x128xf32, #tpu.memory_space<vmem_shared>>)
        tpu.yield
      }) : () -> ()
      %dma_start3A_142 = arith.constant 3 : i32
      %dma_start3A_143 = arith.constant 1 : i32
      %dma_start3A_144 = arith.constant 0 : i32
      %dma_start3A_145 = arith.constant 0 : i32
      %dma_start3A_146 = tpu.memref_slice %arg8[%dma_start3A_143, %dma_start3A_144, %dma_start3A_145] : memref<2x128x128xf32, #tpu.memory_space<vmem>> -> memref<1x128x128xf32, #tpu.memory_space<vmem>>
      %dma_start3A_147 = tpu.memref_squeeze %dma_start3A_146 : memref<1x128x128xf32, #tpu.memory_space<vmem>> -> memref<128x128xf32, #tpu.memory_space<vmem>>
      %dma_start3A_148 = arith.constant 0 : i32
      %dma_start3A_149 = tpu.memref_slice %arg6[%select_n3A_67, %dma_start3A_142, %dma_start3A_148] : memref<2x8x128xi32, #tpu.memory_space<vmem>> -> memref<1x1x128xi32, #tpu.memory_space<vmem>>
      %dma_start3A_150 = tpu.memref_squeeze %dma_start3A_149 : memref<1x1x128xi32, #tpu.memory_space<vmem>> -> memref<128xi32, #tpu.memory_space<vmem>>
      %dma_start3A_151 = arith.constant 0 : i32
      %dma_start3A_152 = arith.constant 0 : i32
      %dma_start3A_153 = tpu.memref_slice %arg2[%dma_start3A_151, %dma_start3A_152] : memref<10000x128xf32, #tpu.memory_space<hbm>> -> memref<10000x128xf32, #tpu.memory_space<hbm>>
      tpu.enqueue_indirect_dma source(%dma_start3A_153 : memref<10000x128xf32, #tpu.memory_space<hbm>>) target(%dma_start3A_147 : memref<128x128xf32, #tpu.memory_space<vmem>>) offsets(%dma_start3A_150 : memref<128xi32, #tpu.memory_space<vmem>>) semaphore(%arg11 : memref<!tpu.dma_semaphore, #tpu.memory_space<semaphore_mem>>)
      %dma_wait3A_154 = arith.constant 2 : i32
      %dma_wait3A_155 = arith.constant 0 : i32
      %dma_wait3A_156 = arith.constant 0 : i32
      %dma_wait3A_157 = arith.constant 0 : i32
      %dma_wait3A_158 = tpu.memref_slice %arg8[%dma_wait3A_155, %dma_wait3A_156, %dma_wait3A_157] : memref<2x128x128xf32, #tpu.memory_space<vmem>> -> memref<1x128x128xf32, #tpu.memory_space<vmem>>
      %dma_wait3A_159 = tpu.memref_squeeze %dma_wait3A_158 : memref<1x128x128xf32, #tpu.memory_space<vmem>> -> memref<128x128xf32, #tpu.memory_space<vmem>>
      %dma_wait3A_160 = arith.constant 0 : i32
      %dma_wait3A_161 = tpu.memref_slice %arg6[%select_n3A_67, %dma_wait3A_154, %dma_wait3A_160] : memref<2x8x128xi32, #tpu.memory_space<vmem>> -> memref<1x1x128xi32, #tpu.memory_space<vmem>>
      %dma_wait3A_162 = tpu.memref_squeeze %dma_wait3A_161 : memref<1x1x128xi32, #tpu.memory_space<vmem>> -> memref<128xi32, #tpu.memory_space<vmem>>
      %dma_wait3A_163 = arith.constant 0 : i32
      %dma_wait3A_164 = arith.constant 0 : i32
      %dma_wait3A_165 = tpu.memref_slice %arg2[%dma_wait3A_163, %dma_wait3A_164] : memref<10000x128xf32, #tpu.memory_space<hbm>> -> memref<10000x128xf32, #tpu.memory_space<hbm>>
      tpu.wait_indirect_dma semaphore(%arg10 : memref<!tpu.dma_semaphore, #tpu.memory_space<semaphore_mem>>) src(%dma_wait3A_165 : memref<10000x128xf32, #tpu.memory_space<hbm>>) dst(%dma_wait3A_159 : memref<128x128xf32, #tpu.memory_space<vmem>>)
      %run_scoped3A_166 = arith.constant 0 : i32
      %run_scoped3A_167 = arith.constant 2 : i32
      "tpu.region"() ({
        %run_scoped3A_293 = tpu.sem_alloc : memref<!tpu.dma_semaphore, #tpu.memory_space<semaphore_mem>>
        %dma_start3A_294 = arith.constant 0 : i32
        %dma_start3A_295 = arith.constant 0 : i32
        %dma_start3A_296 = tpu.memref_slice %arg8[%run_scoped3A_166, %dma_start3A_294, %dma_start3A_295] : memref<2x128x128xf32, #tpu.memory_space<vmem>> -> memref<1x128x128xf32, #tpu.memory_space<vmem>>
        %dma_start3A_297 = tpu.memref_squeeze %dma_start3A_296 : memref<1x128x128xf32, #tpu.memory_space<vmem>> -> memref<128x128xf32, #tpu.memory_space<vmem>>
        %dma_start3A_298 = arith.constant 0 : i32
        %dma_start3A_299 = tpu.memref_slice %arg7[%select_n3A_67, %run_scoped3A_167, %dma_start3A_298] : memref<2x8x128xi32, #tpu.memory_space<vmem>> -> memref<1x1x128xi32, #tpu.memory_space<vmem>>
        %dma_start3A_300 = tpu.memref_squeeze %dma_start3A_299 : memref<1x1x128xi32, #tpu.memory_space<vmem>> -> memref<128xi32, #tpu.memory_space<vmem>>
        %dma_start3A_301 = arith.constant 0 : i32
        %dma_start3A_302 = arith.constant 0 : i32
        %dma_start3A_303 = tpu.memref_slice %arg9[%dma_start3A_301, %dma_start3A_302] : memref<10240x128xf32, #tpu.memory_space<vmem_shared>> -> memref<10240x128xf32, #tpu.memory_space<vmem_shared>>
        tpu.enqueue_indirect_dma source(%dma_start3A_297 : memref<128x128xf32, #tpu.memory_space<vmem>>) target(%dma_start3A_303 : memref<10240x128xf32, #tpu.memory_space<vmem_shared>>) offsets(%dma_start3A_300 : memref<128xi32, #tpu.memory_space<vmem>>) semaphore(%run_scoped3A_293 : memref<!tpu.dma_semaphore, #tpu.memory_space<semaphore_mem>>) {add = true}
        %dma_wait3A_304 = arith.constant 0 : i32
        %dma_wait3A_305 = arith.constant 0 : i32
        %dma_wait3A_306 = tpu.memref_slice %arg8[%run_scoped3A_166, %dma_wait3A_304, %dma_wait3A_305] : memref<2x128x128xf32, #tpu.memory_space<vmem>> -> memref<1x128x128xf32, #tpu.memory_space<vmem>>
        %dma_wait3A_307 = tpu.memref_squeeze %dma_wait3A_306 : memref<1x128x128xf32, #tpu.memory_space<vmem>> -> memref<128x128xf32, #tpu.memory_space<vmem>>
        %dma_wait3A_308 = arith.constant 0 : i32
        %dma_wait3A_309 = tpu.memref_slice %arg7[%select_n3A_67, %run_scoped3A_167, %dma_wait3A_308] : memref<2x8x128xi32, #tpu.memory_space<vmem>> -> memref<1x1x128xi32, #tpu.memory_space<vmem>>
        %dma_wait3A_310 = tpu.memref_squeeze %dma_wait3A_309 : memref<1x1x128xi32, #tpu.memory_space<vmem>> -> memref<128xi32, #tpu.memory_space<vmem>>
        %dma_wait3A_311 = arith.constant 0 : i32
        %dma_wait3A_312 = arith.constant 0 : i32
        %dma_wait3A_313 = tpu.memref_slice %arg9[%dma_wait3A_311, %dma_wait3A_312] : memref<10240x128xf32, #tpu.memory_space<vmem_shared>> -> memref<10240x128xf32, #tpu.memory_space<vmem_shared>>
        tpu.wait_indirect_dma semaphore(%run_scoped3A_293 : memref<!tpu.dma_semaphore, #tpu.memory_space<semaphore_mem>>) src(%dma_wait3A_307 : memref<128x128xf32, #tpu.memory_space<vmem>>) dst(%dma_wait3A_313 : memref<10240x128xf32, #tpu.memory_space<vmem_shared>>)
        tpu.yield
      }) : () -> ()
      %dma_start3A_168 = arith.constant 4 : i32
      %dma_start3A_169 = arith.constant 0 : i32
      %dma_start3A_170 = arith.constant 0 : i32
      %dma_start3A_171 = arith.constant 0 : i32
      %dma_start3A_172 = tpu.memref_slice %arg8[%dma_start3A_169, %dma_start3A_170, %dma_start3A_171] : memref<2x128x128xf32, #tpu.memory_space<vmem>> -> memref<1x128x128xf32, #tpu.memory_space<vmem>>
      %dma_start3A_173 = tpu.memref_squeeze %dma_start3A_172 : memref<1x128x128xf32, #tpu.memory_space<vmem>> -> memref<128x128xf32, #tpu.memory_space<vmem>>
      %dma_start3A_174 = arith.constant 0 : i32
      %dma_start3A_175 = tpu.memref_slice %arg6[%select_n3A_67, %dma_start3A_168, %dma_start3A_174] : memref<2x8x128xi32, #tpu.memory_space<vmem>> -> memref<1x1x128xi32, #tpu.memory_space<vmem>>
      %dma_start3A_176 = tpu.memref_squeeze %dma_start3A_175 : memref<1x1x128xi32, #tpu.memory_space<vmem>> -> memref<128xi32, #tpu.memory_space<vmem>>
      %dma_start3A_177 = arith.constant 0 : i32
      %dma_start3A_178 = arith.constant 0 : i32
      %dma_start3A_179 = tpu.memref_slice %arg2[%dma_start3A_177, %dma_start3A_178] : memref<10000x128xf32, #tpu.memory_space<hbm>> -> memref<10000x128xf32, #tpu.memory_space<hbm>>
      tpu.enqueue_indirect_dma source(%dma_start3A_179 : memref<10000x128xf32, #tpu.memory_space<hbm>>) target(%dma_start3A_173 : memref<128x128xf32, #tpu.memory_space<vmem>>) offsets(%dma_start3A_176 : memref<128xi32, #tpu.memory_space<vmem>>) semaphore(%arg10 : memref<!tpu.dma_semaphore, #tpu.memory_space<semaphore_mem>>)
      %dma_wait3A_180 = arith.constant 3 : i32
      %dma_wait3A_181 = arith.constant 1 : i32
      %dma_wait3A_182 = arith.constant 0 : i32
      %dma_wait3A_183 = arith.constant 0 : i32
      %dma_wait3A_184 = tpu.memref_slice %arg8[%dma_wait3A_181, %dma_wait3A_182, %dma_wait3A_183] : memref<2x128x128xf32, #tpu.memory_space<vmem>> -> memref<1x128x128xf32, #tpu.memory_space<vmem>>
      %dma_wait3A_185 = tpu.memref_squeeze %dma_wait3A_184 : memref<1x128x128xf32, #tpu.memory_space<vmem>> -> memref<128x128xf32, #tpu.memory_space<vmem>>
      %dma_wait3A_186 = arith.constant 0 : i32
      %dma_wait3A_187 = tpu.memref_slice %arg6[%select_n3A_67, %dma_wait3A_180, %dma_wait3A_186] : memref<2x8x128xi32, #tpu.memory_space<vmem>> -> memref<1x1x128xi32, #tpu.memory_space<vmem>>
      %dma_wait3A_188 = tpu.memref_squeeze %dma_wait3A_187 : memref<1x1x128xi32, #tpu.memory_space<vmem>> -> memref<128xi32, #tpu.memory_space<vmem>>
      %dma_wait3A_189 = arith.constant 0 : i32
      %dma_wait3A_190 = arith.constant 0 : i32
      %dma_wait3A_191 = tpu.memref_slice %arg2[%dma_wait3A_189, %dma_wait3A_190] : memref<10000x128xf32, #tpu.memory_space<hbm>> -> memref<10000x128xf32, #tpu.memory_space<hbm>>
      tpu.wait_indirect_dma semaphore(%arg11 : memref<!tpu.dma_semaphore, #tpu.memory_space<semaphore_mem>>) src(%dma_wait3A_191 : memref<10000x128xf32, #tpu.memory_space<hbm>>) dst(%dma_wait3A_185 : memref<128x128xf32, #tpu.memory_space<vmem>>)
      %run_scoped3A_192 = arith.constant 1 : i32
      %run_scoped3A_193 = arith.constant 3 : i32
      "tpu.region"() ({
        %run_scoped3A_293 = tpu.sem_alloc : memref<!tpu.dma_semaphore, #tpu.memory_space<semaphore_mem>>
        %dma_start3A_294 = arith.constant 0 : i32
        %dma_start3A_295 = arith.constant 0 : i32
        %dma_start3A_296 = tpu.memref_slice %arg8[%run_scoped3A_192, %dma_start3A_294, %dma_start3A_295] : memref<2x128x128xf32, #tpu.memory_space<vmem>> -> memref<1x128x128xf32, #tpu.memory_space<vmem>>
        %dma_start3A_297 = tpu.memref_squeeze %dma_start3A_296 : memref<1x128x128xf32, #tpu.memory_space<vmem>> -> memref<128x128xf32, #tpu.memory_space<vmem>>
        %dma_start3A_298 = arith.constant 0 : i32
        %dma_start3A_299 = tpu.memref_slice %arg7[%select_n3A_67, %run_scoped3A_193, %dma_start3A_298] : memref<2x8x128xi32, #tpu.memory_space<vmem>> -> memref<1x1x128xi32, #tpu.memory_space<vmem>>
        %dma_start3A_300 = tpu.memref_squeeze %dma_start3A_299 : memref<1x1x128xi32, #tpu.memory_space<vmem>> -> memref<128xi32, #tpu.memory_space<vmem>>
        %dma_start3A_301 = arith.constant 0 : i32
        %dma_start3A_302 = arith.constant 0 : i32
        %dma_start3A_303 = tpu.memref_slice %arg9[%dma_start3A_301, %dma_start3A_302] : memref<10240x128xf32, #tpu.memory_space<vmem_shared>> -> memref<10240x128xf32, #tpu.memory_space<vmem_shared>>
        tpu.enqueue_indirect_dma source(%dma_start3A_297 : memref<128x128xf32, #tpu.memory_space<vmem>>) target(%dma_start3A_303 : memref<10240x128xf32, #tpu.memory_space<vmem_shared>>) offsets(%dma_start3A_300 : memref<128xi32, #tpu.memory_space<vmem>>) semaphore(%run_scoped3A_293 : memref<!tpu.dma_semaphore, #tpu.memory_space<semaphore_mem>>) {add = true}
        %dma_wait3A_304 = arith.constant 0 : i32
        %dma_wait3A_305 = arith.constant 0 : i32
        %dma_wait3A_306 = tpu.memref_slice %arg8[%run_scoped3A_192, %dma_wait3A_304, %dma_wait3A_305] : memref<2x128x128xf32, #tpu.memory_space<vmem>> -> memref<1x128x128xf32, #tpu.memory_space<vmem>>
        %dma_wait3A_307 = tpu.memref_squeeze %dma_wait3A_306 : memref<1x128x128xf32, #tpu.memory_space<vmem>> -> memref<128x128xf32, #tpu.memory_space<vmem>>
        %dma_wait3A_308 = arith.constant 0 : i32
        %dma_wait3A_309 = tpu.memref_slice %arg7[%select_n3A_67, %run_scoped3A_193, %dma_wait3A_308] : memref<2x8x128xi32, #tpu.memory_space<vmem>> -> memref<1x1x128xi32, #tpu.memory_space<vmem>>
        %dma_wait3A_310 = tpu.memref_squeeze %dma_wait3A_309 : memref<1x1x128xi32, #tpu.memory_space<vmem>> -> memref<128xi32, #tpu.memory_space<vmem>>
        %dma_wait3A_311 = arith.constant 0 : i32
        %dma_wait3A_312 = arith.constant 0 : i32
        %dma_wait3A_313 = tpu.memref_slice %arg9[%dma_wait3A_311, %dma_wait3A_312] : memref<10240x128xf32, #tpu.memory_space<vmem_shared>> -> memref<10240x128xf32, #tpu.memory_space<vmem_shared>>
        tpu.wait_indirect_dma semaphore(%run_scoped3A_293 : memref<!tpu.dma_semaphore, #tpu.memory_space<semaphore_mem>>) src(%dma_wait3A_307 : memref<128x128xf32, #tpu.memory_space<vmem>>) dst(%dma_wait3A_313 : memref<10240x128xf32, #tpu.memory_space<vmem_shared>>)
        tpu.yield
      }) : () -> ()
      %dma_start3A_194 = arith.constant 5 : i32
      %dma_start3A_195 = arith.constant 1 : i32
      %dma_start3A_196 = arith.constant 0 : i32
      %dma_start3A_197 = arith.constant 0 : i32
      %dma_start3A_198 = tpu.memref_slice %arg8[%dma_start3A_195, %dma_start3A_196, %dma_start3A_197] : memref<2x128x128xf32, #tpu.memory_space<vmem>> -> memref<1x128x128xf32, #tpu.memory_space<vmem>>
      %dma_start3A_199 = tpu.memref_squeeze %dma_start3A_198 : memref<1x128x128xf32, #tpu.memory_space<vmem>> -> memref<128x128xf32, #tpu.memory_space<vmem>>
      %dma_start3A_200 = arith.constant 0 : i32
      %dma_start3A_201 = tpu.memref_slice %arg6[%select_n3A_67, %dma_start3A_194, %dma_start3A_200] : memref<2x8x128xi32, #tpu.memory_space<vmem>> -> memref<1x1x128xi32, #tpu.memory_space<vmem>>
      %dma_start3A_202 = tpu.memref_squeeze %dma_start3A_201 : memref<1x1x128xi32, #tpu.memory_space<vmem>> -> memref<128xi32, #tpu.memory_space<vmem>>
      %dma_start3A_203 = arith.constant 0 : i32
      %dma_start3A_204 = arith.constant 0 : i32
      %dma_start3A_205 = tpu.memref_slice %arg2[%dma_start3A_203, %dma_start3A_204] : memref<10000x128xf32, #tpu.memory_space<hbm>> -> memref<10000x128xf32, #tpu.memory_space<hbm>>
      tpu.enqueue_indirect_dma source(%dma_start3A_205 : memref<10000x128xf32, #tpu.memory_space<hbm>>) target(%dma_start3A_199 : memref<128x128xf32, #tpu.memory_space<vmem>>) offsets(%dma_start3A_202 : memref<128xi32, #tpu.memory_space<vmem>>) semaphore(%arg11 : memref<!tpu.dma_semaphore, #tpu.memory_space<semaphore_mem>>)
      %dma_wait3A_206 = arith.constant 4 : i32
      %dma_wait3A_207 = arith.constant 0 : i32
      %dma_wait3A_208 = arith.constant 0 : i32
      %dma_wait3A_209 = arith.constant 0 : i32
      %dma_wait3A_210 = tpu.memref_slice %arg8[%dma_wait3A_207, %dma_wait3A_208, %dma_wait3A_209] : memref<2x128x128xf32, #tpu.memory_space<vmem>> -> memref<1x128x128xf32, #tpu.memory_space<vmem>>
      %dma_wait3A_211 = tpu.memref_squeeze %dma_wait3A_210 : memref<1x128x128xf32, #tpu.memory_space<vmem>> -> memref<128x128xf32, #tpu.memory_space<vmem>>
      %dma_wait3A_212 = arith.constant 0 : i32
      %dma_wait3A_213 = tpu.memref_slice %arg6[%select_n3A_67, %dma_wait3A_206, %dma_wait3A_212] : memref<2x8x128xi32, #tpu.memory_space<vmem>> -> memref<1x1x128xi32, #tpu.memory_space<vmem>>
      %dma_wait3A_214 = tpu.memref_squeeze %dma_wait3A_213 : memref<1x1x128xi32, #tpu.memory_space<vmem>> -> memref<128xi32, #tpu.memory_space<vmem>>
      %dma_wait3A_215 = arith.constant 0 : i32
      %dma_wait3A_216 = arith.constant 0 : i32
      %dma_wait3A_217 = tpu.memref_slice %arg2[%dma_wait3A_215, %dma_wait3A_216] : memref<10000x128xf32, #tpu.memory_space<hbm>> -> memref<10000x128xf32, #tpu.memory_space<hbm>>
      tpu.wait_indirect_dma semaphore(%arg10 : memref<!tpu.dma_semaphore, #tpu.memory_space<semaphore_mem>>) src(%dma_wait3A_217 : memref<10000x128xf32, #tpu.memory_space<hbm>>) dst(%dma_wait3A_211 : memref<128x128xf32, #tpu.memory_space<vmem>>)
      %run_scoped3A_218 = arith.constant 0 : i32
      %run_scoped3A_219 = arith.constant 4 : i32
      "tpu.region"() ({
        %run_scoped3A_293 = tpu.sem_alloc : memref<!tpu.dma_semaphore, #tpu.memory_space<semaphore_mem>>
        %dma_start3A_294 = arith.constant 0 : i32
        %dma_start3A_295 = arith.constant 0 : i32
        %dma_start3A_296 = tpu.memref_slice %arg8[%run_scoped3A_218, %dma_start3A_294, %dma_start3A_295] : memref<2x128x128xf32, #tpu.memory_space<vmem>> -> memref<1x128x128xf32, #tpu.memory_space<vmem>>
        %dma_start3A_297 = tpu.memref_squeeze %dma_start3A_296 : memref<1x128x128xf32, #tpu.memory_space<vmem>> -> memref<128x128xf32, #tpu.memory_space<vmem>>
        %dma_start3A_298 = arith.constant 0 : i32
        %dma_start3A_299 = tpu.memref_slice %arg7[%select_n3A_67, %run_scoped3A_219, %dma_start3A_298] : memref<2x8x128xi32, #tpu.memory_space<vmem>> -> memref<1x1x128xi32, #tpu.memory_space<vmem>>
        %dma_start3A_300 = tpu.memref_squeeze %dma_start3A_299 : memref<1x1x128xi32, #tpu.memory_space<vmem>> -> memref<128xi32, #tpu.memory_space<vmem>>
        %dma_start3A_301 = arith.constant 0 : i32
        %dma_start3A_302 = arith.constant 0 : i32
        %dma_start3A_303 = tpu.memref_slice %arg9[%dma_start3A_301, %dma_start3A_302] : memref<10240x128xf32, #tpu.memory_space<vmem_shared>> -> memref<10240x128xf32, #tpu.memory_space<vmem_shared>>
        tpu.enqueue_indirect_dma source(%dma_start3A_297 : memref<128x128xf32, #tpu.memory_space<vmem>>) target(%dma_start3A_303 : memref<10240x128xf32, #tpu.memory_space<vmem_shared>>) offsets(%dma_start3A_300 : memref<128xi32, #tpu.memory_space<vmem>>) semaphore(%run_scoped3A_293 : memref<!tpu.dma_semaphore, #tpu.memory_space<semaphore_mem>>) {add = true}
        %dma_wait3A_304 = arith.constant 0 : i32
        %dma_wait3A_305 = arith.constant 0 : i32
        %dma_wait3A_306 = tpu.memref_slice %arg8[%run_scoped3A_218, %dma_wait3A_304, %dma_wait3A_305] : memref<2x128x128xf32, #tpu.memory_space<vmem>> -> memref<1x128x128xf32, #tpu.memory_space<vmem>>
        %dma_wait3A_307 = tpu.memref_squeeze %dma_wait3A_306 : memref<1x128x128xf32, #tpu.memory_space<vmem>> -> memref<128x128xf32, #tpu.memory_space<vmem>>
        %dma_wait3A_308 = arith.constant 0 : i32
        %dma_wait3A_309 = tpu.memref_slice %arg7[%select_n3A_67, %run_scoped3A_219, %dma_wait3A_308] : memref<2x8x128xi32, #tpu.memory_space<vmem>> -> memref<1x1x128xi32, #tpu.memory_space<vmem>>
        %dma_wait3A_310 = tpu.memref_squeeze %dma_wait3A_309 : memref<1x1x128xi32, #tpu.memory_space<vmem>> -> memref<128xi32, #tpu.memory_space<vmem>>
        %dma_wait3A_311 = arith.constant 0 : i32
        %dma_wait3A_312 = arith.constant 0 : i32
        %dma_wait3A_313 = tpu.memref_slice %arg9[%dma_wait3A_311, %dma_wait3A_312] : memref<10240x128xf32, #tpu.memory_space<vmem_shared>> -> memref<10240x128xf32, #tpu.memory_space<vmem_shared>>
        tpu.wait_indirect_dma semaphore(%run_scoped3A_293 : memref<!tpu.dma_semaphore, #tpu.memory_space<semaphore_mem>>) src(%dma_wait3A_307 : memref<128x128xf32, #tpu.memory_space<vmem>>) dst(%dma_wait3A_313 : memref<10240x128xf32, #tpu.memory_space<vmem_shared>>)
        tpu.yield
      }) : () -> ()
      %dma_start3A_220 = arith.constant 6 : i32
      %dma_start3A_221 = arith.constant 0 : i32
      %dma_start3A_222 = arith.constant 0 : i32
      %dma_start3A_223 = arith.constant 0 : i32
      %dma_start3A_224 = tpu.memref_slice %arg8[%dma_start3A_221, %dma_start3A_222, %dma_start3A_223] : memref<2x128x128xf32, #tpu.memory_space<vmem>> -> memref<1x128x128xf32, #tpu.memory_space<vmem>>
      %dma_start3A_225 = tpu.memref_squeeze %dma_start3A_224 : memref<1x128x128xf32, #tpu.memory_space<vmem>> -> memref<128x128xf32, #tpu.memory_space<vmem>>
      %dma_start3A_226 = arith.constant 0 : i32
      %dma_start3A_227 = tpu.memref_slice %arg6[%select_n3A_67, %dma_start3A_220, %dma_start3A_226] : memref<2x8x128xi32, #tpu.memory_space<vmem>> -> memref<1x1x128xi32, #tpu.memory_space<vmem>>
      %dma_start3A_228 = tpu.memref_squeeze %dma_start3A_227 : memref<1x1x128xi32, #tpu.memory_space<vmem>> -> memref<128xi32, #tpu.memory_space<vmem>>
      %dma_start3A_229 = arith.constant 0 : i32
      %dma_start3A_230 = arith.constant 0 : i32
      %dma_start3A_231 = tpu.memref_slice %arg2[%dma_start3A_229, %dma_start3A_230] : memref<10000x128xf32, #tpu.memory_space<hbm>> -> memref<10000x128xf32, #tpu.memory_space<hbm>>
      tpu.enqueue_indirect_dma source(%dma_start3A_231 : memref<10000x128xf32, #tpu.memory_space<hbm>>) target(%dma_start3A_225 : memref<128x128xf32, #tpu.memory_space<vmem>>) offsets(%dma_start3A_228 : memref<128xi32, #tpu.memory_space<vmem>>) semaphore(%arg10 : memref<!tpu.dma_semaphore, #tpu.memory_space<semaphore_mem>>)
      %dma_wait3A_232 = arith.constant 5 : i32
      %dma_wait3A_233 = arith.constant 1 : i32
      %dma_wait3A_234 = arith.constant 0 : i32
      %dma_wait3A_235 = arith.constant 0 : i32
      %dma_wait3A_236 = tpu.memref_slice %arg8[%dma_wait3A_233, %dma_wait3A_234, %dma_wait3A_235] : memref<2x128x128xf32, #tpu.memory_space<vmem>> -> memref<1x128x128xf32, #tpu.memory_space<vmem>>
      %dma_wait3A_237 = tpu.memref_squeeze %dma_wait3A_236 : memref<1x128x128xf32, #tpu.memory_space<vmem>> -> memref<128x128xf32, #tpu.memory_space<vmem>>
      %dma_wait3A_238 = arith.constant 0 : i32
      %dma_wait3A_239 = tpu.memref_slice %arg6[%select_n3A_67, %dma_wait3A_232, %dma_wait3A_238] : memref<2x8x128xi32, #tpu.memory_space<vmem>> -> memref<1x1x128xi32, #tpu.memory_space<vmem>>
      %dma_wait3A_240 = tpu.memref_squeeze %dma_wait3A_239 : memref<1x1x128xi32, #tpu.memory_space<vmem>> -> memref<128xi32, #tpu.memory_space<vmem>>
      %dma_wait3A_241 = arith.constant 0 : i32
      %dma_wait3A_242 = arith.constant 0 : i32
      %dma_wait3A_243 = tpu.memref_slice %arg2[%dma_wait3A_241, %dma_wait3A_242] : memref<10000x128xf32, #tpu.memory_space<hbm>> -> memref<10000x128xf32, #tpu.memory_space<hbm>>
      tpu.wait_indirect_dma semaphore(%arg11 : memref<!tpu.dma_semaphore, #tpu.memory_space<semaphore_mem>>) src(%dma_wait3A_243 : memref<10000x128xf32, #tpu.memory_space<hbm>>) dst(%dma_wait3A_237 : memref<128x128xf32, #tpu.memory_space<vmem>>)
      %run_scoped3A_244 = arith.constant 1 : i32
      %run_scoped3A_245 = arith.constant 5 : i32
      "tpu.region"() ({
        %run_scoped3A_293 = tpu.sem_alloc : memref<!tpu.dma_semaphore, #tpu.memory_space<semaphore_mem>>
        %dma_start3A_294 = arith.constant 0 : i32
        %dma_start3A_295 = arith.constant 0 : i32
        %dma_start3A_296 = tpu.memref_slice %arg8[%run_scoped3A_244, %dma_start3A_294, %dma_start3A_295] : memref<2x128x128xf32, #tpu.memory_space<vmem>> -> memref<1x128x128xf32, #tpu.memory_space<vmem>>
        %dma_start3A_297 = tpu.memref_squeeze %dma_start3A_296 : memref<1x128x128xf32, #tpu.memory_space<vmem>> -> memref<128x128xf32, #tpu.memory_space<vmem>>
        %dma_start3A_298 = arith.constant 0 : i32
        %dma_start3A_299 = tpu.memref_slice %arg7[%select_n3A_67, %run_scoped3A_245, %dma_start3A_298] : memref<2x8x128xi32, #tpu.memory_space<vmem>> -> memref<1x1x128xi32, #tpu.memory_space<vmem>>
        %dma_start3A_300 = tpu.memref_squeeze %dma_start3A_299 : memref<1x1x128xi32, #tpu.memory_space<vmem>> -> memref<128xi32, #tpu.memory_space<vmem>>
        %dma_start3A_301 = arith.constant 0 : i32
        %dma_start3A_302 = arith.constant 0 : i32
        %dma_start3A_303 = tpu.memref_slice %arg9[%dma_start3A_301, %dma_start3A_302] : memref<10240x128xf32, #tpu.memory_space<vmem_shared>> -> memref<10240x128xf32, #tpu.memory_space<vmem_shared>>
        tpu.enqueue_indirect_dma source(%dma_start3A_297 : memref<128x128xf32, #tpu.memory_space<vmem>>) target(%dma_start3A_303 : memref<10240x128xf32, #tpu.memory_space<vmem_shared>>) offsets(%dma_start3A_300 : memref<128xi32, #tpu.memory_space<vmem>>) semaphore(%run_scoped3A_293 : memref<!tpu.dma_semaphore, #tpu.memory_space<semaphore_mem>>) {add = true}
        %dma_wait3A_304 = arith.constant 0 : i32
        %dma_wait3A_305 = arith.constant 0 : i32
        %dma_wait3A_306 = tpu.memref_slice %arg8[%run_scoped3A_244, %dma_wait3A_304, %dma_wait3A_305] : memref<2x128x128xf32, #tpu.memory_space<vmem>> -> memref<1x128x128xf32, #tpu.memory_space<vmem>>
        %dma_wait3A_307 = tpu.memref_squeeze %dma_wait3A_306 : memref<1x128x128xf32, #tpu.memory_space<vmem>> -> memref<128x128xf32, #tpu.memory_space<vmem>>
        %dma_wait3A_308 = arith.constant 0 : i32
        %dma_wait3A_309 = tpu.memref_slice %arg7[%select_n3A_67, %run_scoped3A_245, %dma_wait3A_308] : memref<2x8x128xi32, #tpu.memory_space<vmem>> -> memref<1x1x128xi32, #tpu.memory_space<vmem>>
        %dma_wait3A_310 = tpu.memref_squeeze %dma_wait3A_309 : memref<1x1x128xi32, #tpu.memory_space<vmem>> -> memref<128xi32, #tpu.memory_space<vmem>>
        %dma_wait3A_311 = arith.constant 0 : i32
        %dma_wait3A_312 = arith.constant 0 : i32
        %dma_wait3A_313 = tpu.memref_slice %arg9[%dma_wait3A_311, %dma_wait3A_312] : memref<10240x128xf32, #tpu.memory_space<vmem_shared>> -> memref<10240x128xf32, #tpu.memory_space<vmem_shared>>
        tpu.wait_indirect_dma semaphore(%run_scoped3A_293 : memref<!tpu.dma_semaphore, #tpu.memory_space<semaphore_mem>>) src(%dma_wait3A_307 : memref<128x128xf32, #tpu.memory_space<vmem>>) dst(%dma_wait3A_313 : memref<10240x128xf32, #tpu.memory_space<vmem_shared>>)
        tpu.yield
      }) : () -> ()
      %dma_start3A_246 = arith.constant 7 : i32
      %dma_start3A_247 = arith.constant 1 : i32
      %dma_start3A_248 = arith.constant 0 : i32
      %dma_start3A_249 = arith.constant 0 : i32
      %dma_start3A_250 = tpu.memref_slice %arg8[%dma_start3A_247, %dma_start3A_248, %dma_start3A_249] : memref<2x128x128xf32, #tpu.memory_space<vmem>> -> memref<1x128x128xf32, #tpu.memory_space<vmem>>
      %dma_start3A_251 = tpu.memref_squeeze %dma_start3A_250 : memref<1x128x128xf32, #tpu.memory_space<vmem>> -> memref<128x128xf32, #tpu.memory_space<vmem>>
      %dma_start3A_252 = arith.constant 0 : i32
      %dma_start3A_253 = tpu.memref_slice %arg6[%select_n3A_67, %dma_start3A_246, %dma_start3A_252] : memref<2x8x128xi32, #tpu.memory_space<vmem>> -> memref<1x1x128xi32, #tpu.memory_space<vmem>>
      %dma_start3A_254 = tpu.memref_squeeze %dma_start3A_253 : memref<1x1x128xi32, #tpu.memory_space<vmem>> -> memref<128xi32, #tpu.memory_space<vmem>>
      %dma_start3A_255 = arith.constant 0 : i32
      %dma_start3A_256 = arith.constant 0 : i32
      %dma_start3A_257 = tpu.memref_slice %arg2[%dma_start3A_255, %dma_start3A_256] : memref<10000x128xf32, #tpu.memory_space<hbm>> -> memref<10000x128xf32, #tpu.memory_space<hbm>>
      tpu.enqueue_indirect_dma source(%dma_start3A_257 : memref<10000x128xf32, #tpu.memory_space<hbm>>) target(%dma_start3A_251 : memref<128x128xf32, #tpu.memory_space<vmem>>) offsets(%dma_start3A_254 : memref<128xi32, #tpu.memory_space<vmem>>) semaphore(%arg11 : memref<!tpu.dma_semaphore, #tpu.memory_space<semaphore_mem>>)
      %dma_wait3A_258 = arith.constant 6 : i32
      %dma_wait3A_259 = arith.constant 0 : i32
      %dma_wait3A_260 = arith.constant 0 : i32
      %dma_wait3A_261 = arith.constant 0 : i32
      %dma_wait3A_262 = tpu.memref_slice %arg8[%dma_wait3A_259, %dma_wait3A_260, %dma_wait3A_261] : memref<2x128x128xf32, #tpu.memory_space<vmem>> -> memref<1x128x128xf32, #tpu.memory_space<vmem>>
      %dma_wait3A_263 = tpu.memref_squeeze %dma_wait3A_262 : memref<1x128x128xf32, #tpu.memory_space<vmem>> -> memref<128x128xf32, #tpu.memory_space<vmem>>
      %dma_wait3A_264 = arith.constant 0 : i32
      %dma_wait3A_265 = tpu.memref_slice %arg6[%select_n3A_67, %dma_wait3A_258, %dma_wait3A_264] : memref<2x8x128xi32, #tpu.memory_space<vmem>> -> memref<1x1x128xi32, #tpu.memory_space<vmem>>
      %dma_wait3A_266 = tpu.memref_squeeze %dma_wait3A_265 : memref<1x1x128xi32, #tpu.memory_space<vmem>> -> memref<128xi32, #tpu.memory_space<vmem>>
      %dma_wait3A_267 = arith.constant 0 : i32
      %dma_wait3A_268 = arith.constant 0 : i32
      %dma_wait3A_269 = tpu.memref_slice %arg2[%dma_wait3A_267, %dma_wait3A_268] : memref<10000x128xf32, #tpu.memory_space<hbm>> -> memref<10000x128xf32, #tpu.memory_space<hbm>>
      tpu.wait_indirect_dma semaphore(%arg10 : memref<!tpu.dma_semaphore, #tpu.memory_space<semaphore_mem>>) src(%dma_wait3A_269 : memref<10000x128xf32, #tpu.memory_space<hbm>>) dst(%dma_wait3A_263 : memref<128x128xf32, #tpu.memory_space<vmem>>)
      %run_scoped3A_270 = arith.constant 0 : i32
      %run_scoped3A_271 = arith.constant 6 : i32
      "tpu.region"() ({
        %run_scoped3A_293 = tpu.sem_alloc : memref<!tpu.dma_semaphore, #tpu.memory_space<semaphore_mem>>
        %dma_start3A_294 = arith.constant 0 : i32
        %dma_start3A_295 = arith.constant 0 : i32
        %dma_start3A_296 = tpu.memref_slice %arg8[%run_scoped3A_270, %dma_start3A_294, %dma_start3A_295] : memref<2x128x128xf32, #tpu.memory_space<vmem>> -> memref<1x128x128xf32, #tpu.memory_space<vmem>>
        %dma_start3A_297 = tpu.memref_squeeze %dma_start3A_296 : memref<1x128x128xf32, #tpu.memory_space<vmem>> -> memref<128x128xf32, #tpu.memory_space<vmem>>
        %dma_start3A_298 = arith.constant 0 : i32
        %dma_start3A_299 = tpu.memref_slice %arg7[%select_n3A_67, %run_scoped3A_271, %dma_start3A_298] : memref<2x8x128xi32, #tpu.memory_space<vmem>> -> memref<1x1x128xi32, #tpu.memory_space<vmem>>
        %dma_start3A_300 = tpu.memref_squeeze %dma_start3A_299 : memref<1x1x128xi32, #tpu.memory_space<vmem>> -> memref<128xi32, #tpu.memory_space<vmem>>
        %dma_start3A_301 = arith.constant 0 : i32
        %dma_start3A_302 = arith.constant 0 : i32
        %dma_start3A_303 = tpu.memref_slice %arg9[%dma_start3A_301, %dma_start3A_302] : memref<10240x128xf32, #tpu.memory_space<vmem_shared>> -> memref<10240x128xf32, #tpu.memory_space<vmem_shared>>
        tpu.enqueue_indirect_dma source(%dma_start3A_297 : memref<128x128xf32, #tpu.memory_space<vmem>>) target(%dma_start3A_303 : memref<10240x128xf32, #tpu.memory_space<vmem_shared>>) offsets(%dma_start3A_300 : memref<128xi32, #tpu.memory_space<vmem>>) semaphore(%run_scoped3A_293 : memref<!tpu.dma_semaphore, #tpu.memory_space<semaphore_mem>>) {add = true}
        %dma_wait3A_304 = arith.constant 0 : i32
        %dma_wait3A_305 = arith.constant 0 : i32
        %dma_wait3A_306 = tpu.memref_slice %arg8[%run_scoped3A_270, %dma_wait3A_304, %dma_wait3A_305] : memref<2x128x128xf32, #tpu.memory_space<vmem>> -> memref<1x128x128xf32, #tpu.memory_space<vmem>>
        %dma_wait3A_307 = tpu.memref_squeeze %dma_wait3A_306 : memref<1x128x128xf32, #tpu.memory_space<vmem>> -> memref<128x128xf32, #tpu.memory_space<vmem>>
        %dma_wait3A_308 = arith.constant 0 : i32
        %dma_wait3A_309 = tpu.memref_slice %arg7[%select_n3A_67, %run_scoped3A_271, %dma_wait3A_308] : memref<2x8x128xi32, #tpu.memory_space<vmem>> -> memref<1x1x128xi32, #tpu.memory_space<vmem>>
        %dma_wait3A_310 = tpu.memref_squeeze %dma_wait3A_309 : memref<1x1x128xi32, #tpu.memory_space<vmem>> -> memref<128xi32, #tpu.memory_space<vmem>>
        %dma_wait3A_311 = arith.constant 0 : i32
        %dma_wait3A_312 = arith.constant 0 : i32
        %dma_wait3A_313 = tpu.memref_slice %arg9[%dma_wait3A_311, %dma_wait3A_312] : memref<10240x128xf32, #tpu.memory_space<vmem_shared>> -> memref<10240x128xf32, #tpu.memory_space<vmem_shared>>
        tpu.wait_indirect_dma semaphore(%run_scoped3A_293 : memref<!tpu.dma_semaphore, #tpu.memory_space<semaphore_mem>>) src(%dma_wait3A_307 : memref<128x128xf32, #tpu.memory_space<vmem>>) dst(%dma_wait3A_313 : memref<10240x128xf32, #tpu.memory_space<vmem_shared>>)
        tpu.yield
      }) : () -> ()
      %add3A_272 = arith.constant 1 : i32
      %add3A_273 = arith.addi %scan3A_58, %add3A_272 : i32
      %lt3A_274 = arith.constant 20 : i32
      %lt3A_275 = arith.cmpi slt, %add3A_273, %lt3A_274 : i32
      %convert_element_type3A_276 = arith.extui %lt3A_275 : i1 to i32
      %cond3A_277 = arith.constant 0 : i32
      %cond3A_278 = arith.cmpi ne, %convert_element_type3A_276, %cond3A_277 : i32
      scf.if %cond3A_278 {
        %dma_start3A_293 = arith.constant 0 : i32
        %dma_start3A_294 = arith.constant 0 : i32
        %dma_start3A_295 = arith.constant 0 : i32
        %dma_start3A_296 = arith.constant 0 : i32
        %dma_start3A_297 = tpu.memref_slice %arg8[%dma_start3A_294, %dma_start3A_295, %dma_start3A_296] : memref<2x128x128xf32, #tpu.memory_space<vmem>> -> memref<1x128x128xf32, #tpu.memory_space<vmem>>
        %dma_start3A_298 = tpu.memref_squeeze %dma_start3A_297 : memref<1x128x128xf32, #tpu.memory_space<vmem>> -> memref<128x128xf32, #tpu.memory_space<vmem>>
        %dma_start3A_299 = arith.constant 0 : i32
        %dma_start3A_300 = tpu.memref_slice %arg6[%select_n3A_85, %dma_start3A_293, %dma_start3A_299] : memref<2x8x128xi32, #tpu.memory_space<vmem>> -> memref<1x1x128xi32, #tpu.memory_space<vmem>>
        %dma_start3A_301 = tpu.memref_squeeze %dma_start3A_300 : memref<1x1x128xi32, #tpu.memory_space<vmem>> -> memref<128xi32, #tpu.memory_space<vmem>>
        %dma_start3A_302 = arith.constant 0 : i32
        %dma_start3A_303 = arith.constant 0 : i32
        %dma_start3A_304 = tpu.memref_slice %arg2[%dma_start3A_302, %dma_start3A_303] : memref<10000x128xf32, #tpu.memory_space<hbm>> -> memref<10000x128xf32, #tpu.memory_space<hbm>>
        tpu.enqueue_indirect_dma source(%dma_start3A_304 : memref<10000x128xf32, #tpu.memory_space<hbm>>) target(%dma_start3A_298 : memref<128x128xf32, #tpu.memory_space<vmem>>) offsets(%dma_start3A_301 : memref<128xi32, #tpu.memory_space<vmem>>) semaphore(%arg10 : memref<!tpu.dma_semaphore, #tpu.memory_space<semaphore_mem>>)
      } else {
      }
      %dma_wait3A_279 = arith.constant 7 : i32
      %dma_wait3A_280 = arith.constant 1 : i32
      %dma_wait3A_281 = arith.constant 0 : i32
      %dma_wait3A_282 = arith.constant 0 : i32
      %dma_wait3A_283 = tpu.memref_slice %arg8[%dma_wait3A_280, %dma_wait3A_281, %dma_wait3A_282] : memref<2x128x128xf32, #tpu.memory_space<vmem>> -> memref<1x128x128xf32, #tpu.memory_space<vmem>>
      %dma_wait3A_284 = tpu.memref_squeeze %dma_wait3A_283 : memref<1x128x128xf32, #tpu.memory_space<vmem>> -> memref<128x128xf32, #tpu.memory_space<vmem>>
      %dma_wait3A_285 = arith.constant 0 : i32
      %dma_wait3A_286 = tpu.memref_slice %arg6[%select_n3A_67, %dma_wait3A_279, %dma_wait3A_285] : memref<2x8x128xi32, #tpu.memory_space<vmem>> -> memref<1x1x128xi32, #tpu.memory_space<vmem>>
      %dma_wait3A_287 = tpu.memref_squeeze %dma_wait3A_286 : memref<1x1x128xi32, #tpu.memory_space<vmem>> -> memref<128xi32, #tpu.memory_space<vmem>>
      %dma_wait3A_288 = arith.constant 0 : i32
      %dma_wait3A_289 = arith.constant 0 : i32
      %dma_wait3A_290 = tpu.memref_slice %arg2[%dma_wait3A_288, %dma_wait3A_289] : memref<10000x128xf32, #tpu.memory_space<hbm>> -> memref<10000x128xf32, #tpu.memory_space<hbm>>
      tpu.wait_indirect_dma semaphore(%arg11 : memref<!tpu.dma_semaphore, #tpu.memory_space<semaphore_mem>>) src(%dma_wait3A_290 : memref<10000x128xf32, #tpu.memory_space<hbm>>) dst(%dma_wait3A_284 : memref<128x128xf32, #tpu.memory_space<vmem>>)
      %run_scoped3A_291 = arith.constant 1 : i32
      %run_scoped3A_292 = arith.constant 7 : i32
      "tpu.region"() ({
        %run_scoped3A_293 = tpu.sem_alloc : memref<!tpu.dma_semaphore, #tpu.memory_space<semaphore_mem>>
        %dma_start3A_294 = arith.constant 0 : i32
        %dma_start3A_295 = arith.constant 0 : i32
        %dma_start3A_296 = tpu.memref_slice %arg8[%run_scoped3A_291, %dma_start3A_294, %dma_start3A_295] : memref<2x128x128xf32, #tpu.memory_space<vmem>> -> memref<1x128x128xf32, #tpu.memory_space<vmem>>
        %dma_start3A_297 = tpu.memref_squeeze %dma_start3A_296 : memref<1x128x128xf32, #tpu.memory_space<vmem>> -> memref<128x128xf32, #tpu.memory_space<vmem>>
        %dma_start3A_298 = arith.constant 0 : i32
        %dma_start3A_299 = tpu.memref_slice %arg7[%select_n3A_67, %run_scoped3A_292, %dma_start3A_298] : memref<2x8x128xi32, #tpu.memory_space<vmem>> -> memref<1x1x128xi32, #tpu.memory_space<vmem>>
        %dma_start3A_300 = tpu.memref_squeeze %dma_start3A_299 : memref<1x1x128xi32, #tpu.memory_space<vmem>> -> memref<128xi32, #tpu.memory_space<vmem>>
        %dma_start3A_301 = arith.constant 0 : i32
        %dma_start3A_302 = arith.constant 0 : i32
        %dma_start3A_303 = tpu.memref_slice %arg9[%dma_start3A_301, %dma_start3A_302] : memref<10240x128xf32, #tpu.memory_space<vmem_shared>> -> memref<10240x128xf32, #tpu.memory_space<vmem_shared>>
        tpu.enqueue_indirect_dma source(%dma_start3A_297 : memref<128x128xf32, #tpu.memory_space<vmem>>) target(%dma_start3A_303 : memref<10240x128xf32, #tpu.memory_space<vmem_shared>>) offsets(%dma_start3A_300 : memref<128xi32, #tpu.memory_space<vmem>>) semaphore(%run_scoped3A_293 : memref<!tpu.dma_semaphore, #tpu.memory_space<semaphore_mem>>) {add = true}
        %dma_wait3A_304 = arith.constant 0 : i32
        %dma_wait3A_305 = arith.constant 0 : i32
        %dma_wait3A_306 = tpu.memref_slice %arg8[%run_scoped3A_291, %dma_wait3A_304, %dma_wait3A_305] : memref<2x128x128xf32, #tpu.memory_space<vmem>> -> memref<1x128x128xf32, #tpu.memory_space<vmem>>
        %dma_wait3A_307 = tpu.memref_squeeze %dma_wait3A_306 : memref<1x128x128xf32, #tpu.memory_space<vmem>> -> memref<128x128xf32, #tpu.memory_space<vmem>>
        %dma_wait3A_308 = arith.constant 0 : i32
        %dma_wait3A_309 = tpu.memref_slice %arg7[%select_n3A_67, %run_scoped3A_292, %dma_wait3A_308] : memref<2x8x128xi32, #tpu.memory_space<vmem>> -> memref<1x1x128xi32, #tpu.memory_space<vmem>>
        %dma_wait3A_310 = tpu.memref_squeeze %dma_wait3A_309 : memref<1x1x128xi32, #tpu.memory_space<vmem>> -> memref<128xi32, #tpu.memory_space<vmem>>
        %dma_wait3A_311 = arith.constant 0 : i32
        %dma_wait3A_312 = arith.constant 0 : i32
        %dma_wait3A_313 = tpu.memref_slice %arg9[%dma_wait3A_311, %dma_wait3A_312] : memref<10240x128xf32, #tpu.memory_space<vmem_shared>> -> memref<10240x128xf32, #tpu.memory_space<vmem_shared>>
        tpu.wait_indirect_dma semaphore(%run_scoped3A_293 : memref<!tpu.dma_semaphore, #tpu.memory_space<semaphore_mem>>) src(%dma_wait3A_307 : memref<128x128xf32, #tpu.memory_space<vmem>>) dst(%dma_wait3A_313 : memref<10240x128xf32, #tpu.memory_space<vmem_shared>>)
        tpu.yield
      }) : () -> ()
    }
    %scan3A_52 = arith.constant 20 : i32
    %barrier3A_53 = arith.constant 0 : index
    tpu.barrier barrier_id(%barrier3A_53)
    %mul3A_54 = arith.constant 640 : i32
    %mul3A_55 = arith.muli %arg1, %mul3A_54 : i32
    %mul3A_56 = arith.constant 640 : i32
    %mul3A_57 = arith.muli %arg1, %mul3A_56 : i32
    "tpu.region"() ({
      %run_scoped3A_58 = tpu.sem_alloc : memref<!tpu.dma_semaphore, #tpu.memory_space<semaphore_mem>>
      %dma_start3A_59 = arith.constant 0 : i32
      %dma_start3A_60 = tpu.memref_slice %arg5[%arg0, %mul3A_57, %dma_start3A_59] : memref<2x10240x128xf32, #tpu.memory_space<hbm>> -> memref<1x640x128xf32, #tpu.memory_space<hbm>>
      %dma_start3A_61 = tpu.memref_squeeze %dma_start3A_60 : memref<1x640x128xf32, #tpu.memory_space<hbm>> -> memref<640x128xf32, #tpu.memory_space<hbm>>
      %dma_start3A_62 = arith.constant 0 : i32
      %dma_start3A_63 = tpu.memref_slice %arg9[%mul3A_55, %dma_start3A_62] : memref<10240x128xf32, #tpu.memory_space<vmem_shared>> -> memref<640x128xf32, #tpu.memory_space<vmem_shared>>
      tpu.enqueue_dma source(%dma_start3A_63 : memref<640x128xf32, #tpu.memory_space<vmem_shared>>) target(%dma_start3A_61 : memref<640x128xf32, #tpu.memory_space<hbm>>) target_semaphore(%run_scoped3A_58 : memref<!tpu.dma_semaphore, #tpu.memory_space<semaphore_mem>>)
      %dma_wait3A = arith.constant 0 : i32
      %dma_wait3A_64 = tpu.memref_slice %arg5[%arg0, %mul3A_57, %dma_wait3A] : memref<2x10240x128xf32, #tpu.memory_space<hbm>> -> memref<1x640x128xf32, #tpu.memory_space<hbm>>
      %dma_wait3A_65 = tpu.memref_squeeze %dma_wait3A_64 : memref<1x640x128xf32, #tpu.memory_space<hbm>> -> memref<640x128xf32, #tpu.memory_space<hbm>>
      %dma_wait3A_66 = arith.constant 0 : i32
      %dma_wait3A_67 = tpu.memref_slice %arg9[%mul3A_55, %dma_wait3A_66] : memref<10240x128xf32, #tpu.memory_space<vmem_shared>> -> memref<640x128xf32, #tpu.memory_space<vmem_shared>>
      tpu.wait_dma2 semaphore(%run_scoped3A_58 : memref<!tpu.dma_semaphore, #tpu.memory_space<semaphore_mem>>) src(%dma_wait3A_67 : memref<640x128xf32, #tpu.memory_space<vmem_shared>>) dst(%dma_wait3A_65 : memref<640x128xf32, #tpu.memory_space<hbm>>)
      tpu.yield
    }) : () -> ()
    return
  }
}

#map = affine_map<(d0, d1) -> (0, 0)>
#map1 = affine_map<(d0, d1) -> (0, 0, 0)>
module attributes {stable_mosaic.version = 14 : i64} {
  func.func @_agg_body(%arg0: i32, %arg1: i32, %arg2: memref<10000x128xf32, #tpu.memory_space<hbm>>, %arg3: memref<5120x128xi32, #tpu.memory_space<hbm>>, %arg4: memref<5120x128xi32, #tpu.memory_space<hbm>>, %arg5: memref<2x10240x128xf32, #tpu.memory_space<hbm>>, %arg6: memref<2x8x128xi32, #tpu.memory_space<vmem>>, %arg7: memref<2x8x128xi32, #tpu.memory_space<vmem>>, %arg8: memref<2x128x128xf32, #tpu.memory_space<vmem>>, %arg9: memref<10240x128xf32, #tpu.memory_space<vmem_shared>>, %arg10: memref<!tpu.dma_semaphore, #tpu.memory_space<semaphore_mem>>, %arg11: memref<!tpu.dma_semaphore, #tpu.memory_space<semaphore_mem>>) attributes {dimension_semantics = [#tpu.dimension_semantics<core_parallel>, #tpu.dimension_semantics<subcore_parallel>], iteration_bounds = array<i64: 2, 16>, scalar_prefetch = 0 : i64, scratch_operands = 6 : i64, tpu.core_type = #tpu.core_type<sc_vector_subcore>, window_params = [{transform_indices = #map}, {transform_indices = #map}, {transform_indices = #map}, {transform_indices = #map1}]} {
    %broadcast_in_dim3A = arith.constant 0.000000e+00 : f32
    %broadcast_in_dim3A_0 = vector.broadcast %broadcast_in_dim3A : f32 to vector<16xf32>
    %scan3A = arith.constant 0 : i32
    %scan3A_1 = arith.constant 0 : i32
    %scan3A_2 = arith.constant 128 : i32
    %scan3A_3 = arith.addi %scan3A_1, %scan3A_2 : i32
    %scan3A_4 = arith.constant 1 : i32
    scf.for %scan3A_58 = %scan3A_1 to %scan3A_3 step %scan3A_4  : i32 {
      %swap3A = arith.constant 0 : i32
      %swap3A_59 = arith.index_cast %swap3A : i32 to index
      %swap3A_60 = arith.index_cast %scan3A_58 : i32 to index
      %swap3A_61 = arith.constant 0 : index
      %swap3A_62 = tpu.vector_load %arg8[%swap3A_59, %swap3A_60, %swap3A_61] {strides = array<i32>} : memref<2x128x128xf32, #tpu.memory_space<vmem>>, vector<1x1x16xf32>,
      %swap3A_63 = vector.shape_cast %swap3A_62 : vector<1x1x16xf32> to vector<16xf32>
      %swap3A_64 = vector.shape_cast %broadcast_in_dim3A_0 : vector<16xf32> to vector<1x1x16xf32>
      tpu.vector_store %arg8[%swap3A_59, %swap3A_60, %swap3A_61], %swap3A_64 {strides = array<i32>} : memref<2x128x128xf32, #tpu.memory_space<vmem>>, vector<1x1x16xf32>,
      %swap3A_65 = arith.constant 0 : i32
      %swap3A_66 = arith.index_cast %swap3A_65 : i32 to index
      %swap3A_67 = arith.index_cast %scan3A_58 : i32 to index
      %swap3A_68 = arith.constant 16 : index
      %swap3A_69 = tpu.vector_load %arg8[%swap3A_66, %swap3A_67, %swap3A_68] {strides = array<i32>} : memref<2x128x128xf32, #tpu.memory_space<vmem>>, vector<1x1x16xf32>,
      %swap3A_70 = vector.shape_cast %swap3A_69 : vector<1x1x16xf32> to vector<16xf32>
      %swap3A_71 = vector.shape_cast %broadcast_in_dim3A_0 : vector<16xf32> to vector<1x1x16xf32>
      tpu.vector_store %arg8[%swap3A_66, %swap3A_67, %swap3A_68], %swap3A_71 {strides = array<i32>} : memref<2x128x128xf32, #tpu.memory_space<vmem>>, vector<1x1x16xf32>,
      %swap3A_72 = arith.constant 0 : i32
      %swap3A_73 = arith.index_cast %swap3A_72 : i32 to index
      %swap3A_74 = arith.index_cast %scan3A_58 : i32 to index
      %swap3A_75 = arith.constant 32 : index
      %swap3A_76 = tpu.vector_load %arg8[%swap3A_73, %swap3A_74, %swap3A_75] {strides = array<i32>} : memref<2x128x128xf32, #tpu.memory_space<vmem>>, vector<1x1x16xf32>,
      %swap3A_77 = vector.shape_cast %swap3A_76 : vector<1x1x16xf32> to vector<16xf32>
      %swap3A_78 = vector.shape_cast %broadcast_in_dim3A_0 : vector<16xf32> to vector<1x1x16xf32>
      tpu.vector_store %arg8[%swap3A_73, %swap3A_74, %swap3A_75], %swap3A_78 {strides = array<i32>} : memref<2x128x128xf32, #tpu.memory_space<vmem>>, vector<1x1x16xf32>,
      %swap3A_79 = arith.constant 0 : i32
      %swap3A_80 = arith.index_cast %swap3A_79 : i32 to index
      %swap3A_81 = arith.index_cast %scan3A_58 : i32 to index
      %swap3A_82 = arith.constant 48 : index
      %swap3A_83 = tpu.vector_load %arg8[%swap3A_80, %swap3A_81, %swap3A_82] {strides = array<i32>} : memref<2x128x128xf32, #tpu.memory_space<vmem>>, vector<1x1x16xf32>,
      %swap3A_84 = vector.shape_cast %swap3A_83 : vector<1x1x16xf32> to vector<16xf32>
      %swap3A_85 = vector.shape_cast %broadcast_in_dim3A_0 : vector<16xf32> to vector<1x1x16xf32>
      tpu.vector_store %arg8[%swap3A_80, %swap3A_81, %swap3A_82], %swap3A_85 {strides = array<i32>} : memref<2x128x128xf32, #tpu.memory_space<vmem>>, vector<1x1x16xf32>,
      %swap3A_86 = arith.constant 0 : i32
      %swap3A_87 = arith.index_cast %swap3A_86 : i32 to index
      %swap3A_88 = arith.index_cast %scan3A_58 : i32 to index
      %swap3A_89 = arith.constant 64 : index
      %swap3A_90 = tpu.vector_load %arg8[%swap3A_87, %swap3A_88, %swap3A_89] {strides = array<i32>} : memref<2x128x128xf32, #tpu.memory_space<vmem>>, vector<1x1x16xf32>,
      %swap3A_91 = vector.shape_cast %swap3A_90 : vector<1x1x16xf32> to vector<16xf32>
      %swap3A_92 = vector.shape_cast %broadcast_in_dim3A_0 : vector<16xf32> to vector<1x1x16xf32>
      tpu.vector_store %arg8[%swap3A_87, %swap3A_88, %swap3A_89], %swap3A_92 {strides = array<i32>} : memref<2x128x128xf32, #tpu.memory_space<vmem>>, vector<1x1x16xf32>,
      %swap3A_93 = arith.constant 0 : i32
      %swap3A_94 = arith.index_cast %swap3A_93 : i32 to index
      %swap3A_95 = arith.index_cast %scan3A_58 : i32 to index
      %swap3A_96 = arith.constant 80 : index
      %swap3A_97 = tpu.vector_load %arg8[%swap3A_94, %swap3A_95, %swap3A_96] {strides = array<i32>} : memref<2x128x128xf32, #tpu.memory_space<vmem>>, vector<1x1x16xf32>,
      %swap3A_98 = vector.shape_cast %swap3A_97 : vector<1x1x16xf32> to vector<16xf32>
      %swap3A_99 = vector.shape_cast %broadcast_in_dim3A_0 : vector<16xf32> to vector<1x1x16xf32>
      tpu.vector_store %arg8[%swap3A_94, %swap3A_95, %swap3A_96], %swap3A_99 {strides = array<i32>} : memref<2x128x128xf32, #tpu.memory_space<vmem>>, vector<1x1x16xf32>,
      %swap3A_100 = arith.constant 0 : i32
      %swap3A_101 = arith.index_cast %swap3A_100 : i32 to index
      %swap3A_102 = arith.index_cast %scan3A_58 : i32 to index
      %swap3A_103 = arith.constant 96 : index
      %swap3A_104 = tpu.vector_load %arg8[%swap3A_101, %swap3A_102, %swap3A_103] {strides = array<i32>} : memref<2x128x128xf32, #tpu.memory_space<vmem>>, vector<1x1x16xf32>,
      %swap3A_105 = vector.shape_cast %swap3A_104 : vector<1x1x16xf32> to vector<16xf32>
      %swap3A_106 = vector.shape_cast %broadcast_in_dim3A_0 : vector<16xf32> to vector<1x1x16xf32>
      tpu.vector_store %arg8[%swap3A_101, %swap3A_102, %swap3A_103], %swap3A_106 {strides = array<i32>} : memref<2x128x128xf32, #tpu.memory_space<vmem>>, vector<1x1x16xf32>,
      %swap3A_107 = arith.constant 0 : i32
      %swap3A_108 = arith.index_cast %swap3A_107 : i32 to index
      %swap3A_109 = arith.index_cast %scan3A_58 : i32 to index
      %swap3A_110 = arith.constant 112 : index
      %swap3A_111 = tpu.vector_load %arg8[%swap3A_108, %swap3A_109, %swap3A_110] {strides = array<i32>} : memref<2x128x128xf32, #tpu.memory_space<vmem>>, vector<1x1x16xf32>,
      %swap3A_112 = vector.shape_cast %swap3A_111 : vector<1x1x16xf32> to vector<16xf32>
      %swap3A_113 = vector.shape_cast %broadcast_in_dim3A_0 : vector<16xf32> to vector<1x1x16xf32>
      tpu.vector_store %arg8[%swap3A_108, %swap3A_109, %swap3A_110], %swap3A_113 {strides = array<i32>} : memref<2x128x128xf32, #tpu.memory_space<vmem>>, vector<1x1x16xf32>,
    }
    %scan3A_5 = arith.constant 128 : i32
    %mul3A = arith.constant 640 : i32
    %mul3A_6 = arith.muli %arg1, %mul3A : i32
    %add3A = arith.constant 0 : i32
    %add3A_7 = arith.addi %mul3A_6, %add3A : i32
    %run_scoped3A = arith.constant 0 : i32
    "tpu.region"() ({
      %run_scoped3A_58 = tpu.sem_alloc : memref<!tpu.dma_semaphore, #tpu.memory_space<semaphore_mem>>
      %dma_start3A_59 = arith.constant 0 : i32
      %dma_start3A_60 = arith.constant 0 : i32
      %dma_start3A_61 = tpu.memref_slice %arg8[%run_scoped3A, %dma_start3A_59, %dma_start3A_60] : memref<2x128x128xf32, #tpu.memory_space<vmem>> -> memref<1x128x128xf32, #tpu.memory_space<vmem>>
      %dma_start3A_62 = tpu.memref_squeeze %dma_start3A_61 : memref<1x128x128xf32, #tpu.memory_space<vmem>> -> memref<128x128xf32, #tpu.memory_space<vmem>>
      %dma_start3A_63 = arith.constant 0 : i32
      %dma_start3A_64 = tpu.memref_slice %arg9[%add3A_7, %dma_start3A_63] : memref<10240x128xf32, #tpu.memory_space<vmem_shared>> -> memref<128x128xf32, #tpu.memory_space<vmem_shared>>
      %dma_start3A_65 = arith.constant 0 : i32
      %dma_start3A_66 = tpu.memref_slice %arg9[%add3A_7, %dma_start3A_65] : memref<10240x128xf32, #tpu.memory_space<vmem_shared>> -> memref<128x128xf32, #tpu.memory_space<vmem_shared>>
      %dma_start3A_67 = arith.constant 0 : i32
      %dma_start3A_68 = arith.constant 0 : i32
      %dma_start3A_69 = tpu.memref_slice %arg8[%run_scoped3A, %dma_start3A_67, %dma_start3A_68] : memref<2x128x128xf32, #tpu.memory_space<vmem>> -> memref<1x128x128xf32, #tpu.memory_space<vmem>>
      %dma_start3A_70 = tpu.memref_squeeze %dma_start3A_69 : memref<1x128x128xf32, #tpu.memory_space<vmem>> -> memref<128x128xf32, #tpu.memory_space<vmem>>
      tpu.enqueue_dma source(%dma_start3A_70 : memref<128x128xf32, #tpu.memory_space<vmem>>) target(%dma_start3A_66 : memref<128x128xf32, #tpu.memory_space<vmem_shared>>) target_semaphore(%run_scoped3A_58 : memref<!tpu.dma_semaphore, #tpu.memory_space<semaphore_mem>>)
      %dma_wait3A = arith.constant 0 : i32
      %dma_wait3A_71 = arith.constant 0 : i32
      %dma_wait3A_72 = tpu.memref_slice %arg8[%run_scoped3A, %dma_wait3A, %dma_wait3A_71] : memref<2x128x128xf32, #tpu.memory_space<vmem>> -> memref<1x128x128xf32, #tpu.memory_space<vmem>>
      %dma_wait3A_73 = tpu.memref_squeeze %dma_wait3A_72 : memref<1x128x128xf32, #tpu.memory_space<vmem>> -> memref<128x128xf32, #tpu.memory_space<vmem>>
      %dma_wait3A_74 = arith.constant 0 : i32
      %dma_wait3A_75 = tpu.memref_slice %arg9[%add3A_7, %dma_wait3A_74] : memref<10240x128xf32, #tpu.memory_space<vmem_shared>> -> memref<128x128xf32, #tpu.memory_space<vmem_shared>>
      %dma_wait3A_76 = arith.constant 0 : i32
      %dma_wait3A_77 = tpu.memref_slice %arg9[%add3A_7, %dma_wait3A_76] : memref<10240x128xf32, #tpu.memory_space<vmem_shared>> -> memref<128x128xf32, #tpu.memory_space<vmem_shared>>
      %dma_wait3A_78 = arith.constant 0 : i32
      %dma_wait3A_79 = arith.constant 0 : i32
      %dma_wait3A_80 = tpu.memref_slice %arg8[%run_scoped3A, %dma_wait3A_78, %dma_wait3A_79] : memref<2x128x128xf32, #tpu.memory_space<vmem>> -> memref<1x128x128xf32, #tpu.memory_space<vmem>>
      %dma_wait3A_81 = tpu.memref_squeeze %dma_wait3A_80 : memref<1x128x128xf32, #tpu.memory_space<vmem>> -> memref<128x128xf32, #tpu.memory_space<vmem>>
      tpu.wait_dma2 semaphore(%run_scoped3A_58 : memref<!tpu.dma_semaphore, #tpu.memory_space<semaphore_mem>>) src(%dma_wait3A_81 : memref<128x128xf32, #tpu.memory_space<vmem>>) dst(%dma_wait3A_77 : memref<128x128xf32, #tpu.memory_space<vmem_shared>>)
      tpu.yield
    }) : () -> ()
    %mul3A_8 = arith.constant 640 : i32
    %mul3A_9 = arith.muli %arg1, %mul3A_8 : i32
    %add3A_10 = arith.constant 128 : i32
    %add3A_11 = arith.addi %mul3A_9, %add3A_10 : i32
    %run_scoped3A_12 = arith.constant 0 : i32
    "tpu.region"() ({
      %run_scoped3A_58 = tpu.sem_alloc : memref<!tpu.dma_semaphore, #tpu.memory_space<semaphore_mem>>
      %dma_start3A_59 = arith.constant 0 : i32
      %dma_start3A_60 = arith.constant 0 : i32
      %dma_start3A_61 = tpu.memref_slice %arg8[%run_scoped3A_12, %dma_start3A_59, %dma_start3A_60] : memref<2x128x128xf32, #tpu.memory_space<vmem>> -> memref<1x128x128xf32, #tpu.memory_space<vmem>>
      %dma_start3A_62 = tpu.memref_squeeze %dma_start3A_61 : memref<1x128x128xf32, #tpu.memory_space<vmem>> -> memref<128x128xf32, #tpu.memory_space<vmem>>
      %dma_start3A_63 = arith.constant 0 : i32
      %dma_start3A_64 = tpu.memref_slice %arg9[%add3A_11, %dma_start3A_63] : memref<10240x128xf32, #tpu.memory_space<vmem_shared>> -> memref<128x128xf32, #tpu.memory_space<vmem_shared>>
      %dma_start3A_65 = arith.constant 0 : i32
      %dma_start3A_66 = tpu.memref_slice %arg9[%add3A_11, %dma_start3A_65] : memref<10240x128xf32, #tpu.memory_space<vmem_shared>> -> memref<128x128xf32, #tpu.memory_space<vmem_shared>>
      %dma_start3A_67 = arith.constant 0 : i32
      %dma_start3A_68 = arith.constant 0 : i32
      %dma_start3A_69 = tpu.memref_slice %arg8[%run_scoped3A_12, %dma_start3A_67, %dma_start3A_68] : memref<2x128x128xf32, #tpu.memory_space<vmem>> -> memref<1x128x128xf32, #tpu.memory_space<vmem>>
      %dma_start3A_70 = tpu.memref_squeeze %dma_start3A_69 : memref<1x128x128xf32, #tpu.memory_space<vmem>> -> memref<128x128xf32, #tpu.memory_space<vmem>>
      tpu.enqueue_dma source(%dma_start3A_70 : memref<128x128xf32, #tpu.memory_space<vmem>>) target(%dma_start3A_66 : memref<128x128xf32, #tpu.memory_space<vmem_shared>>) target_semaphore(%run_scoped3A_58 : memref<!tpu.dma_semaphore, #tpu.memory_space<semaphore_mem>>)
      %dma_wait3A = arith.constant 0 : i32
      %dma_wait3A_71 = arith.constant 0 : i32
      %dma_wait3A_72 = tpu.memref_slice %arg8[%run_scoped3A_12, %dma_wait3A, %dma_wait3A_71] : memref<2x128x128xf32, #tpu.memory_space<vmem>> -> memref<1x128x128xf32, #tpu.memory_space<vmem>>
      %dma_wait3A_73 = tpu.memref_squeeze %dma_wait3A_72 : memref<1x128x128xf32, #tpu.memory_space<vmem>> -> memref<128x128xf32, #tpu.memory_space<vmem>>
      %dma_wait3A_74 = arith.constant 0 : i32
      %dma_wait3A_75 = tpu.memref_slice %arg9[%add3A_11, %dma_wait3A_74] : memref<10240x128xf32, #tpu.memory_space<vmem_shared>> -> memref<128x128xf32, #tpu.memory_space<vmem_shared>>
      %dma_wait3A_76 = arith.constant 0 : i32
      %dma_wait3A_77 = tpu.memref_slice %arg9[%add3A_11, %dma_wait3A_76] : memref<10240x128xf32, #tpu.memory_space<vmem_shared>> -> memref<128x128xf32, #tpu.memory_space<vmem_shared>>
      %dma_wait3A_78 = arith.constant 0 : i32
      %dma_wait3A_79 = arith.constant 0 : i32
      %dma_wait3A_80 = tpu.memref_slice %arg8[%run_scoped3A_12, %dma_wait3A_78, %dma_wait3A_79] : memref<2x128x128xf32, #tpu.memory_space<vmem>> -> memref<1x128x128xf32, #tpu.memory_space<vmem>>
      %dma_wait3A_81 = tpu.memref_squeeze %dma_wait3A_80 : memref<1x128x128xf32, #tpu.memory_space<vmem>> -> memref<128x128xf32, #tpu.memory_space<vmem>>
      tpu.wait_dma2 semaphore(%run_scoped3A_58 : memref<!tpu.dma_semaphore, #tpu.memory_space<semaphore_mem>>) src(%dma_wait3A_81 : memref<128x128xf32, #tpu.memory_space<vmem>>) dst(%dma_wait3A_77 : memref<128x128xf32, #tpu.memory_space<vmem_shared>>)
      tpu.yield
    }) : () -> ()
    %mul3A_13 = arith.constant 640 : i32
    %mul3A_14 = arith.muli %arg1, %mul3A_13 : i32
    %add3A_15 = arith.constant 256 : i32
    %add3A_16 = arith.addi %mul3A_14, %add3A_15 : i32
    %run_scoped3A_17 = arith.constant 0 : i32
    "tpu.region"() ({
      %run_scoped3A_58 = tpu.sem_alloc : memref<!tpu.dma_semaphore, #tpu.memory_space<semaphore_mem>>
      %dma_start3A_59 = arith.constant 0 : i32
      %dma_start3A_60 = arith.constant 0 : i32
      %dma_start3A_61 = tpu.memref_slice %arg8[%run_scoped3A_17, %dma_start3A_59, %dma_start3A_60] : memref<2x128x128xf32, #tpu.memory_space<vmem>> -> memref<1x128x128xf32, #tpu.memory_space<vmem>>
      %dma_start3A_62 = tpu.memref_squeeze %dma_start3A_61 : memref<1x128x128xf32, #tpu.memory_space<vmem>> -> memref<128x128xf32, #tpu.memory_space<vmem>>
      %dma_start3A_63 = arith.constant 0 : i32
      %dma_start3A_64 = tpu.memref_slice %arg9[%add3A_16, %dma_start3A_63] : memref<10240x128xf32, #tpu.memory_space<vmem_shared>> -> memref<128x128xf32, #tpu.memory_space<vmem_shared>>
      %dma_start3A_65 = arith.constant 0 : i32
      %dma_start3A_66 = tpu.memref_slice %arg9[%add3A_16, %dma_start3A_65] : memref<10240x128xf32, #tpu.memory_space<vmem_shared>> -> memref<128x128xf32, #tpu.memory_space<vmem_shared>>
      %dma_start3A_67 = arith.constant 0 : i32
      %dma_start3A_68 = arith.constant 0 : i32
      %dma_start3A_69 = tpu.memref_slice %arg8[%run_scoped3A_17, %dma_start3A_67, %dma_start3A_68] : memref<2x128x128xf32, #tpu.memory_space<vmem>> -> memref<1x128x128xf32, #tpu.memory_space<vmem>>
      %dma_start3A_70 = tpu.memref_squeeze %dma_start3A_69 : memref<1x128x128xf32, #tpu.memory_space<vmem>> -> memref<128x128xf32, #tpu.memory_space<vmem>>
      tpu.enqueue_dma source(%dma_start3A_70 : memref<128x128xf32, #tpu.memory_space<vmem>>) target(%dma_start3A_66 : memref<128x128xf32, #tpu.memory_space<vmem_shared>>) target_semaphore(%run_scoped3A_58 : memref<!tpu.dma_semaphore, #tpu.memory_space<semaphore_mem>>)
      %dma_wait3A = arith.constant 0 : i32
      %dma_wait3A_71 = arith.constant 0 : i32
      %dma_wait3A_72 = tpu.memref_slice %arg8[%run_scoped3A_17, %dma_wait3A, %dma_wait3A_71] : memref<2x128x128xf32, #tpu.memory_space<vmem>> -> memref<1x128x128xf32, #tpu.memory_space<vmem>>
      %dma_wait3A_73 = tpu.memref_squeeze %dma_wait3A_72 : memref<1x128x128xf32, #tpu.memory_space<vmem>> -> memref<128x128xf32, #tpu.memory_space<vmem>>
      %dma_wait3A_74 = arith.constant 0 : i32
      %dma_wait3A_75 = tpu.memref_slice %arg9[%add3A_16, %dma_wait3A_74] : memref<10240x128xf32, #tpu.memory_space<vmem_shared>> -> memref<128x128xf32, #tpu.memory_space<vmem_shared>>
      %dma_wait3A_76 = arith.constant 0 : i32
      %dma_wait3A_77 = tpu.memref_slice %arg9[%add3A_16, %dma_wait3A_76] : memref<10240x128xf32, #tpu.memory_space<vmem_shared>> -> memref<128x128xf32, #tpu.memory_space<vmem_shared>>
      %dma_wait3A_78 = arith.constant 0 : i32
      %dma_wait3A_79 = arith.constant 0 : i32
      %dma_wait3A_80 = tpu.memref_slice %arg8[%run_scoped3A_17, %dma_wait3A_78, %dma_wait3A_79] : memref<2x128x128xf32, #tpu.memory_space<vmem>> -> memref<1x128x128xf32, #tpu.memory_space<vmem>>
      %dma_wait3A_81 = tpu.memref_squeeze %dma_wait3A_80 : memref<1x128x128xf32, #tpu.memory_space<vmem>> -> memref<128x128xf32, #tpu.memory_space<vmem>>
      tpu.wait_dma2 semaphore(%run_scoped3A_58 : memref<!tpu.dma_semaphore, #tpu.memory_space<semaphore_mem>>) src(%dma_wait3A_81 : memref<128x128xf32, #tpu.memory_space<vmem>>) dst(%dma_wait3A_77 : memref<128x128xf32, #tpu.memory_space<vmem_shared>>)
      tpu.yield
    }) : () -> ()
    %mul3A_18 = arith.constant 640 : i32
    %mul3A_19 = arith.muli %arg1, %mul3A_18 : i32
    %add3A_20 = arith.constant 384 : i32
    %add3A_21 = arith.addi %mul3A_19, %add3A_20 : i32
    %run_scoped3A_22 = arith.constant 0 : i32
    "tpu.region"() ({
      %run_scoped3A_58 = tpu.sem_alloc : memref<!tpu.dma_semaphore, #tpu.memory_space<semaphore_mem>>
      %dma_start3A_59 = arith.constant 0 : i32
      %dma_start3A_60 = arith.constant 0 : i32
      %dma_start3A_61 = tpu.memref_slice %arg8[%run_scoped3A_22, %dma_start3A_59, %dma_start3A_60] : memref<2x128x128xf32, #tpu.memory_space<vmem>> -> memref<1x128x128xf32, #tpu.memory_space<vmem>>
      %dma_start3A_62 = tpu.memref_squeeze %dma_start3A_61 : memref<1x128x128xf32, #tpu.memory_space<vmem>> -> memref<128x128xf32, #tpu.memory_space<vmem>>
      %dma_start3A_63 = arith.constant 0 : i32
      %dma_start3A_64 = tpu.memref_slice %arg9[%add3A_21, %dma_start3A_63] : memref<10240x128xf32, #tpu.memory_space<vmem_shared>> -> memref<128x128xf32, #tpu.memory_space<vmem_shared>>
      %dma_start3A_65 = arith.constant 0 : i32
      %dma_start3A_66 = tpu.memref_slice %arg9[%add3A_21, %dma_start3A_65] : memref<10240x128xf32, #tpu.memory_space<vmem_shared>> -> memref<128x128xf32, #tpu.memory_space<vmem_shared>>
      %dma_start3A_67 = arith.constant 0 : i32
      %dma_start3A_68 = arith.constant 0 : i32
      %dma_start3A_69 = tpu.memref_slice %arg8[%run_scoped3A_22, %dma_start3A_67, %dma_start3A_68] : memref<2x128x128xf32, #tpu.memory_space<vmem>> -> memref<1x128x128xf32, #tpu.memory_space<vmem>>
      %dma_start3A_70 = tpu.memref_squeeze %dma_start3A_69 : memref<1x128x128xf32, #tpu.memory_space<vmem>> -> memref<128x128xf32, #tpu.memory_space<vmem>>
      tpu.enqueue_dma source(%dma_start3A_70 : memref<128x128xf32, #tpu.memory_space<vmem>>) target(%dma_start3A_66 : memref<128x128xf32, #tpu.memory_space<vmem_shared>>) target_semaphore(%run_scoped3A_58 : memref<!tpu.dma_semaphore, #tpu.memory_space<semaphore_mem>>)
      %dma_wait3A = arith.constant 0 : i32
      %dma_wait3A_71 = arith.constant 0 : i32
      %dma_wait3A_72 = tpu.memref_slice %arg8[%run_scoped3A_22, %dma_wait3A, %dma_wait3A_71] : memref<2x128x128xf32, #tpu.memory_space<vmem>> -> memref<1x128x128xf32, #tpu.memory_space<vmem>>
      %dma_wait3A_73 = tpu.memref_squeeze %dma_wait3A_72 : memref<1x128x128xf32, #tpu.memory_space<vmem>> -> memref<128x128xf32, #tpu.memory_space<vmem>>
      %dma_wait3A_74 = arith.constant 0 : i32
      %dma_wait3A_75 = tpu.memref_slice %arg9[%add3A_21, %dma_wait3A_74] : memref<10240x128xf32, #tpu.memory_space<vmem_shared>> -> memref<128x128xf32, #tpu.memory_space<vmem_shared>>
      %dma_wait3A_76 = arith.constant 0 : i32
      %dma_wait3A_77 = tpu.memref_slice %arg9[%add3A_21, %dma_wait3A_76] : memref<10240x128xf32, #tpu.memory_space<vmem_shared>> -> memref<128x128xf32, #tpu.memory_space<vmem_shared>>
      %dma_wait3A_78 = arith.constant 0 : i32
      %dma_wait3A_79 = arith.constant 0 : i32
      %dma_wait3A_80 = tpu.memref_slice %arg8[%run_scoped3A_22, %dma_wait3A_78, %dma_wait3A_79] : memref<2x128x128xf32, #tpu.memory_space<vmem>> -> memref<1x128x128xf32, #tpu.memory_space<vmem>>
      %dma_wait3A_81 = tpu.memref_squeeze %dma_wait3A_80 : memref<1x128x128xf32, #tpu.memory_space<vmem>> -> memref<128x128xf32, #tpu.memory_space<vmem>>
      tpu.wait_dma2 semaphore(%run_scoped3A_58 : memref<!tpu.dma_semaphore, #tpu.memory_space<semaphore_mem>>) src(%dma_wait3A_81 : memref<128x128xf32, #tpu.memory_space<vmem>>) dst(%dma_wait3A_77 : memref<128x128xf32, #tpu.memory_space<vmem_shared>>)
      tpu.yield
    }) : () -> ()
    %mul3A_23 = arith.constant 640 : i32
    %mul3A_24 = arith.muli %arg1, %mul3A_23 : i32
    %add3A_25 = arith.constant 512 : i32
    %add3A_26 = arith.addi %mul3A_24, %add3A_25 : i32
    %run_scoped3A_27 = arith.constant 0 : i32
    "tpu.region"() ({
      %run_scoped3A_58 = tpu.sem_alloc : memref<!tpu.dma_semaphore, #tpu.memory_space<semaphore_mem>>
      %dma_start3A_59 = arith.constant 0 : i32
      %dma_start3A_60 = arith.constant 0 : i32
      %dma_start3A_61 = tpu.memref_slice %arg8[%run_scoped3A_27, %dma_start3A_59, %dma_start3A_60] : memref<2x128x128xf32, #tpu.memory_space<vmem>> -> memref<1x128x128xf32, #tpu.memory_space<vmem>>
      %dma_start3A_62 = tpu.memref_squeeze %dma_start3A_61 : memref<1x128x128xf32, #tpu.memory_space<vmem>> -> memref<128x128xf32, #tpu.memory_space<vmem>>
      %dma_start3A_63 = arith.constant 0 : i32
      %dma_start3A_64 = tpu.memref_slice %arg9[%add3A_26, %dma_start3A_63] : memref<10240x128xf32, #tpu.memory_space<vmem_shared>> -> memref<128x128xf32, #tpu.memory_space<vmem_shared>>
      %dma_start3A_65 = arith.constant 0 : i32
      %dma_start3A_66 = tpu.memref_slice %arg9[%add3A_26, %dma_start3A_65] : memref<10240x128xf32, #tpu.memory_space<vmem_shared>> -> memref<128x128xf32, #tpu.memory_space<vmem_shared>>
      %dma_start3A_67 = arith.constant 0 : i32
      %dma_start3A_68 = arith.constant 0 : i32
      %dma_start3A_69 = tpu.memref_slice %arg8[%run_scoped3A_27, %dma_start3A_67, %dma_start3A_68] : memref<2x128x128xf32, #tpu.memory_space<vmem>> -> memref<1x128x128xf32, #tpu.memory_space<vmem>>
      %dma_start3A_70 = tpu.memref_squeeze %dma_start3A_69 : memref<1x128x128xf32, #tpu.memory_space<vmem>> -> memref<128x128xf32, #tpu.memory_space<vmem>>
      tpu.enqueue_dma source(%dma_start3A_70 : memref<128x128xf32, #tpu.memory_space<vmem>>) target(%dma_start3A_66 : memref<128x128xf32, #tpu.memory_space<vmem_shared>>) target_semaphore(%run_scoped3A_58 : memref<!tpu.dma_semaphore, #tpu.memory_space<semaphore_mem>>)
      %dma_wait3A = arith.constant 0 : i32
      %dma_wait3A_71 = arith.constant 0 : i32
      %dma_wait3A_72 = tpu.memref_slice %arg8[%run_scoped3A_27, %dma_wait3A, %dma_wait3A_71] : memref<2x128x128xf32, #tpu.memory_space<vmem>> -> memref<1x128x128xf32, #tpu.memory_space<vmem>>
      %dma_wait3A_73 = tpu.memref_squeeze %dma_wait3A_72 : memref<1x128x128xf32, #tpu.memory_space<vmem>> -> memref<128x128xf32, #tpu.memory_space<vmem>>
      %dma_wait3A_74 = arith.constant 0 : i32
      %dma_wait3A_75 = tpu.memref_slice %arg9[%add3A_26, %dma_wait3A_74] : memref<10240x128xf32, #tpu.memory_space<vmem_shared>> -> memref<128x128xf32, #tpu.memory_space<vmem_shared>>
      %dma_wait3A_76 = arith.constant 0 : i32
      %dma_wait3A_77 = tpu.memref_slice %arg9[%add3A_26, %dma_wait3A_76] : memref<10240x128xf32, #tpu.memory_space<vmem_shared>> -> memref<128x128xf32, #tpu.memory_space<vmem_shared>>
      %dma_wait3A_78 = arith.constant 0 : i32
      %dma_wait3A_79 = arith.constant 0 : i32
      %dma_wait3A_80 = tpu.memref_slice %arg8[%run_scoped3A_27, %dma_wait3A_78, %dma_wait3A_79] : memref<2x128x128xf32, #tpu.memory_space<vmem>> -> memref<1x128x128xf32, #tpu.memory_space<vmem>>
      %dma_wait3A_81 = tpu.memref_squeeze %dma_wait3A_80 : memref<1x128x128xf32, #tpu.memory_space<vmem>> -> memref<128x128xf32, #tpu.memory_space<vmem>>
      tpu.wait_dma2 semaphore(%run_scoped3A_58 : memref<!tpu.dma_semaphore, #tpu.memory_space<semaphore_mem>>) src(%dma_wait3A_81 : memref<128x128xf32, #tpu.memory_space<vmem>>) dst(%dma_wait3A_77 : memref<128x128xf32, #tpu.memory_space<vmem_shared>>)
      tpu.yield
    }) : () -> ()
    %barrier3A = arith.constant 0 : index
    tpu.barrier barrier_id(%barrier3A)
    %mul3A_28 = arith.constant 16 : i32
    %mul3A_29 = arith.muli %arg0, %mul3A_28 : i32
    %add3A_30 = arith.addi %mul3A_29, %arg1 : i32
    %mul3A_31 = arith.constant 160 : i32
    %mul3A_32 = arith.muli %add3A_30, %mul3A_31 : i32
    %run_scoped3A_33 = arith.constant 0 : i32
    "tpu.region"() ({
      %run_scoped3A_58 = tpu.sem_alloc : memref<!tpu.dma_semaphore, #tpu.memory_space<semaphore_mem>>
      %dma_start3A_59 = arith.constant 0 : i32
      %dma_start3A_60 = arith.constant 0 : i32
      %dma_start3A_61 = tpu.memref_slice %arg6[%run_scoped3A_33, %dma_start3A_59, %dma_start3A_60] : memref<2x8x128xi32, #tpu.memory_space<vmem>> -> memref<1x8x128xi32, #tpu.memory_space<vmem>>
      %dma_start3A_62 = tpu.memref_squeeze %dma_start3A_61 : memref<1x8x128xi32, #tpu.memory_space<vmem>> -> memref<8x128xi32, #tpu.memory_space<vmem>>
      %dma_start3A_63 = arith.constant 0 : i32
      %dma_start3A_64 = tpu.memref_slice %arg3[%mul3A_32, %dma_start3A_63] : memref<5120x128xi32, #tpu.memory_space<hbm>> -> memref<8x128xi32, #tpu.memory_space<hbm>>
      %dma_start3A_65 = arith.constant 0 : i32
      %dma_start3A_66 = arith.constant 0 : i32
      %dma_start3A_67 = tpu.memref_slice %arg6[%run_scoped3A_33, %dma_start3A_65, %dma_start3A_66] : memref<2x8x128xi32, #tpu.memory_space<vmem>> -> memref<1x8x128xi32, #tpu.memory_space<vmem>>
      %dma_start3A_68 = tpu.memref_squeeze %dma_start3A_67 : memref<1x8x128xi32, #tpu.memory_space<vmem>> -> memref<8x128xi32, #tpu.memory_space<vmem>>
      %dma_start3A_69 = arith.constant 0 : i32
      %dma_start3A_70 = tpu.memref_slice %arg3[%mul3A_32, %dma_start3A_69] : memref<5120x128xi32, #tpu.memory_space<hbm>> -> memref<8x128xi32, #tpu.memory_space<hbm>>
      tpu.enqueue_dma source(%dma_start3A_70 : memref<8x128xi32, #tpu.memory_space<hbm>>) target(%dma_start3A_68 : memref<8x128xi32, #tpu.memory_space<vmem>>) target_semaphore(%run_scoped3A_58 : memref<!tpu.dma_semaphore, #tpu.memory_space<semaphore_mem>>)
      %dma_wait3A = arith.constant 0 : i32
      %dma_wait3A_71 = arith.constant 0 : i32
      %dma_wait3A_72 = tpu.memref_slice %arg6[%run_scoped3A_33, %dma_wait3A, %dma_wait3A_71] : memref<2x8x128xi32, #tpu.memory_space<vmem>> -> memref<1x8x128xi32, #tpu.memory_space<vmem>>
      %dma_wait3A_73 = tpu.memref_squeeze %dma_wait3A_72 : memref<1x8x128xi32, #tpu.memory_space<vmem>> -> memref<8x128xi32, #tpu.memory_space<vmem>>
      %dma_wait3A_74 = arith.constant 0 : i32
      %dma_wait3A_75 = tpu.memref_slice %arg3[%mul3A_32, %dma_wait3A_74] : memref<5120x128xi32, #tpu.memory_space<hbm>> -> memref<8x128xi32, #tpu.memory_space<hbm>>
      %dma_wait3A_76 = arith.constant 0 : i32
      %dma_wait3A_77 = arith.constant 0 : i32
      %dma_wait3A_78 = tpu.memref_slice %arg6[%run_scoped3A_33, %dma_wait3A_76, %dma_wait3A_77] : memref<2x8x128xi32, #tpu.memory_space<vmem>> -> memref<1x8x128xi32, #tpu.memory_space<vmem>>
      %dma_wait3A_79 = tpu.memref_squeeze %dma_wait3A_78 : memref<1x8x128xi32, #tpu.memory_space<vmem>> -> memref<8x128xi32, #tpu.memory_space<vmem>>
      %dma_wait3A_80 = arith.constant 0 : i32
      %dma_wait3A_81 = tpu.memref_slice %arg3[%mul3A_32, %dma_wait3A_80] : memref<5120x128xi32, #tpu.memory_space<hbm>> -> memref<8x128xi32, #tpu.memory_space<hbm>>
      tpu.wait_dma2 semaphore(%run_scoped3A_58 : memref<!tpu.dma_semaphore, #tpu.memory_space<semaphore_mem>>) src(%dma_wait3A_81 : memref<8x128xi32, #tpu.memory_space<hbm>>) dst(%dma_wait3A_79 : memref<8x128xi32, #tpu.memory_space<vmem>>)
      tpu.yield
    }) : () -> ()
    %run_scoped3A_34 = arith.constant 0 : i32
    "tpu.region"() ({
      %run_scoped3A_58 = tpu.sem_alloc : memref<!tpu.dma_semaphore, #tpu.memory_space<semaphore_mem>>
      %dma_start3A_59 = arith.constant 0 : i32
      %dma_start3A_60 = arith.constant 0 : i32
      %dma_start3A_61 = tpu.memref_slice %arg7[%run_scoped3A_34, %dma_start3A_59, %dma_start3A_60] : memref<2x8x128xi32, #tpu.memory_space<vmem>> -> memref<1x8x128xi32, #tpu.memory_space<vmem>>
      %dma_start3A_62 = tpu.memref_squeeze %dma_start3A_61 : memref<1x8x128xi32, #tpu.memory_space<vmem>> -> memref<8x128xi32, #tpu.memory_space<vmem>>
      %dma_start3A_63 = arith.constant 0 : i32
      %dma_start3A_64 = tpu.memref_slice %arg4[%mul3A_32, %dma_start3A_63] : memref<5120x128xi32, #tpu.memory_space<hbm>> -> memref<8x128xi32, #tpu.memory_space<hbm>>
      %dma_start3A_65 = arith.constant 0 : i32
      %dma_start3A_66 = arith.constant 0 : i32
      %dma_start3A_67 = tpu.memref_slice %arg7[%run_scoped3A_34, %dma_start3A_65, %dma_start3A_66] : memref<2x8x128xi32, #tpu.memory_space<vmem>> -> memref<1x8x128xi32, #tpu.memory_space<vmem>>
      %dma_start3A_68 = tpu.memref_squeeze %dma_start3A_67 : memref<1x8x128xi32, #tpu.memory_space<vmem>> -> memref<8x128xi32, #tpu.memory_space<vmem>>
      %dma_start3A_69 = arith.constant 0 : i32
      %dma_start3A_70 = tpu.memref_slice %arg4[%mul3A_32, %dma_start3A_69] : memref<5120x128xi32, #tpu.memory_space<hbm>> -> memref<8x128xi32, #tpu.memory_space<hbm>>
      tpu.enqueue_dma source(%dma_start3A_70 : memref<8x128xi32, #tpu.memory_space<hbm>>) target(%dma_start3A_68 : memref<8x128xi32, #tpu.memory_space<vmem>>) target_semaphore(%run_scoped3A_58 : memref<!tpu.dma_semaphore, #tpu.memory_space<semaphore_mem>>)
      %dma_wait3A = arith.constant 0 : i32
      %dma_wait3A_71 = arith.constant 0 : i32
      %dma_wait3A_72 = tpu.memref_slice %arg7[%run_scoped3A_34, %dma_wait3A, %dma_wait3A_71] : memref<2x8x128xi32, #tpu.memory_space<vmem>> -> memref<1x8x128xi32, #tpu.memory_space<vmem>>
      %dma_wait3A_73 = tpu.memref_squeeze %dma_wait3A_72 : memref<1x8x128xi32, #tpu.memory_space<vmem>> -> memref<8x128xi32, #tpu.memory_space<vmem>>
      %dma_wait3A_74 = arith.constant 0 : i32
      %dma_wait3A_75 = tpu.memref_slice %arg4[%mul3A_32, %dma_wait3A_74] : memref<5120x128xi32, #tpu.memory_space<hbm>> -> memref<8x128xi32, #tpu.memory_space<hbm>>
      %dma_wait3A_76 = arith.constant 0 : i32
      %dma_wait3A_77 = arith.constant 0 : i32
      %dma_wait3A_78 = tpu.memref_slice %arg7[%run_scoped3A_34, %dma_wait3A_76, %dma_wait3A_77] : memref<2x8x128xi32, #tpu.memory_space<vmem>> -> memref<1x8x128xi32, #tpu.memory_space<vmem>>
      %dma_wait3A_79 = tpu.memref_squeeze %dma_wait3A_78 : memref<1x8x128xi32, #tpu.memory_space<vmem>> -> memref<8x128xi32, #tpu.memory_space<vmem>>
      %dma_wait3A_80 = arith.constant 0 : i32
      %dma_wait3A_81 = tpu.memref_slice %arg4[%mul3A_32, %dma_wait3A_80] : memref<5120x128xi32, #tpu.memory_space<hbm>> -> memref<8x128xi32, #tpu.memory_space<hbm>>
      tpu.wait_dma2 semaphore(%run_scoped3A_58 : memref<!tpu.dma_semaphore, #tpu.memory_space<semaphore_mem>>) src(%dma_wait3A_81 : memref<8x128xi32, #tpu.memory_space<hbm>>) dst(%dma_wait3A_79 : memref<8x128xi32, #tpu.memory_space<vmem>>)
      tpu.yield
    }) : () -> ()
    %dma_start3A = arith.constant 0 : i32
    %dma_start3A_35 = arith.constant 0 : i32
    %dma_start3A_36 = arith.constant 0 : i32
    %dma_start3A_37 = arith.constant 0 : i32
    %dma_start3A_38 = arith.constant 0 : i32
    %dma_start3A_39 = tpu.memref_slice %arg8[%dma_start3A_36, %dma_start3A_37, %dma_start3A_38] : memref<2x128x128xf32, #tpu.memory_space<vmem>> -> memref<1x128x128xf32, #tpu.memory_space<vmem>>
    %dma_start3A_40 = tpu.memref_squeeze %dma_start3A_39 : memref<1x128x128xf32, #tpu.memory_space<vmem>> -> memref<128x128xf32, #tpu.memory_space<vmem>>
    %dma_start3A_41 = arith.constant 0 : i32
    %dma_start3A_42 = tpu.memref_slice %arg6[%dma_start3A, %dma_start3A_35, %dma_start3A_41] : memref<2x8x128xi32, #tpu.memory_space<vmem>> -> memref<1x1x128xi32, #tpu.memory_space<vmem>>
    %dma_start3A_43 = tpu.memref_squeeze %dma_start3A_42 : memref<1x1x128xi32, #tpu.memory_space<vmem>> -> memref<128xi32, #tpu.memory_space<vmem>>
    %dma_start3A_44 = arith.constant 0 : i32
    %dma_start3A_45 = arith.constant 0 : i32
    %dma_start3A_46 = tpu.memref_slice %arg2[%dma_start3A_44, %dma_start3A_45] : memref<10000x128xf32, #tpu.memory_space<hbm>> -> memref<10000x128xf32, #tpu.memory_space<hbm>>
    tpu.enqueue_indirect_dma source(%dma_start3A_46 : memref<10000x128xf32, #tpu.memory_space<hbm>>) target(%dma_start3A_40 : memref<128x128xf32, #tpu.memory_space<vmem>>) offsets(%dma_start3A_43 : memref<128xi32, #tpu.memory_space<vmem>>) semaphore(%arg10 : memref<!tpu.dma_semaphore, #tpu.memory_space<semaphore_mem>>)
    %scan3A_47 = arith.constant 0 : i32
    %scan3A_48 = arith.constant 0 : i32
    %scan3A_49 = arith.constant 20 : i32
    %scan3A_50 = arith.addi %scan3A_48, %scan3A_49 : i32
    %scan3A_51 = arith.constant 1 : i32
    scf.for %scan3A_58 = %scan3A_48 to %scan3A_50 step %scan3A_51  : i32 {
      %jit3A = arith.constant 2 : i32
      %eq3A = arith.constant 0 : i32
      %eq3A_59 = arith.cmpi eq, %jit3A, %eq3A : i32
      %jit3A_60 = arith.constant 1 : i32
      %select_n3A = arith.select %eq3A_59, %jit3A_60, %jit3A : i32
      %rem3A = arith.remsi %scan3A_58, %select_n3A : i32
      %ne3A = arith.constant 0 : i32
      %ne3A_61 = arith.cmpi ne, %rem3A, %ne3A : i32
      %lt3A = arith.constant 0 : i32
      %lt3A_62 = arith.cmpi slt, %rem3A, %lt3A : i32
      %lt3A_63 = arith.constant 0 : i32
      %lt3A_64 = arith.cmpi slt, %select_n3A, %lt3A_63 : i32
      %ne3A_65 = arith.xori %lt3A_62, %lt3A_64 : i1
      %and3A = arith.andi %ne3A_65, %ne3A_61 : i1
      %add3A_66 = arith.addi %rem3A, %select_n3A : i32
      %select_n3A_67 = arith.select %and3A, %add3A_66, %rem3A : i32
      %add3A_68 = arith.constant 1 : i32
      %add3A_69 = arith.addi %scan3A_58, %add3A_68 : i32
      %jit3A_70 = arith.constant 2 : i32
      %eq3A_71 = arith.constant 0 : i32
      %eq3A_72 = arith.cmpi eq, %jit3A_70, %eq3A_71 : i32
      %jit3A_73 = arith.constant 1 : i32
      %select_n3A_74 = arith.select %eq3A_72, %jit3A_73, %jit3A_70 : i32
      %rem3A_75 = arith.remsi %add3A_69, %select_n3A_74 : i32
      %ne3A_76 = arith.constant 0 : i32
      %ne3A_77 = arith.cmpi ne, %rem3A_75, %ne3A_76 : i32
      %lt3A_78 = arith.constant 0 : i32
      %lt3A_79 = arith.cmpi slt, %rem3A_75, %lt3A_78 : i32
      %lt3A_80 = arith.constant 0 : i32
      %lt3A_81 = arith.cmpi slt, %select_n3A_74, %lt3A_80 : i32
      %ne3A_82 = arith.xori %lt3A_79, %lt3A_81 : i1
      %and3A_83 = arith.andi %ne3A_82, %ne3A_77 : i1
      %add3A_84 = arith.addi %rem3A_75, %select_n3A_74 : i32
      %select_n3A_85 = arith.select %and3A_83, %add3A_84, %rem3A_75 : i32
      %add3A_86 = arith.constant 1 : i32
      %add3A_87 = arith.addi %scan3A_58, %add3A_86 : i32
      %lt3A_88 = arith.constant 20 : i32
      %lt3A_89 = arith.cmpi slt, %add3A_87, %lt3A_88 : i32
      %convert_element_type3A = arith.extui %lt3A_89 : i1 to i32
      %cond3A = arith.constant 0 : i32
      %cond3A_90 = arith.cmpi ne, %convert_element_type3A, %cond3A : i32
      scf.if %cond3A_90 {
        %add3A_293 = arith.constant 1 : i32
        %add3A_294 = arith.addi %scan3A_58, %add3A_293 : i32
        %mul3A_295 = arith.constant 8 : i32
        %mul3A_296 = arith.muli %add3A_294, %mul3A_295 : i32
        %add3A_297 = arith.addi %mul3A_32, %mul3A_296 : i32
        "tpu.region"() ({
          %run_scoped3A_298 = tpu.sem_alloc : memref<!tpu.dma_semaphore, #tpu.memory_space<semaphore_mem>>
          %dma_start3A_299 = arith.constant 0 : i32
          %dma_start3A_300 = arith.constant 0 : i32
          %dma_start3A_301 = tpu.memref_slice %arg6[%select_n3A_85, %dma_start3A_299, %dma_start3A_300] : memref<2x8x128xi32, #tpu.memory_space<vmem>> -> memref<1x8x128xi32, #tpu.memory_space<vmem>>
          %dma_start3A_302 = tpu.memref_squeeze %dma_start3A_301 : memref<1x8x128xi32, #tpu.memory_space<vmem>> -> memref<8x128xi32, #tpu.memory_space<vmem>>
          %dma_start3A_303 = arith.constant 0 : i32
          %dma_start3A_304 = tpu.memref_slice %arg3[%add3A_297, %dma_start3A_303] : memref<5120x128xi32, #tpu.memory_space<hbm>> -> memref<8x128xi32, #tpu.memory_space<hbm>>
          %dma_start3A_305 = arith.constant 0 : i32
          %dma_start3A_306 = arith.constant 0 : i32
          %dma_start3A_307 = tpu.memref_slice %arg6[%select_n3A_85, %dma_start3A_305, %dma_start3A_306] : memref<2x8x128xi32, #tpu.memory_space<vmem>> -> memref<1x8x128xi32, #tpu.memory_space<vmem>>
          %dma_start3A_308 = tpu.memref_squeeze %dma_start3A_307 : memref<1x8x128xi32, #tpu.memory_space<vmem>> -> memref<8x128xi32, #tpu.memory_space<vmem>>
          %dma_start3A_309 = arith.constant 0 : i32
          %dma_start3A_310 = tpu.memref_slice %arg3[%add3A_297, %dma_start3A_309] : memref<5120x128xi32, #tpu.memory_space<hbm>> -> memref<8x128xi32, #tpu.memory_space<hbm>>
          tpu.enqueue_dma source(%dma_start3A_310 : memref<8x128xi32, #tpu.memory_space<hbm>>) target(%dma_start3A_308 : memref<8x128xi32, #tpu.memory_space<vmem>>) target_semaphore(%run_scoped3A_298 : memref<!tpu.dma_semaphore, #tpu.memory_space<semaphore_mem>>)
          %dma_wait3A_311 = arith.constant 0 : i32
          %dma_wait3A_312 = arith.constant 0 : i32
          %dma_wait3A_313 = tpu.memref_slice %arg6[%select_n3A_85, %dma_wait3A_311, %dma_wait3A_312] : memref<2x8x128xi32, #tpu.memory_space<vmem>> -> memref<1x8x128xi32, #tpu.memory_space<vmem>>
          %dma_wait3A_314 = tpu.memref_squeeze %dma_wait3A_313 : memref<1x8x128xi32, #tpu.memory_space<vmem>> -> memref<8x128xi32, #tpu.memory_space<vmem>>
          %dma_wait3A_315 = arith.constant 0 : i32
          %dma_wait3A_316 = tpu.memref_slice %arg3[%add3A_297, %dma_wait3A_315] : memref<5120x128xi32, #tpu.memory_space<hbm>> -> memref<8x128xi32, #tpu.memory_space<hbm>>
          %dma_wait3A_317 = arith.constant 0 : i32
          %dma_wait3A_318 = arith.constant 0 : i32
          %dma_wait3A_319 = tpu.memref_slice %arg6[%select_n3A_85, %dma_wait3A_317, %dma_wait3A_318] : memref<2x8x128xi32, #tpu.memory_space<vmem>> -> memref<1x8x128xi32, #tpu.memory_space<vmem>>
          %dma_wait3A_320 = tpu.memref_squeeze %dma_wait3A_319 : memref<1x8x128xi32, #tpu.memory_space<vmem>> -> memref<8x128xi32, #tpu.memory_space<vmem>>
          %dma_wait3A_321 = arith.constant 0 : i32
          %dma_wait3A_322 = tpu.memref_slice %arg3[%add3A_297, %dma_wait3A_321] : memref<5120x128xi32, #tpu.memory_space<hbm>> -> memref<8x128xi32, #tpu.memory_space<hbm>>
          tpu.wait_dma2 semaphore(%run_scoped3A_298 : memref<!tpu.dma_semaphore, #tpu.memory_space<semaphore_mem>>) src(%dma_wait3A_322 : memref<8x128xi32, #tpu.memory_space<hbm>>) dst(%dma_wait3A_320 : memref<8x128xi32, #tpu.memory_space<vmem>>)
          tpu.yield
        }) : () -> ()
        "tpu.region"() ({
          %run_scoped3A_298 = tpu.sem_alloc : memref<!tpu.dma_semaphore, #tpu.memory_space<semaphore_mem>>
          %dma_start3A_299 = arith.constant 0 : i32
          %dma_start3A_300 = arith.constant 0 : i32
          %dma_start3A_301 = tpu.memref_slice %arg7[%select_n3A_85, %dma_start3A_299, %dma_start3A_300] : memref<2x8x128xi32, #tpu.memory_space<vmem>> -> memref<1x8x128xi32, #tpu.memory_space<vmem>>
          %dma_start3A_302 = tpu.memref_squeeze %dma_start3A_301 : memref<1x8x128xi32, #tpu.memory_space<vmem>> -> memref<8x128xi32, #tpu.memory_space<vmem>>
          %dma_start3A_303 = arith.constant 0 : i32
          %dma_start3A_304 = tpu.memref_slice %arg4[%add3A_297, %dma_start3A_303] : memref<5120x128xi32, #tpu.memory_space<hbm>> -> memref<8x128xi32, #tpu.memory_space<hbm>>
          %dma_start3A_305 = arith.constant 0 : i32
          %dma_start3A_306 = arith.constant 0 : i32
          %dma_start3A_307 = tpu.memref_slice %arg7[%select_n3A_85, %dma_start3A_305, %dma_start3A_306] : memref<2x8x128xi32, #tpu.memory_space<vmem>> -> memref<1x8x128xi32, #tpu.memory_space<vmem>>
          %dma_start3A_308 = tpu.memref_squeeze %dma_start3A_307 : memref<1x8x128xi32, #tpu.memory_space<vmem>> -> memref<8x128xi32, #tpu.memory_space<vmem>>
          %dma_start3A_309 = arith.constant 0 : i32
          %dma_start3A_310 = tpu.memref_slice %arg4[%add3A_297, %dma_start3A_309] : memref<5120x128xi32, #tpu.memory_space<hbm>> -> memref<8x128xi32, #tpu.memory_space<hbm>>
          tpu.enqueue_dma source(%dma_start3A_310 : memref<8x128xi32, #tpu.memory_space<hbm>>) target(%dma_start3A_308 : memref<8x128xi32, #tpu.memory_space<vmem>>) target_semaphore(%run_scoped3A_298 : memref<!tpu.dma_semaphore, #tpu.memory_space<semaphore_mem>>)
          %dma_wait3A_311 = arith.constant 0 : i32
          %dma_wait3A_312 = arith.constant 0 : i32
          %dma_wait3A_313 = tpu.memref_slice %arg7[%select_n3A_85, %dma_wait3A_311, %dma_wait3A_312] : memref<2x8x128xi32, #tpu.memory_space<vmem>> -> memref<1x8x128xi32, #tpu.memory_space<vmem>>
          %dma_wait3A_314 = tpu.memref_squeeze %dma_wait3A_313 : memref<1x8x128xi32, #tpu.memory_space<vmem>> -> memref<8x128xi32, #tpu.memory_space<vmem>>
          %dma_wait3A_315 = arith.constant 0 : i32
          %dma_wait3A_316 = tpu.memref_slice %arg4[%add3A_297, %dma_wait3A_315] : memref<5120x128xi32, #tpu.memory_space<hbm>> -> memref<8x128xi32, #tpu.memory_space<hbm>>
          %dma_wait3A_317 = arith.constant 0 : i32
          %dma_wait3A_318 = arith.constant 0 : i32
          %dma_wait3A_319 = tpu.memref_slice %arg7[%select_n3A_85, %dma_wait3A_317, %dma_wait3A_318] : memref<2x8x128xi32, #tpu.memory_space<vmem>> -> memref<1x8x128xi32, #tpu.memory_space<vmem>>
          %dma_wait3A_320 = tpu.memref_squeeze %dma_wait3A_319 : memref<1x8x128xi32, #tpu.memory_space<vmem>> -> memref<8x128xi32, #tpu.memory_space<vmem>>
          %dma_wait3A_321 = arith.constant 0 : i32
          %dma_wait3A_322 = tpu.memref_slice %arg4[%add3A_297, %dma_wait3A_321] : memref<5120x128xi32, #tpu.memory_space<hbm>> -> memref<8x128xi32, #tpu.memory_space<hbm>>
          tpu.wait_dma2 semaphore(%run_scoped3A_298 : memref<!tpu.dma_semaphore, #tpu.memory_space<semaphore_mem>>) src(%dma_wait3A_322 : memref<8x128xi32, #tpu.memory_space<hbm>>) dst(%dma_wait3A_320 : memref<8x128xi32, #tpu.memory_space<vmem>>)
          tpu.yield
        }) : () -> ()
      } else {
      }
      %dma_start3A_91 = arith.constant 1 : i32
      %dma_start3A_92 = arith.constant 1 : i32
      %dma_start3A_93 = arith.constant 0 : i32
      %dma_start3A_94 = arith.constant 0 : i32
      %dma_start3A_95 = tpu.memref_slice %arg8[%dma_start3A_92, %dma_start3A_93, %dma_start3A_94] : memref<2x128x128xf32, #tpu.memory_space<vmem>> -> memref<1x128x128xf32, #tpu.memory_space<vmem>>
      %dma_start3A_96 = tpu.memref_squeeze %dma_start3A_95 : memref<1x128x128xf32, #tpu.memory_space<vmem>> -> memref<128x128xf32, #tpu.memory_space<vmem>>
      %dma_start3A_97 = arith.constant 0 : i32
      %dma_start3A_98 = tpu.memref_slice %arg6[%select_n3A_67, %dma_start3A_91, %dma_start3A_97] : memref<2x8x128xi32, #tpu.memory_space<vmem>> -> memref<1x1x128xi32, #tpu.memory_space<vmem>>
      %dma_start3A_99 = tpu.memref_squeeze %dma_start3A_98 : memref<1x1x128xi32, #tpu.memory_space<vmem>> -> memref<128xi32, #tpu.memory_space<vmem>>
      %dma_start3A_100 = arith.constant 0 : i32
      %dma_start3A_101 = arith.constant 0 : i32
      %dma_start3A_102 = tpu.memref_slice %arg2[%dma_start3A_100, %dma_start3A_101] : memref<10000x128xf32, #tpu.memory_space<hbm>> -> memref<10000x128xf32, #tpu.memory_space<hbm>>
      tpu.enqueue_indirect_dma source(%dma_start3A_102 : memref<10000x128xf32, #tpu.memory_space<hbm>>) target(%dma_start3A_96 : memref<128x128xf32, #tpu.memory_space<vmem>>) offsets(%dma_start3A_99 : memref<128xi32, #tpu.memory_space<vmem>>) semaphore(%arg11 : memref<!tpu.dma_semaphore, #tpu.memory_space<semaphore_mem>>)
      %dma_wait3A = arith.constant 0 : i32
      %dma_wait3A_103 = arith.constant 0 : i32
      %dma_wait3A_104 = arith.constant 0 : i32
      %dma_wait3A_105 = arith.constant 0 : i32
      %dma_wait3A_106 = tpu.memref_slice %arg8[%dma_wait3A_103, %dma_wait3A_104, %dma_wait3A_105] : memref<2x128x128xf32, #tpu.memory_space<vmem>> -> memref<1x128x128xf32, #tpu.memory_space<vmem>>
      %dma_wait3A_107 = tpu.memref_squeeze %dma_wait3A_106 : memref<1x128x128xf32, #tpu.memory_space<vmem>> -> memref<128x128xf32, #tpu.memory_space<vmem>>
      %dma_wait3A_108 = arith.constant 0 : i32
      %dma_wait3A_109 = tpu.memref_slice %arg6[%select_n3A_67, %dma_wait3A, %dma_wait3A_108] : memref<2x8x128xi32, #tpu.memory_space<vmem>> -> memref<1x1x128xi32, #tpu.memory_space<vmem>>
      %dma_wait3A_110 = tpu.memref_squeeze %dma_wait3A_109 : memref<1x1x128xi32, #tpu.memory_space<vmem>> -> memref<128xi32, #tpu.memory_space<vmem>>
      %dma_wait3A_111 = arith.constant 0 : i32
      %dma_wait3A_112 = arith.constant 0 : i32
      %dma_wait3A_113 = tpu.memref_slice %arg2[%dma_wait3A_111, %dma_wait3A_112] : memref<10000x128xf32, #tpu.memory_space<hbm>> -> memref<10000x128xf32, #tpu.memory_space<hbm>>
      tpu.wait_indirect_dma semaphore(%arg10 : memref<!tpu.dma_semaphore, #tpu.memory_space<semaphore_mem>>) src(%dma_wait3A_113 : memref<10000x128xf32, #tpu.memory_space<hbm>>) dst(%dma_wait3A_107 : memref<128x128xf32, #tpu.memory_space<vmem>>)
      %run_scoped3A_114 = arith.constant 0 : i32
      %run_scoped3A_115 = arith.constant 0 : i32
      "tpu.region"() ({
        %run_scoped3A_293 = tpu.sem_alloc : memref<!tpu.dma_semaphore, #tpu.memory_space<semaphore_mem>>
        %dma_start3A_294 = arith.constant 0 : i32
        %dma_start3A_295 = arith.constant 0 : i32
        %dma_start3A_296 = tpu.memref_slice %arg8[%run_scoped3A_114, %dma_start3A_294, %dma_start3A_295] : memref<2x128x128xf32, #tpu.memory_space<vmem>> -> memref<1x128x128xf32, #tpu.memory_space<vmem>>
        %dma_start3A_297 = tpu.memref_squeeze %dma_start3A_296 : memref<1x128x128xf32, #tpu.memory_space<vmem>> -> memref<128x128xf32, #tpu.memory_space<vmem>>
        %dma_start3A_298 = arith.constant 0 : i32
        %dma_start3A_299 = tpu.memref_slice %arg7[%select_n3A_67, %run_scoped3A_115, %dma_start3A_298] : memref<2x8x128xi32, #tpu.memory_space<vmem>> -> memref<1x1x128xi32, #tpu.memory_space<vmem>>
        %dma_start3A_300 = tpu.memref_squeeze %dma_start3A_299 : memref<1x1x128xi32, #tpu.memory_space<vmem>> -> memref<128xi32, #tpu.memory_space<vmem>>
        %dma_start3A_301 = arith.constant 0 : i32
        %dma_start3A_302 = arith.constant 0 : i32
        %dma_start3A_303 = tpu.memref_slice %arg9[%dma_start3A_301, %dma_start3A_302] : memref<10240x128xf32, #tpu.memory_space<vmem_shared>> -> memref<10240x128xf32, #tpu.memory_space<vmem_shared>>
        tpu.enqueue_indirect_dma source(%dma_start3A_297 : memref<128x128xf32, #tpu.memory_space<vmem>>) target(%dma_start3A_303 : memref<10240x128xf32, #tpu.memory_space<vmem_shared>>) offsets(%dma_start3A_300 : memref<128xi32, #tpu.memory_space<vmem>>) semaphore(%run_scoped3A_293 : memref<!tpu.dma_semaphore, #tpu.memory_space<semaphore_mem>>) {add = true}
        %dma_wait3A_304 = arith.constant 0 : i32
        %dma_wait3A_305 = arith.constant 0 : i32
        %dma_wait3A_306 = tpu.memref_slice %arg8[%run_scoped3A_114, %dma_wait3A_304, %dma_wait3A_305] : memref<2x128x128xf32, #tpu.memory_space<vmem>> -> memref<1x128x128xf32, #tpu.memory_space<vmem>>
        %dma_wait3A_307 = tpu.memref_squeeze %dma_wait3A_306 : memref<1x128x128xf32, #tpu.memory_space<vmem>> -> memref<128x128xf32, #tpu.memory_space<vmem>>
        %dma_wait3A_308 = arith.constant 0 : i32
        %dma_wait3A_309 = tpu.memref_slice %arg7[%select_n3A_67, %run_scoped3A_115, %dma_wait3A_308] : memref<2x8x128xi32, #tpu.memory_space<vmem>> -> memref<1x1x128xi32, #tpu.memory_space<vmem>>
        %dma_wait3A_310 = tpu.memref_squeeze %dma_wait3A_309 : memref<1x1x128xi32, #tpu.memory_space<vmem>> -> memref<128xi32, #tpu.memory_space<vmem>>
        %dma_wait3A_311 = arith.constant 0 : i32
        %dma_wait3A_312 = arith.constant 0 : i32
        %dma_wait3A_313 = tpu.memref_slice %arg9[%dma_wait3A_311, %dma_wait3A_312] : memref<10240x128xf32, #tpu.memory_space<vmem_shared>> -> memref<10240x128xf32, #tpu.memory_space<vmem_shared>>
        tpu.wait_indirect_dma semaphore(%run_scoped3A_293 : memref<!tpu.dma_semaphore, #tpu.memory_space<semaphore_mem>>) src(%dma_wait3A_307 : memref<128x128xf32, #tpu.memory_space<vmem>>) dst(%dma_wait3A_313 : memref<10240x128xf32, #tpu.memory_space<vmem_shared>>)
        tpu.yield
      }) : () -> ()
      %dma_start3A_116 = arith.constant 2 : i32
      %dma_start3A_117 = arith.constant 0 : i32
      %dma_start3A_118 = arith.constant 0 : i32
      %dma_start3A_119 = arith.constant 0 : i32
      %dma_start3A_120 = tpu.memref_slice %arg8[%dma_start3A_117, %dma_start3A_118, %dma_start3A_119] : memref<2x128x128xf32, #tpu.memory_space<vmem>> -> memref<1x128x128xf32, #tpu.memory_space<vmem>>
      %dma_start3A_121 = tpu.memref_squeeze %dma_start3A_120 : memref<1x128x128xf32, #tpu.memory_space<vmem>> -> memref<128x128xf32, #tpu.memory_space<vmem>>
      %dma_start3A_122 = arith.constant 0 : i32
      %dma_start3A_123 = tpu.memref_slice %arg6[%select_n3A_67, %dma_start3A_116, %dma_start3A_122] : memref<2x8x128xi32, #tpu.memory_space<vmem>> -> memref<1x1x128xi32, #tpu.memory_space<vmem>>
      %dma_start3A_124 = tpu.memref_squeeze %dma_start3A_123 : memref<1x1x128xi32, #tpu.memory_space<vmem>> -> memref<128xi32, #tpu.memory_space<vmem>>
      %dma_start3A_125 = arith.constant 0 : i32
      %dma_start3A_126 = arith.constant 0 : i32
      %dma_start3A_127 = tpu.memref_slice %arg2[%dma_start3A_125, %dma_start3A_126] : memref<10000x128xf32, #tpu.memory_space<hbm>> -> memref<10000x128xf32, #tpu.memory_space<hbm>>
      tpu.enqueue_indirect_dma source(%dma_start3A_127 : memref<10000x128xf32, #tpu.memory_space<hbm>>) target(%dma_start3A_121 : memref<128x128xf32, #tpu.memory_space<vmem>>) offsets(%dma_start3A_124 : memref<128xi32, #tpu.memory_space<vmem>>) semaphore(%arg10 : memref<!tpu.dma_semaphore, #tpu.memory_space<semaphore_mem>>)
      %dma_wait3A_128 = arith.constant 1 : i32
      %dma_wait3A_129 = arith.constant 1 : i32
      %dma_wait3A_130 = arith.constant 0 : i32
      %dma_wait3A_131 = arith.constant 0 : i32
      %dma_wait3A_132 = tpu.memref_slice %arg8[%dma_wait3A_129, %dma_wait3A_130, %dma_wait3A_131] : memref<2x128x128xf32, #tpu.memory_space<vmem>> -> memref<1x128x128xf32, #tpu.memory_space<vmem>>
      %dma_wait3A_133 = tpu.memref_squeeze %dma_wait3A_132 : memref<1x128x128xf32, #tpu.memory_space<vmem>> -> memref<128x128xf32, #tpu.memory_space<vmem>>
      %dma_wait3A_134 = arith.constant 0 : i32
      %dma_wait3A_135 = tpu.memref_slice %arg6[%select_n3A_67, %dma_wait3A_128, %dma_wait3A_134] : memref<2x8x128xi32, #tpu.memory_space<vmem>> -> memref<1x1x128xi32, #tpu.memory_space<vmem>>
      %dma_wait3A_136 = tpu.memref_squeeze %dma_wait3A_135 : memref<1x1x128xi32, #tpu.memory_space<vmem>> -> memref<128xi32, #tpu.memory_space<vmem>>
      %dma_wait3A_137 = arith.constant 0 : i32
      %dma_wait3A_138 = arith.constant 0 : i32
      %dma_wait3A_139 = tpu.memref_slice %arg2[%dma_wait3A_137, %dma_wait3A_138] : memref<10000x128xf32, #tpu.memory_space<hbm>> -> memref<10000x128xf32, #tpu.memory_space<hbm>>
      tpu.wait_indirect_dma semaphore(%arg11 : memref<!tpu.dma_semaphore, #tpu.memory_space<semaphore_mem>>) src(%dma_wait3A_139 : memref<10000x128xf32, #tpu.memory_space<hbm>>) dst(%dma_wait3A_133 : memref<128x128xf32, #tpu.memory_space<vmem>>)
      %run_scoped3A_140 = arith.constant 1 : i32
      %run_scoped3A_141 = arith.constant 1 : i32
      "tpu.region"() ({
        %run_scoped3A_293 = tpu.sem_alloc : memref<!tpu.dma_semaphore, #tpu.memory_space<semaphore_mem>>
        %dma_start3A_294 = arith.constant 0 : i32
        %dma_start3A_295 = arith.constant 0 : i32
        %dma_start3A_296 = tpu.memref_slice %arg8[%run_scoped3A_140, %dma_start3A_294, %dma_start3A_295] : memref<2x128x128xf32, #tpu.memory_space<vmem>> -> memref<1x128x128xf32, #tpu.memory_space<vmem>>
        %dma_start3A_297 = tpu.memref_squeeze %dma_start3A_296 : memref<1x128x128xf32, #tpu.memory_space<vmem>> -> memref<128x128xf32, #tpu.memory_space<vmem>>
        %dma_start3A_298 = arith.constant 0 : i32
        %dma_start3A_299 = tpu.memref_slice %arg7[%select_n3A_67, %run_scoped3A_141, %dma_start3A_298] : memref<2x8x128xi32, #tpu.memory_space<vmem>> -> memref<1x1x128xi32, #tpu.memory_space<vmem>>
        %dma_start3A_300 = tpu.memref_squeeze %dma_start3A_299 : memref<1x1x128xi32, #tpu.memory_space<vmem>> -> memref<128xi32, #tpu.memory_space<vmem>>
        %dma_start3A_301 = arith.constant 0 : i32
        %dma_start3A_302 = arith.constant 0 : i32
        %dma_start3A_303 = tpu.memref_slice %arg9[%dma_start3A_301, %dma_start3A_302] : memref<10240x128xf32, #tpu.memory_space<vmem_shared>> -> memref<10240x128xf32, #tpu.memory_space<vmem_shared>>
        tpu.enqueue_indirect_dma source(%dma_start3A_297 : memref<128x128xf32, #tpu.memory_space<vmem>>) target(%dma_start3A_303 : memref<10240x128xf32, #tpu.memory_space<vmem_shared>>) offsets(%dma_start3A_300 : memref<128xi32, #tpu.memory_space<vmem>>) semaphore(%run_scoped3A_293 : memref<!tpu.dma_semaphore, #tpu.memory_space<semaphore_mem>>) {add = true}
        %dma_wait3A_304 = arith.constant 0 : i32
        %dma_wait3A_305 = arith.constant 0 : i32
        %dma_wait3A_306 = tpu.memref_slice %arg8[%run_scoped3A_140, %dma_wait3A_304, %dma_wait3A_305] : memref<2x128x128xf32, #tpu.memory_space<vmem>> -> memref<1x128x128xf32, #tpu.memory_space<vmem>>
        %dma_wait3A_307 = tpu.memref_squeeze %dma_wait3A_306 : memref<1x128x128xf32, #tpu.memory_space<vmem>> -> memref<128x128xf32, #tpu.memory_space<vmem>>
        %dma_wait3A_308 = arith.constant 0 : i32
        %dma_wait3A_309 = tpu.memref_slice %arg7[%select_n3A_67, %run_scoped3A_141, %dma_wait3A_308] : memref<2x8x128xi32, #tpu.memory_space<vmem>> -> memref<1x1x128xi32, #tpu.memory_space<vmem>>
        %dma_wait3A_310 = tpu.memref_squeeze %dma_wait3A_309 : memref<1x1x128xi32, #tpu.memory_space<vmem>> -> memref<128xi32, #tpu.memory_space<vmem>>
        %dma_wait3A_311 = arith.constant 0 : i32
        %dma_wait3A_312 = arith.constant 0 : i32
        %dma_wait3A_313 = tpu.memref_slice %arg9[%dma_wait3A_311, %dma_wait3A_312] : memref<10240x128xf32, #tpu.memory_space<vmem_shared>> -> memref<10240x128xf32, #tpu.memory_space<vmem_shared>>
        tpu.wait_indirect_dma semaphore(%run_scoped3A_293 : memref<!tpu.dma_semaphore, #tpu.memory_space<semaphore_mem>>) src(%dma_wait3A_307 : memref<128x128xf32, #tpu.memory_space<vmem>>) dst(%dma_wait3A_313 : memref<10240x128xf32, #tpu.memory_space<vmem_shared>>)
        tpu.yield
      }) : () -> ()
      %dma_start3A_142 = arith.constant 3 : i32
      %dma_start3A_143 = arith.constant 1 : i32
      %dma_start3A_144 = arith.constant 0 : i32
      %dma_start3A_145 = arith.constant 0 : i32
      %dma_start3A_146 = tpu.memref_slice %arg8[%dma_start3A_143, %dma_start3A_144, %dma_start3A_145] : memref<2x128x128xf32, #tpu.memory_space<vmem>> -> memref<1x128x128xf32, #tpu.memory_space<vmem>>
      %dma_start3A_147 = tpu.memref_squeeze %dma_start3A_146 : memref<1x128x128xf32, #tpu.memory_space<vmem>> -> memref<128x128xf32, #tpu.memory_space<vmem>>
      %dma_start3A_148 = arith.constant 0 : i32
      %dma_start3A_149 = tpu.memref_slice %arg6[%select_n3A_67, %dma_start3A_142, %dma_start3A_148] : memref<2x8x128xi32, #tpu.memory_space<vmem>> -> memref<1x1x128xi32, #tpu.memory_space<vmem>>
      %dma_start3A_150 = tpu.memref_squeeze %dma_start3A_149 : memref<1x1x128xi32, #tpu.memory_space<vmem>> -> memref<128xi32, #tpu.memory_space<vmem>>
      %dma_start3A_151 = arith.constant 0 : i32
      %dma_start3A_152 = arith.constant 0 : i32
      %dma_start3A_153 = tpu.memref_slice %arg2[%dma_start3A_151, %dma_start3A_152] : memref<10000x128xf32, #tpu.memory_space<hbm>> -> memref<10000x128xf32, #tpu.memory_space<hbm>>
      tpu.enqueue_indirect_dma source(%dma_start3A_153 : memref<10000x128xf32, #tpu.memory_space<hbm>>) target(%dma_start3A_147 : memref<128x128xf32, #tpu.memory_space<vmem>>) offsets(%dma_start3A_150 : memref<128xi32, #tpu.memory_space<vmem>>) semaphore(%arg11 : memref<!tpu.dma_semaphore, #tpu.memory_space<semaphore_mem>>)
      %dma_wait3A_154 = arith.constant 2 : i32
      %dma_wait3A_155 = arith.constant 0 : i32
      %dma_wait3A_156 = arith.constant 0 : i32
      %dma_wait3A_157 = arith.constant 0 : i32
      %dma_wait3A_158 = tpu.memref_slice %arg8[%dma_wait3A_155, %dma_wait3A_156, %dma_wait3A_157] : memref<2x128x128xf32, #tpu.memory_space<vmem>> -> memref<1x128x128xf32, #tpu.memory_space<vmem>>
      %dma_wait3A_159 = tpu.memref_squeeze %dma_wait3A_158 : memref<1x128x128xf32, #tpu.memory_space<vmem>> -> memref<128x128xf32, #tpu.memory_space<vmem>>
      %dma_wait3A_160 = arith.constant 0 : i32
      %dma_wait3A_161 = tpu.memref_slice %arg6[%select_n3A_67, %dma_wait3A_154, %dma_wait3A_160] : memref<2x8x128xi32, #tpu.memory_space<vmem>> -> memref<1x1x128xi32, #tpu.memory_space<vmem>>
      %dma_wait3A_162 = tpu.memref_squeeze %dma_wait3A_161 : memref<1x1x128xi32, #tpu.memory_space<vmem>> -> memref<128xi32, #tpu.memory_space<vmem>>
      %dma_wait3A_163 = arith.constant 0 : i32
      %dma_wait3A_164 = arith.constant 0 : i32
      %dma_wait3A_165 = tpu.memref_slice %arg2[%dma_wait3A_163, %dma_wait3A_164] : memref<10000x128xf32, #tpu.memory_space<hbm>> -> memref<10000x128xf32, #tpu.memory_space<hbm>>
      tpu.wait_indirect_dma semaphore(%arg10 : memref<!tpu.dma_semaphore, #tpu.memory_space<semaphore_mem>>) src(%dma_wait3A_165 : memref<10000x128xf32, #tpu.memory_space<hbm>>) dst(%dma_wait3A_159 : memref<128x128xf32, #tpu.memory_space<vmem>>)
      %run_scoped3A_166 = arith.constant 0 : i32
      %run_scoped3A_167 = arith.constant 2 : i32
      "tpu.region"() ({
        %run_scoped3A_293 = tpu.sem_alloc : memref<!tpu.dma_semaphore, #tpu.memory_space<semaphore_mem>>
        %dma_start3A_294 = arith.constant 0 : i32
        %dma_start3A_295 = arith.constant 0 : i32
        %dma_start3A_296 = tpu.memref_slice %arg8[%run_scoped3A_166, %dma_start3A_294, %dma_start3A_295] : memref<2x128x128xf32, #tpu.memory_space<vmem>> -> memref<1x128x128xf32, #tpu.memory_space<vmem>>
        %dma_start3A_297 = tpu.memref_squeeze %dma_start3A_296 : memref<1x128x128xf32, #tpu.memory_space<vmem>> -> memref<128x128xf32, #tpu.memory_space<vmem>>
        %dma_start3A_298 = arith.constant 0 : i32
        %dma_start3A_299 = tpu.memref_slice %arg7[%select_n3A_67, %run_scoped3A_167, %dma_start3A_298] : memref<2x8x128xi32, #tpu.memory_space<vmem>> -> memref<1x1x128xi32, #tpu.memory_space<vmem>>
        %dma_start3A_300 = tpu.memref_squeeze %dma_start3A_299 : memref<1x1x128xi32, #tpu.memory_space<vmem>> -> memref<128xi32, #tpu.memory_space<vmem>>
        %dma_start3A_301 = arith.constant 0 : i32
        %dma_start3A_302 = arith.constant 0 : i32
        %dma_start3A_303 = tpu.memref_slice %arg9[%dma_start3A_301, %dma_start3A_302] : memref<10240x128xf32, #tpu.memory_space<vmem_shared>> -> memref<10240x128xf32, #tpu.memory_space<vmem_shared>>
        tpu.enqueue_indirect_dma source(%dma_start3A_297 : memref<128x128xf32, #tpu.memory_space<vmem>>) target(%dma_start3A_303 : memref<10240x128xf32, #tpu.memory_space<vmem_shared>>) offsets(%dma_start3A_300 : memref<128xi32, #tpu.memory_space<vmem>>) semaphore(%run_scoped3A_293 : memref<!tpu.dma_semaphore, #tpu.memory_space<semaphore_mem>>) {add = true}
        %dma_wait3A_304 = arith.constant 0 : i32
        %dma_wait3A_305 = arith.constant 0 : i32
        %dma_wait3A_306 = tpu.memref_slice %arg8[%run_scoped3A_166, %dma_wait3A_304, %dma_wait3A_305] : memref<2x128x128xf32, #tpu.memory_space<vmem>> -> memref<1x128x128xf32, #tpu.memory_space<vmem>>
        %dma_wait3A_307 = tpu.memref_squeeze %dma_wait3A_306 : memref<1x128x128xf32, #tpu.memory_space<vmem>> -> memref<128x128xf32, #tpu.memory_space<vmem>>
        %dma_wait3A_308 = arith.constant 0 : i32
        %dma_wait3A_309 = tpu.memref_slice %arg7[%select_n3A_67, %run_scoped3A_167, %dma_wait3A_308] : memref<2x8x128xi32, #tpu.memory_space<vmem>> -> memref<1x1x128xi32, #tpu.memory_space<vmem>>
        %dma_wait3A_310 = tpu.memref_squeeze %dma_wait3A_309 : memref<1x1x128xi32, #tpu.memory_space<vmem>> -> memref<128xi32, #tpu.memory_space<vmem>>
        %dma_wait3A_311 = arith.constant 0 : i32
        %dma_wait3A_312 = arith.constant 0 : i32
        %dma_wait3A_313 = tpu.memref_slice %arg9[%dma_wait3A_311, %dma_wait3A_312] : memref<10240x128xf32, #tpu.memory_space<vmem_shared>> -> memref<10240x128xf32, #tpu.memory_space<vmem_shared>>
        tpu.wait_indirect_dma semaphore(%run_scoped3A_293 : memref<!tpu.dma_semaphore, #tpu.memory_space<semaphore_mem>>) src(%dma_wait3A_307 : memref<128x128xf32, #tpu.memory_space<vmem>>) dst(%dma_wait3A_313 : memref<10240x128xf32, #tpu.memory_space<vmem_shared>>)
        tpu.yield
      }) : () -> ()
      %dma_start3A_168 = arith.constant 4 : i32
      %dma_start3A_169 = arith.constant 0 : i32
      %dma_start3A_170 = arith.constant 0 : i32
      %dma_start3A_171 = arith.constant 0 : i32
      %dma_start3A_172 = tpu.memref_slice %arg8[%dma_start3A_169, %dma_start3A_170, %dma_start3A_171] : memref<2x128x128xf32, #tpu.memory_space<vmem>> -> memref<1x128x128xf32, #tpu.memory_space<vmem>>
      %dma_start3A_173 = tpu.memref_squeeze %dma_start3A_172 : memref<1x128x128xf32, #tpu.memory_space<vmem>> -> memref<128x128xf32, #tpu.memory_space<vmem>>
      %dma_start3A_174 = arith.constant 0 : i32
      %dma_start3A_175 = tpu.memref_slice %arg6[%select_n3A_67, %dma_start3A_168, %dma_start3A_174] : memref<2x8x128xi32, #tpu.memory_space<vmem>> -> memref<1x1x128xi32, #tpu.memory_space<vmem>>
      %dma_start3A_176 = tpu.memref_squeeze %dma_start3A_175 : memref<1x1x128xi32, #tpu.memory_space<vmem>> -> memref<128xi32, #tpu.memory_space<vmem>>
      %dma_start3A_177 = arith.constant 0 : i32
      %dma_start3A_178 = arith.constant 0 : i32
      %dma_start3A_179 = tpu.memref_slice %arg2[%dma_start3A_177, %dma_start3A_178] : memref<10000x128xf32, #tpu.memory_space<hbm>> -> memref<10000x128xf32, #tpu.memory_space<hbm>>
      tpu.enqueue_indirect_dma source(%dma_start3A_179 : memref<10000x128xf32, #tpu.memory_space<hbm>>) target(%dma_start3A_173 : memref<128x128xf32, #tpu.memory_space<vmem>>) offsets(%dma_start3A_176 : memref<128xi32, #tpu.memory_space<vmem>>) semaphore(%arg10 : memref<!tpu.dma_semaphore, #tpu.memory_space<semaphore_mem>>)
      %dma_wait3A_180 = arith.constant 3 : i32
      %dma_wait3A_181 = arith.constant 1 : i32
      %dma_wait3A_182 = arith.constant 0 : i32
      %dma_wait3A_183 = arith.constant 0 : i32
      %dma_wait3A_184 = tpu.memref_slice %arg8[%dma_wait3A_181, %dma_wait3A_182, %dma_wait3A_183] : memref<2x128x128xf32, #tpu.memory_space<vmem>> -> memref<1x128x128xf32, #tpu.memory_space<vmem>>
      %dma_wait3A_185 = tpu.memref_squeeze %dma_wait3A_184 : memref<1x128x128xf32, #tpu.memory_space<vmem>> -> memref<128x128xf32, #tpu.memory_space<vmem>>
      %dma_wait3A_186 = arith.constant 0 : i32
      %dma_wait3A_187 = tpu.memref_slice %arg6[%select_n3A_67, %dma_wait3A_180, %dma_wait3A_186] : memref<2x8x128xi32, #tpu.memory_space<vmem>> -> memref<1x1x128xi32, #tpu.memory_space<vmem>>
      %dma_wait3A_188 = tpu.memref_squeeze %dma_wait3A_187 : memref<1x1x128xi32, #tpu.memory_space<vmem>> -> memref<128xi32, #tpu.memory_space<vmem>>
      %dma_wait3A_189 = arith.constant 0 : i32
      %dma_wait3A_190 = arith.constant 0 : i32
      %dma_wait3A_191 = tpu.memref_slice %arg2[%dma_wait3A_189, %dma_wait3A_190] : memref<10000x128xf32, #tpu.memory_space<hbm>> -> memref<10000x128xf32, #tpu.memory_space<hbm>>
      tpu.wait_indirect_dma semaphore(%arg11 : memref<!tpu.dma_semaphore, #tpu.memory_space<semaphore_mem>>) src(%dma_wait3A_191 : memref<10000x128xf32, #tpu.memory_space<hbm>>) dst(%dma_wait3A_185 : memref<128x128xf32, #tpu.memory_space<vmem>>)
      %run_scoped3A_192 = arith.constant 1 : i32
      %run_scoped3A_193 = arith.constant 3 : i32
      "tpu.region"() ({
        %run_scoped3A_293 = tpu.sem_alloc : memref<!tpu.dma_semaphore, #tpu.memory_space<semaphore_mem>>
        %dma_start3A_294 = arith.constant 0 : i32
        %dma_start3A_295 = arith.constant 0 : i32
        %dma_start3A_296 = tpu.memref_slice %arg8[%run_scoped3A_192, %dma_start3A_294, %dma_start3A_295] : memref<2x128x128xf32, #tpu.memory_space<vmem>> -> memref<1x128x128xf32, #tpu.memory_space<vmem>>
        %dma_start3A_297 = tpu.memref_squeeze %dma_start3A_296 : memref<1x128x128xf32, #tpu.memory_space<vmem>> -> memref<128x128xf32, #tpu.memory_space<vmem>>
        %dma_start3A_298 = arith.constant 0 : i32
        %dma_start3A_299 = tpu.memref_slice %arg7[%select_n3A_67, %run_scoped3A_193, %dma_start3A_298] : memref<2x8x128xi32, #tpu.memory_space<vmem>> -> memref<1x1x128xi32, #tpu.memory_space<vmem>>
        %dma_start3A_300 = tpu.memref_squeeze %dma_start3A_299 : memref<1x1x128xi32, #tpu.memory_space<vmem>> -> memref<128xi32, #tpu.memory_space<vmem>>
        %dma_start3A_301 = arith.constant 0 : i32
        %dma_start3A_302 = arith.constant 0 : i32
        %dma_start3A_303 = tpu.memref_slice %arg9[%dma_start3A_301, %dma_start3A_302] : memref<10240x128xf32, #tpu.memory_space<vmem_shared>> -> memref<10240x128xf32, #tpu.memory_space<vmem_shared>>
        tpu.enqueue_indirect_dma source(%dma_start3A_297 : memref<128x128xf32, #tpu.memory_space<vmem>>) target(%dma_start3A_303 : memref<10240x128xf32, #tpu.memory_space<vmem_shared>>) offsets(%dma_start3A_300 : memref<128xi32, #tpu.memory_space<vmem>>) semaphore(%run_scoped3A_293 : memref<!tpu.dma_semaphore, #tpu.memory_space<semaphore_mem>>) {add = true}
        %dma_wait3A_304 = arith.constant 0 : i32
        %dma_wait3A_305 = arith.constant 0 : i32
        %dma_wait3A_306 = tpu.memref_slice %arg8[%run_scoped3A_192, %dma_wait3A_304, %dma_wait3A_305] : memref<2x128x128xf32, #tpu.memory_space<vmem>> -> memref<1x128x128xf32, #tpu.memory_space<vmem>>
        %dma_wait3A_307 = tpu.memref_squeeze %dma_wait3A_306 : memref<1x128x128xf32, #tpu.memory_space<vmem>> -> memref<128x128xf32, #tpu.memory_space<vmem>>
        %dma_wait3A_308 = arith.constant 0 : i32
        %dma_wait3A_309 = tpu.memref_slice %arg7[%select_n3A_67, %run_scoped3A_193, %dma_wait3A_308] : memref<2x8x128xi32, #tpu.memory_space<vmem>> -> memref<1x1x128xi32, #tpu.memory_space<vmem>>
        %dma_wait3A_310 = tpu.memref_squeeze %dma_wait3A_309 : memref<1x1x128xi32, #tpu.memory_space<vmem>> -> memref<128xi32, #tpu.memory_space<vmem>>
        %dma_wait3A_311 = arith.constant 0 : i32
        %dma_wait3A_312 = arith.constant 0 : i32
        %dma_wait3A_313 = tpu.memref_slice %arg9[%dma_wait3A_311, %dma_wait3A_312] : memref<10240x128xf32, #tpu.memory_space<vmem_shared>> -> memref<10240x128xf32, #tpu.memory_space<vmem_shared>>
        tpu.wait_indirect_dma semaphore(%run_scoped3A_293 : memref<!tpu.dma_semaphore, #tpu.memory_space<semaphore_mem>>) src(%dma_wait3A_307 : memref<128x128xf32, #tpu.memory_space<vmem>>) dst(%dma_wait3A_313 : memref<10240x128xf32, #tpu.memory_space<vmem_shared>>)
        tpu.yield
      }) : () -> ()
      %dma_start3A_194 = arith.constant 5 : i32
      %dma_start3A_195 = arith.constant 1 : i32
      %dma_start3A_196 = arith.constant 0 : i32
      %dma_start3A_197 = arith.constant 0 : i32
      %dma_start3A_198 = tpu.memref_slice %arg8[%dma_start3A_195, %dma_start3A_196, %dma_start3A_197] : memref<2x128x128xf32, #tpu.memory_space<vmem>> -> memref<1x128x128xf32, #tpu.memory_space<vmem>>
      %dma_start3A_199 = tpu.memref_squeeze %dma_start3A_198 : memref<1x128x128xf32, #tpu.memory_space<vmem>> -> memref<128x128xf32, #tpu.memory_space<vmem>>
      %dma_start3A_200 = arith.constant 0 : i32
      %dma_start3A_201 = tpu.memref_slice %arg6[%select_n3A_67, %dma_start3A_194, %dma_start3A_200] : memref<2x8x128xi32, #tpu.memory_space<vmem>> -> memref<1x1x128xi32, #tpu.memory_space<vmem>>
      %dma_start3A_202 = tpu.memref_squeeze %dma_start3A_201 : memref<1x1x128xi32, #tpu.memory_space<vmem>> -> memref<128xi32, #tpu.memory_space<vmem>>
      %dma_start3A_203 = arith.constant 0 : i32
      %dma_start3A_204 = arith.constant 0 : i32
      %dma_start3A_205 = tpu.memref_slice %arg2[%dma_start3A_203, %dma_start3A_204] : memref<10000x128xf32, #tpu.memory_space<hbm>> -> memref<10000x128xf32, #tpu.memory_space<hbm>>
      tpu.enqueue_indirect_dma source(%dma_start3A_205 : memref<10000x128xf32, #tpu.memory_space<hbm>>) target(%dma_start3A_199 : memref<128x128xf32, #tpu.memory_space<vmem>>) offsets(%dma_start3A_202 : memref<128xi32, #tpu.memory_space<vmem>>) semaphore(%arg11 : memref<!tpu.dma_semaphore, #tpu.memory_space<semaphore_mem>>)
      %dma_wait3A_206 = arith.constant 4 : i32
      %dma_wait3A_207 = arith.constant 0 : i32
      %dma_wait3A_208 = arith.constant 0 : i32
      %dma_wait3A_209 = arith.constant 0 : i32
      %dma_wait3A_210 = tpu.memref_slice %arg8[%dma_wait3A_207, %dma_wait3A_208, %dma_wait3A_209] : memref<2x128x128xf32, #tpu.memory_space<vmem>> -> memref<1x128x128xf32, #tpu.memory_space<vmem>>
      %dma_wait3A_211 = tpu.memref_squeeze %dma_wait3A_210 : memref<1x128x128xf32, #tpu.memory_space<vmem>> -> memref<128x128xf32, #tpu.memory_space<vmem>>
      %dma_wait3A_212 = arith.constant 0 : i32
      %dma_wait3A_213 = tpu.memref_slice %arg6[%select_n3A_67, %dma_wait3A_206, %dma_wait3A_212] : memref<2x8x128xi32, #tpu.memory_space<vmem>> -> memref<1x1x128xi32, #tpu.memory_space<vmem>>
      %dma_wait3A_214 = tpu.memref_squeeze %dma_wait3A_213 : memref<1x1x128xi32, #tpu.memory_space<vmem>> -> memref<128xi32, #tpu.memory_space<vmem>>
      %dma_wait3A_215 = arith.constant 0 : i32
      %dma_wait3A_216 = arith.constant 0 : i32
      %dma_wait3A_217 = tpu.memref_slice %arg2[%dma_wait3A_215, %dma_wait3A_216] : memref<10000x128xf32, #tpu.memory_space<hbm>> -> memref<10000x128xf32, #tpu.memory_space<hbm>>
      tpu.wait_indirect_dma semaphore(%arg10 : memref<!tpu.dma_semaphore, #tpu.memory_space<semaphore_mem>>) src(%dma_wait3A_217 : memref<10000x128xf32, #tpu.memory_space<hbm>>) dst(%dma_wait3A_211 : memref<128x128xf32, #tpu.memory_space<vmem>>)
      %run_scoped3A_218 = arith.constant 0 : i32
      %run_scoped3A_219 = arith.constant 4 : i32
      "tpu.region"() ({
        %run_scoped3A_293 = tpu.sem_alloc : memref<!tpu.dma_semaphore, #tpu.memory_space<semaphore_mem>>
        %dma_start3A_294 = arith.constant 0 : i32
        %dma_start3A_295 = arith.constant 0 : i32
        %dma_start3A_296 = tpu.memref_slice %arg8[%run_scoped3A_218, %dma_start3A_294, %dma_start3A_295] : memref<2x128x128xf32, #tpu.memory_space<vmem>> -> memref<1x128x128xf32, #tpu.memory_space<vmem>>
        %dma_start3A_297 = tpu.memref_squeeze %dma_start3A_296 : memref<1x128x128xf32, #tpu.memory_space<vmem>> -> memref<128x128xf32, #tpu.memory_space<vmem>>
        %dma_start3A_298 = arith.constant 0 : i32
        %dma_start3A_299 = tpu.memref_slice %arg7[%select_n3A_67, %run_scoped3A_219, %dma_start3A_298] : memref<2x8x128xi32, #tpu.memory_space<vmem>> -> memref<1x1x128xi32, #tpu.memory_space<vmem>>
        %dma_start3A_300 = tpu.memref_squeeze %dma_start3A_299 : memref<1x1x128xi32, #tpu.memory_space<vmem>> -> memref<128xi32, #tpu.memory_space<vmem>>
        %dma_start3A_301 = arith.constant 0 : i32
        %dma_start3A_302 = arith.constant 0 : i32
        %dma_start3A_303 = tpu.memref_slice %arg9[%dma_start3A_301, %dma_start3A_302] : memref<10240x128xf32, #tpu.memory_space<vmem_shared>> -> memref<10240x128xf32, #tpu.memory_space<vmem_shared>>
        tpu.enqueue_indirect_dma source(%dma_start3A_297 : memref<128x128xf32, #tpu.memory_space<vmem>>) target(%dma_start3A_303 : memref<10240x128xf32, #tpu.memory_space<vmem_shared>>) offsets(%dma_start3A_300 : memref<128xi32, #tpu.memory_space<vmem>>) semaphore(%run_scoped3A_293 : memref<!tpu.dma_semaphore, #tpu.memory_space<semaphore_mem>>) {add = true}
        %dma_wait3A_304 = arith.constant 0 : i32
        %dma_wait3A_305 = arith.constant 0 : i32
        %dma_wait3A_306 = tpu.memref_slice %arg8[%run_scoped3A_218, %dma_wait3A_304, %dma_wait3A_305] : memref<2x128x128xf32, #tpu.memory_space<vmem>> -> memref<1x128x128xf32, #tpu.memory_space<vmem>>
        %dma_wait3A_307 = tpu.memref_squeeze %dma_wait3A_306 : memref<1x128x128xf32, #tpu.memory_space<vmem>> -> memref<128x128xf32, #tpu.memory_space<vmem>>
        %dma_wait3A_308 = arith.constant 0 : i32
        %dma_wait3A_309 = tpu.memref_slice %arg7[%select_n3A_67, %run_scoped3A_219, %dma_wait3A_308] : memref<2x8x128xi32, #tpu.memory_space<vmem>> -> memref<1x1x128xi32, #tpu.memory_space<vmem>>
        %dma_wait3A_310 = tpu.memref_squeeze %dma_wait3A_309 : memref<1x1x128xi32, #tpu.memory_space<vmem>> -> memref<128xi32, #tpu.memory_space<vmem>>
        %dma_wait3A_311 = arith.constant 0 : i32
        %dma_wait3A_312 = arith.constant 0 : i32
        %dma_wait3A_313 = tpu.memref_slice %arg9[%dma_wait3A_311, %dma_wait3A_312] : memref<10240x128xf32, #tpu.memory_space<vmem_shared>> -> memref<10240x128xf32, #tpu.memory_space<vmem_shared>>
        tpu.wait_indirect_dma semaphore(%run_scoped3A_293 : memref<!tpu.dma_semaphore, #tpu.memory_space<semaphore_mem>>) src(%dma_wait3A_307 : memref<128x128xf32, #tpu.memory_space<vmem>>) dst(%dma_wait3A_313 : memref<10240x128xf32, #tpu.memory_space<vmem_shared>>)
        tpu.yield
      }) : () -> ()
      %dma_start3A_220 = arith.constant 6 : i32
      %dma_start3A_221 = arith.constant 0 : i32
      %dma_start3A_222 = arith.constant 0 : i32
      %dma_start3A_223 = arith.constant 0 : i32
      %dma_start3A_224 = tpu.memref_slice %arg8[%dma_start3A_221, %dma_start3A_222, %dma_start3A_223] : memref<2x128x128xf32, #tpu.memory_space<vmem>> -> memref<1x128x128xf32, #tpu.memory_space<vmem>>
      %dma_start3A_225 = tpu.memref_squeeze %dma_start3A_224 : memref<1x128x128xf32, #tpu.memory_space<vmem>> -> memref<128x128xf32, #tpu.memory_space<vmem>>
      %dma_start3A_226 = arith.constant 0 : i32
      %dma_start3A_227 = tpu.memref_slice %arg6[%select_n3A_67, %dma_start3A_220, %dma_start3A_226] : memref<2x8x128xi32, #tpu.memory_space<vmem>> -> memref<1x1x128xi32, #tpu.memory_space<vmem>>
      %dma_start3A_228 = tpu.memref_squeeze %dma_start3A_227 : memref<1x1x128xi32, #tpu.memory_space<vmem>> -> memref<128xi32, #tpu.memory_space<vmem>>
      %dma_start3A_229 = arith.constant 0 : i32
      %dma_start3A_230 = arith.constant 0 : i32
      %dma_start3A_231 = tpu.memref_slice %arg2[%dma_start3A_229, %dma_start3A_230] : memref<10000x128xf32, #tpu.memory_space<hbm>> -> memref<10000x128xf32, #tpu.memory_space<hbm>>
      tpu.enqueue_indirect_dma source(%dma_start3A_231 : memref<10000x128xf32, #tpu.memory_space<hbm>>) target(%dma_start3A_225 : memref<128x128xf32, #tpu.memory_space<vmem>>) offsets(%dma_start3A_228 : memref<128xi32, #tpu.memory_space<vmem>>) semaphore(%arg10 : memref<!tpu.dma_semaphore, #tpu.memory_space<semaphore_mem>>)
      %dma_wait3A_232 = arith.constant 5 : i32
      %dma_wait3A_233 = arith.constant 1 : i32
      %dma_wait3A_234 = arith.constant 0 : i32
      %dma_wait3A_235 = arith.constant 0 : i32
      %dma_wait3A_236 = tpu.memref_slice %arg8[%dma_wait3A_233, %dma_wait3A_234, %dma_wait3A_235] : memref<2x128x128xf32, #tpu.memory_space<vmem>> -> memref<1x128x128xf32, #tpu.memory_space<vmem>>
      %dma_wait3A_237 = tpu.memref_squeeze %dma_wait3A_236 : memref<1x128x128xf32, #tpu.memory_space<vmem>> -> memref<128x128xf32, #tpu.memory_space<vmem>>
      %dma_wait3A_238 = arith.constant 0 : i32
      %dma_wait3A_239 = tpu.memref_slice %arg6[%select_n3A_67, %dma_wait3A_232, %dma_wait3A_238] : memref<2x8x128xi32, #tpu.memory_space<vmem>> -> memref<1x1x128xi32, #tpu.memory_space<vmem>>
      %dma_wait3A_240 = tpu.memref_squeeze %dma_wait3A_239 : memref<1x1x128xi32, #tpu.memory_space<vmem>> -> memref<128xi32, #tpu.memory_space<vmem>>
      %dma_wait3A_241 = arith.constant 0 : i32
      %dma_wait3A_242 = arith.constant 0 : i32
      %dma_wait3A_243 = tpu.memref_slice %arg2[%dma_wait3A_241, %dma_wait3A_242] : memref<10000x128xf32, #tpu.memory_space<hbm>> -> memref<10000x128xf32, #tpu.memory_space<hbm>>
      tpu.wait_indirect_dma semaphore(%arg11 : memref<!tpu.dma_semaphore, #tpu.memory_space<semaphore_mem>>) src(%dma_wait3A_243 : memref<10000x128xf32, #tpu.memory_space<hbm>>) dst(%dma_wait3A_237 : memref<128x128xf32, #tpu.memory_space<vmem>>)
      %run_scoped3A_244 = arith.constant 1 : i32
      %run_scoped3A_245 = arith.constant 5 : i32
      "tpu.region"() ({
        %run_scoped3A_293 = tpu.sem_alloc : memref<!tpu.dma_semaphore, #tpu.memory_space<semaphore_mem>>
        %dma_start3A_294 = arith.constant 0 : i32
        %dma_start3A_295 = arith.constant 0 : i32
        %dma_start3A_296 = tpu.memref_slice %arg8[%run_scoped3A_244, %dma_start3A_294, %dma_start3A_295] : memref<2x128x128xf32, #tpu.memory_space<vmem>> -> memref<1x128x128xf32, #tpu.memory_space<vmem>>
        %dma_start3A_297 = tpu.memref_squeeze %dma_start3A_296 : memref<1x128x128xf32, #tpu.memory_space<vmem>> -> memref<128x128xf32, #tpu.memory_space<vmem>>
        %dma_start3A_298 = arith.constant 0 : i32
        %dma_start3A_299 = tpu.memref_slice %arg7[%select_n3A_67, %run_scoped3A_245, %dma_start3A_298] : memref<2x8x128xi32, #tpu.memory_space<vmem>> -> memref<1x1x128xi32, #tpu.memory_space<vmem>>
        %dma_start3A_300 = tpu.memref_squeeze %dma_start3A_299 : memref<1x1x128xi32, #tpu.memory_space<vmem>> -> memref<128xi32, #tpu.memory_space<vmem>>
        %dma_start3A_301 = arith.constant 0 : i32
        %dma_start3A_302 = arith.constant 0 : i32
        %dma_start3A_303 = tpu.memref_slice %arg9[%dma_start3A_301, %dma_start3A_302] : memref<10240x128xf32, #tpu.memory_space<vmem_shared>> -> memref<10240x128xf32, #tpu.memory_space<vmem_shared>>
        tpu.enqueue_indirect_dma source(%dma_start3A_297 : memref<128x128xf32, #tpu.memory_space<vmem>>) target(%dma_start3A_303 : memref<10240x128xf32, #tpu.memory_space<vmem_shared>>) offsets(%dma_start3A_300 : memref<128xi32, #tpu.memory_space<vmem>>) semaphore(%run_scoped3A_293 : memref<!tpu.dma_semaphore, #tpu.memory_space<semaphore_mem>>) {add = true}
        %dma_wait3A_304 = arith.constant 0 : i32
        %dma_wait3A_305 = arith.constant 0 : i32
        %dma_wait3A_306 = tpu.memref_slice %arg8[%run_scoped3A_244, %dma_wait3A_304, %dma_wait3A_305] : memref<2x128x128xf32, #tpu.memory_space<vmem>> -> memref<1x128x128xf32, #tpu.memory_space<vmem>>
        %dma_wait3A_307 = tpu.memref_squeeze %dma_wait3A_306 : memref<1x128x128xf32, #tpu.memory_space<vmem>> -> memref<128x128xf32, #tpu.memory_space<vmem>>
        %dma_wait3A_308 = arith.constant 0 : i32
        %dma_wait3A_309 = tpu.memref_slice %arg7[%select_n3A_67, %run_scoped3A_245, %dma_wait3A_308] : memref<2x8x128xi32, #tpu.memory_space<vmem>> -> memref<1x1x128xi32, #tpu.memory_space<vmem>>
        %dma_wait3A_310 = tpu.memref_squeeze %dma_wait3A_309 : memref<1x1x128xi32, #tpu.memory_space<vmem>> -> memref<128xi32, #tpu.memory_space<vmem>>
        %dma_wait3A_311 = arith.constant 0 : i32
        %dma_wait3A_312 = arith.constant 0 : i32
        %dma_wait3A_313 = tpu.memref_slice %arg9[%dma_wait3A_311, %dma_wait3A_312] : memref<10240x128xf32, #tpu.memory_space<vmem_shared>> -> memref<10240x128xf32, #tpu.memory_space<vmem_shared>>
        tpu.wait_indirect_dma semaphore(%run_scoped3A_293 : memref<!tpu.dma_semaphore, #tpu.memory_space<semaphore_mem>>) src(%dma_wait3A_307 : memref<128x128xf32, #tpu.memory_space<vmem>>) dst(%dma_wait3A_313 : memref<10240x128xf32, #tpu.memory_space<vmem_shared>>)
        tpu.yield
      }) : () -> ()
      %dma_start3A_246 = arith.constant 7 : i32
      %dma_start3A_247 = arith.constant 1 : i32
      %dma_start3A_248 = arith.constant 0 : i32
      %dma_start3A_249 = arith.constant 0 : i32
      %dma_start3A_250 = tpu.memref_slice %arg8[%dma_start3A_247, %dma_start3A_248, %dma_start3A_249] : memref<2x128x128xf32, #tpu.memory_space<vmem>> -> memref<1x128x128xf32, #tpu.memory_space<vmem>>
      %dma_start3A_251 = tpu.memref_squeeze %dma_start3A_250 : memref<1x128x128xf32, #tpu.memory_space<vmem>> -> memref<128x128xf32, #tpu.memory_space<vmem>>
      %dma_start3A_252 = arith.constant 0 : i32
      %dma_start3A_253 = tpu.memref_slice %arg6[%select_n3A_67, %dma_start3A_246, %dma_start3A_252] : memref<2x8x128xi32, #tpu.memory_space<vmem>> -> memref<1x1x128xi32, #tpu.memory_space<vmem>>
      %dma_start3A_254 = tpu.memref_squeeze %dma_start3A_253 : memref<1x1x128xi32, #tpu.memory_space<vmem>> -> memref<128xi32, #tpu.memory_space<vmem>>
      %dma_start3A_255 = arith.constant 0 : i32
      %dma_start3A_256 = arith.constant 0 : i32
      %dma_start3A_257 = tpu.memref_slice %arg2[%dma_start3A_255, %dma_start3A_256] : memref<10000x128xf32, #tpu.memory_space<hbm>> -> memref<10000x128xf32, #tpu.memory_space<hbm>>
      tpu.enqueue_indirect_dma source(%dma_start3A_257 : memref<10000x128xf32, #tpu.memory_space<hbm>>) target(%dma_start3A_251 : memref<128x128xf32, #tpu.memory_space<vmem>>) offsets(%dma_start3A_254 : memref<128xi32, #tpu.memory_space<vmem>>) semaphore(%arg11 : memref<!tpu.dma_semaphore, #tpu.memory_space<semaphore_mem>>)
      %dma_wait3A_258 = arith.constant 6 : i32
      %dma_wait3A_259 = arith.constant 0 : i32
      %dma_wait3A_260 = arith.constant 0 : i32
      %dma_wait3A_261 = arith.constant 0 : i32
      %dma_wait3A_262 = tpu.memref_slice %arg8[%dma_wait3A_259, %dma_wait3A_260, %dma_wait3A_261] : memref<2x128x128xf32, #tpu.memory_space<vmem>> -> memref<1x128x128xf32, #tpu.memory_space<vmem>>
      %dma_wait3A_263 = tpu.memref_squeeze %dma_wait3A_262 : memref<1x128x128xf32, #tpu.memory_space<vmem>> -> memref<128x128xf32, #tpu.memory_space<vmem>>
      %dma_wait3A_264 = arith.constant 0 : i32
      %dma_wait3A_265 = tpu.memref_slice %arg6[%select_n3A_67, %dma_wait3A_258, %dma_wait3A_264] : memref<2x8x128xi32, #tpu.memory_space<vmem>> -> memref<1x1x128xi32, #tpu.memory_space<vmem>>
      %dma_wait3A_266 = tpu.memref_squeeze %dma_wait3A_265 : memref<1x1x128xi32, #tpu.memory_space<vmem>> -> memref<128xi32, #tpu.memory_space<vmem>>
      %dma_wait3A_267 = arith.constant 0 : i32
      %dma_wait3A_268 = arith.constant 0 : i32
      %dma_wait3A_269 = tpu.memref_slice %arg2[%dma_wait3A_267, %dma_wait3A_268] : memref<10000x128xf32, #tpu.memory_space<hbm>> -> memref<10000x128xf32, #tpu.memory_space<hbm>>
      tpu.wait_indirect_dma semaphore(%arg10 : memref<!tpu.dma_semaphore, #tpu.memory_space<semaphore_mem>>) src(%dma_wait3A_269 : memref<10000x128xf32, #tpu.memory_space<hbm>>) dst(%dma_wait3A_263 : memref<128x128xf32, #tpu.memory_space<vmem>>)
      %run_scoped3A_270 = arith.constant 0 : i32
      %run_scoped3A_271 = arith.constant 6 : i32
      "tpu.region"() ({
        %run_scoped3A_293 = tpu.sem_alloc : memref<!tpu.dma_semaphore, #tpu.memory_space<semaphore_mem>>
        %dma_start3A_294 = arith.constant 0 : i32
        %dma_start3A_295 = arith.constant 0 : i32
        %dma_start3A_296 = tpu.memref_slice %arg8[%run_scoped3A_270, %dma_start3A_294, %dma_start3A_295] : memref<2x128x128xf32, #tpu.memory_space<vmem>> -> memref<1x128x128xf32, #tpu.memory_space<vmem>>
        %dma_start3A_297 = tpu.memref_squeeze %dma_start3A_296 : memref<1x128x128xf32, #tpu.memory_space<vmem>> -> memref<128x128xf32, #tpu.memory_space<vmem>>
        %dma_start3A_298 = arith.constant 0 : i32
        %dma_start3A_299 = tpu.memref_slice %arg7[%select_n3A_67, %run_scoped3A_271, %dma_start3A_298] : memref<2x8x128xi32, #tpu.memory_space<vmem>> -> memref<1x1x128xi32, #tpu.memory_space<vmem>>
        %dma_start3A_300 = tpu.memref_squeeze %dma_start3A_299 : memref<1x1x128xi32, #tpu.memory_space<vmem>> -> memref<128xi32, #tpu.memory_space<vmem>>
        %dma_start3A_301 = arith.constant 0 : i32
        %dma_start3A_302 = arith.constant 0 : i32
        %dma_start3A_303 = tpu.memref_slice %arg9[%dma_start3A_301, %dma_start3A_302] : memref<10240x128xf32, #tpu.memory_space<vmem_shared>> -> memref<10240x128xf32, #tpu.memory_space<vmem_shared>>
        tpu.enqueue_indirect_dma source(%dma_start3A_297 : memref<128x128xf32, #tpu.memory_space<vmem>>) target(%dma_start3A_303 : memref<10240x128xf32, #tpu.memory_space<vmem_shared>>) offsets(%dma_start3A_300 : memref<128xi32, #tpu.memory_space<vmem>>) semaphore(%run_scoped3A_293 : memref<!tpu.dma_semaphore, #tpu.memory_space<semaphore_mem>>) {add = true}
        %dma_wait3A_304 = arith.constant 0 : i32
        %dma_wait3A_305 = arith.constant 0 : i32
        %dma_wait3A_306 = tpu.memref_slice %arg8[%run_scoped3A_270, %dma_wait3A_304, %dma_wait3A_305] : memref<2x128x128xf32, #tpu.memory_space<vmem>> -> memref<1x128x128xf32, #tpu.memory_space<vmem>>
        %dma_wait3A_307 = tpu.memref_squeeze %dma_wait3A_306 : memref<1x128x128xf32, #tpu.memory_space<vmem>> -> memref<128x128xf32, #tpu.memory_space<vmem>>
        %dma_wait3A_308 = arith.constant 0 : i32
        %dma_wait3A_309 = tpu.memref_slice %arg7[%select_n3A_67, %run_scoped3A_271, %dma_wait3A_308] : memref<2x8x128xi32, #tpu.memory_space<vmem>> -> memref<1x1x128xi32, #tpu.memory_space<vmem>>
        %dma_wait3A_310 = tpu.memref_squeeze %dma_wait3A_309 : memref<1x1x128xi32, #tpu.memory_space<vmem>> -> memref<128xi32, #tpu.memory_space<vmem>>
        %dma_wait3A_311 = arith.constant 0 : i32
        %dma_wait3A_312 = arith.constant 0 : i32
        %dma_wait3A_313 = tpu.memref_slice %arg9[%dma_wait3A_311, %dma_wait3A_312] : memref<10240x128xf32, #tpu.memory_space<vmem_shared>> -> memref<10240x128xf32, #tpu.memory_space<vmem_shared>>
        tpu.wait_indirect_dma semaphore(%run_scoped3A_293 : memref<!tpu.dma_semaphore, #tpu.memory_space<semaphore_mem>>) src(%dma_wait3A_307 : memref<128x128xf32, #tpu.memory_space<vmem>>) dst(%dma_wait3A_313 : memref<10240x128xf32, #tpu.memory_space<vmem_shared>>)
        tpu.yield
      }) : () -> ()
      %add3A_272 = arith.constant 1 : i32
      %add3A_273 = arith.addi %scan3A_58, %add3A_272 : i32
      %lt3A_274 = arith.constant 20 : i32
      %lt3A_275 = arith.cmpi slt, %add3A_273, %lt3A_274 : i32
      %convert_element_type3A_276 = arith.extui %lt3A_275 : i1 to i32
      %cond3A_277 = arith.constant 0 : i32
      %cond3A_278 = arith.cmpi ne, %convert_element_type3A_276, %cond3A_277 : i32
      scf.if %cond3A_278 {
        %dma_start3A_293 = arith.constant 0 : i32
        %dma_start3A_294 = arith.constant 0 : i32
        %dma_start3A_295 = arith.constant 0 : i32
        %dma_start3A_296 = arith.constant 0 : i32
        %dma_start3A_297 = tpu.memref_slice %arg8[%dma_start3A_294, %dma_start3A_295, %dma_start3A_296] : memref<2x128x128xf32, #tpu.memory_space<vmem>> -> memref<1x128x128xf32, #tpu.memory_space<vmem>>
        %dma_start3A_298 = tpu.memref_squeeze %dma_start3A_297 : memref<1x128x128xf32, #tpu.memory_space<vmem>> -> memref<128x128xf32, #tpu.memory_space<vmem>>
        %dma_start3A_299 = arith.constant 0 : i32
        %dma_start3A_300 = tpu.memref_slice %arg6[%select_n3A_85, %dma_start3A_293, %dma_start3A_299] : memref<2x8x128xi32, #tpu.memory_space<vmem>> -> memref<1x1x128xi32, #tpu.memory_space<vmem>>
        %dma_start3A_301 = tpu.memref_squeeze %dma_start3A_300 : memref<1x1x128xi32, #tpu.memory_space<vmem>> -> memref<128xi32, #tpu.memory_space<vmem>>
        %dma_start3A_302 = arith.constant 0 : i32
        %dma_start3A_303 = arith.constant 0 : i32
        %dma_start3A_304 = tpu.memref_slice %arg2[%dma_start3A_302, %dma_start3A_303] : memref<10000x128xf32, #tpu.memory_space<hbm>> -> memref<10000x128xf32, #tpu.memory_space<hbm>>
        tpu.enqueue_indirect_dma source(%dma_start3A_304 : memref<10000x128xf32, #tpu.memory_space<hbm>>) target(%dma_start3A_298 : memref<128x128xf32, #tpu.memory_space<vmem>>) offsets(%dma_start3A_301 : memref<128xi32, #tpu.memory_space<vmem>>) semaphore(%arg10 : memref<!tpu.dma_semaphore, #tpu.memory_space<semaphore_mem>>)
      } else {
      }
      %dma_wait3A_279 = arith.constant 7 : i32
      %dma_wait3A_280 = arith.constant 1 : i32
      %dma_wait3A_281 = arith.constant 0 : i32
      %dma_wait3A_282 = arith.constant 0 : i32
      %dma_wait3A_283 = tpu.memref_slice %arg8[%dma_wait3A_280, %dma_wait3A_281, %dma_wait3A_282] : memref<2x128x128xf32, #tpu.memory_space<vmem>> -> memref<1x128x128xf32, #tpu.memory_space<vmem>>
      %dma_wait3A_284 = tpu.memref_squeeze %dma_wait3A_283 : memref<1x128x128xf32, #tpu.memory_space<vmem>> -> memref<128x128xf32, #tpu.memory_space<vmem>>
      %dma_wait3A_285 = arith.constant 0 : i32
      %dma_wait3A_286 = tpu.memref_slice %arg6[%select_n3A_67, %dma_wait3A_279, %dma_wait3A_285] : memref<2x8x128xi32, #tpu.memory_space<vmem>> -> memref<1x1x128xi32, #tpu.memory_space<vmem>>
      %dma_wait3A_287 = tpu.memref_squeeze %dma_wait3A_286 : memref<1x1x128xi32, #tpu.memory_space<vmem>> -> memref<128xi32, #tpu.memory_space<vmem>>
      %dma_wait3A_288 = arith.constant 0 : i32
      %dma_wait3A_289 = arith.constant 0 : i32
      %dma_wait3A_290 = tpu.memref_slice %arg2[%dma_wait3A_288, %dma_wait3A_289] : memref<10000x128xf32, #tpu.memory_space<hbm>> -> memref<10000x128xf32, #tpu.memory_space<hbm>>
      tpu.wait_indirect_dma semaphore(%arg11 : memref<!tpu.dma_semaphore, #tpu.memory_space<semaphore_mem>>) src(%dma_wait3A_290 : memref<10000x128xf32, #tpu.memory_space<hbm>>) dst(%dma_wait3A_284 : memref<128x128xf32, #tpu.memory_space<vmem>>)
      %run_scoped3A_291 = arith.constant 1 : i32
      %run_scoped3A_292 = arith.constant 7 : i32
      "tpu.region"() ({
        %run_scoped3A_293 = tpu.sem_alloc : memref<!tpu.dma_semaphore, #tpu.memory_space<semaphore_mem>>
        %dma_start3A_294 = arith.constant 0 : i32
        %dma_start3A_295 = arith.constant 0 : i32
        %dma_start3A_296 = tpu.memref_slice %arg8[%run_scoped3A_291, %dma_start3A_294, %dma_start3A_295] : memref<2x128x128xf32, #tpu.memory_space<vmem>> -> memref<1x128x128xf32, #tpu.memory_space<vmem>>
        %dma_start3A_297 = tpu.memref_squeeze %dma_start3A_296 : memref<1x128x128xf32, #tpu.memory_space<vmem>> -> memref<128x128xf32, #tpu.memory_space<vmem>>
        %dma_start3A_298 = arith.constant 0 : i32
        %dma_start3A_299 = tpu.memref_slice %arg7[%select_n3A_67, %run_scoped3A_292, %dma_start3A_298] : memref<2x8x128xi32, #tpu.memory_space<vmem>> -> memref<1x1x128xi32, #tpu.memory_space<vmem>>
        %dma_start3A_300 = tpu.memref_squeeze %dma_start3A_299 : memref<1x1x128xi32, #tpu.memory_space<vmem>> -> memref<128xi32, #tpu.memory_space<vmem>>
        %dma_start3A_301 = arith.constant 0 : i32
        %dma_start3A_302 = arith.constant 0 : i32
        %dma_start3A_303 = tpu.memref_slice %arg9[%dma_start3A_301, %dma_start3A_302] : memref<10240x128xf32, #tpu.memory_space<vmem_shared>> -> memref<10240x128xf32, #tpu.memory_space<vmem_shared>>
        tpu.enqueue_indirect_dma source(%dma_start3A_297 : memref<128x128xf32, #tpu.memory_space<vmem>>) target(%dma_start3A_303 : memref<10240x128xf32, #tpu.memory_space<vmem_shared>>) offsets(%dma_start3A_300 : memref<128xi32, #tpu.memory_space<vmem>>) semaphore(%run_scoped3A_293 : memref<!tpu.dma_semaphore, #tpu.memory_space<semaphore_mem>>) {add = true}
        %dma_wait3A_304 = arith.constant 0 : i32
        %dma_wait3A_305 = arith.constant 0 : i32
        %dma_wait3A_306 = tpu.memref_slice %arg8[%run_scoped3A_291, %dma_wait3A_304, %dma_wait3A_305] : memref<2x128x128xf32, #tpu.memory_space<vmem>> -> memref<1x128x128xf32, #tpu.memory_space<vmem>>
        %dma_wait3A_307 = tpu.memref_squeeze %dma_wait3A_306 : memref<1x128x128xf32, #tpu.memory_space<vmem>> -> memref<128x128xf32, #tpu.memory_space<vmem>>
        %dma_wait3A_308 = arith.constant 0 : i32
        %dma_wait3A_309 = tpu.memref_slice %arg7[%select_n3A_67, %run_scoped3A_292, %dma_wait3A_308] : memref<2x8x128xi32, #tpu.memory_space<vmem>> -> memref<1x1x128xi32, #tpu.memory_space<vmem>>
        %dma_wait3A_310 = tpu.memref_squeeze %dma_wait3A_309 : memref<1x1x128xi32, #tpu.memory_space<vmem>> -> memref<128xi32, #tpu.memory_space<vmem>>
        %dma_wait3A_311 = arith.constant 0 : i32
        %dma_wait3A_312 = arith.constant 0 : i32
        %dma_wait3A_313 = tpu.memref_slice %arg9[%dma_wait3A_311, %dma_wait3A_312] : memref<10240x128xf32, #tpu.memory_space<vmem_shared>> -> memref<10240x128xf32, #tpu.memory_space<vmem_shared>>
        tpu.wait_indirect_dma semaphore(%run_scoped3A_293 : memref<!tpu.dma_semaphore, #tpu.memory_space<semaphore_mem>>) src(%dma_wait3A_307 : memref<128x128xf32, #tpu.memory_space<vmem>>) dst(%dma_wait3A_313 : memref<10240x128xf32, #tpu.memory_space<vmem_shared>>)
        tpu.yield
      }) : () -> ()
    }
    %scan3A_52 = arith.constant 20 : i32
    %barrier3A_53 = arith.constant 0 : index
    tpu.barrier barrier_id(%barrier3A_53)
    %mul3A_54 = arith.constant 640 : i32
    %mul3A_55 = arith.muli %arg1, %mul3A_54 : i32
    %mul3A_56 = arith.constant 640 : i32
    %mul3A_57 = arith.muli %arg1, %mul3A_56 : i32
    "tpu.region"() ({
      %run_scoped3A_58 = tpu.sem_alloc : memref<!tpu.dma_semaphore, #tpu.memory_space<semaphore_mem>>
      %dma_start3A_59 = arith.constant 0 : i32
      %dma_start3A_60 = tpu.memref_slice %arg5[%arg0, %mul3A_57, %dma_start3A_59] : memref<2x10240x128xf32, #tpu.memory_space<hbm>> -> memref<1x640x128xf32, #tpu.memory_space<hbm>>
      %dma_start3A_61 = tpu.memref_squeeze %dma_start3A_60 : memref<1x640x128xf32, #tpu.memory_space<hbm>> -> memref<640x128xf32, #tpu.memory_space<hbm>>
      %dma_start3A_62 = arith.constant 0 : i32
      %dma_start3A_63 = tpu.memref_slice %arg9[%mul3A_55, %dma_start3A_62] : memref<10240x128xf32, #tpu.memory_space<vmem_shared>> -> memref<640x128xf32, #tpu.memory_space<vmem_shared>>
      tpu.enqueue_dma source(%dma_start3A_63 : memref<640x128xf32, #tpu.memory_space<vmem_shared>>) target(%dma_start3A_61 : memref<640x128xf32, #tpu.memory_space<hbm>>) target_semaphore(%run_scoped3A_58 : memref<!tpu.dma_semaphore, #tpu.memory_space<semaphore_mem>>)
      %dma_wait3A = arith.constant 0 : i32
      %dma_wait3A_64 = tpu.memref_slice %arg5[%arg0, %mul3A_57, %dma_wait3A] : memref<2x10240x128xf32, #tpu.memory_space<hbm>> -> memref<1x640x128xf32, #tpu.memory_space<hbm>>
      %dma_wait3A_65 = tpu.memref_squeeze %dma_wait3A_64 : memref<1x640x128xf32, #tpu.memory_space<hbm>> -> memref<640x128xf32, #tpu.memory_space<hbm>>
      %dma_wait3A_66 = arith.constant 0 : i32
      %dma_wait3A_67 = tpu.memref_slice %arg9[%mul3A_55, %dma_wait3A_66] : memref<10240x128xf32, #tpu.memory_space<vmem_shared>> -> memref<640x128xf32, #tpu.memory_space<vmem_shared>>
      tpu.wait_dma2 semaphore(%run_scoped3A_58 : memref<!tpu.dma_semaphore, #tpu.memory_space<semaphore_mem>>) src(%dma_wait3A_67 : memref<640x128xf32, #tpu.memory_space<vmem_shared>>) dst(%dma_wait3A_65 : memref<640x128xf32, #tpu.memory_space<hbm>>)
      tpu.yield
    }) : () -> ()
    return
  }
}

#map = affine_map<(d0, d1) -> (0, 0)>
#map1 = affine_map<(d0, d1) -> (0, 0, 0)>
module attributes {stable_mosaic.version = 14 : i64} {
  func.func @_agg_body(%arg0: i32, %arg1: i32, %arg2: memref<10000x128xf32, #tpu.memory_space<hbm>>, %arg3: memref<5120x128xi32, #tpu.memory_space<hbm>>, %arg4: memref<5120x128xi32, #tpu.memory_space<hbm>>, %arg5: memref<2x10240x128xf32, #tpu.memory_space<hbm>>, %arg6: memref<2x8x128xi32, #tpu.memory_space<vmem>>, %arg7: memref<2x8x128xi32, #tpu.memory_space<vmem>>, %arg8: memref<2x128x128xf32, #tpu.memory_space<vmem>>, %arg9: memref<10240x128xf32, #tpu.memory_space<vmem_shared>>, %arg10: memref<!tpu.dma_semaphore, #tpu.memory_space<semaphore_mem>>, %arg11: memref<!tpu.dma_semaphore, #tpu.memory_space<semaphore_mem>>) attributes {dimension_semantics = [#tpu.dimension_semantics<core_parallel>, #tpu.dimension_semantics<subcore_parallel>], iteration_bounds = array<i64: 2, 16>, scalar_prefetch = 0 : i64, scratch_operands = 6 : i64, tpu.core_type = #tpu.core_type<sc_vector_subcore>, window_params = [{transform_indices = #map}, {transform_indices = #map}, {transform_indices = #map}, {transform_indices = #map1}]} {
    %broadcast_in_dim3A = arith.constant 0.000000e+00 : f32
    %broadcast_in_dim3A_0 = vector.broadcast %broadcast_in_dim3A : f32 to vector<16xf32>
    %scan3A = arith.constant 0 : i32
    %scan3A_1 = arith.constant 0 : i32
    %scan3A_2 = arith.constant 128 : i32
    %scan3A_3 = arith.addi %scan3A_1, %scan3A_2 : i32
    %scan3A_4 = arith.constant 1 : i32
    scf.for %scan3A_58 = %scan3A_1 to %scan3A_3 step %scan3A_4  : i32 {
      %swap3A = arith.constant 0 : i32
      %swap3A_59 = arith.index_cast %swap3A : i32 to index
      %swap3A_60 = arith.index_cast %scan3A_58 : i32 to index
      %swap3A_61 = arith.constant 0 : index
      %swap3A_62 = tpu.vector_load %arg8[%swap3A_59, %swap3A_60, %swap3A_61] {strides = array<i32>} : memref<2x128x128xf32, #tpu.memory_space<vmem>>, vector<1x1x16xf32>,
      %swap3A_63 = vector.shape_cast %swap3A_62 : vector<1x1x16xf32> to vector<16xf32>
      %swap3A_64 = vector.shape_cast %broadcast_in_dim3A_0 : vector<16xf32> to vector<1x1x16xf32>
      tpu.vector_store %arg8[%swap3A_59, %swap3A_60, %swap3A_61], %swap3A_64 {strides = array<i32>} : memref<2x128x128xf32, #tpu.memory_space<vmem>>, vector<1x1x16xf32>,
      %swap3A_65 = arith.constant 0 : i32
      %swap3A_66 = arith.index_cast %swap3A_65 : i32 to index
      %swap3A_67 = arith.index_cast %scan3A_58 : i32 to index
      %swap3A_68 = arith.constant 16 : index
      %swap3A_69 = tpu.vector_load %arg8[%swap3A_66, %swap3A_67, %swap3A_68] {strides = array<i32>} : memref<2x128x128xf32, #tpu.memory_space<vmem>>, vector<1x1x16xf32>,
      %swap3A_70 = vector.shape_cast %swap3A_69 : vector<1x1x16xf32> to vector<16xf32>
      %swap3A_71 = vector.shape_cast %broadcast_in_dim3A_0 : vector<16xf32> to vector<1x1x16xf32>
      tpu.vector_store %arg8[%swap3A_66, %swap3A_67, %swap3A_68], %swap3A_71 {strides = array<i32>} : memref<2x128x128xf32, #tpu.memory_space<vmem>>, vector<1x1x16xf32>,
      %swap3A_72 = arith.constant 0 : i32
      %swap3A_73 = arith.index_cast %swap3A_72 : i32 to index
      %swap3A_74 = arith.index_cast %scan3A_58 : i32 to index
      %swap3A_75 = arith.constant 32 : index
      %swap3A_76 = tpu.vector_load %arg8[%swap3A_73, %swap3A_74, %swap3A_75] {strides = array<i32>} : memref<2x128x128xf32, #tpu.memory_space<vmem>>, vector<1x1x16xf32>,
      %swap3A_77 = vector.shape_cast %swap3A_76 : vector<1x1x16xf32> to vector<16xf32>
      %swap3A_78 = vector.shape_cast %broadcast_in_dim3A_0 : vector<16xf32> to vector<1x1x16xf32>
      tpu.vector_store %arg8[%swap3A_73, %swap3A_74, %swap3A_75], %swap3A_78 {strides = array<i32>} : memref<2x128x128xf32, #tpu.memory_space<vmem>>, vector<1x1x16xf32>,
      %swap3A_79 = arith.constant 0 : i32
      %swap3A_80 = arith.index_cast %swap3A_79 : i32 to index
      %swap3A_81 = arith.index_cast %scan3A_58 : i32 to index
      %swap3A_82 = arith.constant 48 : index
      %swap3A_83 = tpu.vector_load %arg8[%swap3A_80, %swap3A_81, %swap3A_82] {strides = array<i32>} : memref<2x128x128xf32, #tpu.memory_space<vmem>>, vector<1x1x16xf32>,
      %swap3A_84 = vector.shape_cast %swap3A_83 : vector<1x1x16xf32> to vector<16xf32>
      %swap3A_85 = vector.shape_cast %broadcast_in_dim3A_0 : vector<16xf32> to vector<1x1x16xf32>
      tpu.vector_store %arg8[%swap3A_80, %swap3A_81, %swap3A_82], %swap3A_85 {strides = array<i32>} : memref<2x128x128xf32, #tpu.memory_space<vmem>>, vector<1x1x16xf32>,
      %swap3A_86 = arith.constant 0 : i32
      %swap3A_87 = arith.index_cast %swap3A_86 : i32 to index
      %swap3A_88 = arith.index_cast %scan3A_58 : i32 to index
      %swap3A_89 = arith.constant 64 : index
      %swap3A_90 = tpu.vector_load %arg8[%swap3A_87, %swap3A_88, %swap3A_89] {strides = array<i32>} : memref<2x128x128xf32, #tpu.memory_space<vmem>>, vector<1x1x16xf32>,
      %swap3A_91 = vector.shape_cast %swap3A_90 : vector<1x1x16xf32> to vector<16xf32>
      %swap3A_92 = vector.shape_cast %broadcast_in_dim3A_0 : vector<16xf32> to vector<1x1x16xf32>
      tpu.vector_store %arg8[%swap3A_87, %swap3A_88, %swap3A_89], %swap3A_92 {strides = array<i32>} : memref<2x128x128xf32, #tpu.memory_space<vmem>>, vector<1x1x16xf32>,
      %swap3A_93 = arith.constant 0 : i32
      %swap3A_94 = arith.index_cast %swap3A_93 : i32 to index
      %swap3A_95 = arith.index_cast %scan3A_58 : i32 to index
      %swap3A_96 = arith.constant 80 : index
      %swap3A_97 = tpu.vector_load %arg8[%swap3A_94, %swap3A_95, %swap3A_96] {strides = array<i32>} : memref<2x128x128xf32, #tpu.memory_space<vmem>>, vector<1x1x16xf32>,
      %swap3A_98 = vector.shape_cast %swap3A_97 : vector<1x1x16xf32> to vector<16xf32>
      %swap3A_99 = vector.shape_cast %broadcast_in_dim3A_0 : vector<16xf32> to vector<1x1x16xf32>
      tpu.vector_store %arg8[%swap3A_94, %swap3A_95, %swap3A_96], %swap3A_99 {strides = array<i32>} : memref<2x128x128xf32, #tpu.memory_space<vmem>>, vector<1x1x16xf32>,
      %swap3A_100 = arith.constant 0 : i32
      %swap3A_101 = arith.index_cast %swap3A_100 : i32 to index
      %swap3A_102 = arith.index_cast %scan3A_58 : i32 to index
      %swap3A_103 = arith.constant 96 : index
      %swap3A_104 = tpu.vector_load %arg8[%swap3A_101, %swap3A_102, %swap3A_103] {strides = array<i32>} : memref<2x128x128xf32, #tpu.memory_space<vmem>>, vector<1x1x16xf32>,
      %swap3A_105 = vector.shape_cast %swap3A_104 : vector<1x1x16xf32> to vector<16xf32>
      %swap3A_106 = vector.shape_cast %broadcast_in_dim3A_0 : vector<16xf32> to vector<1x1x16xf32>
      tpu.vector_store %arg8[%swap3A_101, %swap3A_102, %swap3A_103], %swap3A_106 {strides = array<i32>} : memref<2x128x128xf32, #tpu.memory_space<vmem>>, vector<1x1x16xf32>,
      %swap3A_107 = arith.constant 0 : i32
      %swap3A_108 = arith.index_cast %swap3A_107 : i32 to index
      %swap3A_109 = arith.index_cast %scan3A_58 : i32 to index
      %swap3A_110 = arith.constant 112 : index
      %swap3A_111 = tpu.vector_load %arg8[%swap3A_108, %swap3A_109, %swap3A_110] {strides = array<i32>} : memref<2x128x128xf32, #tpu.memory_space<vmem>>, vector<1x1x16xf32>,
      %swap3A_112 = vector.shape_cast %swap3A_111 : vector<1x1x16xf32> to vector<16xf32>
      %swap3A_113 = vector.shape_cast %broadcast_in_dim3A_0 : vector<16xf32> to vector<1x1x16xf32>
      tpu.vector_store %arg8[%swap3A_108, %swap3A_109, %swap3A_110], %swap3A_113 {strides = array<i32>} : memref<2x128x128xf32, #tpu.memory_space<vmem>>, vector<1x1x16xf32>,
    }
    %scan3A_5 = arith.constant 128 : i32
    %mul3A = arith.constant 640 : i32
    %mul3A_6 = arith.muli %arg1, %mul3A : i32
    %add3A = arith.constant 0 : i32
    %add3A_7 = arith.addi %mul3A_6, %add3A : i32
    %run_scoped3A = arith.constant 0 : i32
    "tpu.region"() ({
      %run_scoped3A_58 = tpu.sem_alloc : memref<!tpu.dma_semaphore, #tpu.memory_space<semaphore_mem>>
      %dma_start3A_59 = arith.constant 0 : i32
      %dma_start3A_60 = arith.constant 0 : i32
      %dma_start3A_61 = tpu.memref_slice %arg8[%run_scoped3A, %dma_start3A_59, %dma_start3A_60] : memref<2x128x128xf32, #tpu.memory_space<vmem>> -> memref<1x128x128xf32, #tpu.memory_space<vmem>>
      %dma_start3A_62 = tpu.memref_squeeze %dma_start3A_61 : memref<1x128x128xf32, #tpu.memory_space<vmem>> -> memref<128x128xf32, #tpu.memory_space<vmem>>
      %dma_start3A_63 = arith.constant 0 : i32
      %dma_start3A_64 = tpu.memref_slice %arg9[%add3A_7, %dma_start3A_63] : memref<10240x128xf32, #tpu.memory_space<vmem_shared>> -> memref<128x128xf32, #tpu.memory_space<vmem_shared>>
      %dma_start3A_65 = arith.constant 0 : i32
      %dma_start3A_66 = tpu.memref_slice %arg9[%add3A_7, %dma_start3A_65] : memref<10240x128xf32, #tpu.memory_space<vmem_shared>> -> memref<128x128xf32, #tpu.memory_space<vmem_shared>>
      %dma_start3A_67 = arith.constant 0 : i32
      %dma_start3A_68 = arith.constant 0 : i32
      %dma_start3A_69 = tpu.memref_slice %arg8[%run_scoped3A, %dma_start3A_67, %dma_start3A_68] : memref<2x128x128xf32, #tpu.memory_space<vmem>> -> memref<1x128x128xf32, #tpu.memory_space<vmem>>
      %dma_start3A_70 = tpu.memref_squeeze %dma_start3A_69 : memref<1x128x128xf32, #tpu.memory_space<vmem>> -> memref<128x128xf32, #tpu.memory_space<vmem>>
      tpu.enqueue_dma source(%dma_start3A_70 : memref<128x128xf32, #tpu.memory_space<vmem>>) target(%dma_start3A_66 : memref<128x128xf32, #tpu.memory_space<vmem_shared>>) target_semaphore(%run_scoped3A_58 : memref<!tpu.dma_semaphore, #tpu.memory_space<semaphore_mem>>)
      %dma_wait3A = arith.constant 0 : i32
      %dma_wait3A_71 = arith.constant 0 : i32
      %dma_wait3A_72 = tpu.memref_slice %arg8[%run_scoped3A, %dma_wait3A, %dma_wait3A_71] : memref<2x128x128xf32, #tpu.memory_space<vmem>> -> memref<1x128x128xf32, #tpu.memory_space<vmem>>
      %dma_wait3A_73 = tpu.memref_squeeze %dma_wait3A_72 : memref<1x128x128xf32, #tpu.memory_space<vmem>> -> memref<128x128xf32, #tpu.memory_space<vmem>>
      %dma_wait3A_74 = arith.constant 0 : i32
      %dma_wait3A_75 = tpu.memref_slice %arg9[%add3A_7, %dma_wait3A_74] : memref<10240x128xf32, #tpu.memory_space<vmem_shared>> -> memref<128x128xf32, #tpu.memory_space<vmem_shared>>
      %dma_wait3A_76 = arith.constant 0 : i32
      %dma_wait3A_77 = tpu.memref_slice %arg9[%add3A_7, %dma_wait3A_76] : memref<10240x128xf32, #tpu.memory_space<vmem_shared>> -> memref<128x128xf32, #tpu.memory_space<vmem_shared>>
      %dma_wait3A_78 = arith.constant 0 : i32
      %dma_wait3A_79 = arith.constant 0 : i32
      %dma_wait3A_80 = tpu.memref_slice %arg8[%run_scoped3A, %dma_wait3A_78, %dma_wait3A_79] : memref<2x128x128xf32, #tpu.memory_space<vmem>> -> memref<1x128x128xf32, #tpu.memory_space<vmem>>
      %dma_wait3A_81 = tpu.memref_squeeze %dma_wait3A_80 : memref<1x128x128xf32, #tpu.memory_space<vmem>> -> memref<128x128xf32, #tpu.memory_space<vmem>>
      tpu.wait_dma2 semaphore(%run_scoped3A_58 : memref<!tpu.dma_semaphore, #tpu.memory_space<semaphore_mem>>) src(%dma_wait3A_81 : memref<128x128xf32, #tpu.memory_space<vmem>>) dst(%dma_wait3A_77 : memref<128x128xf32, #tpu.memory_space<vmem_shared>>)
      tpu.yield
    }) : () -> ()
    %mul3A_8 = arith.constant 640 : i32
    %mul3A_9 = arith.muli %arg1, %mul3A_8 : i32
    %add3A_10 = arith.constant 128 : i32
    %add3A_11 = arith.addi %mul3A_9, %add3A_10 : i32
    %run_scoped3A_12 = arith.constant 0 : i32
    "tpu.region"() ({
      %run_scoped3A_58 = tpu.sem_alloc : memref<!tpu.dma_semaphore, #tpu.memory_space<semaphore_mem>>
      %dma_start3A_59 = arith.constant 0 : i32
      %dma_start3A_60 = arith.constant 0 : i32
      %dma_start3A_61 = tpu.memref_slice %arg8[%run_scoped3A_12, %dma_start3A_59, %dma_start3A_60] : memref<2x128x128xf32, #tpu.memory_space<vmem>> -> memref<1x128x128xf32, #tpu.memory_space<vmem>>
      %dma_start3A_62 = tpu.memref_squeeze %dma_start3A_61 : memref<1x128x128xf32, #tpu.memory_space<vmem>> -> memref<128x128xf32, #tpu.memory_space<vmem>>
      %dma_start3A_63 = arith.constant 0 : i32
      %dma_start3A_64 = tpu.memref_slice %arg9[%add3A_11, %dma_start3A_63] : memref<10240x128xf32, #tpu.memory_space<vmem_shared>> -> memref<128x128xf32, #tpu.memory_space<vmem_shared>>
      %dma_start3A_65 = arith.constant 0 : i32
      %dma_start3A_66 = tpu.memref_slice %arg9[%add3A_11, %dma_start3A_65] : memref<10240x128xf32, #tpu.memory_space<vmem_shared>> -> memref<128x128xf32, #tpu.memory_space<vmem_shared>>
      %dma_start3A_67 = arith.constant 0 : i32
      %dma_start3A_68 = arith.constant 0 : i32
      %dma_start3A_69 = tpu.memref_slice %arg8[%run_scoped3A_12, %dma_start3A_67, %dma_start3A_68] : memref<2x128x128xf32, #tpu.memory_space<vmem>> -> memref<1x128x128xf32, #tpu.memory_space<vmem>>
      %dma_start3A_70 = tpu.memref_squeeze %dma_start3A_69 : memref<1x128x128xf32, #tpu.memory_space<vmem>> -> memref<128x128xf32, #tpu.memory_space<vmem>>
      tpu.enqueue_dma source(%dma_start3A_70 : memref<128x128xf32, #tpu.memory_space<vmem>>) target(%dma_start3A_66 : memref<128x128xf32, #tpu.memory_space<vmem_shared>>) target_semaphore(%run_scoped3A_58 : memref<!tpu.dma_semaphore, #tpu.memory_space<semaphore_mem>>)
      %dma_wait3A = arith.constant 0 : i32
      %dma_wait3A_71 = arith.constant 0 : i32
      %dma_wait3A_72 = tpu.memref_slice %arg8[%run_scoped3A_12, %dma_wait3A, %dma_wait3A_71] : memref<2x128x128xf32, #tpu.memory_space<vmem>> -> memref<1x128x128xf32, #tpu.memory_space<vmem>>
      %dma_wait3A_73 = tpu.memref_squeeze %dma_wait3A_72 : memref<1x128x128xf32, #tpu.memory_space<vmem>> -> memref<128x128xf32, #tpu.memory_space<vmem>>
      %dma_wait3A_74 = arith.constant 0 : i32
      %dma_wait3A_75 = tpu.memref_slice %arg9[%add3A_11, %dma_wait3A_74] : memref<10240x128xf32, #tpu.memory_space<vmem_shared>> -> memref<128x128xf32, #tpu.memory_space<vmem_shared>>
      %dma_wait3A_76 = arith.constant 0 : i32
      %dma_wait3A_77 = tpu.memref_slice %arg9[%add3A_11, %dma_wait3A_76] : memref<10240x128xf32, #tpu.memory_space<vmem_shared>> -> memref<128x128xf32, #tpu.memory_space<vmem_shared>>
      %dma_wait3A_78 = arith.constant 0 : i32
      %dma_wait3A_79 = arith.constant 0 : i32
      %dma_wait3A_80 = tpu.memref_slice %arg8[%run_scoped3A_12, %dma_wait3A_78, %dma_wait3A_79] : memref<2x128x128xf32, #tpu.memory_space<vmem>> -> memref<1x128x128xf32, #tpu.memory_space<vmem>>
      %dma_wait3A_81 = tpu.memref_squeeze %dma_wait3A_80 : memref<1x128x128xf32, #tpu.memory_space<vmem>> -> memref<128x128xf32, #tpu.memory_space<vmem>>
      tpu.wait_dma2 semaphore(%run_scoped3A_58 : memref<!tpu.dma_semaphore, #tpu.memory_space<semaphore_mem>>) src(%dma_wait3A_81 : memref<128x128xf32, #tpu.memory_space<vmem>>) dst(%dma_wait3A_77 : memref<128x128xf32, #tpu.memory_space<vmem_shared>>)
      tpu.yield
    }) : () -> ()
    %mul3A_13 = arith.constant 640 : i32
    %mul3A_14 = arith.muli %arg1, %mul3A_13 : i32
    %add3A_15 = arith.constant 256 : i32
    %add3A_16 = arith.addi %mul3A_14, %add3A_15 : i32
    %run_scoped3A_17 = arith.constant 0 : i32
    "tpu.region"() ({
      %run_scoped3A_58 = tpu.sem_alloc : memref<!tpu.dma_semaphore, #tpu.memory_space<semaphore_mem>>
      %dma_start3A_59 = arith.constant 0 : i32
      %dma_start3A_60 = arith.constant 0 : i32
      %dma_start3A_61 = tpu.memref_slice %arg8[%run_scoped3A_17, %dma_start3A_59, %dma_start3A_60] : memref<2x128x128xf32, #tpu.memory_space<vmem>> -> memref<1x128x128xf32, #tpu.memory_space<vmem>>
      %dma_start3A_62 = tpu.memref_squeeze %dma_start3A_61 : memref<1x128x128xf32, #tpu.memory_space<vmem>> -> memref<128x128xf32, #tpu.memory_space<vmem>>
      %dma_start3A_63 = arith.constant 0 : i32
      %dma_start3A_64 = tpu.memref_slice %arg9[%add3A_16, %dma_start3A_63] : memref<10240x128xf32, #tpu.memory_space<vmem_shared>> -> memref<128x128xf32, #tpu.memory_space<vmem_shared>>
      %dma_start3A_65 = arith.constant 0 : i32
      %dma_start3A_66 = tpu.memref_slice %arg9[%add3A_16, %dma_start3A_65] : memref<10240x128xf32, #tpu.memory_space<vmem_shared>> -> memref<128x128xf32, #tpu.memory_space<vmem_shared>>
      %dma_start3A_67 = arith.constant 0 : i32
      %dma_start3A_68 = arith.constant 0 : i32
      %dma_start3A_69 = tpu.memref_slice %arg8[%run_scoped3A_17, %dma_start3A_67, %dma_start3A_68] : memref<2x128x128xf32, #tpu.memory_space<vmem>> -> memref<1x128x128xf32, #tpu.memory_space<vmem>>
      %dma_start3A_70 = tpu.memref_squeeze %dma_start3A_69 : memref<1x128x128xf32, #tpu.memory_space<vmem>> -> memref<128x128xf32, #tpu.memory_space<vmem>>
      tpu.enqueue_dma source(%dma_start3A_70 : memref<128x128xf32, #tpu.memory_space<vmem>>) target(%dma_start3A_66 : memref<128x128xf32, #tpu.memory_space<vmem_shared>>) target_semaphore(%run_scoped3A_58 : memref<!tpu.dma_semaphore, #tpu.memory_space<semaphore_mem>>)
      %dma_wait3A = arith.constant 0 : i32
      %dma_wait3A_71 = arith.constant 0 : i32
      %dma_wait3A_72 = tpu.memref_slice %arg8[%run_scoped3A_17, %dma_wait3A, %dma_wait3A_71] : memref<2x128x128xf32, #tpu.memory_space<vmem>> -> memref<1x128x128xf32, #tpu.memory_space<vmem>>
      %dma_wait3A_73 = tpu.memref_squeeze %dma_wait3A_72 : memref<1x128x128xf32, #tpu.memory_space<vmem>> -> memref<128x128xf32, #tpu.memory_space<vmem>>
      %dma_wait3A_74 = arith.constant 0 : i32
      %dma_wait3A_75 = tpu.memref_slice %arg9[%add3A_16, %dma_wait3A_74] : memref<10240x128xf32, #tpu.memory_space<vmem_shared>> -> memref<128x128xf32, #tpu.memory_space<vmem_shared>>
      %dma_wait3A_76 = arith.constant 0 : i32
      %dma_wait3A_77 = tpu.memref_slice %arg9[%add3A_16, %dma_wait3A_76] : memref<10240x128xf32, #tpu.memory_space<vmem_shared>> -> memref<128x128xf32, #tpu.memory_space<vmem_shared>>
      %dma_wait3A_78 = arith.constant 0 : i32
      %dma_wait3A_79 = arith.constant 0 : i32
      %dma_wait3A_80 = tpu.memref_slice %arg8[%run_scoped3A_17, %dma_wait3A_78, %dma_wait3A_79] : memref<2x128x128xf32, #tpu.memory_space<vmem>> -> memref<1x128x128xf32, #tpu.memory_space<vmem>>
      %dma_wait3A_81 = tpu.memref_squeeze %dma_wait3A_80 : memref<1x128x128xf32, #tpu.memory_space<vmem>> -> memref<128x128xf32, #tpu.memory_space<vmem>>
      tpu.wait_dma2 semaphore(%run_scoped3A_58 : memref<!tpu.dma_semaphore, #tpu.memory_space<semaphore_mem>>) src(%dma_wait3A_81 : memref<128x128xf32, #tpu.memory_space<vmem>>) dst(%dma_wait3A_77 : memref<128x128xf32, #tpu.memory_space<vmem_shared>>)
      tpu.yield
    }) : () -> ()
    %mul3A_18 = arith.constant 640 : i32
    %mul3A_19 = arith.muli %arg1, %mul3A_18 : i32
    %add3A_20 = arith.constant 384 : i32
    %add3A_21 = arith.addi %mul3A_19, %add3A_20 : i32
    %run_scoped3A_22 = arith.constant 0 : i32
    "tpu.region"() ({
      %run_scoped3A_58 = tpu.sem_alloc : memref<!tpu.dma_semaphore, #tpu.memory_space<semaphore_mem>>
      %dma_start3A_59 = arith.constant 0 : i32
      %dma_start3A_60 = arith.constant 0 : i32
      %dma_start3A_61 = tpu.memref_slice %arg8[%run_scoped3A_22, %dma_start3A_59, %dma_start3A_60] : memref<2x128x128xf32, #tpu.memory_space<vmem>> -> memref<1x128x128xf32, #tpu.memory_space<vmem>>
      %dma_start3A_62 = tpu.memref_squeeze %dma_start3A_61 : memref<1x128x128xf32, #tpu.memory_space<vmem>> -> memref<128x128xf32, #tpu.memory_space<vmem>>
      %dma_start3A_63 = arith.constant 0 : i32
      %dma_start3A_64 = tpu.memref_slice %arg9[%add3A_21, %dma_start3A_63] : memref<10240x128xf32, #tpu.memory_space<vmem_shared>> -> memref<128x128xf32, #tpu.memory_space<vmem_shared>>
      %dma_start3A_65 = arith.constant 0 : i32
      %dma_start3A_66 = tpu.memref_slice %arg9[%add3A_21, %dma_start3A_65] : memref<10240x128xf32, #tpu.memory_space<vmem_shared>> -> memref<128x128xf32, #tpu.memory_space<vmem_shared>>
      %dma_start3A_67 = arith.constant 0 : i32
      %dma_start3A_68 = arith.constant 0 : i32
      %dma_start3A_69 = tpu.memref_slice %arg8[%run_scoped3A_22, %dma_start3A_67, %dma_start3A_68] : memref<2x128x128xf32, #tpu.memory_space<vmem>> -> memref<1x128x128xf32, #tpu.memory_space<vmem>>
      %dma_start3A_70 = tpu.memref_squeeze %dma_start3A_69 : memref<1x128x128xf32, #tpu.memory_space<vmem>> -> memref<128x128xf32, #tpu.memory_space<vmem>>
      tpu.enqueue_dma source(%dma_start3A_70 : memref<128x128xf32, #tpu.memory_space<vmem>>) target(%dma_start3A_66 : memref<128x128xf32, #tpu.memory_space<vmem_shared>>) target_semaphore(%run_scoped3A_58 : memref<!tpu.dma_semaphore, #tpu.memory_space<semaphore_mem>>)
      %dma_wait3A = arith.constant 0 : i32
      %dma_wait3A_71 = arith.constant 0 : i32
      %dma_wait3A_72 = tpu.memref_slice %arg8[%run_scoped3A_22, %dma_wait3A, %dma_wait3A_71] : memref<2x128x128xf32, #tpu.memory_space<vmem>> -> memref<1x128x128xf32, #tpu.memory_space<vmem>>
      %dma_wait3A_73 = tpu.memref_squeeze %dma_wait3A_72 : memref<1x128x128xf32, #tpu.memory_space<vmem>> -> memref<128x128xf32, #tpu.memory_space<vmem>>
      %dma_wait3A_74 = arith.constant 0 : i32
      %dma_wait3A_75 = tpu.memref_slice %arg9[%add3A_21, %dma_wait3A_74] : memref<10240x128xf32, #tpu.memory_space<vmem_shared>> -> memref<128x128xf32, #tpu.memory_space<vmem_shared>>
      %dma_wait3A_76 = arith.constant 0 : i32
      %dma_wait3A_77 = tpu.memref_slice %arg9[%add3A_21, %dma_wait3A_76] : memref<10240x128xf32, #tpu.memory_space<vmem_shared>> -> memref<128x128xf32, #tpu.memory_space<vmem_shared>>
      %dma_wait3A_78 = arith.constant 0 : i32
      %dma_wait3A_79 = arith.constant 0 : i32
      %dma_wait3A_80 = tpu.memref_slice %arg8[%run_scoped3A_22, %dma_wait3A_78, %dma_wait3A_79] : memref<2x128x128xf32, #tpu.memory_space<vmem>> -> memref<1x128x128xf32, #tpu.memory_space<vmem>>
      %dma_wait3A_81 = tpu.memref_squeeze %dma_wait3A_80 : memref<1x128x128xf32, #tpu.memory_space<vmem>> -> memref<128x128xf32, #tpu.memory_space<vmem>>
      tpu.wait_dma2 semaphore(%run_scoped3A_58 : memref<!tpu.dma_semaphore, #tpu.memory_space<semaphore_mem>>) src(%dma_wait3A_81 : memref<128x128xf32, #tpu.memory_space<vmem>>) dst(%dma_wait3A_77 : memref<128x128xf32, #tpu.memory_space<vmem_shared>>)
      tpu.yield
    }) : () -> ()
    %mul3A_23 = arith.constant 640 : i32
    %mul3A_24 = arith.muli %arg1, %mul3A_23 : i32
    %add3A_25 = arith.constant 512 : i32
    %add3A_26 = arith.addi %mul3A_24, %add3A_25 : i32
    %run_scoped3A_27 = arith.constant 0 : i32
    "tpu.region"() ({
      %run_scoped3A_58 = tpu.sem_alloc : memref<!tpu.dma_semaphore, #tpu.memory_space<semaphore_mem>>
      %dma_start3A_59 = arith.constant 0 : i32
      %dma_start3A_60 = arith.constant 0 : i32
      %dma_start3A_61 = tpu.memref_slice %arg8[%run_scoped3A_27, %dma_start3A_59, %dma_start3A_60] : memref<2x128x128xf32, #tpu.memory_space<vmem>> -> memref<1x128x128xf32, #tpu.memory_space<vmem>>
      %dma_start3A_62 = tpu.memref_squeeze %dma_start3A_61 : memref<1x128x128xf32, #tpu.memory_space<vmem>> -> memref<128x128xf32, #tpu.memory_space<vmem>>
      %dma_start3A_63 = arith.constant 0 : i32
      %dma_start3A_64 = tpu.memref_slice %arg9[%add3A_26, %dma_start3A_63] : memref<10240x128xf32, #tpu.memory_space<vmem_shared>> -> memref<128x128xf32, #tpu.memory_space<vmem_shared>>
      %dma_start3A_65 = arith.constant 0 : i32
      %dma_start3A_66 = tpu.memref_slice %arg9[%add3A_26, %dma_start3A_65] : memref<10240x128xf32, #tpu.memory_space<vmem_shared>> -> memref<128x128xf32, #tpu.memory_space<vmem_shared>>
      %dma_start3A_67 = arith.constant 0 : i32
      %dma_start3A_68 = arith.constant 0 : i32
      %dma_start3A_69 = tpu.memref_slice %arg8[%run_scoped3A_27, %dma_start3A_67, %dma_start3A_68] : memref<2x128x128xf32, #tpu.memory_space<vmem>> -> memref<1x128x128xf32, #tpu.memory_space<vmem>>
      %dma_start3A_70 = tpu.memref_squeeze %dma_start3A_69 : memref<1x128x128xf32, #tpu.memory_space<vmem>> -> memref<128x128xf32, #tpu.memory_space<vmem>>
      tpu.enqueue_dma source(%dma_start3A_70 : memref<128x128xf32, #tpu.memory_space<vmem>>) target(%dma_start3A_66 : memref<128x128xf32, #tpu.memory_space<vmem_shared>>) target_semaphore(%run_scoped3A_58 : memref<!tpu.dma_semaphore, #tpu.memory_space<semaphore_mem>>)
      %dma_wait3A = arith.constant 0 : i32
      %dma_wait3A_71 = arith.constant 0 : i32
      %dma_wait3A_72 = tpu.memref_slice %arg8[%run_scoped3A_27, %dma_wait3A, %dma_wait3A_71] : memref<2x128x128xf32, #tpu.memory_space<vmem>> -> memref<1x128x128xf32, #tpu.memory_space<vmem>>
      %dma_wait3A_73 = tpu.memref_squeeze %dma_wait3A_72 : memref<1x128x128xf32, #tpu.memory_space<vmem>> -> memref<128x128xf32, #tpu.memory_space<vmem>>
      %dma_wait3A_74 = arith.constant 0 : i32
      %dma_wait3A_75 = tpu.memref_slice %arg9[%add3A_26, %dma_wait3A_74] : memref<10240x128xf32, #tpu.memory_space<vmem_shared>> -> memref<128x128xf32, #tpu.memory_space<vmem_shared>>
      %dma_wait3A_76 = arith.constant 0 : i32
      %dma_wait3A_77 = tpu.memref_slice %arg9[%add3A_26, %dma_wait3A_76] : memref<10240x128xf32, #tpu.memory_space<vmem_shared>> -> memref<128x128xf32, #tpu.memory_space<vmem_shared>>
      %dma_wait3A_78 = arith.constant 0 : i32
      %dma_wait3A_79 = arith.constant 0 : i32
      %dma_wait3A_80 = tpu.memref_slice %arg8[%run_scoped3A_27, %dma_wait3A_78, %dma_wait3A_79] : memref<2x128x128xf32, #tpu.memory_space<vmem>> -> memref<1x128x128xf32, #tpu.memory_space<vmem>>
      %dma_wait3A_81 = tpu.memref_squeeze %dma_wait3A_80 : memref<1x128x128xf32, #tpu.memory_space<vmem>> -> memref<128x128xf32, #tpu.memory_space<vmem>>
      tpu.wait_dma2 semaphore(%run_scoped3A_58 : memref<!tpu.dma_semaphore, #tpu.memory_space<semaphore_mem>>) src(%dma_wait3A_81 : memref<128x128xf32, #tpu.memory_space<vmem>>) dst(%dma_wait3A_77 : memref<128x128xf32, #tpu.memory_space<vmem_shared>>)
      tpu.yield
    }) : () -> ()
    %barrier3A = arith.constant 0 : index
    tpu.barrier barrier_id(%barrier3A)
    %mul3A_28 = arith.constant 16 : i32
    %mul3A_29 = arith.muli %arg0, %mul3A_28 : i32
    %add3A_30 = arith.addi %mul3A_29, %arg1 : i32
    %mul3A_31 = arith.constant 160 : i32
    %mul3A_32 = arith.muli %add3A_30, %mul3A_31 : i32
    %run_scoped3A_33 = arith.constant 0 : i32
    "tpu.region"() ({
      %run_scoped3A_58 = tpu.sem_alloc : memref<!tpu.dma_semaphore, #tpu.memory_space<semaphore_mem>>
      %dma_start3A_59 = arith.constant 0 : i32
      %dma_start3A_60 = arith.constant 0 : i32
      %dma_start3A_61 = tpu.memref_slice %arg6[%run_scoped3A_33, %dma_start3A_59, %dma_start3A_60] : memref<2x8x128xi32, #tpu.memory_space<vmem>> -> memref<1x8x128xi32, #tpu.memory_space<vmem>>
      %dma_start3A_62 = tpu.memref_squeeze %dma_start3A_61 : memref<1x8x128xi32, #tpu.memory_space<vmem>> -> memref<8x128xi32, #tpu.memory_space<vmem>>
      %dma_start3A_63 = arith.constant 0 : i32
      %dma_start3A_64 = tpu.memref_slice %arg3[%mul3A_32, %dma_start3A_63] : memref<5120x128xi32, #tpu.memory_space<hbm>> -> memref<8x128xi32, #tpu.memory_space<hbm>>
      %dma_start3A_65 = arith.constant 0 : i32
      %dma_start3A_66 = arith.constant 0 : i32
      %dma_start3A_67 = tpu.memref_slice %arg6[%run_scoped3A_33, %dma_start3A_65, %dma_start3A_66] : memref<2x8x128xi32, #tpu.memory_space<vmem>> -> memref<1x8x128xi32, #tpu.memory_space<vmem>>
      %dma_start3A_68 = tpu.memref_squeeze %dma_start3A_67 : memref<1x8x128xi32, #tpu.memory_space<vmem>> -> memref<8x128xi32, #tpu.memory_space<vmem>>
      %dma_start3A_69 = arith.constant 0 : i32
      %dma_start3A_70 = tpu.memref_slice %arg3[%mul3A_32, %dma_start3A_69] : memref<5120x128xi32, #tpu.memory_space<hbm>> -> memref<8x128xi32, #tpu.memory_space<hbm>>
      tpu.enqueue_dma source(%dma_start3A_70 : memref<8x128xi32, #tpu.memory_space<hbm>>) target(%dma_start3A_68 : memref<8x128xi32, #tpu.memory_space<vmem>>) target_semaphore(%run_scoped3A_58 : memref<!tpu.dma_semaphore, #tpu.memory_space<semaphore_mem>>)
      %dma_wait3A = arith.constant 0 : i32
      %dma_wait3A_71 = arith.constant 0 : i32
      %dma_wait3A_72 = tpu.memref_slice %arg6[%run_scoped3A_33, %dma_wait3A, %dma_wait3A_71] : memref<2x8x128xi32, #tpu.memory_space<vmem>> -> memref<1x8x128xi32, #tpu.memory_space<vmem>>
      %dma_wait3A_73 = tpu.memref_squeeze %dma_wait3A_72 : memref<1x8x128xi32, #tpu.memory_space<vmem>> -> memref<8x128xi32, #tpu.memory_space<vmem>>
      %dma_wait3A_74 = arith.constant 0 : i32
      %dma_wait3A_75 = tpu.memref_slice %arg3[%mul3A_32, %dma_wait3A_74] : memref<5120x128xi32, #tpu.memory_space<hbm>> -> memref<8x128xi32, #tpu.memory_space<hbm>>
      %dma_wait3A_76 = arith.constant 0 : i32
      %dma_wait3A_77 = arith.constant 0 : i32
      %dma_wait3A_78 = tpu.memref_slice %arg6[%run_scoped3A_33, %dma_wait3A_76, %dma_wait3A_77] : memref<2x8x128xi32, #tpu.memory_space<vmem>> -> memref<1x8x128xi32, #tpu.memory_space<vmem>>
      %dma_wait3A_79 = tpu.memref_squeeze %dma_wait3A_78 : memref<1x8x128xi32, #tpu.memory_space<vmem>> -> memref<8x128xi32, #tpu.memory_space<vmem>>
      %dma_wait3A_80 = arith.constant 0 : i32
      %dma_wait3A_81 = tpu.memref_slice %arg3[%mul3A_32, %dma_wait3A_80] : memref<5120x128xi32, #tpu.memory_space<hbm>> -> memref<8x128xi32, #tpu.memory_space<hbm>>
      tpu.wait_dma2 semaphore(%run_scoped3A_58 : memref<!tpu.dma_semaphore, #tpu.memory_space<semaphore_mem>>) src(%dma_wait3A_81 : memref<8x128xi32, #tpu.memory_space<hbm>>) dst(%dma_wait3A_79 : memref<8x128xi32, #tpu.memory_space<vmem>>)
      tpu.yield
    }) : () -> ()
    %run_scoped3A_34 = arith.constant 0 : i32
    "tpu.region"() ({
      %run_scoped3A_58 = tpu.sem_alloc : memref<!tpu.dma_semaphore, #tpu.memory_space<semaphore_mem>>
      %dma_start3A_59 = arith.constant 0 : i32
      %dma_start3A_60 = arith.constant 0 : i32
      %dma_start3A_61 = tpu.memref_slice %arg7[%run_scoped3A_34, %dma_start3A_59, %dma_start3A_60] : memref<2x8x128xi32, #tpu.memory_space<vmem>> -> memref<1x8x128xi32, #tpu.memory_space<vmem>>
      %dma_start3A_62 = tpu.memref_squeeze %dma_start3A_61 : memref<1x8x128xi32, #tpu.memory_space<vmem>> -> memref<8x128xi32, #tpu.memory_space<vmem>>
      %dma_start3A_63 = arith.constant 0 : i32
      %dma_start3A_64 = tpu.memref_slice %arg4[%mul3A_32, %dma_start3A_63] : memref<5120x128xi32, #tpu.memory_space<hbm>> -> memref<8x128xi32, #tpu.memory_space<hbm>>
      %dma_start3A_65 = arith.constant 0 : i32
      %dma_start3A_66 = arith.constant 0 : i32
      %dma_start3A_67 = tpu.memref_slice %arg7[%run_scoped3A_34, %dma_start3A_65, %dma_start3A_66] : memref<2x8x128xi32, #tpu.memory_space<vmem>> -> memref<1x8x128xi32, #tpu.memory_space<vmem>>
      %dma_start3A_68 = tpu.memref_squeeze %dma_start3A_67 : memref<1x8x128xi32, #tpu.memory_space<vmem>> -> memref<8x128xi32, #tpu.memory_space<vmem>>
      %dma_start3A_69 = arith.constant 0 : i32
      %dma_start3A_70 = tpu.memref_slice %arg4[%mul3A_32, %dma_start3A_69] : memref<5120x128xi32, #tpu.memory_space<hbm>> -> memref<8x128xi32, #tpu.memory_space<hbm>>
      tpu.enqueue_dma source(%dma_start3A_70 : memref<8x128xi32, #tpu.memory_space<hbm>>) target(%dma_start3A_68 : memref<8x128xi32, #tpu.memory_space<vmem>>) target_semaphore(%run_scoped3A_58 : memref<!tpu.dma_semaphore, #tpu.memory_space<semaphore_mem>>)
      %dma_wait3A = arith.constant 0 : i32
      %dma_wait3A_71 = arith.constant 0 : i32
      %dma_wait3A_72 = tpu.memref_slice %arg7[%run_scoped3A_34, %dma_wait3A, %dma_wait3A_71] : memref<2x8x128xi32, #tpu.memory_space<vmem>> -> memref<1x8x128xi32, #tpu.memory_space<vmem>>
      %dma_wait3A_73 = tpu.memref_squeeze %dma_wait3A_72 : memref<1x8x128xi32, #tpu.memory_space<vmem>> -> memref<8x128xi32, #tpu.memory_space<vmem>>
      %dma_wait3A_74 = arith.constant 0 : i32
      %dma_wait3A_75 = tpu.memref_slice %arg4[%mul3A_32, %dma_wait3A_74] : memref<5120x128xi32, #tpu.memory_space<hbm>> -> memref<8x128xi32, #tpu.memory_space<hbm>>
      %dma_wait3A_76 = arith.constant 0 : i32
      %dma_wait3A_77 = arith.constant 0 : i32
      %dma_wait3A_78 = tpu.memref_slice %arg7[%run_scoped3A_34, %dma_wait3A_76, %dma_wait3A_77] : memref<2x8x128xi32, #tpu.memory_space<vmem>> -> memref<1x8x128xi32, #tpu.memory_space<vmem>>
      %dma_wait3A_79 = tpu.memref_squeeze %dma_wait3A_78 : memref<1x8x128xi32, #tpu.memory_space<vmem>> -> memref<8x128xi32, #tpu.memory_space<vmem>>
      %dma_wait3A_80 = arith.constant 0 : i32
      %dma_wait3A_81 = tpu.memref_slice %arg4[%mul3A_32, %dma_wait3A_80] : memref<5120x128xi32, #tpu.memory_space<hbm>> -> memref<8x128xi32, #tpu.memory_space<hbm>>
      tpu.wait_dma2 semaphore(%run_scoped3A_58 : memref<!tpu.dma_semaphore, #tpu.memory_space<semaphore_mem>>) src(%dma_wait3A_81 : memref<8x128xi32, #tpu.memory_space<hbm>>) dst(%dma_wait3A_79 : memref<8x128xi32, #tpu.memory_space<vmem>>)
      tpu.yield
    }) : () -> ()
    %dma_start3A = arith.constant 0 : i32
    %dma_start3A_35 = arith.constant 0 : i32
    %dma_start3A_36 = arith.constant 0 : i32
    %dma_start3A_37 = arith.constant 0 : i32
    %dma_start3A_38 = arith.constant 0 : i32
    %dma_start3A_39 = tpu.memref_slice %arg8[%dma_start3A_36, %dma_start3A_37, %dma_start3A_38] : memref<2x128x128xf32, #tpu.memory_space<vmem>> -> memref<1x128x128xf32, #tpu.memory_space<vmem>>
    %dma_start3A_40 = tpu.memref_squeeze %dma_start3A_39 : memref<1x128x128xf32, #tpu.memory_space<vmem>> -> memref<128x128xf32, #tpu.memory_space<vmem>>
    %dma_start3A_41 = arith.constant 0 : i32
    %dma_start3A_42 = tpu.memref_slice %arg6[%dma_start3A, %dma_start3A_35, %dma_start3A_41] : memref<2x8x128xi32, #tpu.memory_space<vmem>> -> memref<1x1x128xi32, #tpu.memory_space<vmem>>
    %dma_start3A_43 = tpu.memref_squeeze %dma_start3A_42 : memref<1x1x128xi32, #tpu.memory_space<vmem>> -> memref<128xi32, #tpu.memory_space<vmem>>
    %dma_start3A_44 = arith.constant 0 : i32
    %dma_start3A_45 = arith.constant 0 : i32
    %dma_start3A_46 = tpu.memref_slice %arg2[%dma_start3A_44, %dma_start3A_45] : memref<10000x128xf32, #tpu.memory_space<hbm>> -> memref<10000x128xf32, #tpu.memory_space<hbm>>
    tpu.enqueue_indirect_dma source(%dma_start3A_46 : memref<10000x128xf32, #tpu.memory_space<hbm>>) target(%dma_start3A_40 : memref<128x128xf32, #tpu.memory_space<vmem>>) offsets(%dma_start3A_43 : memref<128xi32, #tpu.memory_space<vmem>>) semaphore(%arg10 : memref<!tpu.dma_semaphore, #tpu.memory_space<semaphore_mem>>)
    %scan3A_47 = arith.constant 0 : i32
    %scan3A_48 = arith.constant 0 : i32
    %scan3A_49 = arith.constant 20 : i32
    %scan3A_50 = arith.addi %scan3A_48, %scan3A_49 : i32
    %scan3A_51 = arith.constant 1 : i32
    scf.for %scan3A_58 = %scan3A_48 to %scan3A_50 step %scan3A_51  : i32 {
      %jit3A = arith.constant 2 : i32
      %eq3A = arith.constant 0 : i32
      %eq3A_59 = arith.cmpi eq, %jit3A, %eq3A : i32
      %jit3A_60 = arith.constant 1 : i32
      %select_n3A = arith.select %eq3A_59, %jit3A_60, %jit3A : i32
      %rem3A = arith.remsi %scan3A_58, %select_n3A : i32
      %ne3A = arith.constant 0 : i32
      %ne3A_61 = arith.cmpi ne, %rem3A, %ne3A : i32
      %lt3A = arith.constant 0 : i32
      %lt3A_62 = arith.cmpi slt, %rem3A, %lt3A : i32
      %lt3A_63 = arith.constant 0 : i32
      %lt3A_64 = arith.cmpi slt, %select_n3A, %lt3A_63 : i32
      %ne3A_65 = arith.xori %lt3A_62, %lt3A_64 : i1
      %and3A = arith.andi %ne3A_65, %ne3A_61 : i1
      %add3A_66 = arith.addi %rem3A, %select_n3A : i32
      %select_n3A_67 = arith.select %and3A, %add3A_66, %rem3A : i32
      %add3A_68 = arith.constant 1 : i32
      %add3A_69 = arith.addi %scan3A_58, %add3A_68 : i32
      %jit3A_70 = arith.constant 2 : i32
      %eq3A_71 = arith.constant 0 : i32
      %eq3A_72 = arith.cmpi eq, %jit3A_70, %eq3A_71 : i32
      %jit3A_73 = arith.constant 1 : i32
      %select_n3A_74 = arith.select %eq3A_72, %jit3A_73, %jit3A_70 : i32
      %rem3A_75 = arith.remsi %add3A_69, %select_n3A_74 : i32
      %ne3A_76 = arith.constant 0 : i32
      %ne3A_77 = arith.cmpi ne, %rem3A_75, %ne3A_76 : i32
      %lt3A_78 = arith.constant 0 : i32
      %lt3A_79 = arith.cmpi slt, %rem3A_75, %lt3A_78 : i32
      %lt3A_80 = arith.constant 0 : i32
      %lt3A_81 = arith.cmpi slt, %select_n3A_74, %lt3A_80 : i32
      %ne3A_82 = arith.xori %lt3A_79, %lt3A_81 : i1
      %and3A_83 = arith.andi %ne3A_82, %ne3A_77 : i1
      %add3A_84 = arith.addi %rem3A_75, %select_n3A_74 : i32
      %select_n3A_85 = arith.select %and3A_83, %add3A_84, %rem3A_75 : i32
      %add3A_86 = arith.constant 1 : i32
      %add3A_87 = arith.addi %scan3A_58, %add3A_86 : i32
      %lt3A_88 = arith.constant 20 : i32
      %lt3A_89 = arith.cmpi slt, %add3A_87, %lt3A_88 : i32
      %convert_element_type3A = arith.extui %lt3A_89 : i1 to i32
      %cond3A = arith.constant 0 : i32
      %cond3A_90 = arith.cmpi ne, %convert_element_type3A, %cond3A : i32
      scf.if %cond3A_90 {
        %add3A_293 = arith.constant 1 : i32
        %add3A_294 = arith.addi %scan3A_58, %add3A_293 : i32
        %mul3A_295 = arith.constant 8 : i32
        %mul3A_296 = arith.muli %add3A_294, %mul3A_295 : i32
        %add3A_297 = arith.addi %mul3A_32, %mul3A_296 : i32
        "tpu.region"() ({
          %run_scoped3A_298 = tpu.sem_alloc : memref<!tpu.dma_semaphore, #tpu.memory_space<semaphore_mem>>
          %dma_start3A_299 = arith.constant 0 : i32
          %dma_start3A_300 = arith.constant 0 : i32
          %dma_start3A_301 = tpu.memref_slice %arg6[%select_n3A_85, %dma_start3A_299, %dma_start3A_300] : memref<2x8x128xi32, #tpu.memory_space<vmem>> -> memref<1x8x128xi32, #tpu.memory_space<vmem>>
          %dma_start3A_302 = tpu.memref_squeeze %dma_start3A_301 : memref<1x8x128xi32, #tpu.memory_space<vmem>> -> memref<8x128xi32, #tpu.memory_space<vmem>>
          %dma_start3A_303 = arith.constant 0 : i32
          %dma_start3A_304 = tpu.memref_slice %arg3[%add3A_297, %dma_start3A_303] : memref<5120x128xi32, #tpu.memory_space<hbm>> -> memref<8x128xi32, #tpu.memory_space<hbm>>
          %dma_start3A_305 = arith.constant 0 : i32
          %dma_start3A_306 = arith.constant 0 : i32
          %dma_start3A_307 = tpu.memref_slice %arg6[%select_n3A_85, %dma_start3A_305, %dma_start3A_306] : memref<2x8x128xi32, #tpu.memory_space<vmem>> -> memref<1x8x128xi32, #tpu.memory_space<vmem>>
          %dma_start3A_308 = tpu.memref_squeeze %dma_start3A_307 : memref<1x8x128xi32, #tpu.memory_space<vmem>> -> memref<8x128xi32, #tpu.memory_space<vmem>>
          %dma_start3A_309 = arith.constant 0 : i32
          %dma_start3A_310 = tpu.memref_slice %arg3[%add3A_297, %dma_start3A_309] : memref<5120x128xi32, #tpu.memory_space<hbm>> -> memref<8x128xi32, #tpu.memory_space<hbm>>
          tpu.enqueue_dma source(%dma_start3A_310 : memref<8x128xi32, #tpu.memory_space<hbm>>) target(%dma_start3A_308 : memref<8x128xi32, #tpu.memory_space<vmem>>) target_semaphore(%run_scoped3A_298 : memref<!tpu.dma_semaphore, #tpu.memory_space<semaphore_mem>>)
          %dma_wait3A_311 = arith.constant 0 : i32
          %dma_wait3A_312 = arith.constant 0 : i32
          %dma_wait3A_313 = tpu.memref_slice %arg6[%select_n3A_85, %dma_wait3A_311, %dma_wait3A_312] : memref<2x8x128xi32, #tpu.memory_space<vmem>> -> memref<1x8x128xi32, #tpu.memory_space<vmem>>
          %dma_wait3A_314 = tpu.memref_squeeze %dma_wait3A_313 : memref<1x8x128xi32, #tpu.memory_space<vmem>> -> memref<8x128xi32, #tpu.memory_space<vmem>>
          %dma_wait3A_315 = arith.constant 0 : i32
          %dma_wait3A_316 = tpu.memref_slice %arg3[%add3A_297, %dma_wait3A_315] : memref<5120x128xi32, #tpu.memory_space<hbm>> -> memref<8x128xi32, #tpu.memory_space<hbm>>
          %dma_wait3A_317 = arith.constant 0 : i32
          %dma_wait3A_318 = arith.constant 0 : i32
          %dma_wait3A_319 = tpu.memref_slice %arg6[%select_n3A_85, %dma_wait3A_317, %dma_wait3A_318] : memref<2x8x128xi32, #tpu.memory_space<vmem>> -> memref<1x8x128xi32, #tpu.memory_space<vmem>>
          %dma_wait3A_320 = tpu.memref_squeeze %dma_wait3A_319 : memref<1x8x128xi32, #tpu.memory_space<vmem>> -> memref<8x128xi32, #tpu.memory_space<vmem>>
          %dma_wait3A_321 = arith.constant 0 : i32
          %dma_wait3A_322 = tpu.memref_slice %arg3[%add3A_297, %dma_wait3A_321] : memref<5120x128xi32, #tpu.memory_space<hbm>> -> memref<8x128xi32, #tpu.memory_space<hbm>>
          tpu.wait_dma2 semaphore(%run_scoped3A_298 : memref<!tpu.dma_semaphore, #tpu.memory_space<semaphore_mem>>) src(%dma_wait3A_322 : memref<8x128xi32, #tpu.memory_space<hbm>>) dst(%dma_wait3A_320 : memref<8x128xi32, #tpu.memory_space<vmem>>)
          tpu.yield
        }) : () -> ()
        "tpu.region"() ({
          %run_scoped3A_298 = tpu.sem_alloc : memref<!tpu.dma_semaphore, #tpu.memory_space<semaphore_mem>>
          %dma_start3A_299 = arith.constant 0 : i32
          %dma_start3A_300 = arith.constant 0 : i32
          %dma_start3A_301 = tpu.memref_slice %arg7[%select_n3A_85, %dma_start3A_299, %dma_start3A_300] : memref<2x8x128xi32, #tpu.memory_space<vmem>> -> memref<1x8x128xi32, #tpu.memory_space<vmem>>
          %dma_start3A_302 = tpu.memref_squeeze %dma_start3A_301 : memref<1x8x128xi32, #tpu.memory_space<vmem>> -> memref<8x128xi32, #tpu.memory_space<vmem>>
          %dma_start3A_303 = arith.constant 0 : i32
          %dma_start3A_304 = tpu.memref_slice %arg4[%add3A_297, %dma_start3A_303] : memref<5120x128xi32, #tpu.memory_space<hbm>> -> memref<8x128xi32, #tpu.memory_space<hbm>>
          %dma_start3A_305 = arith.constant 0 : i32
          %dma_start3A_306 = arith.constant 0 : i32
          %dma_start3A_307 = tpu.memref_slice %arg7[%select_n3A_85, %dma_start3A_305, %dma_start3A_306] : memref<2x8x128xi32, #tpu.memory_space<vmem>> -> memref<1x8x128xi32, #tpu.memory_space<vmem>>
          %dma_start3A_308 = tpu.memref_squeeze %dma_start3A_307 : memref<1x8x128xi32, #tpu.memory_space<vmem>> -> memref<8x128xi32, #tpu.memory_space<vmem>>
          %dma_start3A_309 = arith.constant 0 : i32
          %dma_start3A_310 = tpu.memref_slice %arg4[%add3A_297, %dma_start3A_309] : memref<5120x128xi32, #tpu.memory_space<hbm>> -> memref<8x128xi32, #tpu.memory_space<hbm>>
          tpu.enqueue_dma source(%dma_start3A_310 : memref<8x128xi32, #tpu.memory_space<hbm>>) target(%dma_start3A_308 : memref<8x128xi32, #tpu.memory_space<vmem>>) target_semaphore(%run_scoped3A_298 : memref<!tpu.dma_semaphore, #tpu.memory_space<semaphore_mem>>)
          %dma_wait3A_311 = arith.constant 0 : i32
          %dma_wait3A_312 = arith.constant 0 : i32
          %dma_wait3A_313 = tpu.memref_slice %arg7[%select_n3A_85, %dma_wait3A_311, %dma_wait3A_312] : memref<2x8x128xi32, #tpu.memory_space<vmem>> -> memref<1x8x128xi32, #tpu.memory_space<vmem>>
          %dma_wait3A_314 = tpu.memref_squeeze %dma_wait3A_313 : memref<1x8x128xi32, #tpu.memory_space<vmem>> -> memref<8x128xi32, #tpu.memory_space<vmem>>
          %dma_wait3A_315 = arith.constant 0 : i32
          %dma_wait3A_316 = tpu.memref_slice %arg4[%add3A_297, %dma_wait3A_315] : memref<5120x128xi32, #tpu.memory_space<hbm>> -> memref<8x128xi32, #tpu.memory_space<hbm>>
          %dma_wait3A_317 = arith.constant 0 : i32
          %dma_wait3A_318 = arith.constant 0 : i32
          %dma_wait3A_319 = tpu.memref_slice %arg7[%select_n3A_85, %dma_wait3A_317, %dma_wait3A_318] : memref<2x8x128xi32, #tpu.memory_space<vmem>> -> memref<1x8x128xi32, #tpu.memory_space<vmem>>
          %dma_wait3A_320 = tpu.memref_squeeze %dma_wait3A_319 : memref<1x8x128xi32, #tpu.memory_space<vmem>> -> memref<8x128xi32, #tpu.memory_space<vmem>>
          %dma_wait3A_321 = arith.constant 0 : i32
          %dma_wait3A_322 = tpu.memref_slice %arg4[%add3A_297, %dma_wait3A_321] : memref<5120x128xi32, #tpu.memory_space<hbm>> -> memref<8x128xi32, #tpu.memory_space<hbm>>
          tpu.wait_dma2 semaphore(%run_scoped3A_298 : memref<!tpu.dma_semaphore, #tpu.memory_space<semaphore_mem>>) src(%dma_wait3A_322 : memref<8x128xi32, #tpu.memory_space<hbm>>) dst(%dma_wait3A_320 : memref<8x128xi32, #tpu.memory_space<vmem>>)
          tpu.yield
        }) : () -> ()
      } else {
      }
      %dma_start3A_91 = arith.constant 1 : i32
      %dma_start3A_92 = arith.constant 1 : i32
      %dma_start3A_93 = arith.constant 0 : i32
      %dma_start3A_94 = arith.constant 0 : i32
      %dma_start3A_95 = tpu.memref_slice %arg8[%dma_start3A_92, %dma_start3A_93, %dma_start3A_94] : memref<2x128x128xf32, #tpu.memory_space<vmem>> -> memref<1x128x128xf32, #tpu.memory_space<vmem>>
      %dma_start3A_96 = tpu.memref_squeeze %dma_start3A_95 : memref<1x128x128xf32, #tpu.memory_space<vmem>> -> memref<128x128xf32, #tpu.memory_space<vmem>>
      %dma_start3A_97 = arith.constant 0 : i32
      %dma_start3A_98 = tpu.memref_slice %arg6[%select_n3A_67, %dma_start3A_91, %dma_start3A_97] : memref<2x8x128xi32, #tpu.memory_space<vmem>> -> memref<1x1x128xi32, #tpu.memory_space<vmem>>
      %dma_start3A_99 = tpu.memref_squeeze %dma_start3A_98 : memref<1x1x128xi32, #tpu.memory_space<vmem>> -> memref<128xi32, #tpu.memory_space<vmem>>
      %dma_start3A_100 = arith.constant 0 : i32
      %dma_start3A_101 = arith.constant 0 : i32
      %dma_start3A_102 = tpu.memref_slice %arg2[%dma_start3A_100, %dma_start3A_101] : memref<10000x128xf32, #tpu.memory_space<hbm>> -> memref<10000x128xf32, #tpu.memory_space<hbm>>
      tpu.enqueue_indirect_dma source(%dma_start3A_102 : memref<10000x128xf32, #tpu.memory_space<hbm>>) target(%dma_start3A_96 : memref<128x128xf32, #tpu.memory_space<vmem>>) offsets(%dma_start3A_99 : memref<128xi32, #tpu.memory_space<vmem>>) semaphore(%arg11 : memref<!tpu.dma_semaphore, #tpu.memory_space<semaphore_mem>>)
      %dma_wait3A = arith.constant 0 : i32
      %dma_wait3A_103 = arith.constant 0 : i32
      %dma_wait3A_104 = arith.constant 0 : i32
      %dma_wait3A_105 = arith.constant 0 : i32
      %dma_wait3A_106 = tpu.memref_slice %arg8[%dma_wait3A_103, %dma_wait3A_104, %dma_wait3A_105] : memref<2x128x128xf32, #tpu.memory_space<vmem>> -> memref<1x128x128xf32, #tpu.memory_space<vmem>>
      %dma_wait3A_107 = tpu.memref_squeeze %dma_wait3A_106 : memref<1x128x128xf32, #tpu.memory_space<vmem>> -> memref<128x128xf32, #tpu.memory_space<vmem>>
      %dma_wait3A_108 = arith.constant 0 : i32
      %dma_wait3A_109 = tpu.memref_slice %arg6[%select_n3A_67, %dma_wait3A, %dma_wait3A_108] : memref<2x8x128xi32, #tpu.memory_space<vmem>> -> memref<1x1x128xi32, #tpu.memory_space<vmem>>
      %dma_wait3A_110 = tpu.memref_squeeze %dma_wait3A_109 : memref<1x1x128xi32, #tpu.memory_space<vmem>> -> memref<128xi32, #tpu.memory_space<vmem>>
      %dma_wait3A_111 = arith.constant 0 : i32
      %dma_wait3A_112 = arith.constant 0 : i32
      %dma_wait3A_113 = tpu.memref_slice %arg2[%dma_wait3A_111, %dma_wait3A_112] : memref<10000x128xf32, #tpu.memory_space<hbm>> -> memref<10000x128xf32, #tpu.memory_space<hbm>>
      tpu.wait_indirect_dma semaphore(%arg10 : memref<!tpu.dma_semaphore, #tpu.memory_space<semaphore_mem>>) src(%dma_wait3A_113 : memref<10000x128xf32, #tpu.memory_space<hbm>>) dst(%dma_wait3A_107 : memref<128x128xf32, #tpu.memory_space<vmem>>)
      %run_scoped3A_114 = arith.constant 0 : i32
      %run_scoped3A_115 = arith.constant 0 : i32
      "tpu.region"() ({
        %run_scoped3A_293 = tpu.sem_alloc : memref<!tpu.dma_semaphore, #tpu.memory_space<semaphore_mem>>
        %dma_start3A_294 = arith.constant 0 : i32
        %dma_start3A_295 = arith.constant 0 : i32
        %dma_start3A_296 = tpu.memref_slice %arg8[%run_scoped3A_114, %dma_start3A_294, %dma_start3A_295] : memref<2x128x128xf32, #tpu.memory_space<vmem>> -> memref<1x128x128xf32, #tpu.memory_space<vmem>>
        %dma_start3A_297 = tpu.memref_squeeze %dma_start3A_296 : memref<1x128x128xf32, #tpu.memory_space<vmem>> -> memref<128x128xf32, #tpu.memory_space<vmem>>
        %dma_start3A_298 = arith.constant 0 : i32
        %dma_start3A_299 = tpu.memref_slice %arg7[%select_n3A_67, %run_scoped3A_115, %dma_start3A_298] : memref<2x8x128xi32, #tpu.memory_space<vmem>> -> memref<1x1x128xi32, #tpu.memory_space<vmem>>
        %dma_start3A_300 = tpu.memref_squeeze %dma_start3A_299 : memref<1x1x128xi32, #tpu.memory_space<vmem>> -> memref<128xi32, #tpu.memory_space<vmem>>
        %dma_start3A_301 = arith.constant 0 : i32
        %dma_start3A_302 = arith.constant 0 : i32
        %dma_start3A_303 = tpu.memref_slice %arg9[%dma_start3A_301, %dma_start3A_302] : memref<10240x128xf32, #tpu.memory_space<vmem_shared>> -> memref<10240x128xf32, #tpu.memory_space<vmem_shared>>
        tpu.enqueue_indirect_dma source(%dma_start3A_297 : memref<128x128xf32, #tpu.memory_space<vmem>>) target(%dma_start3A_303 : memref<10240x128xf32, #tpu.memory_space<vmem_shared>>) offsets(%dma_start3A_300 : memref<128xi32, #tpu.memory_space<vmem>>) semaphore(%run_scoped3A_293 : memref<!tpu.dma_semaphore, #tpu.memory_space<semaphore_mem>>) {add = true}
        %dma_wait3A_304 = arith.constant 0 : i32
        %dma_wait3A_305 = arith.constant 0 : i32
        %dma_wait3A_306 = tpu.memref_slice %arg8[%run_scoped3A_114, %dma_wait3A_304, %dma_wait3A_305] : memref<2x128x128xf32, #tpu.memory_space<vmem>> -> memref<1x128x128xf32, #tpu.memory_space<vmem>>
        %dma_wait3A_307 = tpu.memref_squeeze %dma_wait3A_306 : memref<1x128x128xf32, #tpu.memory_space<vmem>> -> memref<128x128xf32, #tpu.memory_space<vmem>>
        %dma_wait3A_308 = arith.constant 0 : i32
        %dma_wait3A_309 = tpu.memref_slice %arg7[%select_n3A_67, %run_scoped3A_115, %dma_wait3A_308] : memref<2x8x128xi32, #tpu.memory_space<vmem>> -> memref<1x1x128xi32, #tpu.memory_space<vmem>>
        %dma_wait3A_310 = tpu.memref_squeeze %dma_wait3A_309 : memref<1x1x128xi32, #tpu.memory_space<vmem>> -> memref<128xi32, #tpu.memory_space<vmem>>
        %dma_wait3A_311 = arith.constant 0 : i32
        %dma_wait3A_312 = arith.constant 0 : i32
        %dma_wait3A_313 = tpu.memref_slice %arg9[%dma_wait3A_311, %dma_wait3A_312] : memref<10240x128xf32, #tpu.memory_space<vmem_shared>> -> memref<10240x128xf32, #tpu.memory_space<vmem_shared>>
        tpu.wait_indirect_dma semaphore(%run_scoped3A_293 : memref<!tpu.dma_semaphore, #tpu.memory_space<semaphore_mem>>) src(%dma_wait3A_307 : memref<128x128xf32, #tpu.memory_space<vmem>>) dst(%dma_wait3A_313 : memref<10240x128xf32, #tpu.memory_space<vmem_shared>>)
        tpu.yield
      }) : () -> ()
      %dma_start3A_116 = arith.constant 2 : i32
      %dma_start3A_117 = arith.constant 0 : i32
      %dma_start3A_118 = arith.constant 0 : i32
      %dma_start3A_119 = arith.constant 0 : i32
      %dma_start3A_120 = tpu.memref_slice %arg8[%dma_start3A_117, %dma_start3A_118, %dma_start3A_119] : memref<2x128x128xf32, #tpu.memory_space<vmem>> -> memref<1x128x128xf32, #tpu.memory_space<vmem>>
      %dma_start3A_121 = tpu.memref_squeeze %dma_start3A_120 : memref<1x128x128xf32, #tpu.memory_space<vmem>> -> memref<128x128xf32, #tpu.memory_space<vmem>>
      %dma_start3A_122 = arith.constant 0 : i32
      %dma_start3A_123 = tpu.memref_slice %arg6[%select_n3A_67, %dma_start3A_116, %dma_start3A_122] : memref<2x8x128xi32, #tpu.memory_space<vmem>> -> memref<1x1x128xi32, #tpu.memory_space<vmem>>
      %dma_start3A_124 = tpu.memref_squeeze %dma_start3A_123 : memref<1x1x128xi32, #tpu.memory_space<vmem>> -> memref<128xi32, #tpu.memory_space<vmem>>
      %dma_start3A_125 = arith.constant 0 : i32
      %dma_start3A_126 = arith.constant 0 : i32
      %dma_start3A_127 = tpu.memref_slice %arg2[%dma_start3A_125, %dma_start3A_126] : memref<10000x128xf32, #tpu.memory_space<hbm>> -> memref<10000x128xf32, #tpu.memory_space<hbm>>
      tpu.enqueue_indirect_dma source(%dma_start3A_127 : memref<10000x128xf32, #tpu.memory_space<hbm>>) target(%dma_start3A_121 : memref<128x128xf32, #tpu.memory_space<vmem>>) offsets(%dma_start3A_124 : memref<128xi32, #tpu.memory_space<vmem>>) semaphore(%arg10 : memref<!tpu.dma_semaphore, #tpu.memory_space<semaphore_mem>>)
      %dma_wait3A_128 = arith.constant 1 : i32
      %dma_wait3A_129 = arith.constant 1 : i32
      %dma_wait3A_130 = arith.constant 0 : i32
      %dma_wait3A_131 = arith.constant 0 : i32
      %dma_wait3A_132 = tpu.memref_slice %arg8[%dma_wait3A_129, %dma_wait3A_130, %dma_wait3A_131] : memref<2x128x128xf32, #tpu.memory_space<vmem>> -> memref<1x128x128xf32, #tpu.memory_space<vmem>>
      %dma_wait3A_133 = tpu.memref_squeeze %dma_wait3A_132 : memref<1x128x128xf32, #tpu.memory_space<vmem>> -> memref<128x128xf32, #tpu.memory_space<vmem>>
      %dma_wait3A_134 = arith.constant 0 : i32
      %dma_wait3A_135 = tpu.memref_slice %arg6[%select_n3A_67, %dma_wait3A_128, %dma_wait3A_134] : memref<2x8x128xi32, #tpu.memory_space<vmem>> -> memref<1x1x128xi32, #tpu.memory_space<vmem>>
      %dma_wait3A_136 = tpu.memref_squeeze %dma_wait3A_135 : memref<1x1x128xi32, #tpu.memory_space<vmem>> -> memref<128xi32, #tpu.memory_space<vmem>>
      %dma_wait3A_137 = arith.constant 0 : i32
      %dma_wait3A_138 = arith.constant 0 : i32
      %dma_wait3A_139 = tpu.memref_slice %arg2[%dma_wait3A_137, %dma_wait3A_138] : memref<10000x128xf32, #tpu.memory_space<hbm>> -> memref<10000x128xf32, #tpu.memory_space<hbm>>
      tpu.wait_indirect_dma semaphore(%arg11 : memref<!tpu.dma_semaphore, #tpu.memory_space<semaphore_mem>>) src(%dma_wait3A_139 : memref<10000x128xf32, #tpu.memory_space<hbm>>) dst(%dma_wait3A_133 : memref<128x128xf32, #tpu.memory_space<vmem>>)
      %run_scoped3A_140 = arith.constant 1 : i32
      %run_scoped3A_141 = arith.constant 1 : i32
      "tpu.region"() ({
        %run_scoped3A_293 = tpu.sem_alloc : memref<!tpu.dma_semaphore, #tpu.memory_space<semaphore_mem>>
        %dma_start3A_294 = arith.constant 0 : i32
        %dma_start3A_295 = arith.constant 0 : i32
        %dma_start3A_296 = tpu.memref_slice %arg8[%run_scoped3A_140, %dma_start3A_294, %dma_start3A_295] : memref<2x128x128xf32, #tpu.memory_space<vmem>> -> memref<1x128x128xf32, #tpu.memory_space<vmem>>
        %dma_start3A_297 = tpu.memref_squeeze %dma_start3A_296 : memref<1x128x128xf32, #tpu.memory_space<vmem>> -> memref<128x128xf32, #tpu.memory_space<vmem>>
        %dma_start3A_298 = arith.constant 0 : i32
        %dma_start3A_299 = tpu.memref_slice %arg7[%select_n3A_67, %run_scoped3A_141, %dma_start3A_298] : memref<2x8x128xi32, #tpu.memory_space<vmem>> -> memref<1x1x128xi32, #tpu.memory_space<vmem>>
        %dma_start3A_300 = tpu.memref_squeeze %dma_start3A_299 : memref<1x1x128xi32, #tpu.memory_space<vmem>> -> memref<128xi32, #tpu.memory_space<vmem>>
        %dma_start3A_301 = arith.constant 0 : i32
        %dma_start3A_302 = arith.constant 0 : i32
        %dma_start3A_303 = tpu.memref_slice %arg9[%dma_start3A_301, %dma_start3A_302] : memref<10240x128xf32, #tpu.memory_space<vmem_shared>> -> memref<10240x128xf32, #tpu.memory_space<vmem_shared>>
        tpu.enqueue_indirect_dma source(%dma_start3A_297 : memref<128x128xf32, #tpu.memory_space<vmem>>) target(%dma_start3A_303 : memref<10240x128xf32, #tpu.memory_space<vmem_shared>>) offsets(%dma_start3A_300 : memref<128xi32, #tpu.memory_space<vmem>>) semaphore(%run_scoped3A_293 : memref<!tpu.dma_semaphore, #tpu.memory_space<semaphore_mem>>) {add = true}
        %dma_wait3A_304 = arith.constant 0 : i32
        %dma_wait3A_305 = arith.constant 0 : i32
        %dma_wait3A_306 = tpu.memref_slice %arg8[%run_scoped3A_140, %dma_wait3A_304, %dma_wait3A_305] : memref<2x128x128xf32, #tpu.memory_space<vmem>> -> memref<1x128x128xf32, #tpu.memory_space<vmem>>
        %dma_wait3A_307 = tpu.memref_squeeze %dma_wait3A_306 : memref<1x128x128xf32, #tpu.memory_space<vmem>> -> memref<128x128xf32, #tpu.memory_space<vmem>>
        %dma_wait3A_308 = arith.constant 0 : i32
        %dma_wait3A_309 = tpu.memref_slice %arg7[%select_n3A_67, %run_scoped3A_141, %dma_wait3A_308] : memref<2x8x128xi32, #tpu.memory_space<vmem>> -> memref<1x1x128xi32, #tpu.memory_space<vmem>>
        %dma_wait3A_310 = tpu.memref_squeeze %dma_wait3A_309 : memref<1x1x128xi32, #tpu.memory_space<vmem>> -> memref<128xi32, #tpu.memory_space<vmem>>
        %dma_wait3A_311 = arith.constant 0 : i32
        %dma_wait3A_312 = arith.constant 0 : i32
        %dma_wait3A_313 = tpu.memref_slice %arg9[%dma_wait3A_311, %dma_wait3A_312] : memref<10240x128xf32, #tpu.memory_space<vmem_shared>> -> memref<10240x128xf32, #tpu.memory_space<vmem_shared>>
        tpu.wait_indirect_dma semaphore(%run_scoped3A_293 : memref<!tpu.dma_semaphore, #tpu.memory_space<semaphore_mem>>) src(%dma_wait3A_307 : memref<128x128xf32, #tpu.memory_space<vmem>>) dst(%dma_wait3A_313 : memref<10240x128xf32, #tpu.memory_space<vmem_shared>>)
        tpu.yield
      }) : () -> ()
      %dma_start3A_142 = arith.constant 3 : i32
      %dma_start3A_143 = arith.constant 1 : i32
      %dma_start3A_144 = arith.constant 0 : i32
      %dma_start3A_145 = arith.constant 0 : i32
      %dma_start3A_146 = tpu.memref_slice %arg8[%dma_start3A_143, %dma_start3A_144, %dma_start3A_145] : memref<2x128x128xf32, #tpu.memory_space<vmem>> -> memref<1x128x128xf32, #tpu.memory_space<vmem>>
      %dma_start3A_147 = tpu.memref_squeeze %dma_start3A_146 : memref<1x128x128xf32, #tpu.memory_space<vmem>> -> memref<128x128xf32, #tpu.memory_space<vmem>>
      %dma_start3A_148 = arith.constant 0 : i32
      %dma_start3A_149 = tpu.memref_slice %arg6[%select_n3A_67, %dma_start3A_142, %dma_start3A_148] : memref<2x8x128xi32, #tpu.memory_space<vmem>> -> memref<1x1x128xi32, #tpu.memory_space<vmem>>
      %dma_start3A_150 = tpu.memref_squeeze %dma_start3A_149 : memref<1x1x128xi32, #tpu.memory_space<vmem>> -> memref<128xi32, #tpu.memory_space<vmem>>
      %dma_start3A_151 = arith.constant 0 : i32
      %dma_start3A_152 = arith.constant 0 : i32
      %dma_start3A_153 = tpu.memref_slice %arg2[%dma_start3A_151, %dma_start3A_152] : memref<10000x128xf32, #tpu.memory_space<hbm>> -> memref<10000x128xf32, #tpu.memory_space<hbm>>
      tpu.enqueue_indirect_dma source(%dma_start3A_153 : memref<10000x128xf32, #tpu.memory_space<hbm>>) target(%dma_start3A_147 : memref<128x128xf32, #tpu.memory_space<vmem>>) offsets(%dma_start3A_150 : memref<128xi32, #tpu.memory_space<vmem>>) semaphore(%arg11 : memref<!tpu.dma_semaphore, #tpu.memory_space<semaphore_mem>>)
      %dma_wait3A_154 = arith.constant 2 : i32
      %dma_wait3A_155 = arith.constant 0 : i32
      %dma_wait3A_156 = arith.constant 0 : i32
      %dma_wait3A_157 = arith.constant 0 : i32
      %dma_wait3A_158 = tpu.memref_slice %arg8[%dma_wait3A_155, %dma_wait3A_156, %dma_wait3A_157] : memref<2x128x128xf32, #tpu.memory_space<vmem>> -> memref<1x128x128xf32, #tpu.memory_space<vmem>>
      %dma_wait3A_159 = tpu.memref_squeeze %dma_wait3A_158 : memref<1x128x128xf32, #tpu.memory_space<vmem>> -> memref<128x128xf32, #tpu.memory_space<vmem>>
      %dma_wait3A_160 = arith.constant 0 : i32
      %dma_wait3A_161 = tpu.memref_slice %arg6[%select_n3A_67, %dma_wait3A_154, %dma_wait3A_160] : memref<2x8x128xi32, #tpu.memory_space<vmem>> -> memref<1x1x128xi32, #tpu.memory_space<vmem>>
      %dma_wait3A_162 = tpu.memref_squeeze %dma_wait3A_161 : memref<1x1x128xi32, #tpu.memory_space<vmem>> -> memref<128xi32, #tpu.memory_space<vmem>>
      %dma_wait3A_163 = arith.constant 0 : i32
      %dma_wait3A_164 = arith.constant 0 : i32
      %dma_wait3A_165 = tpu.memref_slice %arg2[%dma_wait3A_163, %dma_wait3A_164] : memref<10000x128xf32, #tpu.memory_space<hbm>> -> memref<10000x128xf32, #tpu.memory_space<hbm>>
      tpu.wait_indirect_dma semaphore(%arg10 : memref<!tpu.dma_semaphore, #tpu.memory_space<semaphore_mem>>) src(%dma_wait3A_165 : memref<10000x128xf32, #tpu.memory_space<hbm>>) dst(%dma_wait3A_159 : memref<128x128xf32, #tpu.memory_space<vmem>>)
      %run_scoped3A_166 = arith.constant 0 : i32
      %run_scoped3A_167 = arith.constant 2 : i32
      "tpu.region"() ({
        %run_scoped3A_293 = tpu.sem_alloc : memref<!tpu.dma_semaphore, #tpu.memory_space<semaphore_mem>>
        %dma_start3A_294 = arith.constant 0 : i32
        %dma_start3A_295 = arith.constant 0 : i32
        %dma_start3A_296 = tpu.memref_slice %arg8[%run_scoped3A_166, %dma_start3A_294, %dma_start3A_295] : memref<2x128x128xf32, #tpu.memory_space<vmem>> -> memref<1x128x128xf32, #tpu.memory_space<vmem>>
        %dma_start3A_297 = tpu.memref_squeeze %dma_start3A_296 : memref<1x128x128xf32, #tpu.memory_space<vmem>> -> memref<128x128xf32, #tpu.memory_space<vmem>>
        %dma_start3A_298 = arith.constant 0 : i32
        %dma_start3A_299 = tpu.memref_slice %arg7[%select_n3A_67, %run_scoped3A_167, %dma_start3A_298] : memref<2x8x128xi32, #tpu.memory_space<vmem>> -> memref<1x1x128xi32, #tpu.memory_space<vmem>>
        %dma_start3A_300 = tpu.memref_squeeze %dma_start3A_299 : memref<1x1x128xi32, #tpu.memory_space<vmem>> -> memref<128xi32, #tpu.memory_space<vmem>>
        %dma_start3A_301 = arith.constant 0 : i32
        %dma_start3A_302 = arith.constant 0 : i32
        %dma_start3A_303 = tpu.memref_slice %arg9[%dma_start3A_301, %dma_start3A_302] : memref<10240x128xf32, #tpu.memory_space<vmem_shared>> -> memref<10240x128xf32, #tpu.memory_space<vmem_shared>>
        tpu.enqueue_indirect_dma source(%dma_start3A_297 : memref<128x128xf32, #tpu.memory_space<vmem>>) target(%dma_start3A_303 : memref<10240x128xf32, #tpu.memory_space<vmem_shared>>) offsets(%dma_start3A_300 : memref<128xi32, #tpu.memory_space<vmem>>) semaphore(%run_scoped3A_293 : memref<!tpu.dma_semaphore, #tpu.memory_space<semaphore_mem>>) {add = true}
        %dma_wait3A_304 = arith.constant 0 : i32
        %dma_wait3A_305 = arith.constant 0 : i32
        %dma_wait3A_306 = tpu.memref_slice %arg8[%run_scoped3A_166, %dma_wait3A_304, %dma_wait3A_305] : memref<2x128x128xf32, #tpu.memory_space<vmem>> -> memref<1x128x128xf32, #tpu.memory_space<vmem>>
        %dma_wait3A_307 = tpu.memref_squeeze %dma_wait3A_306 : memref<1x128x128xf32, #tpu.memory_space<vmem>> -> memref<128x128xf32, #tpu.memory_space<vmem>>
        %dma_wait3A_308 = arith.constant 0 : i32
        %dma_wait3A_309 = tpu.memref_slice %arg7[%select_n3A_67, %run_scoped3A_167, %dma_wait3A_308] : memref<2x8x128xi32, #tpu.memory_space<vmem>> -> memref<1x1x128xi32, #tpu.memory_space<vmem>>
        %dma_wait3A_310 = tpu.memref_squeeze %dma_wait3A_309 : memref<1x1x128xi32, #tpu.memory_space<vmem>> -> memref<128xi32, #tpu.memory_space<vmem>>
        %dma_wait3A_311 = arith.constant 0 : i32
        %dma_wait3A_312 = arith.constant 0 : i32
        %dma_wait3A_313 = tpu.memref_slice %arg9[%dma_wait3A_311, %dma_wait3A_312] : memref<10240x128xf32, #tpu.memory_space<vmem_shared>> -> memref<10240x128xf32, #tpu.memory_space<vmem_shared>>
        tpu.wait_indirect_dma semaphore(%run_scoped3A_293 : memref<!tpu.dma_semaphore, #tpu.memory_space<semaphore_mem>>) src(%dma_wait3A_307 : memref<128x128xf32, #tpu.memory_space<vmem>>) dst(%dma_wait3A_313 : memref<10240x128xf32, #tpu.memory_space<vmem_shared>>)
        tpu.yield
      }) : () -> ()
      %dma_start3A_168 = arith.constant 4 : i32
      %dma_start3A_169 = arith.constant 0 : i32
      %dma_start3A_170 = arith.constant 0 : i32
      %dma_start3A_171 = arith.constant 0 : i32
      %dma_start3A_172 = tpu.memref_slice %arg8[%dma_start3A_169, %dma_start3A_170, %dma_start3A_171] : memref<2x128x128xf32, #tpu.memory_space<vmem>> -> memref<1x128x128xf32, #tpu.memory_space<vmem>>
      %dma_start3A_173 = tpu.memref_squeeze %dma_start3A_172 : memref<1x128x128xf32, #tpu.memory_space<vmem>> -> memref<128x128xf32, #tpu.memory_space<vmem>>
      %dma_start3A_174 = arith.constant 0 : i32
      %dma_start3A_175 = tpu.memref_slice %arg6[%select_n3A_67, %dma_start3A_168, %dma_start3A_174] : memref<2x8x128xi32, #tpu.memory_space<vmem>> -> memref<1x1x128xi32, #tpu.memory_space<vmem>>
      %dma_start3A_176 = tpu.memref_squeeze %dma_start3A_175 : memref<1x1x128xi32, #tpu.memory_space<vmem>> -> memref<128xi32, #tpu.memory_space<vmem>>
      %dma_start3A_177 = arith.constant 0 : i32
      %dma_start3A_178 = arith.constant 0 : i32
      %dma_start3A_179 = tpu.memref_slice %arg2[%dma_start3A_177, %dma_start3A_178] : memref<10000x128xf32, #tpu.memory_space<hbm>> -> memref<10000x128xf32, #tpu.memory_space<hbm>>
      tpu.enqueue_indirect_dma source(%dma_start3A_179 : memref<10000x128xf32, #tpu.memory_space<hbm>>) target(%dma_start3A_173 : memref<128x128xf32, #tpu.memory_space<vmem>>) offsets(%dma_start3A_176 : memref<128xi32, #tpu.memory_space<vmem>>) semaphore(%arg10 : memref<!tpu.dma_semaphore, #tpu.memory_space<semaphore_mem>>)
      %dma_wait3A_180 = arith.constant 3 : i32
      %dma_wait3A_181 = arith.constant 1 : i32
      %dma_wait3A_182 = arith.constant 0 : i32
      %dma_wait3A_183 = arith.constant 0 : i32
      %dma_wait3A_184 = tpu.memref_slice %arg8[%dma_wait3A_181, %dma_wait3A_182, %dma_wait3A_183] : memref<2x128x128xf32, #tpu.memory_space<vmem>> -> memref<1x128x128xf32, #tpu.memory_space<vmem>>
      %dma_wait3A_185 = tpu.memref_squeeze %dma_wait3A_184 : memref<1x128x128xf32, #tpu.memory_space<vmem>> -> memref<128x128xf32, #tpu.memory_space<vmem>>
      %dma_wait3A_186 = arith.constant 0 : i32
      %dma_wait3A_187 = tpu.memref_slice %arg6[%select_n3A_67, %dma_wait3A_180, %dma_wait3A_186] : memref<2x8x128xi32, #tpu.memory_space<vmem>> -> memref<1x1x128xi32, #tpu.memory_space<vmem>>
      %dma_wait3A_188 = tpu.memref_squeeze %dma_wait3A_187 : memref<1x1x128xi32, #tpu.memory_space<vmem>> -> memref<128xi32, #tpu.memory_space<vmem>>
      %dma_wait3A_189 = arith.constant 0 : i32
      %dma_wait3A_190 = arith.constant 0 : i32
      %dma_wait3A_191 = tpu.memref_slice %arg2[%dma_wait3A_189, %dma_wait3A_190] : memref<10000x128xf32, #tpu.memory_space<hbm>> -> memref<10000x128xf32, #tpu.memory_space<hbm>>
      tpu.wait_indirect_dma semaphore(%arg11 : memref<!tpu.dma_semaphore, #tpu.memory_space<semaphore_mem>>) src(%dma_wait3A_191 : memref<10000x128xf32, #tpu.memory_space<hbm>>) dst(%dma_wait3A_185 : memref<128x128xf32, #tpu.memory_space<vmem>>)
      %run_scoped3A_192 = arith.constant 1 : i32
      %run_scoped3A_193 = arith.constant 3 : i32
      "tpu.region"() ({
        %run_scoped3A_293 = tpu.sem_alloc : memref<!tpu.dma_semaphore, #tpu.memory_space<semaphore_mem>>
        %dma_start3A_294 = arith.constant 0 : i32
        %dma_start3A_295 = arith.constant 0 : i32
        %dma_start3A_296 = tpu.memref_slice %arg8[%run_scoped3A_192, %dma_start3A_294, %dma_start3A_295] : memref<2x128x128xf32, #tpu.memory_space<vmem>> -> memref<1x128x128xf32, #tpu.memory_space<vmem>>
        %dma_start3A_297 = tpu.memref_squeeze %dma_start3A_296 : memref<1x128x128xf32, #tpu.memory_space<vmem>> -> memref<128x128xf32, #tpu.memory_space<vmem>>
        %dma_start3A_298 = arith.constant 0 : i32
        %dma_start3A_299 = tpu.memref_slice %arg7[%select_n3A_67, %run_scoped3A_193, %dma_start3A_298] : memref<2x8x128xi32, #tpu.memory_space<vmem>> -> memref<1x1x128xi32, #tpu.memory_space<vmem>>
        %dma_start3A_300 = tpu.memref_squeeze %dma_start3A_299 : memref<1x1x128xi32, #tpu.memory_space<vmem>> -> memref<128xi32, #tpu.memory_space<vmem>>
        %dma_start3A_301 = arith.constant 0 : i32
        %dma_start3A_302 = arith.constant 0 : i32
        %dma_start3A_303 = tpu.memref_slice %arg9[%dma_start3A_301, %dma_start3A_302] : memref<10240x128xf32, #tpu.memory_space<vmem_shared>> -> memref<10240x128xf32, #tpu.memory_space<vmem_shared>>
        tpu.enqueue_indirect_dma source(%dma_start3A_297 : memref<128x128xf32, #tpu.memory_space<vmem>>) target(%dma_start3A_303 : memref<10240x128xf32, #tpu.memory_space<vmem_shared>>) offsets(%dma_start3A_300 : memref<128xi32, #tpu.memory_space<vmem>>) semaphore(%run_scoped3A_293 : memref<!tpu.dma_semaphore, #tpu.memory_space<semaphore_mem>>) {add = true}
        %dma_wait3A_304 = arith.constant 0 : i32
        %dma_wait3A_305 = arith.constant 0 : i32
        %dma_wait3A_306 = tpu.memref_slice %arg8[%run_scoped3A_192, %dma_wait3A_304, %dma_wait3A_305] : memref<2x128x128xf32, #tpu.memory_space<vmem>> -> memref<1x128x128xf32, #tpu.memory_space<vmem>>
        %dma_wait3A_307 = tpu.memref_squeeze %dma_wait3A_306 : memref<1x128x128xf32, #tpu.memory_space<vmem>> -> memref<128x128xf32, #tpu.memory_space<vmem>>
        %dma_wait3A_308 = arith.constant 0 : i32
        %dma_wait3A_309 = tpu.memref_slice %arg7[%select_n3A_67, %run_scoped3A_193, %dma_wait3A_308] : memref<2x8x128xi32, #tpu.memory_space<vmem>> -> memref<1x1x128xi32, #tpu.memory_space<vmem>>
        %dma_wait3A_310 = tpu.memref_squeeze %dma_wait3A_309 : memref<1x1x128xi32, #tpu.memory_space<vmem>> -> memref<128xi32, #tpu.memory_space<vmem>>
        %dma_wait3A_311 = arith.constant 0 : i32
        %dma_wait3A_312 = arith.constant 0 : i32
        %dma_wait3A_313 = tpu.memref_slice %arg9[%dma_wait3A_311, %dma_wait3A_312] : memref<10240x128xf32, #tpu.memory_space<vmem_shared>> -> memref<10240x128xf32, #tpu.memory_space<vmem_shared>>
        tpu.wait_indirect_dma semaphore(%run_scoped3A_293 : memref<!tpu.dma_semaphore, #tpu.memory_space<semaphore_mem>>) src(%dma_wait3A_307 : memref<128x128xf32, #tpu.memory_space<vmem>>) dst(%dma_wait3A_313 : memref<10240x128xf32, #tpu.memory_space<vmem_shared>>)
        tpu.yield
      }) : () -> ()
      %dma_start3A_194 = arith.constant 5 : i32
      %dma_start3A_195 = arith.constant 1 : i32
      %dma_start3A_196 = arith.constant 0 : i32
      %dma_start3A_197 = arith.constant 0 : i32
      %dma_start3A_198 = tpu.memref_slice %arg8[%dma_start3A_195, %dma_start3A_196, %dma_start3A_197] : memref<2x128x128xf32, #tpu.memory_space<vmem>> -> memref<1x128x128xf32, #tpu.memory_space<vmem>>
      %dma_start3A_199 = tpu.memref_squeeze %dma_start3A_198 : memref<1x128x128xf32, #tpu.memory_space<vmem>> -> memref<128x128xf32, #tpu.memory_space<vmem>>
      %dma_start3A_200 = arith.constant 0 : i32
      %dma_start3A_201 = tpu.memref_slice %arg6[%select_n3A_67, %dma_start3A_194, %dma_start3A_200] : memref<2x8x128xi32, #tpu.memory_space<vmem>> -> memref<1x1x128xi32, #tpu.memory_space<vmem>>
      %dma_start3A_202 = tpu.memref_squeeze %dma_start3A_201 : memref<1x1x128xi32, #tpu.memory_space<vmem>> -> memref<128xi32, #tpu.memory_space<vmem>>
      %dma_start3A_203 = arith.constant 0 : i32
      %dma_start3A_204 = arith.constant 0 : i32
      %dma_start3A_205 = tpu.memref_slice %arg2[%dma_start3A_203, %dma_start3A_204] : memref<10000x128xf32, #tpu.memory_space<hbm>> -> memref<10000x128xf32, #tpu.memory_space<hbm>>
      tpu.enqueue_indirect_dma source(%dma_start3A_205 : memref<10000x128xf32, #tpu.memory_space<hbm>>) target(%dma_start3A_199 : memref<128x128xf32, #tpu.memory_space<vmem>>) offsets(%dma_start3A_202 : memref<128xi32, #tpu.memory_space<vmem>>) semaphore(%arg11 : memref<!tpu.dma_semaphore, #tpu.memory_space<semaphore_mem>>)
      %dma_wait3A_206 = arith.constant 4 : i32
      %dma_wait3A_207 = arith.constant 0 : i32
      %dma_wait3A_208 = arith.constant 0 : i32
      %dma_wait3A_209 = arith.constant 0 : i32
      %dma_wait3A_210 = tpu.memref_slice %arg8[%dma_wait3A_207, %dma_wait3A_208, %dma_wait3A_209] : memref<2x128x128xf32, #tpu.memory_space<vmem>> -> memref<1x128x128xf32, #tpu.memory_space<vmem>>
      %dma_wait3A_211 = tpu.memref_squeeze %dma_wait3A_210 : memref<1x128x128xf32, #tpu.memory_space<vmem>> -> memref<128x128xf32, #tpu.memory_space<vmem>>
      %dma_wait3A_212 = arith.constant 0 : i32
      %dma_wait3A_213 = tpu.memref_slice %arg6[%select_n3A_67, %dma_wait3A_206, %dma_wait3A_212] : memref<2x8x128xi32, #tpu.memory_space<vmem>> -> memref<1x1x128xi32, #tpu.memory_space<vmem>>
      %dma_wait3A_214 = tpu.memref_squeeze %dma_wait3A_213 : memref<1x1x128xi32, #tpu.memory_space<vmem>> -> memref<128xi32, #tpu.memory_space<vmem>>
      %dma_wait3A_215 = arith.constant 0 : i32
      %dma_wait3A_216 = arith.constant 0 : i32
      %dma_wait3A_217 = tpu.memref_slice %arg2[%dma_wait3A_215, %dma_wait3A_216] : memref<10000x128xf32, #tpu.memory_space<hbm>> -> memref<10000x128xf32, #tpu.memory_space<hbm>>
      tpu.wait_indirect_dma semaphore(%arg10 : memref<!tpu.dma_semaphore, #tpu.memory_space<semaphore_mem>>) src(%dma_wait3A_217 : memref<10000x128xf32, #tpu.memory_space<hbm>>) dst(%dma_wait3A_211 : memref<128x128xf32, #tpu.memory_space<vmem>>)
      %run_scoped3A_218 = arith.constant 0 : i32
      %run_scoped3A_219 = arith.constant 4 : i32
      "tpu.region"() ({
        %run_scoped3A_293 = tpu.sem_alloc : memref<!tpu.dma_semaphore, #tpu.memory_space<semaphore_mem>>
        %dma_start3A_294 = arith.constant 0 : i32
        %dma_start3A_295 = arith.constant 0 : i32
        %dma_start3A_296 = tpu.memref_slice %arg8[%run_scoped3A_218, %dma_start3A_294, %dma_start3A_295] : memref<2x128x128xf32, #tpu.memory_space<vmem>> -> memref<1x128x128xf32, #tpu.memory_space<vmem>>
        %dma_start3A_297 = tpu.memref_squeeze %dma_start3A_296 : memref<1x128x128xf32, #tpu.memory_space<vmem>> -> memref<128x128xf32, #tpu.memory_space<vmem>>
        %dma_start3A_298 = arith.constant 0 : i32
        %dma_start3A_299 = tpu.memref_slice %arg7[%select_n3A_67, %run_scoped3A_219, %dma_start3A_298] : memref<2x8x128xi32, #tpu.memory_space<vmem>> -> memref<1x1x128xi32, #tpu.memory_space<vmem>>
        %dma_start3A_300 = tpu.memref_squeeze %dma_start3A_299 : memref<1x1x128xi32, #tpu.memory_space<vmem>> -> memref<128xi32, #tpu.memory_space<vmem>>
        %dma_start3A_301 = arith.constant 0 : i32
        %dma_start3A_302 = arith.constant 0 : i32
        %dma_start3A_303 = tpu.memref_slice %arg9[%dma_start3A_301, %dma_start3A_302] : memref<10240x128xf32, #tpu.memory_space<vmem_shared>> -> memref<10240x128xf32, #tpu.memory_space<vmem_shared>>
        tpu.enqueue_indirect_dma source(%dma_start3A_297 : memref<128x128xf32, #tpu.memory_space<vmem>>) target(%dma_start3A_303 : memref<10240x128xf32, #tpu.memory_space<vmem_shared>>) offsets(%dma_start3A_300 : memref<128xi32, #tpu.memory_space<vmem>>) semaphore(%run_scoped3A_293 : memref<!tpu.dma_semaphore, #tpu.memory_space<semaphore_mem>>) {add = true}
        %dma_wait3A_304 = arith.constant 0 : i32
        %dma_wait3A_305 = arith.constant 0 : i32
        %dma_wait3A_306 = tpu.memref_slice %arg8[%run_scoped3A_218, %dma_wait3A_304, %dma_wait3A_305] : memref<2x128x128xf32, #tpu.memory_space<vmem>> -> memref<1x128x128xf32, #tpu.memory_space<vmem>>
        %dma_wait3A_307 = tpu.memref_squeeze %dma_wait3A_306 : memref<1x128x128xf32, #tpu.memory_space<vmem>> -> memref<128x128xf32, #tpu.memory_space<vmem>>
        %dma_wait3A_308 = arith.constant 0 : i32
        %dma_wait3A_309 = tpu.memref_slice %arg7[%select_n3A_67, %run_scoped3A_219, %dma_wait3A_308] : memref<2x8x128xi32, #tpu.memory_space<vmem>> -> memref<1x1x128xi32, #tpu.memory_space<vmem>>
        %dma_wait3A_310 = tpu.memref_squeeze %dma_wait3A_309 : memref<1x1x128xi32, #tpu.memory_space<vmem>> -> memref<128xi32, #tpu.memory_space<vmem>>
        %dma_wait3A_311 = arith.constant 0 : i32
        %dma_wait3A_312 = arith.constant 0 : i32
        %dma_wait3A_313 = tpu.memref_slice %arg9[%dma_wait3A_311, %dma_wait3A_312] : memref<10240x128xf32, #tpu.memory_space<vmem_shared>> -> memref<10240x128xf32, #tpu.memory_space<vmem_shared>>
        tpu.wait_indirect_dma semaphore(%run_scoped3A_293 : memref<!tpu.dma_semaphore, #tpu.memory_space<semaphore_mem>>) src(%dma_wait3A_307 : memref<128x128xf32, #tpu.memory_space<vmem>>) dst(%dma_wait3A_313 : memref<10240x128xf32, #tpu.memory_space<vmem_shared>>)
        tpu.yield
      }) : () -> ()
      %dma_start3A_220 = arith.constant 6 : i32
      %dma_start3A_221 = arith.constant 0 : i32
      %dma_start3A_222 = arith.constant 0 : i32
      %dma_start3A_223 = arith.constant 0 : i32
      %dma_start3A_224 = tpu.memref_slice %arg8[%dma_start3A_221, %dma_start3A_222, %dma_start3A_223] : memref<2x128x128xf32, #tpu.memory_space<vmem>> -> memref<1x128x128xf32, #tpu.memory_space<vmem>>
      %dma_start3A_225 = tpu.memref_squeeze %dma_start3A_224 : memref<1x128x128xf32, #tpu.memory_space<vmem>> -> memref<128x128xf32, #tpu.memory_space<vmem>>
      %dma_start3A_226 = arith.constant 0 : i32
      %dma_start3A_227 = tpu.memref_slice %arg6[%select_n3A_67, %dma_start3A_220, %dma_start3A_226] : memref<2x8x128xi32, #tpu.memory_space<vmem>> -> memref<1x1x128xi32, #tpu.memory_space<vmem>>
      %dma_start3A_228 = tpu.memref_squeeze %dma_start3A_227 : memref<1x1x128xi32, #tpu.memory_space<vmem>> -> memref<128xi32, #tpu.memory_space<vmem>>
      %dma_start3A_229 = arith.constant 0 : i32
      %dma_start3A_230 = arith.constant 0 : i32
      %dma_start3A_231 = tpu.memref_slice %arg2[%dma_start3A_229, %dma_start3A_230] : memref<10000x128xf32, #tpu.memory_space<hbm>> -> memref<10000x128xf32, #tpu.memory_space<hbm>>
      tpu.enqueue_indirect_dma source(%dma_start3A_231 : memref<10000x128xf32, #tpu.memory_space<hbm>>) target(%dma_start3A_225 : memref<128x128xf32, #tpu.memory_space<vmem>>) offsets(%dma_start3A_228 : memref<128xi32, #tpu.memory_space<vmem>>) semaphore(%arg10 : memref<!tpu.dma_semaphore, #tpu.memory_space<semaphore_mem>>)
      %dma_wait3A_232 = arith.constant 5 : i32
      %dma_wait3A_233 = arith.constant 1 : i32
      %dma_wait3A_234 = arith.constant 0 : i32
      %dma_wait3A_235 = arith.constant 0 : i32
      %dma_wait3A_236 = tpu.memref_slice %arg8[%dma_wait3A_233, %dma_wait3A_234, %dma_wait3A_235] : memref<2x128x128xf32, #tpu.memory_space<vmem>> -> memref<1x128x128xf32, #tpu.memory_space<vmem>>
      %dma_wait3A_237 = tpu.memref_squeeze %dma_wait3A_236 : memref<1x128x128xf32, #tpu.memory_space<vmem>> -> memref<128x128xf32, #tpu.memory_space<vmem>>
      %dma_wait3A_238 = arith.constant 0 : i32
      %dma_wait3A_239 = tpu.memref_slice %arg6[%select_n3A_67, %dma_wait3A_232, %dma_wait3A_238] : memref<2x8x128xi32, #tpu.memory_space<vmem>> -> memref<1x1x128xi32, #tpu.memory_space<vmem>>
      %dma_wait3A_240 = tpu.memref_squeeze %dma_wait3A_239 : memref<1x1x128xi32, #tpu.memory_space<vmem>> -> memref<128xi32, #tpu.memory_space<vmem>>
      %dma_wait3A_241 = arith.constant 0 : i32
      %dma_wait3A_242 = arith.constant 0 : i32
      %dma_wait3A_243 = tpu.memref_slice %arg2[%dma_wait3A_241, %dma_wait3A_242] : memref<10000x128xf32, #tpu.memory_space<hbm>> -> memref<10000x128xf32, #tpu.memory_space<hbm>>
      tpu.wait_indirect_dma semaphore(%arg11 : memref<!tpu.dma_semaphore, #tpu.memory_space<semaphore_mem>>) src(%dma_wait3A_243 : memref<10000x128xf32, #tpu.memory_space<hbm>>) dst(%dma_wait3A_237 : memref<128x128xf32, #tpu.memory_space<vmem>>)
      %run_scoped3A_244 = arith.constant 1 : i32
      %run_scoped3A_245 = arith.constant 5 : i32
      "tpu.region"() ({
        %run_scoped3A_293 = tpu.sem_alloc : memref<!tpu.dma_semaphore, #tpu.memory_space<semaphore_mem>>
        %dma_start3A_294 = arith.constant 0 : i32
        %dma_start3A_295 = arith.constant 0 : i32
        %dma_start3A_296 = tpu.memref_slice %arg8[%run_scoped3A_244, %dma_start3A_294, %dma_start3A_295] : memref<2x128x128xf32, #tpu.memory_space<vmem>> -> memref<1x128x128xf32, #tpu.memory_space<vmem>>
        %dma_start3A_297 = tpu.memref_squeeze %dma_start3A_296 : memref<1x128x128xf32, #tpu.memory_space<vmem>> -> memref<128x128xf32, #tpu.memory_space<vmem>>
        %dma_start3A_298 = arith.constant 0 : i32
        %dma_start3A_299 = tpu.memref_slice %arg7[%select_n3A_67, %run_scoped3A_245, %dma_start3A_298] : memref<2x8x128xi32, #tpu.memory_space<vmem>> -> memref<1x1x128xi32, #tpu.memory_space<vmem>>
        %dma_start3A_300 = tpu.memref_squeeze %dma_start3A_299 : memref<1x1x128xi32, #tpu.memory_space<vmem>> -> memref<128xi32, #tpu.memory_space<vmem>>
        %dma_start3A_301 = arith.constant 0 : i32
        %dma_start3A_302 = arith.constant 0 : i32
        %dma_start3A_303 = tpu.memref_slice %arg9[%dma_start3A_301, %dma_start3A_302] : memref<10240x128xf32, #tpu.memory_space<vmem_shared>> -> memref<10240x128xf32, #tpu.memory_space<vmem_shared>>
        tpu.enqueue_indirect_dma source(%dma_start3A_297 : memref<128x128xf32, #tpu.memory_space<vmem>>) target(%dma_start3A_303 : memref<10240x128xf32, #tpu.memory_space<vmem_shared>>) offsets(%dma_start3A_300 : memref<128xi32, #tpu.memory_space<vmem>>) semaphore(%run_scoped3A_293 : memref<!tpu.dma_semaphore, #tpu.memory_space<semaphore_mem>>) {add = true}
        %dma_wait3A_304 = arith.constant 0 : i32
        %dma_wait3A_305 = arith.constant 0 : i32
        %dma_wait3A_306 = tpu.memref_slice %arg8[%run_scoped3A_244, %dma_wait3A_304, %dma_wait3A_305] : memref<2x128x128xf32, #tpu.memory_space<vmem>> -> memref<1x128x128xf32, #tpu.memory_space<vmem>>
        %dma_wait3A_307 = tpu.memref_squeeze %dma_wait3A_306 : memref<1x128x128xf32, #tpu.memory_space<vmem>> -> memref<128x128xf32, #tpu.memory_space<vmem>>
        %dma_wait3A_308 = arith.constant 0 : i32
        %dma_wait3A_309 = tpu.memref_slice %arg7[%select_n3A_67, %run_scoped3A_245, %dma_wait3A_308] : memref<2x8x128xi32, #tpu.memory_space<vmem>> -> memref<1x1x128xi32, #tpu.memory_space<vmem>>
        %dma_wait3A_310 = tpu.memref_squeeze %dma_wait3A_309 : memref<1x1x128xi32, #tpu.memory_space<vmem>> -> memref<128xi32, #tpu.memory_space<vmem>>
        %dma_wait3A_311 = arith.constant 0 : i32
        %dma_wait3A_312 = arith.constant 0 : i32
        %dma_wait3A_313 = tpu.memref_slice %arg9[%dma_wait3A_311, %dma_wait3A_312] : memref<10240x128xf32, #tpu.memory_space<vmem_shared>> -> memref<10240x128xf32, #tpu.memory_space<vmem_shared>>
        tpu.wait_indirect_dma semaphore(%run_scoped3A_293 : memref<!tpu.dma_semaphore, #tpu.memory_space<semaphore_mem>>) src(%dma_wait3A_307 : memref<128x128xf32, #tpu.memory_space<vmem>>) dst(%dma_wait3A_313 : memref<10240x128xf32, #tpu.memory_space<vmem_shared>>)
        tpu.yield
      }) : () -> ()
      %dma_start3A_246 = arith.constant 7 : i32
      %dma_start3A_247 = arith.constant 1 : i32
      %dma_start3A_248 = arith.constant 0 : i32
      %dma_start3A_249 = arith.constant 0 : i32
      %dma_start3A_250 = tpu.memref_slice %arg8[%dma_start3A_247, %dma_start3A_248, %dma_start3A_249] : memref<2x128x128xf32, #tpu.memory_space<vmem>> -> memref<1x128x128xf32, #tpu.memory_space<vmem>>
      %dma_start3A_251 = tpu.memref_squeeze %dma_start3A_250 : memref<1x128x128xf32, #tpu.memory_space<vmem>> -> memref<128x128xf32, #tpu.memory_space<vmem>>
      %dma_start3A_252 = arith.constant 0 : i32
      %dma_start3A_253 = tpu.memref_slice %arg6[%select_n3A_67, %dma_start3A_246, %dma_start3A_252] : memref<2x8x128xi32, #tpu.memory_space<vmem>> -> memref<1x1x128xi32, #tpu.memory_space<vmem>>
      %dma_start3A_254 = tpu.memref_squeeze %dma_start3A_253 : memref<1x1x128xi32, #tpu.memory_space<vmem>> -> memref<128xi32, #tpu.memory_space<vmem>>
      %dma_start3A_255 = arith.constant 0 : i32
      %dma_start3A_256 = arith.constant 0 : i32
      %dma_start3A_257 = tpu.memref_slice %arg2[%dma_start3A_255, %dma_start3A_256] : memref<10000x128xf32, #tpu.memory_space<hbm>> -> memref<10000x128xf32, #tpu.memory_space<hbm>>
      tpu.enqueue_indirect_dma source(%dma_start3A_257 : memref<10000x128xf32, #tpu.memory_space<hbm>>) target(%dma_start3A_251 : memref<128x128xf32, #tpu.memory_space<vmem>>) offsets(%dma_start3A_254 : memref<128xi32, #tpu.memory_space<vmem>>) semaphore(%arg11 : memref<!tpu.dma_semaphore, #tpu.memory_space<semaphore_mem>>)
      %dma_wait3A_258 = arith.constant 6 : i32
      %dma_wait3A_259 = arith.constant 0 : i32
      %dma_wait3A_260 = arith.constant 0 : i32
      %dma_wait3A_261 = arith.constant 0 : i32
      %dma_wait3A_262 = tpu.memref_slice %arg8[%dma_wait3A_259, %dma_wait3A_260, %dma_wait3A_261] : memref<2x128x128xf32, #tpu.memory_space<vmem>> -> memref<1x128x128xf32, #tpu.memory_space<vmem>>
      %dma_wait3A_263 = tpu.memref_squeeze %dma_wait3A_262 : memref<1x128x128xf32, #tpu.memory_space<vmem>> -> memref<128x128xf32, #tpu.memory_space<vmem>>
      %dma_wait3A_264 = arith.constant 0 : i32
      %dma_wait3A_265 = tpu.memref_slice %arg6[%select_n3A_67, %dma_wait3A_258, %dma_wait3A_264] : memref<2x8x128xi32, #tpu.memory_space<vmem>> -> memref<1x1x128xi32, #tpu.memory_space<vmem>>
      %dma_wait3A_266 = tpu.memref_squeeze %dma_wait3A_265 : memref<1x1x128xi32, #tpu.memory_space<vmem>> -> memref<128xi32, #tpu.memory_space<vmem>>
      %dma_wait3A_267 = arith.constant 0 : i32
      %dma_wait3A_268 = arith.constant 0 : i32
      %dma_wait3A_269 = tpu.memref_slice %arg2[%dma_wait3A_267, %dma_wait3A_268] : memref<10000x128xf32, #tpu.memory_space<hbm>> -> memref<10000x128xf32, #tpu.memory_space<hbm>>
      tpu.wait_indirect_dma semaphore(%arg10 : memref<!tpu.dma_semaphore, #tpu.memory_space<semaphore_mem>>) src(%dma_wait3A_269 : memref<10000x128xf32, #tpu.memory_space<hbm>>) dst(%dma_wait3A_263 : memref<128x128xf32, #tpu.memory_space<vmem>>)
      %run_scoped3A_270 = arith.constant 0 : i32
      %run_scoped3A_271 = arith.constant 6 : i32
      "tpu.region"() ({
        %run_scoped3A_293 = tpu.sem_alloc : memref<!tpu.dma_semaphore, #tpu.memory_space<semaphore_mem>>
        %dma_start3A_294 = arith.constant 0 : i32
        %dma_start3A_295 = arith.constant 0 : i32
        %dma_start3A_296 = tpu.memref_slice %arg8[%run_scoped3A_270, %dma_start3A_294, %dma_start3A_295] : memref<2x128x128xf32, #tpu.memory_space<vmem>> -> memref<1x128x128xf32, #tpu.memory_space<vmem>>
        %dma_start3A_297 = tpu.memref_squeeze %dma_start3A_296 : memref<1x128x128xf32, #tpu.memory_space<vmem>> -> memref<128x128xf32, #tpu.memory_space<vmem>>
        %dma_start3A_298 = arith.constant 0 : i32
        %dma_start3A_299 = tpu.memref_slice %arg7[%select_n3A_67, %run_scoped3A_271, %dma_start3A_298] : memref<2x8x128xi32, #tpu.memory_space<vmem>> -> memref<1x1x128xi32, #tpu.memory_space<vmem>>
        %dma_start3A_300 = tpu.memref_squeeze %dma_start3A_299 : memref<1x1x128xi32, #tpu.memory_space<vmem>> -> memref<128xi32, #tpu.memory_space<vmem>>
        %dma_start3A_301 = arith.constant 0 : i32
        %dma_start3A_302 = arith.constant 0 : i32
        %dma_start3A_303 = tpu.memref_slice %arg9[%dma_start3A_301, %dma_start3A_302] : memref<10240x128xf32, #tpu.memory_space<vmem_shared>> -> memref<10240x128xf32, #tpu.memory_space<vmem_shared>>
        tpu.enqueue_indirect_dma source(%dma_start3A_297 : memref<128x128xf32, #tpu.memory_space<vmem>>) target(%dma_start3A_303 : memref<10240x128xf32, #tpu.memory_space<vmem_shared>>) offsets(%dma_start3A_300 : memref<128xi32, #tpu.memory_space<vmem>>) semaphore(%run_scoped3A_293 : memref<!tpu.dma_semaphore, #tpu.memory_space<semaphore_mem>>) {add = true}
        %dma_wait3A_304 = arith.constant 0 : i32
        %dma_wait3A_305 = arith.constant 0 : i32
        %dma_wait3A_306 = tpu.memref_slice %arg8[%run_scoped3A_270, %dma_wait3A_304, %dma_wait3A_305] : memref<2x128x128xf32, #tpu.memory_space<vmem>> -> memref<1x128x128xf32, #tpu.memory_space<vmem>>
        %dma_wait3A_307 = tpu.memref_squeeze %dma_wait3A_306 : memref<1x128x128xf32, #tpu.memory_space<vmem>> -> memref<128x128xf32, #tpu.memory_space<vmem>>
        %dma_wait3A_308 = arith.constant 0 : i32
        %dma_wait3A_309 = tpu.memref_slice %arg7[%select_n3A_67, %run_scoped3A_271, %dma_wait3A_308] : memref<2x8x128xi32, #tpu.memory_space<vmem>> -> memref<1x1x128xi32, #tpu.memory_space<vmem>>
        %dma_wait3A_310 = tpu.memref_squeeze %dma_wait3A_309 : memref<1x1x128xi32, #tpu.memory_space<vmem>> -> memref<128xi32, #tpu.memory_space<vmem>>
        %dma_wait3A_311 = arith.constant 0 : i32
        %dma_wait3A_312 = arith.constant 0 : i32
        %dma_wait3A_313 = tpu.memref_slice %arg9[%dma_wait3A_311, %dma_wait3A_312] : memref<10240x128xf32, #tpu.memory_space<vmem_shared>> -> memref<10240x128xf32, #tpu.memory_space<vmem_shared>>
        tpu.wait_indirect_dma semaphore(%run_scoped3A_293 : memref<!tpu.dma_semaphore, #tpu.memory_space<semaphore_mem>>) src(%dma_wait3A_307 : memref<128x128xf32, #tpu.memory_space<vmem>>) dst(%dma_wait3A_313 : memref<10240x128xf32, #tpu.memory_space<vmem_shared>>)
        tpu.yield
      }) : () -> ()
      %add3A_272 = arith.constant 1 : i32
      %add3A_273 = arith.addi %scan3A_58, %add3A_272 : i32
      %lt3A_274 = arith.constant 20 : i32
      %lt3A_275 = arith.cmpi slt, %add3A_273, %lt3A_274 : i32
      %convert_element_type3A_276 = arith.extui %lt3A_275 : i1 to i32
      %cond3A_277 = arith.constant 0 : i32
      %cond3A_278 = arith.cmpi ne, %convert_element_type3A_276, %cond3A_277 : i32
      scf.if %cond3A_278 {
        %dma_start3A_293 = arith.constant 0 : i32
        %dma_start3A_294 = arith.constant 0 : i32
        %dma_start3A_295 = arith.constant 0 : i32
        %dma_start3A_296 = arith.constant 0 : i32
        %dma_start3A_297 = tpu.memref_slice %arg8[%dma_start3A_294, %dma_start3A_295, %dma_start3A_296] : memref<2x128x128xf32, #tpu.memory_space<vmem>> -> memref<1x128x128xf32, #tpu.memory_space<vmem>>
        %dma_start3A_298 = tpu.memref_squeeze %dma_start3A_297 : memref<1x128x128xf32, #tpu.memory_space<vmem>> -> memref<128x128xf32, #tpu.memory_space<vmem>>
        %dma_start3A_299 = arith.constant 0 : i32
        %dma_start3A_300 = tpu.memref_slice %arg6[%select_n3A_85, %dma_start3A_293, %dma_start3A_299] : memref<2x8x128xi32, #tpu.memory_space<vmem>> -> memref<1x1x128xi32, #tpu.memory_space<vmem>>
        %dma_start3A_301 = tpu.memref_squeeze %dma_start3A_300 : memref<1x1x128xi32, #tpu.memory_space<vmem>> -> memref<128xi32, #tpu.memory_space<vmem>>
        %dma_start3A_302 = arith.constant 0 : i32
        %dma_start3A_303 = arith.constant 0 : i32
        %dma_start3A_304 = tpu.memref_slice %arg2[%dma_start3A_302, %dma_start3A_303] : memref<10000x128xf32, #tpu.memory_space<hbm>> -> memref<10000x128xf32, #tpu.memory_space<hbm>>
        tpu.enqueue_indirect_dma source(%dma_start3A_304 : memref<10000x128xf32, #tpu.memory_space<hbm>>) target(%dma_start3A_298 : memref<128x128xf32, #tpu.memory_space<vmem>>) offsets(%dma_start3A_301 : memref<128xi32, #tpu.memory_space<vmem>>) semaphore(%arg10 : memref<!tpu.dma_semaphore, #tpu.memory_space<semaphore_mem>>)
      } else {
      }
      %dma_wait3A_279 = arith.constant 7 : i32
      %dma_wait3A_280 = arith.constant 1 : i32
      %dma_wait3A_281 = arith.constant 0 : i32
      %dma_wait3A_282 = arith.constant 0 : i32
      %dma_wait3A_283 = tpu.memref_slice %arg8[%dma_wait3A_280, %dma_wait3A_281, %dma_wait3A_282] : memref<2x128x128xf32, #tpu.memory_space<vmem>> -> memref<1x128x128xf32, #tpu.memory_space<vmem>>
      %dma_wait3A_284 = tpu.memref_squeeze %dma_wait3A_283 : memref<1x128x128xf32, #tpu.memory_space<vmem>> -> memref<128x128xf32, #tpu.memory_space<vmem>>
      %dma_wait3A_285 = arith.constant 0 : i32
      %dma_wait3A_286 = tpu.memref_slice %arg6[%select_n3A_67, %dma_wait3A_279, %dma_wait3A_285] : memref<2x8x128xi32, #tpu.memory_space<vmem>> -> memref<1x1x128xi32, #tpu.memory_space<vmem>>
      %dma_wait3A_287 = tpu.memref_squeeze %dma_wait3A_286 : memref<1x1x128xi32, #tpu.memory_space<vmem>> -> memref<128xi32, #tpu.memory_space<vmem>>
      %dma_wait3A_288 = arith.constant 0 : i32
      %dma_wait3A_289 = arith.constant 0 : i32
      %dma_wait3A_290 = tpu.memref_slice %arg2[%dma_wait3A_288, %dma_wait3A_289] : memref<10000x128xf32, #tpu.memory_space<hbm>> -> memref<10000x128xf32, #tpu.memory_space<hbm>>
      tpu.wait_indirect_dma semaphore(%arg11 : memref<!tpu.dma_semaphore, #tpu.memory_space<semaphore_mem>>) src(%dma_wait3A_290 : memref<10000x128xf32, #tpu.memory_space<hbm>>) dst(%dma_wait3A_284 : memref<128x128xf32, #tpu.memory_space<vmem>>)
      %run_scoped3A_291 = arith.constant 1 : i32
      %run_scoped3A_292 = arith.constant 7 : i32
      "tpu.region"() ({
        %run_scoped3A_293 = tpu.sem_alloc : memref<!tpu.dma_semaphore, #tpu.memory_space<semaphore_mem>>
        %dma_start3A_294 = arith.constant 0 : i32
        %dma_start3A_295 = arith.constant 0 : i32
        %dma_start3A_296 = tpu.memref_slice %arg8[%run_scoped3A_291, %dma_start3A_294, %dma_start3A_295] : memref<2x128x128xf32, #tpu.memory_space<vmem>> -> memref<1x128x128xf32, #tpu.memory_space<vmem>>
        %dma_start3A_297 = tpu.memref_squeeze %dma_start3A_296 : memref<1x128x128xf32, #tpu.memory_space<vmem>> -> memref<128x128xf32, #tpu.memory_space<vmem>>
        %dma_start3A_298 = arith.constant 0 : i32
        %dma_start3A_299 = tpu.memref_slice %arg7[%select_n3A_67, %run_scoped3A_292, %dma_start3A_298] : memref<2x8x128xi32, #tpu.memory_space<vmem>> -> memref<1x1x128xi32, #tpu.memory_space<vmem>>
        %dma_start3A_300 = tpu.memref_squeeze %dma_start3A_299 : memref<1x1x128xi32, #tpu.memory_space<vmem>> -> memref<128xi32, #tpu.memory_space<vmem>>
        %dma_start3A_301 = arith.constant 0 : i32
        %dma_start3A_302 = arith.constant 0 : i32
        %dma_start3A_303 = tpu.memref_slice %arg9[%dma_start3A_301, %dma_start3A_302] : memref<10240x128xf32, #tpu.memory_space<vmem_shared>> -> memref<10240x128xf32, #tpu.memory_space<vmem_shared>>
        tpu.enqueue_indirect_dma source(%dma_start3A_297 : memref<128x128xf32, #tpu.memory_space<vmem>>) target(%dma_start3A_303 : memref<10240x128xf32, #tpu.memory_space<vmem_shared>>) offsets(%dma_start3A_300 : memref<128xi32, #tpu.memory_space<vmem>>) semaphore(%run_scoped3A_293 : memref<!tpu.dma_semaphore, #tpu.memory_space<semaphore_mem>>) {add = true}
        %dma_wait3A_304 = arith.constant 0 : i32
        %dma_wait3A_305 = arith.constant 0 : i32
        %dma_wait3A_306 = tpu.memref_slice %arg8[%run_scoped3A_291, %dma_wait3A_304, %dma_wait3A_305] : memref<2x128x128xf32, #tpu.memory_space<vmem>> -> memref<1x128x128xf32, #tpu.memory_space<vmem>>
        %dma_wait3A_307 = tpu.memref_squeeze %dma_wait3A_306 : memref<1x128x128xf32, #tpu.memory_space<vmem>> -> memref<128x128xf32, #tpu.memory_space<vmem>>
        %dma_wait3A_308 = arith.constant 0 : i32
        %dma_wait3A_309 = tpu.memref_slice %arg7[%select_n3A_67, %run_scoped3A_292, %dma_wait3A_308] : memref<2x8x128xi32, #tpu.memory_space<vmem>> -> memref<1x1x128xi32, #tpu.memory_space<vmem>>
        %dma_wait3A_310 = tpu.memref_squeeze %dma_wait3A_309 : memref<1x1x128xi32, #tpu.memory_space<vmem>> -> memref<128xi32, #tpu.memory_space<vmem>>
        %dma_wait3A_311 = arith.constant 0 : i32
        %dma_wait3A_312 = arith.constant 0 : i32
        %dma_wait3A_313 = tpu.memref_slice %arg9[%dma_wait3A_311, %dma_wait3A_312] : memref<10240x128xf32, #tpu.memory_space<vmem_shared>> -> memref<10240x128xf32, #tpu.memory_space<vmem_shared>>
        tpu.wait_indirect_dma semaphore(%run_scoped3A_293 : memref<!tpu.dma_semaphore, #tpu.memory_space<semaphore_mem>>) src(%dma_wait3A_307 : memref<128x128xf32, #tpu.memory_space<vmem>>) dst(%dma_wait3A_313 : memref<10240x128xf32, #tpu.memory_space<vmem_shared>>)
        tpu.yield
      }) : () -> ()
    }
    %scan3A_52 = arith.constant 20 : i32
    %barrier3A_53 = arith.constant 0 : index
    tpu.barrier barrier_id(%barrier3A_53)
    %mul3A_54 = arith.constant 640 : i32
    %mul3A_55 = arith.muli %arg1, %mul3A_54 : i32
    %mul3A_56 = arith.constant 640 : i32
    %mul3A_57 = arith.muli %arg1, %mul3A_56 : i32
    "tpu.region"() ({
      %run_scoped3A_58 = tpu.sem_alloc : memref<!tpu.dma_semaphore, #tpu.memory_space<semaphore_mem>>
      %dma_start3A_59 = arith.constant 0 : i32
      %dma_start3A_60 = tpu.memref_slice %arg5[%arg0, %mul3A_57, %dma_start3A_59] : memref<2x10240x128xf32, #tpu.memory_space<hbm>> -> memref<1x640x128xf32, #tpu.memory_space<hbm>>
      %dma_start3A_61 = tpu.memref_squeeze %dma_start3A_60 : memref<1x640x128xf32, #tpu.memory_space<hbm>> -> memref<640x128xf32, #tpu.memory_space<hbm>>
      %dma_start3A_62 = arith.constant 0 : i32
      %dma_start3A_63 = tpu.memref_slice %arg9[%mul3A_55, %dma_start3A_62] : memref<10240x128xf32, #tpu.memory_space<vmem_shared>> -> memref<640x128xf32, #tpu.memory_space<vmem_shared>>
      tpu.enqueue_dma source(%dma_start3A_63 : memref<640x128xf32, #tpu.memory_space<vmem_shared>>) target(%dma_start3A_61 : memref<640x128xf32, #tpu.memory_space<hbm>>) target_semaphore(%run_scoped3A_58 : memref<!tpu.dma_semaphore, #tpu.memory_space<semaphore_mem>>)
      %dma_wait3A = arith.constant 0 : i32
      %dma_wait3A_64 = tpu.memref_slice %arg5[%arg0, %mul3A_57, %dma_wait3A] : memref<2x10240x128xf32, #tpu.memory_space<hbm>> -> memref<1x640x128xf32, #tpu.memory_space<hbm>>
      %dma_wait3A_65 = tpu.memref_squeeze %dma_wait3A_64 : memref<1x640x128xf32, #tpu.memory_space<hbm>> -> memref<640x128xf32, #tpu.memory_space<hbm>>
      %dma_wait3A_66 = arith.constant 0 : i32
      %dma_wait3A_67 = tpu.memref_slice %arg9[%mul3A_55, %dma_wait3A_66] : memref<10240x128xf32, #tpu.memory_space<vmem_shared>> -> memref<640x128xf32, #tpu.memory_space<vmem_shared>>
      tpu.wait_dma2 semaphore(%run_scoped3A_58 : memref<!tpu.dma_semaphore, #tpu.memory_space<semaphore_mem>>) src(%dma_wait3A_67 : memref<640x128xf32, #tpu.memory_space<vmem_shared>>) dst(%dma_wait3A_65 : memref<640x128xf32, #tpu.memory_space<hbm>>)
      tpu.yield
    }) : () -> ()
    return
  }
}

#map = affine_map<(d0, d1) -> (0, 0)>
module attributes {stable_mosaic.version = 14 : i64} {
  func.func @_deg_body(%arg0: i32, %arg1: i32, %arg2: memref<5120x128xi32, #tpu.memory_space<hbm>>, %arg3: memref<2x10240xf32, #tpu.memory_space<hbm>>, %arg4: memref<8x128xi32, #tpu.memory_space<vmem>>, %arg5: memref<128xf32, #tpu.memory_space<vmem>>, %arg6: memref<640xf32, #tpu.memory_space<vmem>>, %arg7: memref<10240xf32, #tpu.memory_space<vmem_shared>>, %arg8: memref<!tpu.dma_semaphore, #tpu.memory_space<semaphore_mem>>) attributes {dimension_semantics = [#tpu.dimension_semantics<core_parallel>, #tpu.dimension_semantics<subcore_parallel>], iteration_bounds = array<i64: 2, 16>, scalar_prefetch = 0 : i64, scratch_operands = 5 : i64, tpu.core_type = #tpu.core_type<sc_vector_subcore>, window_params = [{transform_indices = #map}, {transform_indices = #map}]} {
    %mul3A = arith.constant 16 : i32
    %mul3A_0 = arith.muli %arg0, %mul3A : i32
    %add3A = arith.addi %mul3A_0, %arg1 : i32
    %broadcast_in_dim3A = arith.constant 1.000000e+00 : f32
    %broadcast_in_dim3A_1 = vector.broadcast %broadcast_in_dim3A : f32 to vector<16xf32>
    %broadcast_in_dim3A_2 = arith.constant 0.000000e+00 : f32
    %broadcast_in_dim3A_3 = vector.broadcast %broadcast_in_dim3A_2 : f32 to vector<16xf32>
    %swap3A = arith.constant 0 : index
    %swap3A_4 = tpu.vector_load %arg5[%swap3A] {strides = array<i32>} : memref<128xf32, #tpu.memory_space<vmem>>, vector<16xf32>,
    %swap3A_5 = vector.shape_cast %swap3A_4 : vector<16xf32> to vector<16xf32>
    %swap3A_6 = vector.shape_cast %broadcast_in_dim3A_1 : vector<16xf32> to vector<16xf32>
    tpu.vector_store %arg5[%swap3A], %swap3A_6 {strides = array<i32>} : memref<128xf32, #tpu.memory_space<vmem>>, vector<16xf32>,
    %swap3A_7 = arith.constant 16 : index
    %swap3A_8 = tpu.vector_load %arg5[%swap3A_7] {strides = array<i32>} : memref<128xf32, #tpu.memory_space<vmem>>, vector<16xf32>,
    %swap3A_9 = vector.shape_cast %swap3A_8 : vector<16xf32> to vector<16xf32>
    %swap3A_10 = vector.shape_cast %broadcast_in_dim3A_1 : vector<16xf32> to vector<16xf32>
    tpu.vector_store %arg5[%swap3A_7], %swap3A_10 {strides = array<i32>} : memref<128xf32, #tpu.memory_space<vmem>>, vector<16xf32>,
    %swap3A_11 = arith.constant 32 : index
    %swap3A_12 = tpu.vector_load %arg5[%swap3A_11] {strides = array<i32>} : memref<128xf32, #tpu.memory_space<vmem>>, vector<16xf32>,
    %swap3A_13 = vector.shape_cast %swap3A_12 : vector<16xf32> to vector<16xf32>
    %swap3A_14 = vector.shape_cast %broadcast_in_dim3A_1 : vector<16xf32> to vector<16xf32>
    tpu.vector_store %arg5[%swap3A_11], %swap3A_14 {strides = array<i32>} : memref<128xf32, #tpu.memory_space<vmem>>, vector<16xf32>,
    %swap3A_15 = arith.constant 48 : index
    %swap3A_16 = tpu.vector_load %arg5[%swap3A_15] {strides = array<i32>} : memref<128xf32, #tpu.memory_space<vmem>>, vector<16xf32>,
    %swap3A_17 = vector.shape_cast %swap3A_16 : vector<16xf32> to vector<16xf32>
    %swap3A_18 = vector.shape_cast %broadcast_in_dim3A_1 : vector<16xf32> to vector<16xf32>
    tpu.vector_store %arg5[%swap3A_15], %swap3A_18 {strides = array<i32>} : memref<128xf32, #tpu.memory_space<vmem>>, vector<16xf32>,
    %swap3A_19 = arith.constant 64 : index
    %swap3A_20 = tpu.vector_load %arg5[%swap3A_19] {strides = array<i32>} : memref<128xf32, #tpu.memory_space<vmem>>, vector<16xf32>,
    %swap3A_21 = vector.shape_cast %swap3A_20 : vector<16xf32> to vector<16xf32>
    %swap3A_22 = vector.shape_cast %broadcast_in_dim3A_1 : vector<16xf32> to vector<16xf32>
    tpu.vector_store %arg5[%swap3A_19], %swap3A_22 {strides = array<i32>} : memref<128xf32, #tpu.memory_space<vmem>>, vector<16xf32>,
    %swap3A_23 = arith.constant 80 : index
    %swap3A_24 = tpu.vector_load %arg5[%swap3A_23] {strides = array<i32>} : memref<128xf32, #tpu.memory_space<vmem>>, vector<16xf32>,
    %swap3A_25 = vector.shape_cast %swap3A_24 : vector<16xf32> to vector<16xf32>
    %swap3A_26 = vector.shape_cast %broadcast_in_dim3A_1 : vector<16xf32> to vector<16xf32>
    tpu.vector_store %arg5[%swap3A_23], %swap3A_26 {strides = array<i32>} : memref<128xf32, #tpu.memory_space<vmem>>, vector<16xf32>,
    %swap3A_27 = arith.constant 96 : index
    %swap3A_28 = tpu.vector_load %arg5[%swap3A_27] {strides = array<i32>} : memref<128xf32, #tpu.memory_space<vmem>>, vector<16xf32>,
    %swap3A_29 = vector.shape_cast %swap3A_28 : vector<16xf32> to vector<16xf32>
    %swap3A_30 = vector.shape_cast %broadcast_in_dim3A_1 : vector<16xf32> to vector<16xf32>
    tpu.vector_store %arg5[%swap3A_27], %swap3A_30 {strides = array<i32>} : memref<128xf32, #tpu.memory_space<vmem>>, vector<16xf32>,
    %swap3A_31 = arith.constant 112 : index
    %swap3A_32 = tpu.vector_load %arg5[%swap3A_31] {strides = array<i32>} : memref<128xf32, #tpu.memory_space<vmem>>, vector<16xf32>,
    %swap3A_33 = vector.shape_cast %swap3A_32 : vector<16xf32> to vector<16xf32>
    %swap3A_34 = vector.shape_cast %broadcast_in_dim3A_1 : vector<16xf32> to vector<16xf32>
    tpu.vector_store %arg5[%swap3A_31], %swap3A_34 {strides = array<i32>} : memref<128xf32, #tpu.memory_space<vmem>>, vector<16xf32>,
    %swap3A_35 = arith.constant 0 : index
    %swap3A_36 = tpu.vector_load %arg6[%swap3A_35] {strides = array<i32>} : memref<640xf32, #tpu.memory_space<vmem>>, vector<16xf32>,
    %swap3A_37 = vector.shape_cast %swap3A_36 : vector<16xf32> to vector<16xf32>
    %swap3A_38 = vector.shape_cast %broadcast_in_dim3A_3 : vector<16xf32> to vector<16xf32>
    tpu.vector_store %arg6[%swap3A_35], %swap3A_38 {strides = array<i32>} : memref<640xf32, #tpu.memory_space<vmem>>, vector<16xf32>,
    %swap3A_39 = arith.constant 16 : index
    %swap3A_40 = tpu.vector_load %arg6[%swap3A_39] {strides = array<i32>} : memref<640xf32, #tpu.memory_space<vmem>>, vector<16xf32>,
    %swap3A_41 = vector.shape_cast %swap3A_40 : vector<16xf32> to vector<16xf32>
    %swap3A_42 = vector.shape_cast %broadcast_in_dim3A_3 : vector<16xf32> to vector<16xf32>
    tpu.vector_store %arg6[%swap3A_39], %swap3A_42 {strides = array<i32>} : memref<640xf32, #tpu.memory_space<vmem>>, vector<16xf32>,
    %swap3A_43 = arith.constant 32 : index
    %swap3A_44 = tpu.vector_load %arg6[%swap3A_43] {strides = array<i32>} : memref<640xf32, #tpu.memory_space<vmem>>, vector<16xf32>,
    %swap3A_45 = vector.shape_cast %swap3A_44 : vector<16xf32> to vector<16xf32>
    %swap3A_46 = vector.shape_cast %broadcast_in_dim3A_3 : vector<16xf32> to vector<16xf32>
    tpu.vector_store %arg6[%swap3A_43], %swap3A_46 {strides = array<i32>} : memref<640xf32, #tpu.memory_space<vmem>>, vector<16xf32>,
    %swap3A_47 = arith.constant 48 : index
    %swap3A_48 = tpu.vector_load %arg6[%swap3A_47] {strides = array<i32>} : memref<640xf32, #tpu.memory_space<vmem>>, vector<16xf32>,
    %swap3A_49 = vector.shape_cast %swap3A_48 : vector<16xf32> to vector<16xf32>
    %swap3A_50 = vector.shape_cast %broadcast_in_dim3A_3 : vector<16xf32> to vector<16xf32>
    tpu.vector_store %arg6[%swap3A_47], %swap3A_50 {strides = array<i32>} : memref<640xf32, #tpu.memory_space<vmem>>, vector<16xf32>,
    %swap3A_51 = arith.constant 64 : index
    %swap3A_52 = tpu.vector_load %arg6[%swap3A_51] {strides = array<i32>} : memref<640xf32, #tpu.memory_space<vmem>>, vector<16xf32>,
    %swap3A_53 = vector.shape_cast %swap3A_52 : vector<16xf32> to vector<16xf32>
    %swap3A_54 = vector.shape_cast %broadcast_in_dim3A_3 : vector<16xf32> to vector<16xf32>
    tpu.vector_store %arg6[%swap3A_51], %swap3A_54 {strides = array<i32>} : memref<640xf32, #tpu.memory_space<vmem>>, vector<16xf32>,
    %swap3A_55 = arith.constant 80 : index
    %swap3A_56 = tpu.vector_load %arg6[%swap3A_55] {strides = array<i32>} : memref<640xf32, #tpu.memory_space<vmem>>, vector<16xf32>,
    %swap3A_57 = vector.shape_cast %swap3A_56 : vector<16xf32> to vector<16xf32>
    %swap3A_58 = vector.shape_cast %broadcast_in_dim3A_3 : vector<16xf32> to vector<16xf32>
    tpu.vector_store %arg6[%swap3A_55], %swap3A_58 {strides = array<i32>} : memref<640xf32, #tpu.memory_space<vmem>>, vector<16xf32>,
    %swap3A_59 = arith.constant 96 : index
    %swap3A_60 = tpu.vector_load %arg6[%swap3A_59] {strides = array<i32>} : memref<640xf32, #tpu.memory_space<vmem>>, vector<16xf32>,
    %swap3A_61 = vector.shape_cast %swap3A_60 : vector<16xf32> to vector<16xf32>
    %swap3A_62 = vector.shape_cast %broadcast_in_dim3A_3 : vector<16xf32> to vector<16xf32>
    tpu.vector_store %arg6[%swap3A_59], %swap3A_62 {strides = array<i32>} : memref<640xf32, #tpu.memory_space<vmem>>, vector<16xf32>,
    %swap3A_63 = arith.constant 112 : index
    %swap3A_64 = tpu.vector_load %arg6[%swap3A_63] {strides = array<i32>} : memref<640xf32, #tpu.memory_space<vmem>>, vector<16xf32>,
    %swap3A_65 = vector.shape_cast %swap3A_64 : vector<16xf32> to vector<16xf32>
    %swap3A_66 = vector.shape_cast %broadcast_in_dim3A_3 : vector<16xf32> to vector<16xf32>
    tpu.vector_store %arg6[%swap3A_63], %swap3A_66 {strides = array<i32>} : memref<640xf32, #tpu.memory_space<vmem>>, vector<16xf32>,
    %swap3A_67 = arith.constant 128 : index
    %swap3A_68 = tpu.vector_load %arg6[%swap3A_67] {strides = array<i32>} : memref<640xf32, #tpu.memory_space<vmem>>, vector<16xf32>,
    %swap3A_69 = vector.shape_cast %swap3A_68 : vector<16xf32> to vector<16xf32>
    %swap3A_70 = vector.shape_cast %broadcast_in_dim3A_3 : vector<16xf32> to vector<16xf32>
    tpu.vector_store %arg6[%swap3A_67], %swap3A_70 {strides = array<i32>} : memref<640xf32, #tpu.memory_space<vmem>>, vector<16xf32>,
    %swap3A_71 = arith.constant 144 : index
    %swap3A_72 = tpu.vector_load %arg6[%swap3A_71] {strides = array<i32>} : memref<640xf32, #tpu.memory_space<vmem>>, vector<16xf32>,
    %swap3A_73 = vector.shape_cast %swap3A_72 : vector<16xf32> to vector<16xf32>
    %swap3A_74 = vector.shape_cast %broadcast_in_dim3A_3 : vector<16xf32> to vector<16xf32>
    tpu.vector_store %arg6[%swap3A_71], %swap3A_74 {strides = array<i32>} : memref<640xf32, #tpu.memory_space<vmem>>, vector<16xf32>,
    %swap3A_75 = arith.constant 160 : index
    %swap3A_76 = tpu.vector_load %arg6[%swap3A_75] {strides = array<i32>} : memref<640xf32, #tpu.memory_space<vmem>>, vector<16xf32>,
    %swap3A_77 = vector.shape_cast %swap3A_76 : vector<16xf32> to vector<16xf32>
    %swap3A_78 = vector.shape_cast %broadcast_in_dim3A_3 : vector<16xf32> to vector<16xf32>
    tpu.vector_store %arg6[%swap3A_75], %swap3A_78 {strides = array<i32>} : memref<640xf32, #tpu.memory_space<vmem>>, vector<16xf32>,
    %swap3A_79 = arith.constant 176 : index
    %swap3A_80 = tpu.vector_load %arg6[%swap3A_79] {strides = array<i32>} : memref<640xf32, #tpu.memory_space<vmem>>, vector<16xf32>,
    %swap3A_81 = vector.shape_cast %swap3A_80 : vector<16xf32> to vector<16xf32>
    %swap3A_82 = vector.shape_cast %broadcast_in_dim3A_3 : vector<16xf32> to vector<16xf32>
    tpu.vector_store %arg6[%swap3A_79], %swap3A_82 {strides = array<i32>} : memref<640xf32, #tpu.memory_space<vmem>>, vector<16xf32>,
    %swap3A_83 = arith.constant 192 : index
    %swap3A_84 = tpu.vector_load %arg6[%swap3A_83] {strides = array<i32>} : memref<640xf32, #tpu.memory_space<vmem>>, vector<16xf32>,
    %swap3A_85 = vector.shape_cast %swap3A_84 : vector<16xf32> to vector<16xf32>
    %swap3A_86 = vector.shape_cast %broadcast_in_dim3A_3 : vector<16xf32> to vector<16xf32>
    tpu.vector_store %arg6[%swap3A_83], %swap3A_86 {strides = array<i32>} : memref<640xf32, #tpu.memory_space<vmem>>, vector<16xf32>,
    %swap3A_87 = arith.constant 208 : index
    %swap3A_88 = tpu.vector_load %arg6[%swap3A_87] {strides = array<i32>} : memref<640xf32, #tpu.memory_space<vmem>>, vector<16xf32>,
    %swap3A_89 = vector.shape_cast %swap3A_88 : vector<16xf32> to vector<16xf32>
    %swap3A_90 = vector.shape_cast %broadcast_in_dim3A_3 : vector<16xf32> to vector<16xf32>
    tpu.vector_store %arg6[%swap3A_87], %swap3A_90 {strides = array<i32>} : memref<640xf32, #tpu.memory_space<vmem>>, vector<16xf32>,
    %swap3A_91 = arith.constant 224 : index
    %swap3A_92 = tpu.vector_load %arg6[%swap3A_91] {strides = array<i32>} : memref<640xf32, #tpu.memory_space<vmem>>, vector<16xf32>,
    %swap3A_93 = vector.shape_cast %swap3A_92 : vector<16xf32> to vector<16xf32>
    %swap3A_94 = vector.shape_cast %broadcast_in_dim3A_3 : vector<16xf32> to vector<16xf32>
    tpu.vector_store %arg6[%swap3A_91], %swap3A_94 {strides = array<i32>} : memref<640xf32, #tpu.memory_space<vmem>>, vector<16xf32>,
    %swap3A_95 = arith.constant 240 : index
    %swap3A_96 = tpu.vector_load %arg6[%swap3A_95] {strides = array<i32>} : memref<640xf32, #tpu.memory_space<vmem>>, vector<16xf32>,
    %swap3A_97 = vector.shape_cast %swap3A_96 : vector<16xf32> to vector<16xf32>
    %swap3A_98 = vector.shape_cast %broadcast_in_dim3A_3 : vector<16xf32> to vector<16xf32>
    tpu.vector_store %arg6[%swap3A_95], %swap3A_98 {strides = array<i32>} : memref<640xf32, #tpu.memory_space<vmem>>, vector<16xf32>,
    %swap3A_99 = arith.constant 256 : index
    %swap3A_100 = tpu.vector_load %arg6[%swap3A_99] {strides = array<i32>} : memref<640xf32, #tpu.memory_space<vmem>>, vector<16xf32>,
    %swap3A_101 = vector.shape_cast %swap3A_100 : vector<16xf32> to vector<16xf32>
    %swap3A_102 = vector.shape_cast %broadcast_in_dim3A_3 : vector<16xf32> to vector<16xf32>
    tpu.vector_store %arg6[%swap3A_99], %swap3A_102 {strides = array<i32>} : memref<640xf32, #tpu.memory_space<vmem>>, vector<16xf32>,
    %swap3A_103 = arith.constant 272 : index
    %swap3A_104 = tpu.vector_load %arg6[%swap3A_103] {strides = array<i32>} : memref<640xf32, #tpu.memory_space<vmem>>, vector<16xf32>,
    %swap3A_105 = vector.shape_cast %swap3A_104 : vector<16xf32> to vector<16xf32>
    %swap3A_106 = vector.shape_cast %broadcast_in_dim3A_3 : vector<16xf32> to vector<16xf32>
    tpu.vector_store %arg6[%swap3A_103], %swap3A_106 {strides = array<i32>} : memref<640xf32, #tpu.memory_space<vmem>>, vector<16xf32>,
    %swap3A_107 = arith.constant 288 : index
    %swap3A_108 = tpu.vector_load %arg6[%swap3A_107] {strides = array<i32>} : memref<640xf32, #tpu.memory_space<vmem>>, vector<16xf32>,
    %swap3A_109 = vector.shape_cast %swap3A_108 : vector<16xf32> to vector<16xf32>
    %swap3A_110 = vector.shape_cast %broadcast_in_dim3A_3 : vector<16xf32> to vector<16xf32>
    tpu.vector_store %arg6[%swap3A_107], %swap3A_110 {strides = array<i32>} : memref<640xf32, #tpu.memory_space<vmem>>, vector<16xf32>,
    %swap3A_111 = arith.constant 304 : index
    %swap3A_112 = tpu.vector_load %arg6[%swap3A_111] {strides = array<i32>} : memref<640xf32, #tpu.memory_space<vmem>>, vector<16xf32>,
    %swap3A_113 = vector.shape_cast %swap3A_112 : vector<16xf32> to vector<16xf32>
    %swap3A_114 = vector.shape_cast %broadcast_in_dim3A_3 : vector<16xf32> to vector<16xf32>
    tpu.vector_store %arg6[%swap3A_111], %swap3A_114 {strides = array<i32>} : memref<640xf32, #tpu.memory_space<vmem>>, vector<16xf32>,
    %swap3A_115 = arith.constant 320 : index
    %swap3A_116 = tpu.vector_load %arg6[%swap3A_115] {strides = array<i32>} : memref<640xf32, #tpu.memory_space<vmem>>, vector<16xf32>,
    %swap3A_117 = vector.shape_cast %swap3A_116 : vector<16xf32> to vector<16xf32>
    %swap3A_118 = vector.shape_cast %broadcast_in_dim3A_3 : vector<16xf32> to vector<16xf32>
    tpu.vector_store %arg6[%swap3A_115], %swap3A_118 {strides = array<i32>} : memref<640xf32, #tpu.memory_space<vmem>>, vector<16xf32>,
    %swap3A_119 = arith.constant 336 : index
    %swap3A_120 = tpu.vector_load %arg6[%swap3A_119] {strides = array<i32>} : memref<640xf32, #tpu.memory_space<vmem>>, vector<16xf32>,
    %swap3A_121 = vector.shape_cast %swap3A_120 : vector<16xf32> to vector<16xf32>
    %swap3A_122 = vector.shape_cast %broadcast_in_dim3A_3 : vector<16xf32> to vector<16xf32>
    tpu.vector_store %arg6[%swap3A_119], %swap3A_122 {strides = array<i32>} : memref<640xf32, #tpu.memory_space<vmem>>, vector<16xf32>,
    %swap3A_123 = arith.constant 352 : index
    %swap3A_124 = tpu.vector_load %arg6[%swap3A_123] {strides = array<i32>} : memref<640xf32, #tpu.memory_space<vmem>>, vector<16xf32>,
    %swap3A_125 = vector.shape_cast %swap3A_124 : vector<16xf32> to vector<16xf32>
    %swap3A_126 = vector.shape_cast %broadcast_in_dim3A_3 : vector<16xf32> to vector<16xf32>
    tpu.vector_store %arg6[%swap3A_123], %swap3A_126 {strides = array<i32>} : memref<640xf32, #tpu.memory_space<vmem>>, vector<16xf32>,
    %swap3A_127 = arith.constant 368 : index
    %swap3A_128 = tpu.vector_load %arg6[%swap3A_127] {strides = array<i32>} : memref<640xf32, #tpu.memory_space<vmem>>, vector<16xf32>,
    %swap3A_129 = vector.shape_cast %swap3A_128 : vector<16xf32> to vector<16xf32>
    %swap3A_130 = vector.shape_cast %broadcast_in_dim3A_3 : vector<16xf32> to vector<16xf32>
    tpu.vector_store %arg6[%swap3A_127], %swap3A_130 {strides = array<i32>} : memref<640xf32, #tpu.memory_space<vmem>>, vector<16xf32>,
    %swap3A_131 = arith.constant 384 : index
    %swap3A_132 = tpu.vector_load %arg6[%swap3A_131] {strides = array<i32>} : memref<640xf32, #tpu.memory_space<vmem>>, vector<16xf32>,
    %swap3A_133 = vector.shape_cast %swap3A_132 : vector<16xf32> to vector<16xf32>
    %swap3A_134 = vector.shape_cast %broadcast_in_dim3A_3 : vector<16xf32> to vector<16xf32>
    tpu.vector_store %arg6[%swap3A_131], %swap3A_134 {strides = array<i32>} : memref<640xf32, #tpu.memory_space<vmem>>, vector<16xf32>,
    %swap3A_135 = arith.constant 400 : index
    %swap3A_136 = tpu.vector_load %arg6[%swap3A_135] {strides = array<i32>} : memref<640xf32, #tpu.memory_space<vmem>>, vector<16xf32>,
    %swap3A_137 = vector.shape_cast %swap3A_136 : vector<16xf32> to vector<16xf32>
    %swap3A_138 = vector.shape_cast %broadcast_in_dim3A_3 : vector<16xf32> to vector<16xf32>
    tpu.vector_store %arg6[%swap3A_135], %swap3A_138 {strides = array<i32>} : memref<640xf32, #tpu.memory_space<vmem>>, vector<16xf32>,
    %swap3A_139 = arith.constant 416 : index
    %swap3A_140 = tpu.vector_load %arg6[%swap3A_139] {strides = array<i32>} : memref<640xf32, #tpu.memory_space<vmem>>, vector<16xf32>,
    %swap3A_141 = vector.shape_cast %swap3A_140 : vector<16xf32> to vector<16xf32>
    %swap3A_142 = vector.shape_cast %broadcast_in_dim3A_3 : vector<16xf32> to vector<16xf32>
    tpu.vector_store %arg6[%swap3A_139], %swap3A_142 {strides = array<i32>} : memref<640xf32, #tpu.memory_space<vmem>>, vector<16xf32>,
    %swap3A_143 = arith.constant 432 : index
    %swap3A_144 = tpu.vector_load %arg6[%swap3A_143] {strides = array<i32>} : memref<640xf32, #tpu.memory_space<vmem>>, vector<16xf32>,
    %swap3A_145 = vector.shape_cast %swap3A_144 : vector<16xf32> to vector<16xf32>
    %swap3A_146 = vector.shape_cast %broadcast_in_dim3A_3 : vector<16xf32> to vector<16xf32>
    tpu.vector_store %arg6[%swap3A_143], %swap3A_146 {strides = array<i32>} : memref<640xf32, #tpu.memory_space<vmem>>, vector<16xf32>,
    %swap3A_147 = arith.constant 448 : index
    %swap3A_148 = tpu.vector_load %arg6[%swap3A_147] {strides = array<i32>} : memref<640xf32, #tpu.memory_space<vmem>>, vector<16xf32>,
    %swap3A_149 = vector.shape_cast %swap3A_148 : vector<16xf32> to vector<16xf32>
    %swap3A_150 = vector.shape_cast %broadcast_in_dim3A_3 : vector<16xf32> to vector<16xf32>
    tpu.vector_store %arg6[%swap3A_147], %swap3A_150 {strides = array<i32>} : memref<640xf32, #tpu.memory_space<vmem>>, vector<16xf32>,
    %swap3A_151 = arith.constant 464 : index
    %swap3A_152 = tpu.vector_load %arg6[%swap3A_151] {strides = array<i32>} : memref<640xf32, #tpu.memory_space<vmem>>, vector<16xf32>,
    %swap3A_153 = vector.shape_cast %swap3A_152 : vector<16xf32> to vector<16xf32>
    %swap3A_154 = vector.shape_cast %broadcast_in_dim3A_3 : vector<16xf32> to vector<16xf32>
    tpu.vector_store %arg6[%swap3A_151], %swap3A_154 {strides = array<i32>} : memref<640xf32, #tpu.memory_space<vmem>>, vector<16xf32>,
    %swap3A_155 = arith.constant 480 : index
    %swap3A_156 = tpu.vector_load %arg6[%swap3A_155] {strides = array<i32>} : memref<640xf32, #tpu.memory_space<vmem>>, vector<16xf32>,
    %swap3A_157 = vector.shape_cast %swap3A_156 : vector<16xf32> to vector<16xf32>
    %swap3A_158 = vector.shape_cast %broadcast_in_dim3A_3 : vector<16xf32> to vector<16xf32>
    tpu.vector_store %arg6[%swap3A_155], %swap3A_158 {strides = array<i32>} : memref<640xf32, #tpu.memory_space<vmem>>, vector<16xf32>,
    %swap3A_159 = arith.constant 496 : index
    %swap3A_160 = tpu.vector_load %arg6[%swap3A_159] {strides = array<i32>} : memref<640xf32, #tpu.memory_space<vmem>>, vector<16xf32>,
    %swap3A_161 = vector.shape_cast %swap3A_160 : vector<16xf32> to vector<16xf32>
    %swap3A_162 = vector.shape_cast %broadcast_in_dim3A_3 : vector<16xf32> to vector<16xf32>
    tpu.vector_store %arg6[%swap3A_159], %swap3A_162 {strides = array<i32>} : memref<640xf32, #tpu.memory_space<vmem>>, vector<16xf32>,
    %swap3A_163 = arith.constant 512 : index
    %swap3A_164 = tpu.vector_load %arg6[%swap3A_163] {strides = array<i32>} : memref<640xf32, #tpu.memory_space<vmem>>, vector<16xf32>,
    %swap3A_165 = vector.shape_cast %swap3A_164 : vector<16xf32> to vector<16xf32>
    %swap3A_166 = vector.shape_cast %broadcast_in_dim3A_3 : vector<16xf32> to vector<16xf32>
    tpu.vector_store %arg6[%swap3A_163], %swap3A_166 {strides = array<i32>} : memref<640xf32, #tpu.memory_space<vmem>>, vector<16xf32>,
    %swap3A_167 = arith.constant 528 : index
    %swap3A_168 = tpu.vector_load %arg6[%swap3A_167] {strides = array<i32>} : memref<640xf32, #tpu.memory_space<vmem>>, vector<16xf32>,
    %swap3A_169 = vector.shape_cast %swap3A_168 : vector<16xf32> to vector<16xf32>
    %swap3A_170 = vector.shape_cast %broadcast_in_dim3A_3 : vector<16xf32> to vector<16xf32>
    tpu.vector_store %arg6[%swap3A_167], %swap3A_170 {strides = array<i32>} : memref<640xf32, #tpu.memory_space<vmem>>, vector<16xf32>,
    %swap3A_171 = arith.constant 544 : index
    %swap3A_172 = tpu.vector_load %arg6[%swap3A_171] {strides = array<i32>} : memref<640xf32, #tpu.memory_space<vmem>>, vector<16xf32>,
    %swap3A_173 = vector.shape_cast %swap3A_172 : vector<16xf32> to vector<16xf32>
    %swap3A_174 = vector.shape_cast %broadcast_in_dim3A_3 : vector<16xf32> to vector<16xf32>
    tpu.vector_store %arg6[%swap3A_171], %swap3A_174 {strides = array<i32>} : memref<640xf32, #tpu.memory_space<vmem>>, vector<16xf32>,
    %swap3A_175 = arith.constant 560 : index
    %swap3A_176 = tpu.vector_load %arg6[%swap3A_175] {strides = array<i32>} : memref<640xf32, #tpu.memory_space<vmem>>, vector<16xf32>,
    %swap3A_177 = vector.shape_cast %swap3A_176 : vector<16xf32> to vector<16xf32>
    %swap3A_178 = vector.shape_cast %broadcast_in_dim3A_3 : vector<16xf32> to vector<16xf32>
    tpu.vector_store %arg6[%swap3A_175], %swap3A_178 {strides = array<i32>} : memref<640xf32, #tpu.memory_space<vmem>>, vector<16xf32>,
    %swap3A_179 = arith.constant 576 : index
    %swap3A_180 = tpu.vector_load %arg6[%swap3A_179] {strides = array<i32>} : memref<640xf32, #tpu.memory_space<vmem>>, vector<16xf32>,
    %swap3A_181 = vector.shape_cast %swap3A_180 : vector<16xf32> to vector<16xf32>
    %swap3A_182 = vector.shape_cast %broadcast_in_dim3A_3 : vector<16xf32> to vector<16xf32>
    tpu.vector_store %arg6[%swap3A_179], %swap3A_182 {strides = array<i32>} : memref<640xf32, #tpu.memory_space<vmem>>, vector<16xf32>,
    %swap3A_183 = arith.constant 592 : index
    %swap3A_184 = tpu.vector_load %arg6[%swap3A_183] {strides = array<i32>} : memref<640xf32, #tpu.memory_space<vmem>>, vector<16xf32>,
    %swap3A_185 = vector.shape_cast %swap3A_184 : vector<16xf32> to vector<16xf32>
    %swap3A_186 = vector.shape_cast %broadcast_in_dim3A_3 : vector<16xf32> to vector<16xf32>
    tpu.vector_store %arg6[%swap3A_183], %swap3A_186 {strides = array<i32>} : memref<640xf32, #tpu.memory_space<vmem>>, vector<16xf32>,
    %swap3A_187 = arith.constant 608 : index
    %swap3A_188 = tpu.vector_load %arg6[%swap3A_187] {strides = array<i32>} : memref<640xf32, #tpu.memory_space<vmem>>, vector<16xf32>,
    %swap3A_189 = vector.shape_cast %swap3A_188 : vector<16xf32> to vector<16xf32>
    %swap3A_190 = vector.shape_cast %broadcast_in_dim3A_3 : vector<16xf32> to vector<16xf32>
    tpu.vector_store %arg6[%swap3A_187], %swap3A_190 {strides = array<i32>} : memref<640xf32, #tpu.memory_space<vmem>>, vector<16xf32>,
    %swap3A_191 = arith.constant 624 : index
    %swap3A_192 = tpu.vector_load %arg6[%swap3A_191] {strides = array<i32>} : memref<640xf32, #tpu.memory_space<vmem>>, vector<16xf32>,
    %swap3A_193 = vector.shape_cast %swap3A_192 : vector<16xf32> to vector<16xf32>
    %swap3A_194 = vector.shape_cast %broadcast_in_dim3A_3 : vector<16xf32> to vector<16xf32>
    tpu.vector_store %arg6[%swap3A_191], %swap3A_194 {strides = array<i32>} : memref<640xf32, #tpu.memory_space<vmem>>, vector<16xf32>,
    %mul3A_195 = arith.constant 640 : i32
    %mul3A_196 = arith.muli %arg1, %mul3A_195 : i32
    "tpu.region"() ({
      %run_scoped3A = tpu.sem_alloc : memref<!tpu.dma_semaphore, #tpu.memory_space<semaphore_mem>>
      %dma_start3A = tpu.memref_slice %arg7[%mul3A_196] : memref<10240xf32, #tpu.memory_space<vmem_shared>> -> memref<640xf32, #tpu.memory_space<vmem_shared>>
      %dma_start3A_209 = tpu.memref_slice %arg7[%mul3A_196] : memref<10240xf32, #tpu.memory_space<vmem_shared>> -> memref<640xf32, #tpu.memory_space<vmem_shared>>
      tpu.enqueue_dma source(%arg6 : memref<640xf32, #tpu.memory_space<vmem>>) target(%dma_start3A_209 : memref<640xf32, #tpu.memory_space<vmem_shared>>) target_semaphore(%run_scoped3A : memref<!tpu.dma_semaphore, #tpu.memory_space<semaphore_mem>>)
      %dma_wait3A = tpu.memref_slice %arg7[%mul3A_196] : memref<10240xf32, #tpu.memory_space<vmem_shared>> -> memref<640xf32, #tpu.memory_space<vmem_shared>>
      %dma_wait3A_210 = tpu.memref_slice %arg7[%mul3A_196] : memref<10240xf32, #tpu.memory_space<vmem_shared>> -> memref<640xf32, #tpu.memory_space<vmem_shared>>
      tpu.wait_dma2 semaphore(%run_scoped3A : memref<!tpu.dma_semaphore, #tpu.memory_space<semaphore_mem>>) src(%arg6 : memref<640xf32, #tpu.memory_space<vmem>>) dst(%dma_wait3A_210 : memref<640xf32, #tpu.memory_space<vmem_shared>>)
      tpu.yield
    }) : () -> ()
    %barrier3A = arith.constant 0 : index
    tpu.barrier barrier_id(%barrier3A)
    %mul3A_197 = arith.constant 160 : i32
    %mul3A_198 = arith.muli %add3A, %mul3A_197 : i32
    %scan3A = arith.constant 0 : i32
    %scan3A_199 = arith.constant 0 : i32
    %scan3A_200 = arith.constant 20 : i32
    %scan3A_201 = arith.addi %scan3A_199, %scan3A_200 : i32
    %scan3A_202 = arith.constant 1 : i32
    scf.for %scan3A_209 = %scan3A_199 to %scan3A_201 step %scan3A_202  : i32 {
      %mul3A_210 = arith.constant 8 : i32
      %mul3A_211 = arith.muli %scan3A_209, %mul3A_210 : i32
      %add3A_212 = arith.addi %mul3A_198, %mul3A_211 : i32
      "tpu.region"() ({
        %run_scoped3A_220 = tpu.sem_alloc : memref<!tpu.dma_semaphore, #tpu.memory_space<semaphore_mem>>
        %dma_start3A = arith.constant 0 : i32
        %dma_start3A_221 = tpu.memref_slice %arg2[%add3A_212, %dma_start3A] : memref<5120x128xi32, #tpu.memory_space<hbm>> -> memref<8x128xi32, #tpu.memory_space<hbm>>
        %dma_start3A_222 = arith.constant 0 : i32
        %dma_start3A_223 = tpu.memref_slice %arg2[%add3A_212, %dma_start3A_222] : memref<5120x128xi32, #tpu.memory_space<hbm>> -> memref<8x128xi32, #tpu.memory_space<hbm>>
        tpu.enqueue_dma source(%dma_start3A_223 : memref<8x128xi32, #tpu.memory_space<hbm>>) target(%arg4 : memref<8x128xi32, #tpu.memory_space<vmem>>) target_semaphore(%run_scoped3A_220 : memref<!tpu.dma_semaphore, #tpu.memory_space<semaphore_mem>>)
        %dma_wait3A = arith.constant 0 : i32
        %dma_wait3A_224 = tpu.memref_slice %arg2[%add3A_212, %dma_wait3A] : memref<5120x128xi32, #tpu.memory_space<hbm>> -> memref<8x128xi32, #tpu.memory_space<hbm>>
        %dma_wait3A_225 = arith.constant 0 : i32
        %dma_wait3A_226 = tpu.memref_slice %arg2[%add3A_212, %dma_wait3A_225] : memref<5120x128xi32, #tpu.memory_space<hbm>> -> memref<8x128xi32, #tpu.memory_space<hbm>>
        tpu.wait_dma2 semaphore(%run_scoped3A_220 : memref<!tpu.dma_semaphore, #tpu.memory_space<semaphore_mem>>) src(%dma_wait3A_226 : memref<8x128xi32, #tpu.memory_space<hbm>>) dst(%arg4 : memref<8x128xi32, #tpu.memory_space<vmem>>)
        tpu.yield
      }) : () -> ()
      %run_scoped3A = arith.constant 0 : i32
      "tpu.region"() ({
        %run_scoped3A_220 = tpu.sem_alloc : memref<!tpu.dma_semaphore, #tpu.memory_space<semaphore_mem>>
        %dma_start3A = arith.constant 0 : i32
        %dma_start3A_221 = tpu.memref_slice %arg4[%run_scoped3A, %dma_start3A] : memref<8x128xi32, #tpu.memory_space<vmem>> -> memref<1x128xi32, #tpu.memory_space<vmem>>
        %dma_start3A_222 = tpu.memref_squeeze %dma_start3A_221 : memref<1x128xi32, #tpu.memory_space<vmem>> -> memref<128xi32, #tpu.memory_space<vmem>>
        %dma_start3A_223 = arith.constant 0 : i32
        %dma_start3A_224 = tpu.memref_slice %arg7[%dma_start3A_223] : memref<10240xf32, #tpu.memory_space<vmem_shared>> -> memref<10240xf32, #tpu.memory_space<vmem_shared>>
        tpu.enqueue_indirect_dma source(%arg5 : memref<128xf32, #tpu.memory_space<vmem>>) target(%dma_start3A_224 : memref<10240xf32, #tpu.memory_space<vmem_shared>>) offsets(%dma_start3A_222 : memref<128xi32, #tpu.memory_space<vmem>>) semaphore(%run_scoped3A_220 : memref<!tpu.dma_semaphore, #tpu.memory_space<semaphore_mem>>) {add = true}
        %dma_wait3A = arith.constant 0 : i32
        %dma_wait3A_225 = tpu.memref_slice %arg4[%run_scoped3A, %dma_wait3A] : memref<8x128xi32, #tpu.memory_space<vmem>> -> memref<1x128xi32, #tpu.memory_space<vmem>>
        %dma_wait3A_226 = tpu.memref_squeeze %dma_wait3A_225 : memref<1x128xi32, #tpu.memory_space<vmem>> -> memref<128xi32, #tpu.memory_space<vmem>>
        %dma_wait3A_227 = arith.constant 0 : i32
        %dma_wait3A_228 = tpu.memref_slice %arg7[%dma_wait3A_227] : memref<10240xf32, #tpu.memory_space<vmem_shared>> -> memref<10240xf32, #tpu.memory_space<vmem_shared>>
        tpu.wait_indirect_dma semaphore(%run_scoped3A_220 : memref<!tpu.dma_semaphore, #tpu.memory_space<semaphore_mem>>) src(%arg5 : memref<128xf32, #tpu.memory_space<vmem>>) dst(%dma_wait3A_228 : memref<10240xf32, #tpu.memory_space<vmem_shared>>)
        tpu.yield
      }) : () -> ()
      %run_scoped3A_213 = arith.constant 1 : i32
      "tpu.region"() ({
        %run_scoped3A_220 = tpu.sem_alloc : memref<!tpu.dma_semaphore, #tpu.memory_space<semaphore_mem>>
        %dma_start3A = arith.constant 0 : i32
        %dma_start3A_221 = tpu.memref_slice %arg4[%run_scoped3A_213, %dma_start3A] : memref<8x128xi32, #tpu.memory_space<vmem>> -> memref<1x128xi32, #tpu.memory_space<vmem>>
        %dma_start3A_222 = tpu.memref_squeeze %dma_start3A_221 : memref<1x128xi32, #tpu.memory_space<vmem>> -> memref<128xi32, #tpu.memory_space<vmem>>
        %dma_start3A_223 = arith.constant 0 : i32
        %dma_start3A_224 = tpu.memref_slice %arg7[%dma_start3A_223] : memref<10240xf32, #tpu.memory_space<vmem_shared>> -> memref<10240xf32, #tpu.memory_space<vmem_shared>>
        tpu.enqueue_indirect_dma source(%arg5 : memref<128xf32, #tpu.memory_space<vmem>>) target(%dma_start3A_224 : memref<10240xf32, #tpu.memory_space<vmem_shared>>) offsets(%dma_start3A_222 : memref<128xi32, #tpu.memory_space<vmem>>) semaphore(%run_scoped3A_220 : memref<!tpu.dma_semaphore, #tpu.memory_space<semaphore_mem>>) {add = true}
        %dma_wait3A = arith.constant 0 : i32
        %dma_wait3A_225 = tpu.memref_slice %arg4[%run_scoped3A_213, %dma_wait3A] : memref<8x128xi32, #tpu.memory_space<vmem>> -> memref<1x128xi32, #tpu.memory_space<vmem>>
        %dma_wait3A_226 = tpu.memref_squeeze %dma_wait3A_225 : memref<1x128xi32, #tpu.memory_space<vmem>> -> memref<128xi32, #tpu.memory_space<vmem>>
        %dma_wait3A_227 = arith.constant 0 : i32
        %dma_wait3A_228 = tpu.memref_slice %arg7[%dma_wait3A_227] : memref<10240xf32, #tpu.memory_space<vmem_shared>> -> memref<10240xf32, #tpu.memory_space<vmem_shared>>
        tpu.wait_indirect_dma semaphore(%run_scoped3A_220 : memref<!tpu.dma_semaphore, #tpu.memory_space<semaphore_mem>>) src(%arg5 : memref<128xf32, #tpu.memory_space<vmem>>) dst(%dma_wait3A_228 : memref<10240xf32, #tpu.memory_space<vmem_shared>>)
        tpu.yield
      }) : () -> ()
      %run_scoped3A_214 = arith.constant 2 : i32
      "tpu.region"() ({
        %run_scoped3A_220 = tpu.sem_alloc : memref<!tpu.dma_semaphore, #tpu.memory_space<semaphore_mem>>
        %dma_start3A = arith.constant 0 : i32
        %dma_start3A_221 = tpu.memref_slice %arg4[%run_scoped3A_214, %dma_start3A] : memref<8x128xi32, #tpu.memory_space<vmem>> -> memref<1x128xi32, #tpu.memory_space<vmem>>
        %dma_start3A_222 = tpu.memref_squeeze %dma_start3A_221 : memref<1x128xi32, #tpu.memory_space<vmem>> -> memref<128xi32, #tpu.memory_space<vmem>>
        %dma_start3A_223 = arith.constant 0 : i32
        %dma_start3A_224 = tpu.memref_slice %arg7[%dma_start3A_223] : memref<10240xf32, #tpu.memory_space<vmem_shared>> -> memref<10240xf32, #tpu.memory_space<vmem_shared>>
        tpu.enqueue_indirect_dma source(%arg5 : memref<128xf32, #tpu.memory_space<vmem>>) target(%dma_start3A_224 : memref<10240xf32, #tpu.memory_space<vmem_shared>>) offsets(%dma_start3A_222 : memref<128xi32, #tpu.memory_space<vmem>>) semaphore(%run_scoped3A_220 : memref<!tpu.dma_semaphore, #tpu.memory_space<semaphore_mem>>) {add = true}
        %dma_wait3A = arith.constant 0 : i32
        %dma_wait3A_225 = tpu.memref_slice %arg4[%run_scoped3A_214, %dma_wait3A] : memref<8x128xi32, #tpu.memory_space<vmem>> -> memref<1x128xi32, #tpu.memory_space<vmem>>
        %dma_wait3A_226 = tpu.memref_squeeze %dma_wait3A_225 : memref<1x128xi32, #tpu.memory_space<vmem>> -> memref<128xi32, #tpu.memory_space<vmem>>
        %dma_wait3A_227 = arith.constant 0 : i32
        %dma_wait3A_228 = tpu.memref_slice %arg7[%dma_wait3A_227] : memref<10240xf32, #tpu.memory_space<vmem_shared>> -> memref<10240xf32, #tpu.memory_space<vmem_shared>>
        tpu.wait_indirect_dma semaphore(%run_scoped3A_220 : memref<!tpu.dma_semaphore, #tpu.memory_space<semaphore_mem>>) src(%arg5 : memref<128xf32, #tpu.memory_space<vmem>>) dst(%dma_wait3A_228 : memref<10240xf32, #tpu.memory_space<vmem_shared>>)
        tpu.yield
      }) : () -> ()
      %run_scoped3A_215 = arith.constant 3 : i32
      "tpu.region"() ({
        %run_scoped3A_220 = tpu.sem_alloc : memref<!tpu.dma_semaphore, #tpu.memory_space<semaphore_mem>>
        %dma_start3A = arith.constant 0 : i32
        %dma_start3A_221 = tpu.memref_slice %arg4[%run_scoped3A_215, %dma_start3A] : memref<8x128xi32, #tpu.memory_space<vmem>> -> memref<1x128xi32, #tpu.memory_space<vmem>>
        %dma_start3A_222 = tpu.memref_squeeze %dma_start3A_221 : memref<1x128xi32, #tpu.memory_space<vmem>> -> memref<128xi32, #tpu.memory_space<vmem>>
        %dma_start3A_223 = arith.constant 0 : i32
        %dma_start3A_224 = tpu.memref_slice %arg7[%dma_start3A_223] : memref<10240xf32, #tpu.memory_space<vmem_shared>> -> memref<10240xf32, #tpu.memory_space<vmem_shared>>
        tpu.enqueue_indirect_dma source(%arg5 : memref<128xf32, #tpu.memory_space<vmem>>) target(%dma_start3A_224 : memref<10240xf32, #tpu.memory_space<vmem_shared>>) offsets(%dma_start3A_222 : memref<128xi32, #tpu.memory_space<vmem>>) semaphore(%run_scoped3A_220 : memref<!tpu.dma_semaphore, #tpu.memory_space<semaphore_mem>>) {add = true}
        %dma_wait3A = arith.constant 0 : i32
        %dma_wait3A_225 = tpu.memref_slice %arg4[%run_scoped3A_215, %dma_wait3A] : memref<8x128xi32, #tpu.memory_space<vmem>> -> memref<1x128xi32, #tpu.memory_space<vmem>>
        %dma_wait3A_226 = tpu.memref_squeeze %dma_wait3A_225 : memref<1x128xi32, #tpu.memory_space<vmem>> -> memref<128xi32, #tpu.memory_space<vmem>>
        %dma_wait3A_227 = arith.constant 0 : i32
        %dma_wait3A_228 = tpu.memref_slice %arg7[%dma_wait3A_227] : memref<10240xf32, #tpu.memory_space<vmem_shared>> -> memref<10240xf32, #tpu.memory_space<vmem_shared>>
        tpu.wait_indirect_dma semaphore(%run_scoped3A_220 : memref<!tpu.dma_semaphore, #tpu.memory_space<semaphore_mem>>) src(%arg5 : memref<128xf32, #tpu.memory_space<vmem>>) dst(%dma_wait3A_228 : memref<10240xf32, #tpu.memory_space<vmem_shared>>)
        tpu.yield
      }) : () -> ()
      %run_scoped3A_216 = arith.constant 4 : i32
      "tpu.region"() ({
        %run_scoped3A_220 = tpu.sem_alloc : memref<!tpu.dma_semaphore, #tpu.memory_space<semaphore_mem>>
        %dma_start3A = arith.constant 0 : i32
        %dma_start3A_221 = tpu.memref_slice %arg4[%run_scoped3A_216, %dma_start3A] : memref<8x128xi32, #tpu.memory_space<vmem>> -> memref<1x128xi32, #tpu.memory_space<vmem>>
        %dma_start3A_222 = tpu.memref_squeeze %dma_start3A_221 : memref<1x128xi32, #tpu.memory_space<vmem>> -> memref<128xi32, #tpu.memory_space<vmem>>
        %dma_start3A_223 = arith.constant 0 : i32
        %dma_start3A_224 = tpu.memref_slice %arg7[%dma_start3A_223] : memref<10240xf32, #tpu.memory_space<vmem_shared>> -> memref<10240xf32, #tpu.memory_space<vmem_shared>>
        tpu.enqueue_indirect_dma source(%arg5 : memref<128xf32, #tpu.memory_space<vmem>>) target(%dma_start3A_224 : memref<10240xf32, #tpu.memory_space<vmem_shared>>) offsets(%dma_start3A_222 : memref<128xi32, #tpu.memory_space<vmem>>) semaphore(%run_scoped3A_220 : memref<!tpu.dma_semaphore, #tpu.memory_space<semaphore_mem>>) {add = true}
        %dma_wait3A = arith.constant 0 : i32
        %dma_wait3A_225 = tpu.memref_slice %arg4[%run_scoped3A_216, %dma_wait3A] : memref<8x128xi32, #tpu.memory_space<vmem>> -> memref<1x128xi32, #tpu.memory_space<vmem>>
        %dma_wait3A_226 = tpu.memref_squeeze %dma_wait3A_225 : memref<1x128xi32, #tpu.memory_space<vmem>> -> memref<128xi32, #tpu.memory_space<vmem>>
        %dma_wait3A_227 = arith.constant 0 : i32
        %dma_wait3A_228 = tpu.memref_slice %arg7[%dma_wait3A_227] : memref<10240xf32, #tpu.memory_space<vmem_shared>> -> memref<10240xf32, #tpu.memory_space<vmem_shared>>
        tpu.wait_indirect_dma semaphore(%run_scoped3A_220 : memref<!tpu.dma_semaphore, #tpu.memory_space<semaphore_mem>>) src(%arg5 : memref<128xf32, #tpu.memory_space<vmem>>) dst(%dma_wait3A_228 : memref<10240xf32, #tpu.memory_space<vmem_shared>>)
        tpu.yield
      }) : () -> ()
      %run_scoped3A_217 = arith.constant 5 : i32
      "tpu.region"() ({
        %run_scoped3A_220 = tpu.sem_alloc : memref<!tpu.dma_semaphore, #tpu.memory_space<semaphore_mem>>
        %dma_start3A = arith.constant 0 : i32
        %dma_start3A_221 = tpu.memref_slice %arg4[%run_scoped3A_217, %dma_start3A] : memref<8x128xi32, #tpu.memory_space<vmem>> -> memref<1x128xi32, #tpu.memory_space<vmem>>
        %dma_start3A_222 = tpu.memref_squeeze %dma_start3A_221 : memref<1x128xi32, #tpu.memory_space<vmem>> -> memref<128xi32, #tpu.memory_space<vmem>>
        %dma_start3A_223 = arith.constant 0 : i32
        %dma_start3A_224 = tpu.memref_slice %arg7[%dma_start3A_223] : memref<10240xf32, #tpu.memory_space<vmem_shared>> -> memref<10240xf32, #tpu.memory_space<vmem_shared>>
        tpu.enqueue_indirect_dma source(%arg5 : memref<128xf32, #tpu.memory_space<vmem>>) target(%dma_start3A_224 : memref<10240xf32, #tpu.memory_space<vmem_shared>>) offsets(%dma_start3A_222 : memref<128xi32, #tpu.memory_space<vmem>>) semaphore(%run_scoped3A_220 : memref<!tpu.dma_semaphore, #tpu.memory_space<semaphore_mem>>) {add = true}
        %dma_wait3A = arith.constant 0 : i32
        %dma_wait3A_225 = tpu.memref_slice %arg4[%run_scoped3A_217, %dma_wait3A] : memref<8x128xi32, #tpu.memory_space<vmem>> -> memref<1x128xi32, #tpu.memory_space<vmem>>
        %dma_wait3A_226 = tpu.memref_squeeze %dma_wait3A_225 : memref<1x128xi32, #tpu.memory_space<vmem>> -> memref<128xi32, #tpu.memory_space<vmem>>
        %dma_wait3A_227 = arith.constant 0 : i32
        %dma_wait3A_228 = tpu.memref_slice %arg7[%dma_wait3A_227] : memref<10240xf32, #tpu.memory_space<vmem_shared>> -> memref<10240xf32, #tpu.memory_space<vmem_shared>>
        tpu.wait_indirect_dma semaphore(%run_scoped3A_220 : memref<!tpu.dma_semaphore, #tpu.memory_space<semaphore_mem>>) src(%arg5 : memref<128xf32, #tpu.memory_space<vmem>>) dst(%dma_wait3A_228 : memref<10240xf32, #tpu.memory_space<vmem_shared>>)
        tpu.yield
      }) : () -> ()
      %run_scoped3A_218 = arith.constant 6 : i32
      "tpu.region"() ({
        %run_scoped3A_220 = tpu.sem_alloc : memref<!tpu.dma_semaphore, #tpu.memory_space<semaphore_mem>>
        %dma_start3A = arith.constant 0 : i32
        %dma_start3A_221 = tpu.memref_slice %arg4[%run_scoped3A_218, %dma_start3A] : memref<8x128xi32, #tpu.memory_space<vmem>> -> memref<1x128xi32, #tpu.memory_space<vmem>>
        %dma_start3A_222 = tpu.memref_squeeze %dma_start3A_221 : memref<1x128xi32, #tpu.memory_space<vmem>> -> memref<128xi32, #tpu.memory_space<vmem>>
        %dma_start3A_223 = arith.constant 0 : i32
        %dma_start3A_224 = tpu.memref_slice %arg7[%dma_start3A_223] : memref<10240xf32, #tpu.memory_space<vmem_shared>> -> memref<10240xf32, #tpu.memory_space<vmem_shared>>
        tpu.enqueue_indirect_dma source(%arg5 : memref<128xf32, #tpu.memory_space<vmem>>) target(%dma_start3A_224 : memref<10240xf32, #tpu.memory_space<vmem_shared>>) offsets(%dma_start3A_222 : memref<128xi32, #tpu.memory_space<vmem>>) semaphore(%run_scoped3A_220 : memref<!tpu.dma_semaphore, #tpu.memory_space<semaphore_mem>>) {add = true}
        %dma_wait3A = arith.constant 0 : i32
        %dma_wait3A_225 = tpu.memref_slice %arg4[%run_scoped3A_218, %dma_wait3A] : memref<8x128xi32, #tpu.memory_space<vmem>> -> memref<1x128xi32, #tpu.memory_space<vmem>>
        %dma_wait3A_226 = tpu.memref_squeeze %dma_wait3A_225 : memref<1x128xi32, #tpu.memory_space<vmem>> -> memref<128xi32, #tpu.memory_space<vmem>>
        %dma_wait3A_227 = arith.constant 0 : i32
        %dma_wait3A_228 = tpu.memref_slice %arg7[%dma_wait3A_227] : memref<10240xf32, #tpu.memory_space<vmem_shared>> -> memref<10240xf32, #tpu.memory_space<vmem_shared>>
        tpu.wait_indirect_dma semaphore(%run_scoped3A_220 : memref<!tpu.dma_semaphore, #tpu.memory_space<semaphore_mem>>) src(%arg5 : memref<128xf32, #tpu.memory_space<vmem>>) dst(%dma_wait3A_228 : memref<10240xf32, #tpu.memory_space<vmem_shared>>)
        tpu.yield
      }) : () -> ()
      %run_scoped3A_219 = arith.constant 7 : i32
      "tpu.region"() ({
        %run_scoped3A_220 = tpu.sem_alloc : memref<!tpu.dma_semaphore, #tpu.memory_space<semaphore_mem>>
        %dma_start3A = arith.constant 0 : i32
        %dma_start3A_221 = tpu.memref_slice %arg4[%run_scoped3A_219, %dma_start3A] : memref<8x128xi32, #tpu.memory_space<vmem>> -> memref<1x128xi32, #tpu.memory_space<vmem>>
        %dma_start3A_222 = tpu.memref_squeeze %dma_start3A_221 : memref<1x128xi32, #tpu.memory_space<vmem>> -> memref<128xi32, #tpu.memory_space<vmem>>
        %dma_start3A_223 = arith.constant 0 : i32
        %dma_start3A_224 = tpu.memref_slice %arg7[%dma_start3A_223] : memref<10240xf32, #tpu.memory_space<vmem_shared>> -> memref<10240xf32, #tpu.memory_space<vmem_shared>>
        tpu.enqueue_indirect_dma source(%arg5 : memref<128xf32, #tpu.memory_space<vmem>>) target(%dma_start3A_224 : memref<10240xf32, #tpu.memory_space<vmem_shared>>) offsets(%dma_start3A_222 : memref<128xi32, #tpu.memory_space<vmem>>) semaphore(%run_scoped3A_220 : memref<!tpu.dma_semaphore, #tpu.memory_space<semaphore_mem>>) {add = true}
        %dma_wait3A = arith.constant 0 : i32
        %dma_wait3A_225 = tpu.memref_slice %arg4[%run_scoped3A_219, %dma_wait3A] : memref<8x128xi32, #tpu.memory_space<vmem>> -> memref<1x128xi32, #tpu.memory_space<vmem>>
        %dma_wait3A_226 = tpu.memref_squeeze %dma_wait3A_225 : memref<1x128xi32, #tpu.memory_space<vmem>> -> memref<128xi32, #tpu.memory_space<vmem>>
        %dma_wait3A_227 = arith.constant 0 : i32
        %dma_wait3A_228 = tpu.memref_slice %arg7[%dma_wait3A_227] : memref<10240xf32, #tpu.memory_space<vmem_shared>> -> memref<10240xf32, #tpu.memory_space<vmem_shared>>
        tpu.wait_indirect_dma semaphore(%run_scoped3A_220 : memref<!tpu.dma_semaphore, #tpu.memory_space<semaphore_mem>>) src(%arg5 : memref<128xf32, #tpu.memory_space<vmem>>) dst(%dma_wait3A_228 : memref<10240xf32, #tpu.memory_space<vmem_shared>>)
        tpu.yield
      }) : () -> ()
    }
    %scan3A_203 = arith.constant 20 : i32
    %barrier3A_204 = arith.constant 0 : index
    tpu.barrier barrier_id(%barrier3A_204)
    %mul3A_205 = arith.constant 640 : i32
    %mul3A_206 = arith.muli %arg1, %mul3A_205 : i32
    %mul3A_207 = arith.constant 640 : i32
    %mul3A_208 = arith.muli %arg1, %mul3A_207 : i32
    "tpu.region"() ({
      %run_scoped3A = tpu.sem_alloc : memref<!tpu.dma_semaphore, #tpu.memory_space<semaphore_mem>>
      %dma_start3A = tpu.memref_slice %arg3[%arg0, %mul3A_208] : memref<2x10240xf32, #tpu.memory_space<hbm>> -> memref<1x640xf32, #tpu.memory_space<hbm>>
      %dma_start3A_209 = tpu.memref_squeeze %dma_start3A : memref<1x640xf32, #tpu.memory_space<hbm>> -> memref<640xf32, #tpu.memory_space<hbm>>
      %dma_start3A_210 = tpu.memref_slice %arg7[%mul3A_206] : memref<10240xf32, #tpu.memory_space<vmem_shared>> -> memref<640xf32, #tpu.memory_space<vmem_shared>>
      tpu.enqueue_dma source(%dma_start3A_210 : memref<640xf32, #tpu.memory_space<vmem_shared>>) target(%dma_start3A_209 : memref<640xf32, #tpu.memory_space<hbm>>) target_semaphore(%run_scoped3A : memref<!tpu.dma_semaphore, #tpu.memory_space<semaphore_mem>>)
      %dma_wait3A = tpu.memref_slice %arg3[%arg0, %mul3A_208] : memref<2x10240xf32, #tpu.memory_space<hbm>> -> memref<1x640xf32, #tpu.memory_space<hbm>>
      %dma_wait3A_211 = tpu.memref_squeeze %dma_wait3A : memref<1x640xf32, #tpu.memory_space<hbm>> -> memref<640xf32, #tpu.memory_space<hbm>>
      %dma_wait3A_212 = tpu.memref_slice %arg7[%mul3A_206] : memref<10240xf32, #tpu.memory_space<vmem_shared>> -> memref<640xf32, #tpu.memory_space<vmem_shared>>
      tpu.wait_dma2 semaphore(%run_scoped3A : memref<!tpu.dma_semaphore, #tpu.memory_space<semaphore_mem>>) src(%dma_wait3A_212 : memref<640xf32, #tpu.memory_space<vmem_shared>>) dst(%dma_wait3A_211 : memref<640xf32, #tpu.memory_space<hbm>>)
      tpu.yield
    }) : () -> ()
    return
  }
}

module attributes {stable_mosaic.version = 14 : i64} {
  func.func @_t1_body(%arg0: memref<10000x128xf32, #tpu.memory_space<vmem>>, %arg1: memref<128x128xf32, #tpu.memory_space<vmem>>, %arg2: memref<10000x1xf32, #tpu.memory_space<vmem>>, %arg3: memref<10000x128xf32, #tpu.memory_space<vmem>>, %arg4: memref<10000x1xf32, #tpu.memory_space<vmem>>) attributes {dimension_semantics = [], scalar_prefetch = 0 : i64, scratch_operands = 0 : i64, tpu.core_type = #tpu.core_type<tc>} {
    %get3A = arith.constant 0 : index
    %get3A_0 = arith.constant 0 : index
    %get3A_1 = vector.load %arg2[%get3A, %get3A_0] : memref<10000x1xf32, #tpu.memory_space<vmem>>, vector<10000x1xf32>
    %rsqrt3A = math.rsqrt %get3A_1 : vector<10000x1xf32>
    %swap3A = arith.constant 0 : index
    %swap3A_2 = arith.constant 0 : index
    %swap3A_3 = vector.load %arg4[%swap3A, %swap3A_2] : memref<10000x1xf32, #tpu.memory_space<vmem>>, vector<10000x1xf32>
    tpu.vector_store %arg4[%swap3A, %swap3A_2], %rsqrt3A {strides = array<i32>} : memref<10000x1xf32, #tpu.memory_space<vmem>>, vector<10000x1xf32>,
    %get3A_4 = arith.constant 0 : index
    %get3A_5 = arith.constant 0 : index
    %get3A_6 = vector.load %arg0[%get3A_4, %get3A_5] : memref<10000x128xf32, #tpu.memory_space<vmem>>, vector<10000x128xf32>
    %get3A_7 = arith.constant 0 : index
    %get3A_8 = arith.constant 0 : index
    %get3A_9 = vector.load %arg1[%get3A_7, %get3A_8] : memref<128x128xf32, #tpu.memory_space<vmem>>, vector<128x128xf32>
    %dot_general3A = arith.constant dense<0.000000e+00> : vector<10000x128xf32>
    %dot_general3A_10 = tpu.matmul %get3A_6, %get3A_9, %dot_general3A {dimension_numbers = #tpu.dot_dimension_numbers<[1], [0], [0], [1], [0, 0, 1, 1], [], []>, transpose_lhs_hint = false} : vector<10000x128xf32>, vector<128x128xf32>, vector<10000x128xf32> -> vector<10000x128xf32>
    %mul3A = vector.broadcast %rsqrt3A : vector<10000x1xf32> to vector<10000x128xf32>
    %mul3A_11 = arith.mulf %dot_general3A_10, %mul3A : vector<10000x128xf32>
    %swap3A_12 = arith.constant 0 : index
    %swap3A_13 = arith.constant 0 : index
    %swap3A_14 = vector.load %arg3[%swap3A_12, %swap3A_13] : memref<10000x128xf32, #tpu.memory_space<vmem>>, vector<10000x128xf32>
    tpu.vector_store %arg3[%swap3A_12, %swap3A_13], %mul3A_11 {strides = array<i32>} : memref<10000x128xf32, #tpu.memory_space<vmem>>, vector<10000x128xf32>,
    return
  }
}

module attributes {stable_mosaic.version = 14 : i64} {
  func.func @_mid_body(%arg0: memref<2x10240x128xf32, #tpu.memory_space<vmem>>, %arg1: memref<10000x128xf32, #tpu.memory_space<vmem>>, %arg2: memref<10000x1xf32, #tpu.memory_space<vmem>>, %arg3: memref<1x128xf32, #tpu.memory_space<vmem>>, %arg4: memref<1x128xf32, #tpu.memory_space<vmem>>, %arg5: memref<1x128xf32, #tpu.memory_space<vmem>>, %arg6: memref<128x128xf32, #tpu.memory_space<vmem>>, %arg7: memref<10000x128xf32, #tpu.memory_space<vmem>>) attributes {dimension_semantics = [], scalar_prefetch = 0 : i64, scratch_operands = 0 : i64, tpu.core_type = #tpu.core_type<tc>} {
    %get3A = arith.constant 0 : index
    %get3A_0 = arith.constant 0 : index
    %get3A_1 = arith.constant 0 : index
    %get3A_2 = vector.load %arg0[%get3A, %get3A_0, %get3A_1] : memref<2x10240x128xf32, #tpu.memory_space<vmem>>, vector<1x10000x128xf32>
    %get3A_3 = vector.shape_cast %get3A_2 : vector<1x10000x128xf32> to vector<10000x128xf32>
    %get3A_4 = arith.constant 1 : index
    %get3A_5 = arith.constant 0 : index
    %get3A_6 = arith.constant 0 : index
    %get3A_7 = vector.load %arg0[%get3A_4, %get3A_5, %get3A_6] : memref<2x10240x128xf32, #tpu.memory_space<vmem>>, vector<1x10000x128xf32>
    %get3A_8 = vector.shape_cast %get3A_7 : vector<1x10000x128xf32> to vector<10000x128xf32>
    %add3A = arith.addf %get3A_3, %get3A_8 : vector<10000x128xf32>
    %get3A_9 = arith.constant 0 : index
    %get3A_10 = arith.constant 0 : index
    %get3A_11 = vector.load %arg1[%get3A_9, %get3A_10] : memref<10000x128xf32, #tpu.memory_space<vmem>>, vector<10000x128xf32>
    %add3A_12 = arith.addf %add3A, %get3A_11 : vector<10000x128xf32>
    %get3A_13 = arith.constant 0 : index
    %get3A_14 = arith.constant 0 : index
    %get3A_15 = vector.load %arg2[%get3A_13, %get3A_14] : memref<10000x1xf32, #tpu.memory_space<vmem>>, vector<10000x1xf32>
    %mul3A = vector.broadcast %get3A_15 : vector<10000x1xf32> to vector<10000x128xf32>
    %mul3A_16 = arith.mulf %add3A_12, %mul3A : vector<10000x128xf32>
    %get3A_17 = arith.constant 0 : index
    %get3A_18 = arith.constant 0 : index
    %get3A_19 = vector.load %arg3[%get3A_17, %get3A_18] : memref<1x128xf32, #tpu.memory_space<vmem>>, vector<1x128xf32>
    %add3A_20 = vector.broadcast %get3A_19 : vector<1x128xf32> to vector<10000x128xf32>
    %add3A_21 = arith.addf %mul3A_16, %add3A_20 : vector<10000x128xf32>
    %reduce_sum3A = arith.constant dense<0.000000e+00> : vector<128xf32>
    %reduce_sum3A_22 = vector.multi_reduction <add>, %add3A_21, %reduce_sum3A [0] : vector<10000x128xf32> to vector<128xf32>
    %broadcast_in_dim3A = vector.shape_cast %reduce_sum3A_22 : vector<128xf32> to vector<1x128xf32>
    %div3A = arith.constant 1.000000e+04 : f32
    %div3A_23 = vector.broadcast %div3A : f32 to vector<1x128xf32>
    %div3A_24 = arith.divf %broadcast_in_dim3A, %div3A_23 : vector<1x128xf32>
    %sub3A = vector.broadcast %div3A_24 : vector<1x128xf32> to vector<10000x128xf32>
    %sub3A_25 = arith.subf %add3A_21, %sub3A : vector<10000x128xf32>
    %mul3A_26 = arith.mulf %sub3A_25, %sub3A_25 : vector<10000x128xf32>
    %reduce_sum3A_27 = arith.constant dense<0.000000e+00> : vector<128xf32>
    %reduce_sum3A_28 = vector.multi_reduction <add>, %mul3A_26, %reduce_sum3A_27 [0] : vector<10000x128xf32> to vector<128xf32>
    %broadcast_in_dim3A_29 = vector.shape_cast %reduce_sum3A_28 : vector<128xf32> to vector<1x128xf32>
    %div3A_30 = arith.constant 1.000000e+04 : f32
    %div3A_31 = vector.broadcast %div3A_30 : f32 to vector<1x128xf32>
    %div3A_32 = arith.divf %broadcast_in_dim3A_29, %div3A_31 : vector<1x128xf32>
    %add3A_33 = arith.constant 9.99999974E-6 : f32
    %add3A_34 = vector.broadcast %add3A_33 : f32 to vector<1x128xf32>
    %add3A_35 = arith.addf %div3A_32, %add3A_34 : vector<1x128xf32>
    %rsqrt3A = math.rsqrt %add3A_35 : vector<1x128xf32>
    %mul3A_36 = vector.broadcast %rsqrt3A : vector<1x128xf32> to vector<10000x128xf32>
    %mul3A_37 = arith.mulf %sub3A_25, %mul3A_36 : vector<10000x128xf32>
    %get3A_38 = arith.constant 0 : index
    %get3A_39 = arith.constant 0 : index
    %get3A_40 = vector.load %arg4[%get3A_38, %get3A_39] : memref<1x128xf32, #tpu.memory_space<vmem>>, vector<1x128xf32>
    %mul3A_41 = vector.broadcast %get3A_40 : vector<1x128xf32> to vector<10000x128xf32>
    %mul3A_42 = arith.mulf %mul3A_37, %mul3A_41 : vector<10000x128xf32>
    %get3A_43 = arith.constant 0 : index
    %get3A_44 = arith.constant 0 : index
    %get3A_45 = vector.load %arg5[%get3A_43, %get3A_44] : memref<1x128xf32, #tpu.memory_space<vmem>>, vector<1x128xf32>
    %add3A_46 = vector.broadcast %get3A_45 : vector<1x128xf32> to vector<10000x128xf32>
    %add3A_47 = arith.addf %mul3A_42, %add3A_46 : vector<10000x128xf32>
    %max3A = arith.constant 0.000000e+00 : f32
    %max3A_48 = vector.broadcast %max3A : f32 to vector<10000x128xf32>
    %max3A_49 = arith.maximumf %add3A_47, %max3A_48 : vector<10000x128xf32>
    %get3A_50 = arith.constant 0 : index
    %get3A_51 = arith.constant 0 : index
    %get3A_52 = vector.load %arg6[%get3A_50, %get3A_51] : memref<128x128xf32, #tpu.memory_space<vmem>>, vector<128x128xf32>
    %dot_general3A = arith.constant dense<0.000000e+00> : vector<10000x128xf32>
    %dot_general3A_53 = tpu.matmul %max3A_49, %get3A_52, %dot_general3A {dimension_numbers = #tpu.dot_dimension_numbers<[1], [0], [0], [1], [0, 0, 1, 1], [], []>, transpose_lhs_hint = false} : vector<10000x128xf32>, vector<128x128xf32>, vector<10000x128xf32> -> vector<10000x128xf32>
    %get3A_54 = arith.constant 0 : index
    %get3A_55 = arith.constant 0 : index
    %get3A_56 = vector.load %arg2[%get3A_54, %get3A_55] : memref<10000x1xf32, #tpu.memory_space<vmem>>, vector<10000x1xf32>
    %mul3A_57 = vector.broadcast %get3A_56 : vector<10000x1xf32> to vector<10000x128xf32>
    %mul3A_58 = arith.mulf %dot_general3A_53, %mul3A_57 : vector<10000x128xf32>
    %swap3A = arith.constant 0 : index
    %swap3A_59 = arith.constant 0 : index
    %swap3A_60 = vector.load %arg7[%swap3A, %swap3A_59] : memref<10000x128xf32, #tpu.memory_space<vmem>>, vector<10000x128xf32>
    tpu.vector_store %arg7[%swap3A, %swap3A_59], %mul3A_58 {strides = array<i32>} : memref<10000x128xf32, #tpu.memory_space<vmem>>, vector<10000x128xf32>,
    return
  }
}

module attributes {stable_mosaic.version = 14 : i64} {
  func.func @_fin_body(%arg0: memref<2x10240x128xf32, #tpu.memory_space<vmem>>, %arg1: memref<10000x128xf32, #tpu.memory_space<vmem>>, %arg2: memref<10000x1xf32, #tpu.memory_space<vmem>>, %arg3: memref<1x128xf32, #tpu.memory_space<vmem>>, %arg4: memref<1x128xf32, #tpu.memory_space<vmem>>, %arg5: memref<1x128xf32, #tpu.memory_space<vmem>>, %arg6: memref<10000x128xf32, #tpu.memory_space<vmem>>, %arg7: memref<10000x128xf32, #tpu.memory_space<vmem>>) attributes {dimension_semantics = [], scalar_prefetch = 0 : i64, scratch_operands = 0 : i64, tpu.core_type = #tpu.core_type<tc>} {
    %get3A = arith.constant 0 : index
    %get3A_0 = arith.constant 0 : index
    %get3A_1 = arith.constant 0 : index
    %get3A_2 = vector.load %arg0[%get3A, %get3A_0, %get3A_1] : memref<2x10240x128xf32, #tpu.memory_space<vmem>>, vector<1x10000x128xf32>
    %get3A_3 = vector.shape_cast %get3A_2 : vector<1x10000x128xf32> to vector<10000x128xf32>
    %get3A_4 = arith.constant 1 : index
    %get3A_5 = arith.constant 0 : index
    %get3A_6 = arith.constant 0 : index
    %get3A_7 = vector.load %arg0[%get3A_4, %get3A_5, %get3A_6] : memref<2x10240x128xf32, #tpu.memory_space<vmem>>, vector<1x10000x128xf32>
    %get3A_8 = vector.shape_cast %get3A_7 : vector<1x10000x128xf32> to vector<10000x128xf32>
    %add3A = arith.addf %get3A_3, %get3A_8 : vector<10000x128xf32>
    %get3A_9 = arith.constant 0 : index
    %get3A_10 = arith.constant 0 : index
    %get3A_11 = vector.load %arg1[%get3A_9, %get3A_10] : memref<10000x128xf32, #tpu.memory_space<vmem>>, vector<10000x128xf32>
    %add3A_12 = arith.addf %add3A, %get3A_11 : vector<10000x128xf32>
    %get3A_13 = arith.constant 0 : index
    %get3A_14 = arith.constant 0 : index
    %get3A_15 = vector.load %arg2[%get3A_13, %get3A_14] : memref<10000x1xf32, #tpu.memory_space<vmem>>, vector<10000x1xf32>
    %mul3A = vector.broadcast %get3A_15 : vector<10000x1xf32> to vector<10000x128xf32>
    %mul3A_16 = arith.mulf %add3A_12, %mul3A : vector<10000x128xf32>
    %get3A_17 = arith.constant 0 : index
    %get3A_18 = arith.constant 0 : index
    %get3A_19 = vector.load %arg3[%get3A_17, %get3A_18] : memref<1x128xf32, #tpu.memory_space<vmem>>, vector<1x128xf32>
    %add3A_20 = vector.broadcast %get3A_19 : vector<1x128xf32> to vector<10000x128xf32>
    %add3A_21 = arith.addf %mul3A_16, %add3A_20 : vector<10000x128xf32>
    %reduce_sum3A = arith.constant dense<0.000000e+00> : vector<128xf32>
    %reduce_sum3A_22 = vector.multi_reduction <add>, %add3A_21, %reduce_sum3A [0] : vector<10000x128xf32> to vector<128xf32>
    %broadcast_in_dim3A = vector.shape_cast %reduce_sum3A_22 : vector<128xf32> to vector<1x128xf32>
    %div3A = arith.constant 1.000000e+04 : f32
    %div3A_23 = vector.broadcast %div3A : f32 to vector<1x128xf32>
    %div3A_24 = arith.divf %broadcast_in_dim3A, %div3A_23 : vector<1x128xf32>
    %sub3A = vector.broadcast %div3A_24 : vector<1x128xf32> to vector<10000x128xf32>
    %sub3A_25 = arith.subf %add3A_21, %sub3A : vector<10000x128xf32>
    %mul3A_26 = arith.mulf %sub3A_25, %sub3A_25 : vector<10000x128xf32>
    %reduce_sum3A_27 = arith.constant dense<0.000000e+00> : vector<128xf32>
    %reduce_sum3A_28 = vector.multi_reduction <add>, %mul3A_26, %reduce_sum3A_27 [0] : vector<10000x128xf32> to vector<128xf32>
    %broadcast_in_dim3A_29 = vector.shape_cast %reduce_sum3A_28 : vector<128xf32> to vector<1x128xf32>
    %div3A_30 = arith.constant 1.000000e+04 : f32
    %div3A_31 = vector.broadcast %div3A_30 : f32 to vector<1x128xf32>
    %div3A_32 = arith.divf %broadcast_in_dim3A_29, %div3A_31 : vector<1x128xf32>
    %add3A_33 = arith.constant 9.99999974E-6 : f32
    %add3A_34 = vector.broadcast %add3A_33 : f32 to vector<1x128xf32>
    %add3A_35 = arith.addf %div3A_32, %add3A_34 : vector<1x128xf32>
    %rsqrt3A = math.rsqrt %add3A_35 : vector<1x128xf32>
    %mul3A_36 = vector.broadcast %rsqrt3A : vector<1x128xf32> to vector<10000x128xf32>
    %mul3A_37 = arith.mulf %sub3A_25, %mul3A_36 : vector<10000x128xf32>
    %get3A_38 = arith.constant 0 : index
    %get3A_39 = arith.constant 0 : index
    %get3A_40 = vector.load %arg4[%get3A_38, %get3A_39] : memref<1x128xf32, #tpu.memory_space<vmem>>, vector<1x128xf32>
    %mul3A_41 = vector.broadcast %get3A_40 : vector<1x128xf32> to vector<10000x128xf32>
    %mul3A_42 = arith.mulf %mul3A_37, %mul3A_41 : vector<10000x128xf32>
    %get3A_43 = arith.constant 0 : index
    %get3A_44 = arith.constant 0 : index
    %get3A_45 = vector.load %arg5[%get3A_43, %get3A_44] : memref<1x128xf32, #tpu.memory_space<vmem>>, vector<1x128xf32>
    %add3A_46 = vector.broadcast %get3A_45 : vector<1x128xf32> to vector<10000x128xf32>
    %add3A_47 = arith.addf %mul3A_42, %add3A_46 : vector<10000x128xf32>
    %max3A = arith.constant 0.000000e+00 : f32
    %max3A_48 = vector.broadcast %max3A : f32 to vector<10000x128xf32>
    %max3A_49 = arith.maximumf %add3A_47, %max3A_48 : vector<10000x128xf32>
    %get3A_50 = arith.constant 0 : index
    %get3A_51 = arith.constant 0 : index
    %get3A_52 = vector.load %arg6[%get3A_50, %get3A_51] : memref<10000x128xf32, #tpu.memory_space<vmem>>, vector<10000x128xf32>
    %add3A_53 = arith.addf %max3A_49, %get3A_52 : vector<10000x128xf32>
    %max3A_54 = arith.constant 0.000000e+00 : f32
    %max3A_55 = vector.broadcast %max3A_54 : f32 to vector<10000x128xf32>
    %max3A_56 = arith.maximumf %add3A_53, %max3A_55 : vector<10000x128xf32>
    %swap3A = arith.constant 0 : index
    %swap3A_57 = arith.constant 0 : index
    %swap3A_58 = vector.load %arg7[%swap3A, %swap3A_57] : memref<10000x128xf32, #tpu.memory_space<vmem>>, vector<10000x128xf32>
    tpu.vector_store %arg7[%swap3A, %swap3A_57], %max3A_56 {strides = array<i32>} : memref<10000x128xf32, #tpu.memory_space<vmem>>, vector<10000x128xf32>,
    return
  }
}

</mosaic_0001>

<sc_bundles>
// kernel: kernel.10.cloned.1.call-start
scs
__scs_entry_jumppad:
0x0: {  	(pc) =	sbr.rel $0x88, $3  }
0x1: {  	(tag) =	ssettag $0x0;
	lr =	simm.s32 $0x1  }
0x2: {  	[smem:$0x3F93] =	sst lr;
	_ =	strace $0xD0000000  }
0x3: {  	_ = 	snop  }
0x4: {  	_ = 	snop  }
0x5: {  	_ = 	snop  }
0x6: {  	_ = 	snop  }
0x7: {  	_ = 	snop  }
__scs_overlays_trampoline_lowered:
0x8: {  	[smem:$0x3FA2] =	sst s0  }
0x9: {  	[smem:$0x3FA3] =	sst s1  }
0xa: {  	[smem:$0x3FA4] =	sst s2  }
0xb: {  	[smem:$0x3FA5] =	sst s3  }
0xc: {  	[smem:$0x3FA6] =	sst s4  }
0xd: {  	[smem:$0x3FA7] =	sst s5  }
0xe: {  	[smem:$0x3FA8] =	sst s6  }
0xf: {  	[smem:$0x3FA9] =	sst s7  }
0x10: {  	[smem:$0x3FAA] =	sst s8  }
0x11: {  	[smem:$0x3FAB] =	sst s9;
	s0 =	simm.s32 @!p0 $0x0  }
0x12: {  	s1 =	sld [smem:$0x3F91];
	s0 =	simm.s32 @p0 $0x1  }
0x13: {  	[smem:$0x3FAC] =	sst s0;
	s0 =	simm.s32 @!p1 $0x0  }
0x14: {  	s2 =	sld [smem:$0x3F90];
	s0 =	simm.s32 @p1 $0x1  }
0x15: {  	[smem:$0x3FAD] =	sst s0;
	s0 =	simm.s32 @!p2 $0x0  }
0x16: {  	s3 =	sld [smem:$0x3FDB];
	s0 =	simm.s32 @p2 $0x1  }
0x17: {  	s4 =	simm.s32 $0x1BF5;
	[smem:$0x3FAF] =	sst s0  }
0x18: {  	s0 =	sld [smem:$0x3F92];
	_ =	swait.ge [sflag:s4], $0x0  }
0x19: {  	s7 =	sld [smem:$0x3F93]  }
0x1a: {  	s8 =	sadd.s32 $0xFFFFE003, lr  }
0x1b: {  	s9 =	sadd.s32 $0xFFFFFEF7, lr;
	s5 =	simm.s32 $0xFFFFFFFF;
	p2 =	slt.u32 s8, $0xFFFFF086  }
0x1c: {  	p1 =	slt.u32 s9, $0xF7A;
	s5 =	simm.s32 @!p2 $0x0  }
0x1d: {  	s5 =	simm.s32 @p1 $0x1;
	p0 =	seq.s32 s7, s2  }
0x1e: {  	s7 =	smul.u32 @!p0 $0xF7A, s2;
	p2 =	seq.s32 @!p0 s5, $0x0  }
0x1f: {  	s9 =	smul.u32 $0xF7A, s1;
	s8 =	simm.s32 @!p0 $0x1BF5;
	p2 =	por !p2, p0  }
0x20: {  	[sflag:s8] =	ssyncset.s32 @!p0 $0xFFFFF086;
	s6 =	sadd.s32 @!p0 s3, s7;
	s7 =	simm.s32 @!p0 $0x108  }
0x21: {  	s3 =	sadd.s32 s3, s9;
	s6 =	sadd.s32 @!p0 $0x88, s6;
	s7 =	simm.s32 @p2 $0x1082  }
0x22: {  	[simem:s7], [sflag:s8] =	dma.local @!p0 [hbm:s6], $0xF7A  }
0x23: {  	s9 =	sor.u32 $0xD0000000, s2;
	s6 =	simm.s32 $0x108;
	_ =	swait.ge @!p0 [sflag:s8], $0x0  }
0x24: {  	s3 =	sadd.s32 $0x88, s3;
	s6 =	simm.s32 @!p1 $0x1082;
	[sflag:s4] =	ssyncset.s32 $0xFFFFF086  }
0x25: {  	[simem:s6], [sflag:s4] =	dma.local [hbm:s3], $0xF7A  }
0x26: {  	[smem:$0x3F93] =	sst s1;
	(tag) =	ssettag s2;
	_ =	strace s9  }
0x27: {  	s1 =	sld [smem:$0x3FA3]  }
0x28: {  	s2 =	sld [smem:$0x3FA4]  }
0x29: {  	s4 =	sld [smem:$0x3FA6]  }
0x2a: {  	p0 =	seq.s32 s5, $0x0;
	s5 =	sld [smem:$0x3FA7]  }
0x2b: {  	s6 =	sld [smem:$0x3FA8]  }
0x2c: {  	s7 =	sld [smem:$0x3FA9]  }
0x2d: {  	s3 =	simm.s32 $0x108;
	s8 =	sld [smem:$0x3FAA]  }
0x2e: {  	s3 =	simm.s32 @!p0 $0x1082;
	s9 =	sld [smem:$0x3FAB]  }
0x2f: {  	lr =	sadd.s32 s0, s3;
	s0 =	sld [smem:$0x3FA2]  }
0x30: {  	s3 =	sld [smem:$0x3FA5]  }
0x31: {  	[smem:$0x3FAE] =	sst s10  }
0x32: {  	s10 =	sld [smem:$0x3FAC];
	_ =	sdelay $0x3  }
0x33: {  	p0 =	seq.s32 s10, $0x1;
	s10 =	sld [smem:$0x3FAE];
	_ =	sdelay $0x3  }
0x34: {  	[smem:$0x3FAE] =	sst s10  }
0x35: {  	s10 =	sld [smem:$0x3FAD];
	_ =	sdelay $0x3  }
0x36: {  	p1 =	seq.s32 s10, $0x1;
	s10 =	sld [smem:$0x3FAE];
	_ =	sdelay $0x3  }
0x37: {  	[smem:$0x3FAE] =	sst s10  }
0x38: {  	s10 =	sld [smem:$0x3FAF]  }
0x39: {  	_ = 	snop;
	(pc) =	sbr.ind lr, $3  }
0x3a: {  	_ = 	snop  }
0x3b: {  	_ = 	snop  }
0x3c: {  	p2 =	seq.s32 s10, $0x1;
	s10 =	sld [smem:$0x3FAE]  }
0x3d: {  	_ =	shalt  }
0x3e: {  	_ =	shalt  }
0x3f: {  	_ =	shalt  }
0x40: {  	_ =	shalt  }
0x41: {  	_ =	shalt  }
0x42: {  	_ =	shalt  }
0x43: {  	_ =	shalt  }
0x44: {  	_ =	shalt  }
0x45: {  	_ =	shalt  }
0x46: {  	_ =	shalt  }
0x47: {  	_ =	shalt  }
0x48: {  	_ =	shalt  }
0x49: {  	_ =	shalt  }
0x4a: {  	_ =	shalt  }
0x4b: {  	_ =	shalt  }
0x4c: {  	_ =	shalt  }
0x4d: {  	_ =	shalt  }
0x4e: {  	_ =	shalt  }
0x4f: {  	_ =	shalt  }
0x50: {  	_ =	shalt  }
0x51: {  	_ =	shalt  }
0x52: {  	_ =	shalt  }
0x53: {  	_ =	shalt  }
0x54: {  	_ =	shalt  }
0x55: {  	_ =	shalt  }
0x56: {  	_ =	shalt  }
0x57: {  	_ =	shalt  }
0x58: {  	_ =	shalt  }
0x59: {  	_ =	shalt  }
0x5a: {  	_ =	shalt  }
0x5b: {  	_ =	shalt  }
0x5c: {  	_ =	shalt  }
0x5d: {  	_ =	shalt  }
0x5e: {  	_ =	shalt  }
0x5f: {  	_ =	shalt  }
0x60: {  	_ =	shalt  }
0x61: {  	_ =	shalt  }
0x62: {  	_ =	shalt  }
0x63: {  	_ =	shalt  }
0x64: {  	_ =	shalt  }
0x65: {  	_ =	shalt  }
0x66: {  	_ =	shalt  }
0x67: {  	_ =	shalt  }
0x68: {  	_ =	shalt  }
0x69: {  	_ =	shalt  }
0x6a: {  	_ =	shalt  }
0x6b: {  	_ =	shalt  }
0x6c: {  	_ =	shalt  }
0x6d: {  	_ =	shalt  }
0x6e: {  	_ =	shalt  }
0x6f: {  	_ =	shalt  }
0x70: {  	_ =	shalt  }
0x71: {  	_ =	shalt  }
0x72: {  	_ =	shalt  }
0x73: {  	_ =	shalt  }
0x74: {  	_ =	shalt  }
0x75: {  	_ =	shalt  }
0x76: {  	_ =	shalt  }
0x77: {  	_ =	shalt  }
0x78: {  	_ =	shalt  }
0x79: {  	_ =	shalt  }
0x7a: {  	_ =	shalt  }
0x7b: {  	_ =	shalt  }
0x7c: {  	_ =	shalt  }
0x7d: {  	_ =	shalt  }
0x7e: {  	_ =	shalt  }
0x7f: {  	_ =	shalt  }
0x80: {  	_ =	shalt  }
0x81: {  	_ =	shalt  }
0x82: {  	_ =	shalt  }
0x83: {  	_ =	shalt  }
0x84: {  	_ =	shalt  }
0x85: {  	_ =	shalt  }
0x86: {  	_ =	shalt  }
0x87: {  	_ =	shalt  }
.Lfunc_end0:
.L_simem_size_0:
called_computation_lowered:
.L_overlay_start_0:
0x88: {  	s2 =	sld [smem:$0x3FD9]  }
0x89: {  	s3 =	sld [smem:$0x3FFE];
	_ =	sdelay $0x1  }
0x8a: {  	s1 =	srdreg.scid  }
0x8b: {  	s0 =	sand.u32 $0x1, s1  }
0x8c: {  	s17 =	sshll.u32 s0, $0xA;
	s2 =	sadd.s32 s3, s2  }
0x8d: {  	s2 =	sadd.s32 s2, s17  }
0x8e: {  	[smem:$0x3FBA] =	sst s2  }
0x8f: {  	_ = 	snop  }
0x90: {  	s2 =	sld [smem:$0x3FD0];
	(tm) =	ssettm $0x1  }
0x91: {  	s18 =	sld [smem:$0x3FFB];
	_ =	sdelay $0x3  }
0x92: {  	_ =	strace s18  }
0x93: {  	s3 =	sld [smem:$0x3FFC];
	_ =	sdelay $0x3  }
0x94: {  	_ =	strace s3  }
0x95: {  	s3 =	sld [smem:$0x3FFD];
	_ =	sdelay $0x3  }
0x96: {  	_ =	strace s3  }
0x97: {  	_ =	strace $0x8FFFFFFF  }
0x98: {  	s19 =	sld [smem:$0x3FDB];
	_ =	sdelay $0x1  }
0x99: {  	s4 =	simm.s32 $_scs_section_size  }
0x9a: {  	s5 =	simm.s32 $_size__tile_overlayer_lowered;
	s6 =	simm.s32 $_tile_overlayer_lowered  }
0x9b: {  	s22 =	simm.s32 $0x1BFF;
	s21 =	sshll.u32 s6, $0x1;
	s3 =	sadd.s32 s4, s19  }
0x9c: {  	s7 =	simm.s32 $0x0;
	s20 =	sshll.u32 s5, $0x1;
	s5 =	sadd.s32 s21, s3  }
0x9d: {  	[timem:s7], [sflag:s22] =	dma.local [hbm:s5], s20  }
0x9e: {  	_ =	swait.ge [sflag:s22], s20  }
0x9f: {  	s4 =	ssub.s32 $0x0, s20;
	[sflag:s22] =	ssyncset.done $0x0  }
0xa0: {  	[sflag:s22] =	ssyncadd.s32 s4;
	_ =	sdelay $0x1  }
0xa1: {  	s23 =	simm.s32 $0x1B8B  }
0xa2: {  	_ =	swait.ge [sflag:s23], $0x1  }
0xa3: {  	[sflag:s23] =	ssyncset.done $0x0  }
0xa4: {  	s25 =	simm.s32 $0x1B8E;
	s24 =	sld [smem:$0x3FFE];
	[sflag:s23] =	ssyncadd.s32 $0xFFFFFFFF  }
0xa5: {  	s26 =	simm.s32 $execute0_lowered;
	[smem:$0x3FD2] =	sst s25  }
0xa6: {  	s5 =	sshll.u32 s26, $0x1;
	_ =	strace $0x80000046;
	[dreg:$0x1] =	wrdreg $0xFFFFFFFF  }
0xa7: {  	s28 =	simm.s32 $_size_execute0_lowered;
	s3 =	sadd.s32 s3, s5;
	[dreg:$0x0] =	wrdreg $0x0  }
0xa8: {  	s5 =	sshll.u32 s28, $0x1;
	[dreg:$0x2] =	wrdreg s3  }
0xa9: {  	[dreg:$0x3] =	wrdreg s5  }
0xaa: {  	[dreg:$0x4] =	wrdreg $0xC0  }
0xab: {  	_ =	task [dreg:s7], $0x5FFFF  }
0xac: {  	[dreg:$0x1] =	wrdreg $0xFFFFFFFF  }
0xad: {  	[dreg:$0x0] =	wrdreg $0x60  }
0xae: {  	[dreg:$0x2] =	wrdreg s24  }
0xaf: {  	[dreg:$0x3] =	wrdreg s2  }
0xb0: {  	[dreg:$0x4] =	wrdreg $0x7000  }
0xb1: {  	[dreg:$0x5] =	wrdreg $0x9  }
0xb2: {  	_ =	task.clear_ibuf [dreg:s7], $0x6FFFF;
	_ =	strace $0x90000046  }
0xb3: {  	s29 =	simm.s32 $0x9;
	_ =	strace $0x80000048  }
0xb4: {  	_ =	swait.ge [sflag:s29], $0x1  }
0xb5: {  	[sflag:s29] =	ssyncadd.s32 $0xFFFFFFFF  }
0xb6: {  	_ =	strace $0x90000048  }
0xb7: {  	_ =	sfence  }
0xb8: {  	s30 =	sld [smem:$0x0];
	_ =	sdelay $0x2  }
0xb9: {  	s31 =	sshll.u32 s1, $0xD;
	s1 =	sshrl.u32 s1, $0x2  }
0xba: {  	s3 =	sand.u32 $0x4000, s31;
	s1 =	sadd.s32 s1, s30  }
0xbb: {  	s0 =	sor.u32 s3, s0;
	s1 =	sshll.u32 s1, $0x11  }
0xbc: {  	s0 =	sor.u32 s1, s0  }
0xbd: {  	s0 =	sadd.s32 $0x8F2B, s0  }
0xbe: {  	[sflag:s0] =	ssyncadd.remote.s32 $0x1  }
0xbf: {  	_ =	sfence.sel $0xFFFF  }
0xc0: {  	[dreg:$0x0] =	wrdreg $0xFFFFFFFF;
	(pc) =	sbr.abs _section_cstart, $3  }
0xc1: {  	[dreg:$0x1] =	wrdreg $0xFFFFFFFF  }
0xc2: {  	_ =	task.clear_ibuf [dreg:s7], $0x2FFFF;
	_ =	strace $0x9FFFFFFF  }
0xc3: {  	(tm) =	ssettm $0x7FFFFFFF  }
tec
execute0_lowered:
.L_overlay_start_1:
0x0: {  	(tag) =	ssettag $0x1  }
0x1: {  	s4 =	rddreg [dreg:$0x0]  }
0x2: {  	s5 =	rddreg [dreg:$0x1]  }
0x3: {  	s1 =	rddreg [dreg:$0x2]  }
0x4: {  	s0 =	rddreg [dreg:$0x3];
	s2 =	simm.s32 $0x0;
	s3 =	srdreg.scid  }
0x5: {  	s11 =	simm.s32 $0x400;
	s12 =	simm.s32 $0x100;
	s13 =	simm.s32 $0x180  }
0x6: {  	s14 =	simm.s32 $0x200;
	s15 =	simm.s32 $0x280;
	s16 =	simm.s32 $0x300  }
0x7: {  	s17 =	simm.s32 $0x380;
	s20 =	simm.s32 $0x20;
	s6 =	sand.u32 $0x1, s3  }
0x8: {  	s21 =	simm.s32 $0x10;
	s3 =	stileid.u32;
	s7 =	smul.u32 $0xA000, s6  }
0x9: {  	s22 =	simm.s32 $0x0;
	[smem:$0x7FF] =	sst s2;
	s8 =	smul.u32 $0x500, s3  }
0xa: {  	_ =	strace $0x80000047;
	s9 =	ssub.s32 $0x2, s6;
	s10 =	smul.u32 $0xA00, s3  }
0xb: {  	s6 =	sshll.u32 s6, $0x7;
	s18 =	sshll.u32 s3, $0x6;
	s29 =	sshrl.u32 s9, $0x1  }
0xc: {  	s18 =	sor.u32 $0x1C01, s18;
	s7 =	sadd.s32 s7, s4;
	s6 =	sor.u32 s6, s8  }
0xd: {  	s30 =	ssub.s32 s9, s29;
	s31 =	sshrl.u32 s10, $0x2;
	s8 =	simm.s32 $0x480  }
0xe: {  	s9 =	simm.s32 $0x1;
	s6 =	sshrl.u32 s6, $0x3;
	s4 =	sadd.s32 s31, s1  }
0xf: {  	s7 =	sadd.s32 s10, s7;
	s10 =	simm.s32 $0x80;
	s5 =	sadd.s32 s5, s6  }
0x10: {  	v0 =	vimm.f32 $1.000000000e+00;
	v1 =	vimm.f32 $0.0e+00;
	s6 =	smax.u32 s30, $0x1;
	s7 =	sadd.s32 $0x18200, s7;
	s19 =	sshrl.u32 s4, $0x3  }
.LBB2_1:
0x11: {  	[tilespmem:$0x400] =	vst v0  }
0x12: {  	[tilespmem:$0x410] =	vst v0  }
0x13: {  	[tilespmem:$0x420] =	vst v0  }
0x14: {  	[tilespmem:$0x430] =	vst v0  }
0x15: {  	[tilespmem:$0x440] =	vst v0  }
0x16: {  	[tilespmem:$0x450] =	vst v0  }
0x17: {  	[tilespmem:$0x460] =	vst v0  }
0x18: {  	[tilespmem:$0x470] =	vst v0  }
0x19: {  	[tilespmem:$0x480] =	vst v1  }
0x1a: {  	[tilespmem:$0x490] =	vst v1  }
0x1b: {  	[tilespmem:$0x4A0] =	vst v1  }
0x1c: {  	[tilespmem:$0x4B0] =	vst v1  }
0x1d: {  	[tilespmem:$0x4C0] =	vst v1  }
0x1e: {  	[tilespmem:$0x4D0] =	vst v1  }
0x1f: {  	[tilespmem:$0x4E0] =	vst v1  }
0x20: {  	[tilespmem:$0x4F0] =	vst v1  }
0x21: {  	[tilespmem:$0x500] =	vst v1  }
0x22: {  	[tilespmem:$0x510] =	vst v1  }
0x23: {  	[tilespmem:$0x520] =	vst v1  }
0x24: {  	[tilespmem:$0x530] =	vst v1  }
0x25: {  	[tilespmem:$0x540] =	vst v1  }
0x26: {  	[tilespmem:$0x550] =	vst v1  }
0x27: {  	[tilespmem:$0x560] =	vst v1  }
0x28: {  	[tilespmem:$0x570] =	vst v1  }
0x29: {  	[tilespmem:$0x580] =	vst v1  }
0x2a: {  	[tilespmem:$0x590] =	vst v1  }
0x2b: {  	[tilespmem:$0x5A0] =	vst v1  }
0x2c: {  	[tilespmem:$0x5B0] =	vst v1  }
0x2d: {  	[tilespmem:$0x5C0] =	vst v1  }
0x2e: {  	[tilespmem:$0x5D0] =	vst v1  }
0x2f: {  	[tilespmem:$0x5E0] =	vst v1  }
0x30: {  	[tilespmem:$0x5F0] =	vst v1  }
0x31: {  	[tilespmem:$0x600] =	vst v1  }
0x32: {  	[tilespmem:$0x610] =	vst v1  }
0x33: {  	[tilespmem:$0x620] =	vst v1  }
0x34: {  	[tilespmem:$0x630] =	vst v1  }
0x35: {  	[tilespmem:$0x640] =	vst v1  }
0x36: {  	[tilespmem:$0x650] =	vst v1  }
0x37: {  	[tilespmem:$0x660] =	vst v1  }
0x38: {  	[tilespmem:$0x670] =	vst v1  }
0x39: {  	[tilespmem:$0x680] =	vst v1  }
0x3a: {  	[tilespmem:$0x690] =	vst v1  }
0x3b: {  	[tilespmem:$0x6A0] =	vst v1  }
0x3c: {  	[tilespmem:$0x6B0] =	vst v1  }
0x3d: {  	[tilespmem:$0x6C0] =	vst v1  }
0x3e: {  	[tilespmem:$0x6D0] =	vst v1  }
0x3f: {  	[tilespmem:$0x6E0] =	vst v1  }
0x40: {  	[tilespmem:$0x6F0] =	vst v1  }
0x41: {  	[spmem:s4] =	stream.linear.scatter [tilespmem:s8], [sflag:$0x1], $0x280, $0x38;
	[tilespmem:$0x980] =	vst v63  }
0x42: {  	_ =	swait.ge [sflag:s9], $0x280  }
0x43: {  	[sflag:s9] =	ssyncset.done $0x0  }
0x44: {  	[sflag:s9] =	ssyncadd.s32 $0xFFFFFD80  }
0x45: {  	s23 =	sadd.s32 $0x0, s7;
	[bflag:$0x0] =	sbarrier.arrive $0xFFFF  }
0x46: {  	[tilespmem:s2], [sflag:$0x1] =	stream.linear.gather [hbm4b:s23+s2], $0x400, $0x38;
	[tilespmem:$0x980] =	vst v63  }
0x47: {  	_ =	swait.ge [sflag:s9], $0x400  }
0x48: {  	[sflag:s9] =	ssyncset.done $0x0  }
0x49: {  	[sflag:s9] =	ssyncadd.s32 $0xFFFFFC00  }
0x4a: {  	[spmem:s1] =	stream.indirect.scatter.add.f32 [tilespmem:s11], [sflag:$0x1], $0x1, s2, s10, $0xb8;
	[tilespmem:$0x980] =	vst v63  }
0x4b: {  	_ =	swait.ge [sflag:s9], $0x80  }
0x4c: {  	[sflag:s9] =	ssyncset.done $0x0  }
0x4d: {  	[sflag:s9] =	ssyncadd.s32 $0xFFFFFF80  }
0x4e: {  	[spmem:s1] =	stream.indirect.scatter.add.f32 [tilespmem:s11], [sflag:$0x1], $0x1, s10, s10, $0xb8;
	[tilespmem:$0x980] =	vst v63  }
0x4f: {  	_ =	swait.ge [sflag:s9], $0x80  }
0x50: {  	[sflag:s9] =	ssyncset.done $0x0  }
0x51: {  	[sflag:s9] =	ssyncadd.s32 $0xFFFFFF80  }
0x52: {  	[spmem:s1] =	stream.indirect.scatter.add.f32 [tilespmem:s11], [sflag:$0x1], $0x1, s12, s10, $0xb8;
	[tilespmem:$0x980] =	vst v63  }
0x53: {  	_ =	swait.ge [sflag:s9], $0x80  }
0x54: {  	[sflag:s9] =	ssyncset.done $0x0  }
0x55: {  	[sflag:s9] =	ssyncadd.s32 $0xFFFFFF80  }
0x56: {  	[spmem:s1] =	stream.indirect.scatter.add.f32 [tilespmem:s11], [sflag:$0x1], $0x1, s13, s10, $0xb8;
	[tilespmem:$0x980] =	vst v63  }
0x57: {  	_ =	swait.ge [sflag:s9], $0x80  }
0x58: {  	[sflag:s9] =	ssyncset.done $0x0  }
0x59: {  	[sflag:s9] =	ssyncadd.s32 $0xFFFFFF80  }
0x5a: {  	[spmem:s1] =	stream.indirect.scatter.add.f32 [tilespmem:s11], [sflag:$0x1], $0x1, s14, s10, $0xb8;
	[tilespmem:$0x980] =	vst v63  }
0x5b: {  	_ =	swait.ge [sflag:s9], $0x80  }
0x5c: {  	[sflag:s9] =	ssyncset.done $0x0  }
0x5d: {  	[sflag:s9] =	ssyncadd.s32 $0xFFFFFF80  }
0x5e: {  	[spmem:s1] =	stream.indirect.scatter.add.f32 [tilespmem:s11], [sflag:$0x1], $0x1, s15, s10, $0xb8;
	[tilespmem:$0x980] =	vst v63  }
0x5f: {  	_ =	swait.ge [sflag:s9], $0x80  }
0x60: {  	[sflag:s9] =	ssyncset.done $0x0  }
0x61: {  	[sflag:s9] =	ssyncadd.s32 $0xFFFFFF80  }
0x62: {  	[spmem:s1] =	stream.indirect.scatter.add.f32 [tilespmem:s11], [sflag:$0x1], $0x1, s16, s10, $0xb8;
	[tilespmem:$0x980] =	vst v63  }
0x63: {  	_ =	swait.ge [sflag:s9], $0x80  }
0x64: {  	[sflag:s9] =	ssyncset.done $0x0  }
0x65: {  	[sflag:s9] =	ssyncadd.s32 $0xFFFFFF80  }
0x66: {  	[spmem:s1] =	stream.indirect.scatter.add.f32 [tilespmem:s11], [sflag:$0x1], $0x1, s17, s10, $0xb8;
	[tilespmem:$0x980] =	vst v63  }
0x67: {  	_ =	swait.ge [sflag:s9], $0x80  }
0x68: {  	s25 =	simm.s32 $0x100;
	s23 =	simm.s32 $0x80;
	[sflag:s9] =	ssyncset.done $0x0  }
.LBB2_2:
0x69: {  	s26 =	sadd.s32 s23, s7  }
0x6a: {  	[sflag:s9] =	ssyncadd.s32 $0xFFFFFF80;
	s23 =	smov.u32 s25;
	s24 =	sadd.s32 $0x80, s25  }
0x6b: {  	[tilespmem:s2], [sflag:$0x1] =	stream.linear.gather [hbm4b:s26+s2], $0x400, $0x38;
	[tilespmem:$0x980] =	vst v63  }
0x6c: {  	p0 =	sne.s32 s25, $0x980;
	_ =	swait.ge [sflag:s9], $0x400  }
0x6d: {  	[sflag:s9] =	ssyncset.done $0x0  }
0x6e: {  	[sflag:s9] =	ssyncadd.s32 $0xFFFFFC00  }
0x6f: {  	[spmem:s1] =	stream.indirect.scatter.add.f32 [tilespmem:s11], [sflag:$0x1], $0x1, s2, s10, $0xb8;
	[tilespmem:$0x980] =	vst v63  }
0x70: {  	_ =	swait.ge [sflag:s9], $0x80  }
0x71: {  	[sflag:s9] =	ssyncset.done $0x0  }
0x72: {  	[sflag:s9] =	ssyncadd.s32 $0xFFFFFF80  }
0x73: {  	[spmem:s1] =	stream.indirect.scatter.add.f32 [tilespmem:s11], [sflag:$0x1], $0x1, s10, s10, $0xb8;
	[tilespmem:$0x980] =	vst v63  }
0x74: {  	_ =	swait.ge [sflag:s9], $0x80  }
0x75: {  	[sflag:s9] =	ssyncset.done $0x0  }
0x76: {  	[sflag:s9] =	ssyncadd.s32 $0xFFFFFF80  }
0x77: {  	[spmem:s1] =	stream.indirect.scatter.add.f32 [tilespmem:s11], [sflag:$0x1], $0x1, s12, s10, $0xb8;
	[tilespmem:$0x980] =	vst v63  }
0x78: {  	_ =	swait.ge [sflag:s9], $0x80  }
0x79: {  	[sflag:s9] =	ssyncset.done $0x0  }
0x7a: {  	[sflag:s9] =	ssyncadd.s32 $0xFFFFFF80  }
0x7b: {  	[spmem:s1] =	stream.indirect.scatter.add.f32 [tilespmem:s11], [sflag:$0x1], $0x1, s13, s10, $0xb8;
	[tilespmem:$0x980] =	vst v63  }
0x7c: {  	_ =	swait.ge [sflag:s9], $0x80  }
0x7d: {  	[sflag:s9] =	ssyncset.done $0x0  }
0x7e: {  	[sflag:s9] =	ssyncadd.s32 $0xFFFFFF80  }
0x7f: {  	[spmem:s1] =	stream.indirect.scatter.add.f32 [tilespmem:s11], [sflag:$0x1], $0x1, s14, s10, $0xb8;
	[tilespmem:$0x980] =	vst v63  }
0x80: {  	_ =	swait.ge [sflag:s9], $0x80  }
0x81: {  	[sflag:s9] =	ssyncset.done $0x0  }
0x82: {  	[sflag:s9] =	ssyncadd.s32 $0xFFFFFF80  }
0x83: {  	[spmem:s1] =	stream.indirect.scatter.add.f32 [tilespmem:s11], [sflag:$0x1], $0x1, s15, s10, $0xb8;
	[tilespmem:$0x980] =	vst v63  }
0x84: {  	_ =	swait.ge [sflag:s9], $0x80  }
0x85: {  	[sflag:s9] =	ssyncset.done $0x0  }
0x86: {  	[sflag:s9] =	ssyncadd.s32 $0xFFFFFF80  }
0x87: {  	[spmem:s1] =	stream.indirect.scatter.add.f32 [tilespmem:s11], [sflag:$0x1], $0x1, s16, s10, $0xb8;
	[tilespmem:$0x980] =	vst v63  }
0x88: {  	_ =	swait.ge [sflag:s9], $0x80  }
.Ltmp0:
0x89: {  	[sflag:s9] =	ssyncset.done $0x0;
	(pc) =	sbr.rel @p0 .LBB2_2-.Ltmp0, $4  }
0x8a: {  	[sflag:s9] =	ssyncadd.s32 $0xFFFFFF80  }
0x8b: {  	[spmem:s1] =	stream.indirect.scatter.add.f32 [tilespmem:s11], [sflag:$0x1], $0x1, s17, s10, $0xb8;
	[tilespmem:$0x980] =	vst v63  }
0x8c: {  	_ =	swait.ge [sflag:s9], $0x80  }
0x8d: {  	s25 =	smov.u32 s24;
	[sflag:s9] =	ssyncset.done $0x0  }
0x8e: {  	s23 =	sadd.s32 s23, s7;
	[sflag:s9] =	ssyncadd.s32 $0xFFFFFF80  }
0x8f: {  	[tilespmem:s2], [sflag:$0x1] =	stream.linear.gather [hbm4b:s23+s2], $0x400, $0x38;
	[tilespmem:$0x980] =	vst v63  }
0x90: {  	_ =	swait.ge [sflag:s9], $0x400  }
0x91: {  	[sflag:s9] =	ssyncset.done $0x0  }
0x92: {  	[sflag:s9] =	ssyncadd.s32 $0xFFFFFC00  }
0x93: {  	[spmem:s1] =	stream.indirect.scatter.add.f32 [tilespmem:s11], [sflag:$0x1], $0x1, s2, s10, $0xb8;
	[tilespmem:$0x980] =	vst v63  }
0x94: {  	_ =	swait.ge [sflag:s9], $0x80  }
0x95: {  	[sflag:s9] =	ssyncset.done $0x0  }
0x96: {  	[sflag:s9] =	ssyncadd.s32 $0xFFFFFF80  }
0x97: {  	[spmem:s1] =	stream.indirect.scatter.add.f32 [tilespmem:s11], [sflag:$0x1], $0x1, s10, s10, $0xb8;
	[tilespmem:$0x980] =	vst v63  }
0x98: {  	_ =	swait.ge [sflag:s9], $0x80  }
0x99: {  	[sflag:s9] =	ssyncset.done $0x0  }
0x9a: {  	[sflag:s9] =	ssyncadd.s32 $0xFFFFFF80  }
0x9b: {  	[spmem:s1] =	stream.indirect.scatter.add.f32 [tilespmem:s11], [sflag:$0x1], $0x1, s12, s10, $0xb8;
	[tilespmem:$0x980] =	vst v63  }
0x9c: {  	_ =	swait.ge [sflag:s9], $0x80  }
0x9d: {  	[sflag:s9] =	ssyncset.done $0x0  }
0x9e: {  	[sflag:s9] =	ssyncadd.s32 $0xFFFFFF80  }
0x9f: {  	[spmem:s1] =	stream.indirect.scatter.add.f32 [tilespmem:s11], [sflag:$0x1], $0x1, s13, s10, $0xb8;
	[tilespmem:$0x980] =	vst v63  }
0xa0: {  	_ =	swait.ge [sflag:s9], $0x80  }
0xa1: {  	[sflag:s9] =	ssyncset.done $0x0  }
0xa2: {  	[sflag:s9] =	ssyncadd.s32 $0xFFFFFF80  }
0xa3: {  	[spmem:s1] =	stream.indirect.scatter.add.f32 [tilespmem:s11], [sflag:$0x1], $0x1, s14, s10, $0xb8;
	[tilespmem:$0x980] =	vst v63  }
0xa4: {  	_ =	swait.ge [sflag:s9], $0x80  }
0xa5: {  	[sflag:s9] =	ssyncset.done $0x0  }
0xa6: {  	[sflag:s9] =	ssyncadd.s32 $0xFFFFFF80  }
0xa7: {  	[spmem:s1] =	stream.indirect.scatter.add.f32 [tilespmem:s11], [sflag:$0x1], $0x1, s15, s10, $0xb8;
	[tilespmem:$0x980] =	vst v63  }
0xa8: {  	_ =	swait.ge [sflag:s9], $0x80  }
0xa9: {  	[sflag:s9] =	ssyncset.done $0x0  }
0xaa: {  	[sflag:s9] =	ssyncadd.s32 $0xFFFFFF80  }
0xab: {  	[spmem:s1] =	stream.indirect.scatter.add.f32 [tilespmem:s11], [sflag:$0x1], $0x1, s16, s10, $0xb8;
	[tilespmem:$0x980] =	vst v63  }
0xac: {  	_ =	swait.ge [sflag:s9], $0x80  }
0xad: {  	[sflag:s9] =	ssyncset.done $0x0  }
0xae: {  	[sflag:s9] =	ssyncadd.s32 $0xFFFFFF80  }
0xaf: {  	[spmem:s1] =	stream.indirect.scatter.add.f32 [tilespmem:s11], [sflag:$0x1], $0x1, s17, s10, $0xb8;
	[tilespmem:$0x980] =	vst v63  }
0xb0: {  	_ =	swait.ge [sflag:s9], $0x80  }
0xb1: {  	s22 =	sadd.s32 $0x1, s22;
	[sflag:s9] =	ssyncset.done $0x0  }
0xb2: {  	p0 =	sne.s32 s22, s6;
	[sflag:s9] =	ssyncadd.s32 $0xFFFFFF80  }
.Ltmp1:
0xb3: {  	[bflag:$0x0] =	sbarrier.arrive $0xFFFF;
	(pc) =	sbr.rel @p0 .LBB2_1-.Ltmp1, $4  }
0xb4: {  	[hbm:s5@s20], [sflag:s18] =	dma.strided [spmem:s19@s21], $0x50, s9, $0x10   }
0xb5: {  	_ =	swait.ge [sflag:s9], $0x50  }
0xb6: {  	[sflag:s9] =	ssyncset.done $0x0  }
0xb7: {  	[sflag:s9] =	ssyncadd.s32 $0xFFFFFFB0  }
0xb8: {  	_ =	sfence.sel $0x180000  }
0xb9: {  	[bflag:$0x0] =	sbarrier.arrive $0xFFFF  }
0xba: {  	p0 =	sne.s32 s3, $0x0;
	_ =	strace $0x90000047  }
0xbb: {  	s0 =	sadd.s32 @!p0 $0x100000, s0;
	[bflag:$0x2] =	sbarrier.arrive $0xFFFF  }
0xbc: {  	[sflag:s0] =	ssyncadd.tile.s32 @!p0 $0x1;
	_ =	shalt  }
.Lfunc_end2:
_tile_overlayer_lowered:
.L_overlay_start_2:
0xbd: {  	(tag) =	ssettag $0x2  }
0xbe: {  	s0 =	rddreg [dreg:$0x0];
	s2 =	stileid.u32  }
0xbf: {  	s1 =	rddreg [dreg:$0x1];
	p0 =	sne.s32 s2, $0x0  }
0xc0: {  	s3 =	rddreg [dreg:$0x2];
	[bflag:$0x3] =	sbarrier.arrive $0xFFFF;
	s2 =	simm.s32 @!p0 $0x1C01  }
0xc1: {  	[timem:s3], [sflag:s2] =	dma.local @!p0 [hbm:s0], s1  }
0xc2: {  	s0 =	simm.s32 @!p0 $0x1  }
0xc3: {  	_ =	swait.ge @!p0 [sflag:s0], s1  }
0xc4: {  	s1 =	ssub.s32 @!p0 $0x0, s1;
	[sflag:s0] =	ssyncset.done @!p0 $0x0  }
0xc5: {  	[sflag:s0] =	ssyncadd.s32 @!p0 s1  }
0xc6: {  	[bflag:$0x3] =	sbarrier.arrive $0xFFFF  }
0xc7: {  	_ =	shalt  }

// kernel: kernel.13.cloned.1.call-start
scs
__scs_entry_jumppad:
0x0: {  	(pc) =	sbr.rel $0x88, $3  }
0x1: {  	(tag) =	ssettag $0x0;
	lr =	simm.s32 $0x1  }
0x2: {  	[smem:$0x3F93] =	sst lr;
	_ =	strace $0xD0000000  }
0x3: {  	_ = 	snop  }
0x4: {  	_ = 	snop  }
0x5: {  	_ = 	snop  }
0x6: {  	_ = 	snop  }
0x7: {  	_ = 	snop  }
__scs_overlays_trampoline_lowered:
0x8: {  	[smem:$0x3FA2] =	sst s0  }
0x9: {  	[smem:$0x3FA3] =	sst s1  }
0xa: {  	[smem:$0x3FA4] =	sst s2  }
0xb: {  	[smem:$0x3FA5] =	sst s3  }
0xc: {  	[smem:$0x3FA6] =	sst s4  }
0xd: {  	[smem:$0x3FA7] =	sst s5  }
0xe: {  	[smem:$0x3FA8] =	sst s6  }
0xf: {  	[smem:$0x3FA9] =	sst s7  }
0x10: {  	[smem:$0x3FAA] =	sst s8  }
0x11: {  	[smem:$0x3FAB] =	sst s9;
	s0 =	simm.s32 @!p0 $0x0  }
0x12: {  	s1 =	sld [smem:$0x3F91];
	s0 =	simm.s32 @p0 $0x1  }
0x13: {  	[smem:$0x3FAC] =	sst s0;
	s0 =	simm.s32 @!p1 $0x0  }
0x14: {  	s2 =	sld [smem:$0x3F90];
	s0 =	simm.s32 @p1 $0x1  }
0x15: {  	[smem:$0x3FAD] =	sst s0;
	s0 =	simm.s32 @!p2 $0x0  }
0x16: {  	s3 =	sld [smem:$0x3FDB];
	s0 =	simm.s32 @p2 $0x1  }
0x17: {  	s4 =	simm.s32 $0x1BF5;
	[smem:$0x3FAF] =	sst s0  }
0x18: {  	s0 =	sld [smem:$0x3F92];
	_ =	swait.ge [sflag:s4], $0x0  }
0x19: {  	s7 =	sld [smem:$0x3F93]  }
0x1a: {  	s8 =	sadd.s32 $0xFFFFE003, lr  }
0x1b: {  	s9 =	sadd.s32 $0xFFFFFEF7, lr;
	s5 =	simm.s32 $0xFFFFFFFF;
	p2 =	slt.u32 s8, $0xFFFFF086  }
0x1c: {  	p1 =	slt.u32 s9, $0xF7A;
	s5 =	simm.s32 @!p2 $0x0  }
0x1d: {  	s5 =	simm.s32 @p1 $0x1;
	p0 =	seq.s32 s7, s2  }
0x1e: {  	s7 =	smul.u32 @!p0 $0xF7A, s2;
	p2 =	seq.s32 @!p0 s5, $0x0  }
0x1f: {  	s9 =	smul.u32 $0xF7A, s1;
	s8 =	simm.s32 @!p0 $0x1BF5;
	p2 =	por !p2, p0  }
0x20: {  	[sflag:s8] =	ssyncset.s32 @!p0 $0xFFFFF086;
	s6 =	sadd.s32 @!p0 s3, s7;
	s7 =	simm.s32 @!p0 $0x108  }
0x21: {  	s3 =	sadd.s32 s3, s9;
	s6 =	sadd.s32 @!p0 $0x88, s6;
	s7 =	simm.s32 @p2 $0x1082  }
0x22: {  	[simem:s7], [sflag:s8] =	dma.local @!p0 [hbm:s6], $0xF7A  }
0x23: {  	s9 =	sor.u32 $0xD0000000, s2;
	s6 =	simm.s32 $0x108;
	_ =	swait.ge @!p0 [sflag:s8], $0x0  }
0x24: {  	s3 =	sadd.s32 $0x88, s3;
	s6 =	simm.s32 @!p1 $0x1082;
	[sflag:s4] =	ssyncset.s32 $0xFFFFF086  }
0x25: {  	[simem:s6], [sflag:s4] =	dma.local [hbm:s3], $0xF7A  }
0x26: {  	[smem:$0x3F93] =	sst s1;
	(tag) =	ssettag s2;
	_ =	strace s9  }
0x27: {  	s1 =	sld [smem:$0x3FA3]  }
0x28: {  	s2 =	sld [smem:$0x3FA4]  }
0x29: {  	s4 =	sld [smem:$0x3FA6]  }
0x2a: {  	p0 =	seq.s32 s5, $0x0;
	s5 =	sld [smem:$0x3FA7]  }
0x2b: {  	s6 =	sld [smem:$0x3FA8]  }
0x2c: {  	s7 =	sld [smem:$0x3FA9]  }
0x2d: {  	s3 =	simm.s32 $0x108;
	s8 =	sld [smem:$0x3FAA]  }
0x2e: {  	s3 =	simm.s32 @!p0 $0x1082;
	s9 =	sld [smem:$0x3FAB]  }
0x2f: {  	lr =	sadd.s32 s0, s3;
	s0 =	sld [smem:$0x3FA2]  }
0x30: {  	s3 =	sld [smem:$0x3FA5]  }
0x31: {  	[smem:$0x3FAE] =	sst s10  }
0x32: {  	s10 =	sld [smem:$0x3FAC];
	_ =	sdelay $0x3  }
0x33: {  	p0 =	seq.s32 s10, $0x1;
	s10 =	sld [smem:$0x3FAE];
	_ =	sdelay $0x3  }
0x34: {  	[smem:$0x3FAE] =	sst s10  }
0x35: {  	s10 =	sld [smem:$0x3FAD];
	_ =	sdelay $0x3  }
0x36: {  	p1 =	seq.s32 s10, $0x1;
	s10 =	sld [smem:$0x3FAE];
	_ =	sdelay $0x3  }
0x37: {  	[smem:$0x3FAE] =	sst s10  }
0x38: {  	s10 =	sld [smem:$0x3FAF]  }
0x39: {  	_ = 	snop;
	(pc) =	sbr.ind lr, $3  }
0x3a: {  	_ = 	snop  }
0x3b: {  	_ = 	snop  }
0x3c: {  	p2 =	seq.s32 s10, $0x1;
	s10 =	sld [smem:$0x3FAE]  }
0x3d: {  	_ =	shalt  }
0x3e: {  	_ =	shalt  }
0x3f: {  	_ =	shalt  }
0x40: {  	_ =	shalt  }
0x41: {  	_ =	shalt  }
0x42: {  	_ =	shalt  }
0x43: {  	_ =	shalt  }
0x44: {  	_ =	shalt  }
0x45: {  	_ =	shalt  }
0x46: {  	_ =	shalt  }
0x47: {  	_ =	shalt  }
0x48: {  	_ =	shalt  }
0x49: {  	_ =	shalt  }
0x4a: {  	_ =	shalt  }
0x4b: {  	_ =	shalt  }
0x4c: {  	_ =	shalt  }
0x4d: {  	_ =	shalt  }
0x4e: {  	_ =	shalt  }
0x4f: {  	_ =	shalt  }
0x50: {  	_ =	shalt  }
0x51: {  	_ =	shalt  }
0x52: {  	_ =	shalt  }
0x53: {  	_ =	shalt  }
0x54: {  	_ =	shalt  }
0x55: {  	_ =	shalt  }
0x56: {  	_ =	shalt  }
0x57: {  	_ =	shalt  }
0x58: {  	_ =	shalt  }
0x59: {  	_ =	shalt  }
0x5a: {  	_ =	shalt  }
0x5b: {  	_ =	shalt  }
0x5c: {  	_ =	shalt  }
0x5d: {  	_ =	shalt  }
0x5e: {  	_ =	shalt  }
0x5f: {  	_ =	shalt  }
0x60: {  	_ =	shalt  }
0x61: {  	_ =	shalt  }
0x62: {  	_ =	shalt  }
0x63: {  	_ =	shalt  }
0x64: {  	_ =	shalt  }
0x65: {  	_ =	shalt  }
0x66: {  	_ =	shalt  }
0x67: {  	_ =	shalt  }
0x68: {  	_ =	shalt  }
0x69: {  	_ =	shalt  }
0x6a: {  	_ =	shalt  }
0x6b: {  	_ =	shalt  }
0x6c: {  	_ =	shalt  }
0x6d: {  	_ =	shalt  }
0x6e: {  	_ =	shalt  }
0x6f: {  	_ =	shalt  }
0x70: {  	_ =	shalt  }
0x71: {  	_ =	shalt  }
0x72: {  	_ =	shalt  }
0x73: {  	_ =	shalt  }
0x74: {  	_ =	shalt  }
0x75: {  	_ =	shalt  }
0x76: {  	_ =	shalt  }
0x77: {  	_ =	shalt  }
0x78: {  	_ =	shalt  }
0x79: {  	_ =	shalt  }
0x7a: {  	_ =	shalt  }
0x7b: {  	_ =	shalt  }
0x7c: {  	_ =	shalt  }
0x7d: {  	_ =	shalt  }
0x7e: {  	_ =	shalt  }
0x7f: {  	_ =	shalt  }
0x80: {  	_ =	shalt  }
0x81: {  	_ =	shalt  }
0x82: {  	_ =	shalt  }
0x83: {  	_ =	shalt  }
0x84: {  	_ =	shalt  }
0x85: {  	_ =	shalt  }
0x86: {  	_ =	shalt  }
0x87: {  	_ =	shalt  }
.Lfunc_end0:
.L_simem_size_0:
called_computation.1_lowered:
.L_overlay_start_0:
0x88: {  	s2 =	sld [smem:$0x3FD9]  }
0x89: {  	s3 =	sld [smem:$0x3FFE];
	_ =	sdelay $0x1  }
0x8a: {  	s1 =	srdreg.scid  }
0x8b: {  	s0 =	sand.u32 $0x1, s1  }
0x8c: {  	s17 =	sshll.u32 s0, $0xA;
	s2 =	sadd.s32 s3, s2  }
0x8d: {  	s2 =	sadd.s32 s2, s17  }
0x8e: {  	[smem:$0x3FBA] =	sst s2  }
0x8f: {  	_ = 	snop  }
0x90: {  	s2 =	sld [smem:$0x3FD0];
	(tm) =	ssettm $0x1  }
0x91: {  	s18 =	sld [smem:$0x3FFB];
	_ =	sdelay $0x3  }
0x92: {  	_ =	strace s18  }
0x93: {  	s3 =	sld [smem:$0x3FFC];
	_ =	sdelay $0x3  }
0x94: {  	_ =	strace s3  }
0x95: {  	s3 =	sld [smem:$0x3FFD];
	_ =	sdelay $0x3  }
0x96: {  	_ =	strace s3  }
0x97: {  	_ =	strace $0x8FFFFFFF  }
0x98: {  	s19 =	sld [smem:$0x3FDB];
	_ =	sdelay $0x1  }
0x99: {  	s4 =	simm.s32 $_scs_section_size  }
0x9a: {  	s5 =	simm.s32 $_size__tile_overlayer_lowered;
	s6 =	simm.s32 $_tile_overlayer_lowered  }
0x9b: {  	s22 =	simm.s32 $0x1BFF;
	s21 =	sshll.u32 s6, $0x1;
	s3 =	sadd.s32 s4, s19  }
0x9c: {  	s7 =	simm.s32 $0x0;
	s20 =	sshll.u32 s5, $0x1;
	s5 =	sadd.s32 s21, s3  }
0x9d: {  	[timem:s7], [sflag:s22] =	dma.local [hbm:s5], s20  }
0x9e: {  	_ =	swait.ge [sflag:s22], s20  }
0x9f: {  	s4 =	ssub.s32 $0x0, s20;
	[sflag:s22] =	ssyncset.done $0x0  }
0xa0: {  	[sflag:s22] =	ssyncadd.s32 s4;
	_ =	sdelay $0x1  }
0xa1: {  	s23 =	simm.s32 $0x1B8B  }
0xa2: {  	_ =	swait.ge [sflag:s23], $0x1  }
0xa3: {  	[sflag:s23] =	ssyncset.done $0x0  }
0xa4: {  	s25 =	simm.s32 $0x1B8E;
	s24 =	sld [smem:$0x3FFE];
	[sflag:s23] =	ssyncadd.s32 $0xFFFFFFFF  }
0xa5: {  	s26 =	simm.s32 $execute0_lowered;
	[smem:$0x3FD2] =	sst s25  }
0xa6: {  	s5 =	sshll.u32 s26, $0x1;
	_ =	strace $0x80000049;
	[dreg:$0x1] =	wrdreg $0xFFFFFFFF  }
0xa7: {  	s28 =	simm.s32 $_size_execute0_lowered;
	s3 =	sadd.s32 s3, s5;
	[dreg:$0x0] =	wrdreg $0x0  }
0xa8: {  	s5 =	sshll.u32 s28, $0x1;
	[dreg:$0x2] =	wrdreg s3  }
0xa9: {  	[dreg:$0x3] =	wrdreg s5  }
0xaa: {  	[dreg:$0x4] =	wrdreg $0xC0  }
0xab: {  	_ =	task [dreg:s7], $0x5FFFF  }
0xac: {  	[dreg:$0x1] =	wrdreg $0xFFFFFFFF  }
0xad: {  	[dreg:$0x0] =	wrdreg $0x60  }
0xae: {  	[dreg:$0x2] =	wrdreg s2  }
0xaf: {  	[dreg:$0x3] =	wrdreg s24  }
0xb0: {  	[dreg:$0x4] =	wrdreg $0x90000  }
0xb1: {  	[dreg:$0x5] =	wrdreg $0x9  }
0xb2: {  	_ =	task.clear_ibuf [dreg:s7], $0x6FFFF;
	_ =	strace $0x90000049  }
0xb3: {  	s29 =	simm.s32 $0x9;
	_ =	strace $0x8000004B  }
0xb4: {  	_ =	swait.ge [sflag:s29], $0x1  }
0xb5: {  	[sflag:s29] =	ssyncadd.s32 $0xFFFFFFFF  }
0xb6: {  	_ =	strace $0x9000004B  }
0xb7: {  	_ =	sfence  }
0xb8: {  	s30 =	sld [smem:$0x0];
	_ =	sdelay $0x2  }
0xb9: {  	s31 =	sshll.u32 s1, $0xD;
	s1 =	sshrl.u32 s1, $0x2  }
0xba: {  	s3 =	sand.u32 $0x4000, s31;
	s1 =	sadd.s32 s1, s30  }
0xbb: {  	s0 =	sor.u32 s3, s0;
	s1 =	sshll.u32 s1, $0x11  }
0xbc: {  	s0 =	sor.u32 s1, s0  }
0xbd: {  	s0 =	sadd.s32 $0x8F2B, s0  }
0xbe: {  	[sflag:s0] =	ssyncadd.remote.s32 $0x1  }
0xbf: {  	_ =	sfence.sel $0xFFFF  }
0xc0: {  	[dreg:$0x0] =	wrdreg $0xFFFFFFFF;
	(pc) =	sbr.abs _section_cstart, $3  }
0xc1: {  	[dreg:$0x1] =	wrdreg $0xFFFFFFFF  }
0xc2: {  	_ =	task.clear_ibuf [dreg:s7], $0x2FFFF;
	_ =	strace $0x9FFFFFFF  }
0xc3: {  	(tm) =	ssettm $0x7FFFFFFF  }
tec
execute0_lowered:
.L_overlay_start_1:
0x0: {  	(tag) =	ssettag $0x1  }
0x1: {  	s1 =	rddreg [dreg:$0x0]  }
0x2: {  	s5 =	rddreg [dreg:$0x1]  }
0x3: {  	s2 =	rddreg [dreg:$0x2]  }
0x4: {  	s3 =	srdreg.scid;
	s0 =	rddreg [dreg:$0x3];
	s4 =	simm.s32 $0x0  }
0x5: {  	s18 =	simm.s32 $0x5000;
	s19 =	simm.s32 $0x1;
	s6 =	sand.u32 $0x1, s3  }
0x6: {  	s20 =	simm.s32 $0x2;
	s3 =	stileid.u32;
	s7 =	smul.u32 $0x140000, s6  }
0x7: {  	[smem:$0x7FF] =	sst s4;
	s11 =	sadd.s32 $0x4200, s5;
	s8 =	smul.u32 $0x14000, s3  }
0x8: {  	s12 =	sadd.s32 $0x18200, s5;
	_ =	strace $0x8000004A;
	s9 =	smul.u32 $0x50000, s3  }
0x9: {  	s24 =	ssub.s32 $0x2, s6;
	s26 =	smul.u32 $0x140, s6;
	s6 =	sshll.u32 s6, $0x4  }
0xa: {  	s10 =	smul.u32 $0x14, s3;
	s25 =	sshrl.u32 s24, $0x1;
	s28 =	sor.u32 s3, s6  }
0xb: {  	s7 =	sadd.s32 s8, s7;
	s9 =	sshrl.u32 s9, $0x2;
	s14 =	ssub.s32 s24, s25  }
0xc: {  	s15 =	smul.u32 $0xA00, s28;
	s29 =	sadd.s32 s10, s26;
	s7 =	sshrl.u32 s7, $0x3  }
0xd: {  	s16 =	sshll.u32 s29, $0x7;
	s13 =	sadd.s32 s7, s5;
	s5 =	sadd.s32 s9, s2  }
0xe: {  	s10 =	sadd.s32 s11, s15;
	s17 =	sadd.s32 s16, s11;
	s11 =	sadd.s32 s12, s15  }
0xf: {  	s16 =	sadd.s32 s16, s12;
	s15 =	simm.s32 $0x3;
	s6 =	sadd.s32 $0x4000, s5  }
0x10: {  	s7 =	sadd.s32 $0x8000, s5;
	s8 =	sadd.s32 $0xC000, s5;
	s9 =	sadd.s32 $0x10000, s5  }
0x11: {  	s30 =	sadd.s32 $0x80, s17;
	s12 =	sadd.s32 $0x2C200, s13;
	s31 =	sadd.s32 $0x80, s16  }
0x12: {  	s13 =	smax.u32 s14, $0x1;
	s14 =	simm.s32 $0x1000;
	[dreg:$0x4] =	wrdreg s30  }
0x13: {  	v0 =	vimm.f32 $0.0e+00;
	s16 =	simm.s32 $0x800;
	s17 =	simm.s32 $0x80;
	[dreg:$0x5] =	wrdreg s31  }
.LBB2_1:
0x14: {  	s21 =	simm.s32 $0x0;
	s22 =	simm.s32 $0x200  }
.LBB2_2:
0x15: {  	p0 =	sne.s32 s22, $0xFE00;
	[tilespmem:s21+$0x1070] =	vst v0  }
0x16: {  	[tilespmem:s21+$0x1000] =	vst v0  }
0x17: {  	[tilespmem:s21+$0x1010] =	vst v0  }
.Ltmp0:
0x18: {  	[tilespmem:s21+$0x1020] =	vst v0;
	(pc) =	sbr.rel @p0 .LBB2_2-.Ltmp0, $4  }
0x19: {  	[tilespmem:s21+$0x1030] =	vst v0  }
0x1a: {  	[tilespmem:s21+$0x1040] =	vst v0  }
0x1b: {  	[tilespmem:s21+$0x1050] =	vst v0  }
0x1c: {  	[tilespmem:s21+$0x1060] =	vst v0;
	s21 =	sshra.s32 s22, $0x2;
	s22 =	sadd.s32 $0x200, s22  }
0x1d: {  	[tilespmem:s21+$0x1070] =	vst v0  }
0x1e: {  	[tilespmem:s21+$0x1000] =	vst v0  }
0x1f: {  	[tilespmem:s21+$0x1010] =	vst v0  }
0x20: {  	[tilespmem:s21+$0x1020] =	vst v0  }
0x21: {  	[tilespmem:s21+$0x1030] =	vst v0  }
0x22: {  	[tilespmem:s21+$0x1040] =	vst v0  }
0x23: {  	[tilespmem:s21+$0x1050] =	vst v0  }
0x24: {  	[tilespmem:s21+$0x1060] =	vst v0  }
0x25: {  	[spmem:s5] =	stream.linear.scatter [tilespmem:s14], [sflag:$0x3], $0x4000, $0x38;
	[tilespmem:$0x1D000] =	vst v63  }
0x26: {  	_ =	swait.ge [sflag:s15], $0x4000  }
0x27: {  	[sflag:s15] =	ssyncset.done $0x0  }
0x28: {  	[sflag:s15] =	ssyncadd.s32 $0xFFFFC000  }
0x29: {  	[spmem:s6] =	stream.linear.scatter [tilespmem:s14], [sflag:$0x3], $0x4000, $0x38;
	[tilespmem:$0x1D000] =	vst v63  }
0x2a: {  	_ =	swait.ge [sflag:s15], $0x4000  }
0x2b: {  	[sflag:s15] =	ssyncset.done $0x0  }
0x2c: {  	[sflag:s15] =	ssyncadd.s32 $0xFFFFC000  }
0x2d: {  	[spmem:s7] =	stream.linear.scatter [tilespmem:s14], [sflag:$0x3], $0x4000, $0x38;
	[tilespmem:$0x1D000] =	vst v63  }
0x2e: {  	_ =	swait.ge [sflag:s15], $0x4000  }
0x2f: {  	[sflag:s15] =	ssyncset.done $0x0  }
0x30: {  	[sflag:s15] =	ssyncadd.s32 $0xFFFFC000  }
0x31: {  	[spmem:s8] =	stream.linear.scatter [tilespmem:s14], [sflag:$0x3], $0x4000, $0x38;
	[tilespmem:$0x1D000] =	vst v63  }
0x32: {  	_ =	swait.ge [sflag:s15], $0x4000  }
0x33: {  	[sflag:s15] =	ssyncset.done $0x0  }
0x34: {  	[sflag:s15] =	ssyncadd.s32 $0xFFFFC000  }
0x35: {  	[spmem:s9] =	stream.linear.scatter [tilespmem:s14], [sflag:$0x3], $0x4000, $0x38;
	[tilespmem:$0x1D000] =	vst v63  }
0x36: {  	_ =	swait.ge [sflag:s15], $0x4000  }
0x37: {  	[sflag:s15] =	ssyncset.done $0x0  }
0x38: {  	[sflag:s15] =	ssyncadd.s32 $0xFFFFC000  }
0x39: {  	s21 =	simm.s32 $0x0;
	[bflag:$0x0] =	sbarrier.arrive $0xFFFF  }
0x3a: {  	[tilespmem:s21], [sflag:$0x3] =	stream.linear.gather [hbm4b:s10+s21], $0x400, $0x38;
	[tilespmem:$0x1D000] =	vst v63  }
0x3b: {  	_ =	swait.ge [sflag:s15], $0x400  }
0x3c: {  	[sflag:s15] =	ssyncset.done $0x0  }
0x3d: {  	[sflag:s15] =	ssyncadd.s32 $0xFFFFFC00  }
0x3e: {  	[tilespmem:s16], [sflag:$0x3] =	stream.linear.gather [hbm4b:s11+s21], $0x400, $0x38;
	[tilespmem:$0x1D000] =	vst v63  }
0x3f: {  	s22 =	simm.s32 $0x1;
	_ =	swait.ge [sflag:s15], $0x400  }
0x40: {  	p0 =	por $0x0, $0x0;
	s23 =	sand.u32 $0x1, s22;
	[sflag:s15] =	ssyncset.done $0x0  }
0x41: {  	s25 =	simm.s32 @!p0 $0x0;
	s24 =	rddreg [dreg:$0x4];
	[sflag:s15] =	ssyncadd.s32 $0xFFFFFC00  }
0x42: {  	[tilespmem:s14], [sflag:$0x1] =	stream.indirect.gather [hbm4b:s1+s17], $0x80, s21, s17, $0xb8;
	[tilespmem:$0x1D000] =	vst v63  }
0x43: {  	s26 =	simm.s32 @!p0 $0x3;
	s23 =	sshll.u32 @!p0 s23, $0xA;
	s24 =	sadd.s32 @!p0 $0x0, s24  }
0x44: {  	[tilespmem:s23], [sflag:$0x3] =	stream.linear.gather @!p0 [hbm4b:s24+s25], $0x400, $0x38;
	[tilespmem:$0x1D000] =	vst v63  }
0x45: {  	_ =	swait.ge @!p0 [sflag:s26], $0x400  }
0x46: {  	s24 =	rddreg [dreg:$0x5];
	[sflag:s26] =	ssyncset.done @!p0 $0x0  }
0x47: {  	s28 =	sor.u32 @!p0 $0x800, s23;
	[sflag:s26] =	ssyncadd.s32 @!p0 $0xFFFFFC00;
	s24 =	sadd.s32 @!p0 $0x0, s24  }
0x48: {  	[tilespmem:s28], [sflag:$0x3] =	stream.linear.gather @!p0 [hbm4b:s24+s25], $0x400, $0x38;
	[tilespmem:$0x1D000] =	vst v63  }
0x49: {  	_ =	swait.ge @!p0 [sflag:s26], $0x400  }
0x4a: {  	s24 =	sand.u32 $0x400, s21;
	[sflag:s26] =	ssyncset.done @!p0 $0x0  }
0x4b: {  	s28 =	sor.u32 $0x80, s24;
	[sflag:s26] =	ssyncadd.s32 @!p0 $0xFFFFFC00  }
0x4c: {  	[tilespmem:s18], [sflag:$0x2] =	stream.indirect.gather [hbm4b:s1+s17], $0x80, s28, s17, $0xb8;
	[tilespmem:$0x1D000] =	vst v63  }
0x4d: {  	_ =	swait.ge [sflag:s19], $0x4000  }
0x4e: {  	[sflag:s19] =	ssyncset.done $0x0  }
0x4f: {  	s29 =	sor.u32 $0x800, s24;
	[sflag:s19] =	ssyncadd.s32 $0xFFFFC000  }
0x50: {  	[spmem:s2] =	stream.indirect.scatter.add.f32 [tilespmem:s14], [sflag:$0x3], $0x80, s29, s17, $0xb8;
	[tilespmem:$0x1D000] =	vst v63  }
0x51: {  	_ =	swait.ge [sflag:s15], $0x4000  }
0x52: {  	[sflag:s15] =	ssyncset.done $0x0  }
0x53: {  	s30 =	sor.u32 $0x100, s24;
	[sflag:s15] =	ssyncadd.s32 $0xFFFFC000  }
0x54: {  	[tilespmem:s14], [sflag:$0x1] =	stream.indirect.gather [hbm4b:s1+s17], $0x80, s30, s17, $0xb8;
	[tilespmem:$0x1D000] =	vst v63  }
0x55: {  	_ =	swait.ge [sflag:s20], $0x4000  }
0x56: {  	[sflag:s20] =	ssyncset.done $0x0  }
0x57: {  	s31 =	sor.u32 $0x880, s24;
	[sflag:s20] =	ssyncadd.s32 $0xFFFFC000  }
0x58: {  	[spmem:s2] =	stream.indirect.scatter.add.f32 [tilespmem:s18], [sflag:$0x3], $0x80, s31, s17, $0xb8;
	[tilespmem:$0x1D000] =	vst v63  }
0x59: {  	_ =	swait.ge [sflag:s15], $0x4000  }
0x5a: {  	[sflag:s15] =	ssyncset.done $0x0  }
0x5b: {  	s26 =	sor.u32 $0x180, s24;
	[sflag:s15] =	ssyncadd.s32 $0xFFFFC000  }
0x5c: {  	[tilespmem:s18], [sflag:$0x2] =	stream.indirect.gather [hbm4b:s1+s17], $0x80, s26, s17, $0xb8;
	[tilespmem:$0x1D000] =	vst v63  }
0x5d: {  	_ =	swait.ge [sflag:s19], $0x4000  }
0x5e: {  	[sflag:s19] =	ssyncset.done $0x0  }
0x5f: {  	s28 =	sor.u32 $0x900, s24;
	[sflag:s19] =	ssyncadd.s32 $0xFFFFC000  }
0x60: {  	[spmem:s2] =	stream.indirect.scatter.add.f32 [tilespmem:s14], [sflag:$0x3], $0x80, s28, s17, $0xb8;
	[tilespmem:$0x1D000] =	vst v63  }
0x61: {  	_ =	swait.ge [sflag:s15], $0x4000  }
0x62: {  	[sflag:s15] =	ssyncset.done $0x0  }
0x63: {  	s29 =	sor.u32 $0x200, s24;
	[sflag:s15] =	ssyncadd.s32 $0xFFFFC000  }
0x64: {  	[tilespmem:s14], [sflag:$0x1] =	stream.indirect.gather [hbm4b:s1+s17], $0x80, s29, s17, $0xb8;
	[tilespmem:$0x1D000] =	vst v63  }
0x65: {  	_ =	swait.ge [sflag:s20], $0x4000  }
0x66: {  	[sflag:s20] =	ssyncset.done $0x0  }
0x67: {  	s30 =	sor.u32 $0x980, s24;
	[sflag:s20] =	ssyncadd.s32 $0xFFFFC000  }
0x68: {  	[spmem:s2] =	stream.indirect.scatter.add.f32 [tilespmem:s18], [sflag:$0x3], $0x80, s30, s17, $0xb8;
	[tilespmem:$0x1D000] =	vst v63  }
0x69: {  	_ =	swait.ge [sflag:s15], $0x4000  }
0x6a: {  	[sflag:s15] =	ssyncset.done $0x0  }
0x6b: {  	s31 =	sor.u32 $0x280, s24;
	[sflag:s15] =	ssyncadd.s32 $0xFFFFC000  }
0x6c: {  	[tilespmem:s18], [sflag:$0x2] =	stream.indirect.gather [hbm4b:s1+s17], $0x80, s31, s17, $0xb8;
	[tilespmem:$0x1D000] =	vst v63  }
0x6d: {  	_ =	swait.ge [sflag:s19], $0x4000  }
0x6e: {  	[sflag:s19] =	ssyncset.done $0x0  }
0x6f: {  	s26 =	sor.u32 $0xA00, s24;
	[sflag:s19] =	ssyncadd.s32 $0xFFFFC000  }
0x70: {  	[spmem:s2] =	stream.indirect.scatter.add.f32 [tilespmem:s14], [sflag:$0x3], $0x80, s26, s17, $0xb8;
	[tilespmem:$0x1D000] =	vst v63  }
0x71: {  	_ =	swait.ge [sflag:s15], $0x4000  }
0x72: {  	[sflag:s15] =	ssyncset.done $0x0  }
0x73: {  	s28 =	sor.u32 $0x300, s24;
	[sflag:s15] =	ssyncadd.s32 $0xFFFFC000  }
0x74: {  	[tilespmem:s14], [sflag:$0x1] =	stream.indirect.gather [hbm4b:s1+s17], $0x80, s28, s17, $0xb8;
	[tilespmem:$0x1D000] =	vst v63  }
0x75: {  	_ =	swait.ge [sflag:s20], $0x4000  }
0x76: {  	[sflag:s20] =	ssyncset.done $0x0  }
0x77: {  	s29 =	sor.u32 $0xA80, s24;
	[sflag:s20] =	ssyncadd.s32 $0xFFFFC000  }
0x78: {  	[spmem:s2] =	stream.indirect.scatter.add.f32 [tilespmem:s18], [sflag:$0x3], $0x80, s29, s17, $0xb8;
	[tilespmem:$0x1D000] =	vst v63  }
0x79: {  	_ =	swait.ge [sflag:s15], $0x4000  }
0x7a: {  	[sflag:s15] =	ssyncset.done $0x0  }
0x7b: {  	s30 =	sor.u32 $0x380, s24;
	[sflag:s15] =	ssyncadd.s32 $0xFFFFC000  }
0x7c: {  	[tilespmem:s18], [sflag:$0x2] =	stream.indirect.gather [hbm4b:s1+s17], $0x80, s30, s17, $0xb8;
	[tilespmem:$0x1D000] =	vst v63  }
0x7d: {  	_ =	swait.ge [sflag:s19], $0x4000  }
0x7e: {  	[sflag:s19] =	ssyncset.done $0x0  }
0x7f: {  	s24 =	sor.u32 $0xB00, s24;
	[sflag:s19] =	ssyncadd.s32 $0xFFFFC000  }
0x80: {  	[spmem:s2] =	stream.indirect.scatter.add.f32 [tilespmem:s14], [sflag:$0x3], $0x80, s24, s17, $0xb8;
	[tilespmem:$0x1D000] =	vst v63  }
0x81: {  	_ =	swait.ge [sflag:s15], $0x4000  }
0x82: {  	[sflag:s15] =	ssyncset.done $0x0  }
0x83: {  	s26 =	simm.s32 @!p0 $0x1000;
	s24 =	simm.s32 @!p0 $0x80;
	[sflag:s15] =	ssyncadd.s32 $0xFFFFC000  }
0x84: {  	[tilespmem:s26], [sflag:$0x1] =	stream.indirect.gather @!p0 [hbm4b:s1+s24], $0x80, s23, s24, $0xb8;
	[tilespmem:$0x1D000] =	vst v63  }
0x85: {  	_ =	swait.ge [sflag:s20], $0x4000  }
0x86: {  	[sflag:s20] =	ssyncset.done $0x0  }
0x87: {  	s31 =	sor.u32 $0x800, s30;
	[sflag:s20] =	ssyncadd.s32 $0xFFFFC000  }
0x88: {  	[spmem:s2] =	stream.indirect.scatter.add.f32 [tilespmem:s18], [sflag:$0x3], $0x80, s31, s17, $0xb8;
	[tilespmem:$0x1D000] =	vst v63  }
0x89: {  	s23 =	simm.s32 $0x80;
	_ =	swait.ge [sflag:s15], $0x4000  }
.LBB2_4:
0x8a: {  	s26 =	smov.u32 s23;
	s22 =	sadd.s32 $0x1, s22  }
0x8b: {  	[sflag:s15] =	ssyncset.done $0x0;
	s24 =	sand.u32 $0x1, s22;
	p1 =	seq.s32 s26, $0x980  }
0x8c: {  	s25 =	rddreg [dreg:$0x4];
	[sflag:s15] =	ssyncadd.s32 $0xFFFFC000;
	s24 =	sshll.u32 @!p1 s24, $0xA  }
0x8d: {  	s25 =	sadd.s32 @!p1 s26, s25;
	s28 =	simm.s32 @!p1 $0x0;
	s29 =	simm.s32 @!p1 $0x3  }
0x8e: {  	[tilespmem:s24], [sflag:$0x3] =	stream.linear.gather @!p1 [hbm4b:s25+s28], $0x400, $0x38;
	[tilespmem:$0x1D000] =	vst v63  }
0x8f: {  	_ =	swait.ge @!p1 [sflag:s29], $0x400  }
0x90: {  	[sflag:s29] =	ssyncset.done @!p1 $0x0;
	s25 =	rddreg [dreg:$0x5]  }
0x91: {  	s30 =	sor.u32 @!p1 $0x800, s24;
	[sflag:s29] =	ssyncadd.s32 @!p1 $0xFFFFFC00;
	s25 =	sadd.s32 @!p1 s26, s25  }
0x92: {  	[tilespmem:s30], [sflag:$0x3] =	stream.linear.gather @!p1 [hbm4b:s25+s28], $0x400, $0x38;
	[tilespmem:$0x1D000] =	vst v63  }
0x93: {  	s21 =	sadd.s32 $0x400, s21;
	_ =	swait.ge @!p1 [sflag:s29], $0x400  }
0x94: {  	s25 =	sand.u32 $0x400, s21;
	[sflag:s29] =	ssyncset.done @!p1 $0x0  }
0x95: {  	s30 =	sor.u32 $0x80, s25;
	[sflag:s29] =	ssyncadd.s32 @!p1 $0xFFFFFC00  }
0x96: {  	[tilespmem:s18], [sflag:$0x2] =	stream.indirect.gather [hbm4b:s1+s17], $0x80, s30, s17, $0xb8;
	[tilespmem:$0x1D000] =	vst v63  }
0x97: {  	_ =	swait.ge [sflag:s19], $0x4000  }
0x98: {  	[sflag:s19] =	ssyncset.done $0x0  }
0x99: {  	s31 =	sor.u32 $0x800, s25;
	[sflag:s19] =	ssyncadd.s32 $0xFFFFC000  }
0x9a: {  	[spmem:s2] =	stream.indirect.scatter.add.f32 [tilespmem:s14], [sflag:$0x3], $0x80, s31, s17, $0xb8;
	[tilespmem:$0x1D000] =	vst v63  }
0x9b: {  	_ =	swait.ge [sflag:s15], $0x4000  }
0x9c: {  	[sflag:s15] =	ssyncset.done $0x0  }
0x9d: {  	s28 =	sor.u32 $0x100, s25;
	[sflag:s15] =	ssyncadd.s32 $0xFFFFC000  }
0x9e: {  	[tilespmem:s14], [sflag:$0x1] =	stream.indirect.gather [hbm4b:s1+s17], $0x80, s28, s17, $0xb8;
	[tilespmem:$0x1D000] =	vst v63  }
0x9f: {  	_ =	swait.ge [sflag:s20], $0x4000  }
0xa0: {  	[sflag:s20] =	ssyncset.done $0x0  }
0xa1: {  	s29 =	sor.u32 $0x880, s25;
	[sflag:s20] =	ssyncadd.s32 $0xFFFFC000  }
0xa2: {  	[spmem:s2] =	stream.indirect.scatter.add.f32 [tilespmem:s18], [sflag:$0x3], $0x80, s29, s17, $0xb8;
	[tilespmem:$0x1D000] =	vst v63  }
0xa3: {  	_ =	swait.ge [sflag:s15], $0x4000  }
0xa4: {  	[sflag:s15] =	ssyncset.done $0x0  }
0xa5: {  	s30 =	sor.u32 $0x180, s25;
	[sflag:s15] =	ssyncadd.s32 $0xFFFFC000  }
0xa6: {  	[tilespmem:s18], [sflag:$0x2] =	stream.indirect.gather [hbm4b:s1+s17], $0x80, s30, s17, $0xb8;
	[tilespmem:$0x1D000] =	vst v63  }
0xa7: {  	_ =	swait.ge [sflag:s19], $0x4000  }
0xa8: {  	[sflag:s19] =	ssyncset.done $0x0  }
0xa9: {  	s31 =	sor.u32 $0x900, s25;
	[sflag:s19] =	ssyncadd.s32 $0xFFFFC000  }
0xaa: {  	[spmem:s2] =	stream.indirect.scatter.add.f32 [tilespmem:s14], [sflag:$0x3], $0x80, s31, s17, $0xb8;
	[tilespmem:$0x1D000] =	vst v63  }
0xab: {  	_ =	swait.ge [sflag:s15], $0x4000  }
0xac: {  	[sflag:s15] =	ssyncset.done $0x0  }
0xad: {  	s28 =	sor.u32 $0x200, s25;
	[sflag:s15] =	ssyncadd.s32 $0xFFFFC000  }
0xae: {  	[tilespmem:s14], [sflag:$0x1] =	stream.indirect.gather [hbm4b:s1+s17], $0x80, s28, s17, $0xb8;
	[tilespmem:$0x1D000] =	vst v63  }
0xaf: {  	_ =	swait.ge [sflag:s20], $0x4000  }
0xb0: {  	[sflag:s20] =	ssyncset.done $0x0  }
0xb1: {  	s29 =	sor.u32 $0x980, s25;
	[sflag:s20] =	ssyncadd.s32 $0xFFFFC000  }
0xb2: {  	[spmem:s2] =	stream.indirect.scatter.add.f32 [tilespmem:s18], [sflag:$0x3], $0x80, s29, s17, $0xb8;
	[tilespmem:$0x1D000] =	vst v63  }
0xb3: {  	_ =	swait.ge [sflag:s15], $0x4000  }
0xb4: {  	[sflag:s15] =	ssyncset.done $0x0  }
0xb5: {  	s30 =	sor.u32 $0x280, s25;
	[sflag:s15] =	ssyncadd.s32 $0xFFFFC000  }
0xb6: {  	[tilespmem:s18], [sflag:$0x2] =	stream.indirect.gather [hbm4b:s1+s17], $0x80, s30, s17, $0xb8;
	[tilespmem:$0x1D000] =	vst v63  }
0xb7: {  	_ =	swait.ge [sflag:s19], $0x4000  }
0xb8: {  	[sflag:s19] =	ssyncset.done $0x0  }
0xb9: {  	s31 =	sor.u32 $0xA00, s25;
	[sflag:s19] =	ssyncadd.s32 $0xFFFFC000  }
0xba: {  	[spmem:s2] =	stream.indirect.scatter.add.f32 [tilespmem:s14], [sflag:$0x3], $0x80, s31, s17, $0xb8;
	[tilespmem:$0x1D000] =	vst v63  }
0xbb: {  	_ =	swait.ge [sflag:s15], $0x4000  }
0xbc: {  	[sflag:s15] =	ssyncset.done $0x0  }
0xbd: {  	s28 =	sor.u32 $0x300, s25;
	[sflag:s15] =	ssyncadd.s32 $0xFFFFC000  }
0xbe: {  	[tilespmem:s14], [sflag:$0x1] =	stream.indirect.gather [hbm4b:s1+s17], $0x80, s28, s17, $0xb8;
	[tilespmem:$0x1D000] =	vst v63  }
0xbf: {  	_ =	swait.ge [sflag:s20], $0x4000  }
0xc0: {  	[sflag:s20] =	ssyncset.done $0x0  }
0xc1: {  	s29 =	sor.u32 $0xA80, s25;
	[sflag:s20] =	ssyncadd.s32 $0xFFFFC000  }
0xc2: {  	[spmem:s2] =	stream.indirect.scatter.add.f32 [tilespmem:s18], [sflag:$0x3], $0x80, s29, s17, $0xb8;
	[tilespmem:$0x1D000] =	vst v63  }
0xc3: {  	_ =	swait.ge [sflag:s15], $0x4000  }
0xc4: {  	[sflag:s15] =	ssyncset.done $0x0  }
0xc5: {  	s30 =	sor.u32 $0x380, s25;
	[sflag:s15] =	ssyncadd.s32 $0xFFFFC000  }
0xc6: {  	[tilespmem:s18], [sflag:$0x2] =	stream.indirect.gather [hbm4b:s1+s17], $0x80, s30, s17, $0xb8;
	[tilespmem:$0x1D000] =	vst v63  }
0xc7: {  	_ =	swait.ge [sflag:s19], $0x4000  }
0xc8: {  	[sflag:s19] =	ssyncset.done $0x0  }
0xc9: {  	s25 =	sor.u32 $0xB00, s25;
	[sflag:s19] =	ssyncadd.s32 $0xFFFFC000  }
0xca: {  	[spmem:s2] =	stream.indirect.scatter.add.f32 [tilespmem:s14], [sflag:$0x3], $0x80, s25, s17, $0xb8;
	[tilespmem:$0x1D000] =	vst v63  }
0xcb: {  	s23 =	sadd.s32 $0x80, s23;
	_ =	swait.ge [sflag:s15], $0x4000  }
0xcc: {  	p0 =	sne.s32 s23, $0xA00;
	[sflag:s15] =	ssyncset.done $0x0  }
0xcd: {  	s28 =	simm.s32 @!p1 $0x1000;
	s25 =	simm.s32 @!p1 $0x80;
	[sflag:s15] =	ssyncadd.s32 $0xFFFFC000  }
0xce: {  	[tilespmem:s28], [sflag:$0x1] =	stream.indirect.gather @!p1 [hbm4b:s1+s25], $0x80, s24, s25, $0xb8;
	[tilespmem:$0x1D000] =	vst v63  }
.Ltmp1:
0xcf: {  	_ =	swait.ge [sflag:s20], $0x4000;
	(pc) =	sbr.rel @p0 .LBB2_4-.Ltmp1, $4  }
0xd0: {  	[sflag:s20] =	ssyncset.done $0x0  }
0xd1: {  	s31 =	sor.u32 $0x800, s30;
	[sflag:s20] =	ssyncadd.s32 $0xFFFFC000  }
0xd2: {  	[spmem:s2] =	stream.indirect.scatter.add.f32 [tilespmem:s18], [sflag:$0x3], $0x80, s31, s17, $0xb8;
	[tilespmem:$0x1D000] =	vst v63  }
0xd3: {  	_ =	swait.ge [sflag:s15], $0x4000  }
0xd4: {  	[sflag:s15] =	ssyncset.done $0x0;
	s21 =	sshll.u32 s3, $0x6;
	s4 =	sadd.s32 $0x1, s4  }
0xd5: {  	s22 =	sshrl.u32 s5, $0x3;
	[sflag:s15] =	ssyncadd.s32 $0xFFFFC000;
	p0 =	sne.s32 s4, s13  }
.Ltmp2:
0xd6: {  	s21 =	sor.u32 $0x1C03, s21;
	[bflag:$0x0] =	sbarrier.arrive $0xFFFF;
	(pc) =	sbr.rel @p0 .LBB2_1-.Ltmp2, $4  }
0xd7: {  	[hbm:s12], [sflag:s21] =	dma.local [spmem:s22], $0x2800  }
0xd8: {  	_ =	swait.ge [sflag:s15], $0x2800  }
0xd9: {  	[sflag:s15] =	ssyncset.done $0x0  }
0xda: {  	[sflag:s15] =	ssyncadd.s32 $0xFFFFD800  }
0xdb: {  	_ =	sfence.sel $0x180000  }
0xdc: {  	[bflag:$0x0] =	sbarrier.arrive $0xFFFF  }
0xdd: {  	p0 =	sne.s32 s3, $0x0;
	_ =	strace $0x9000004A  }
0xde: {  	s0 =	sadd.s32 @!p0 $0x100000, s0;
	[bflag:$0x2] =	sbarrier.arrive $0xFFFF  }
0xdf: {  	[sflag:s0] =	ssyncadd.tile.s32 @!p0 $0x1;
	_ =	shalt  }
.Lfunc_end2:
_tile_overlayer_lowered:
.L_overlay_start_2:
0xe0: {  	(tag) =	ssettag $0x2  }
0xe1: {  	s0 =	rddreg [dreg:$0x0];
	s2 =	stileid.u32  }
0xe2: {  	s1 =	rddreg [dreg:$0x1];
	p0 =	sne.s32 s2, $0x0  }
0xe3: {  	s3 =	rddreg [dreg:$0x2];
	[bflag:$0x3] =	sbarrier.arrive $0xFFFF;
	s2 =	simm.s32 @!p0 $0x1C03  }
0xe4: {  	[timem:s3], [sflag:s2] =	dma.local @!p0 [hbm:s0], s1  }
0xe5: {  	s0 =	simm.s32 @!p0 $0x3  }
0xe6: {  	_ =	swait.ge @!p0 [sflag:s0], s1  }
0xe7: {  	s1 =	ssub.s32 @!p0 $0x0, s1;
	[sflag:s0] =	ssyncset.done @!p0 $0x0  }
0xe8: {  	[sflag:s0] =	ssyncadd.s32 @!p0 s1  }
0xe9: {  	[bflag:$0x3] =	sbarrier.arrive $0xFFFF  }
0xea: {  	_ =	shalt  }

// kernel: kernel.16.cloned.1.call-start
scs
__scs_entry_jumppad:
0x0: {  	(pc) =	sbr.rel $0x88, $3  }
0x1: {  	(tag) =	ssettag $0x0;
	lr =	simm.s32 $0x1  }
0x2: {  	[smem:$0x3F93] =	sst lr;
	_ =	strace $0xD0000000  }
0x3: {  	_ = 	snop  }
0x4: {  	_ = 	snop  }
0x5: {  	_ = 	snop  }
0x6: {  	_ = 	snop  }
0x7: {  	_ = 	snop  }
__scs_overlays_trampoline_lowered:
0x8: {  	[smem:$0x3FA2] =	sst s0  }
0x9: {  	[smem:$0x3FA3] =	sst s1  }
0xa: {  	[smem:$0x3FA4] =	sst s2  }
0xb: {  	[smem:$0x3FA5] =	sst s3  }
0xc: {  	[smem:$0x3FA6] =	sst s4  }
0xd: {  	[smem:$0x3FA7] =	sst s5  }
0xe: {  	[smem:$0x3FA8] =	sst s6  }
0xf: {  	[smem:$0x3FA9] =	sst s7  }
0x10: {  	[smem:$0x3FAA] =	sst s8  }
0x11: {  	[smem:$0x3FAB] =	sst s9;
	s0 =	simm.s32 @!p0 $0x0  }
0x12: {  	s1 =	sld [smem:$0x3F91];
	s0 =	simm.s32 @p0 $0x1  }
0x13: {  	[smem:$0x3FAC] =	sst s0;
	s0 =	simm.s32 @!p1 $0x0  }
0x14: {  	s2 =	sld [smem:$0x3F90];
	s0 =	simm.s32 @p1 $0x1  }
0x15: {  	[smem:$0x3FAD] =	sst s0;
	s0 =	simm.s32 @!p2 $0x0  }
0x16: {  	s3 =	sld [smem:$0x3FDB];
	s0 =	simm.s32 @p2 $0x1  }
0x17: {  	s4 =	simm.s32 $0x1BF5;
	[smem:$0x3FAF] =	sst s0  }
0x18: {  	s0 =	sld [smem:$0x3F92];
	_ =	swait.ge [sflag:s4], $0x0  }
0x19: {  	s7 =	sld [smem:$0x3F93]  }
0x1a: {  	s8 =	sadd.s32 $0xFFFFE003, lr  }
0x1b: {  	s9 =	sadd.s32 $0xFFFFFEF7, lr;
	s5 =	simm.s32 $0xFFFFFFFF;
	p2 =	slt.u32 s8, $0xFFFFF086  }
0x1c: {  	p1 =	slt.u32 s9, $0xF7A;
	s5 =	simm.s32 @!p2 $0x0  }
0x1d: {  	s5 =	simm.s32 @p1 $0x1;
	p0 =	seq.s32 s7, s2  }
0x1e: {  	s7 =	smul.u32 @!p0 $0xF7A, s2;
	p2 =	seq.s32 @!p0 s5, $0x0  }
0x1f: {  	s9 =	smul.u32 $0xF7A, s1;
	s8 =	simm.s32 @!p0 $0x1BF5;
	p2 =	por !p2, p0  }
0x20: {  	[sflag:s8] =	ssyncset.s32 @!p0 $0xFFFFF086;
	s6 =	sadd.s32 @!p0 s3, s7;
	s7 =	simm.s32 @!p0 $0x108  }
0x21: {  	s3 =	sadd.s32 s3, s9;
	s6 =	sadd.s32 @!p0 $0x88, s6;
	s7 =	simm.s32 @p2 $0x1082  }
0x22: {  	[simem:s7], [sflag:s8] =	dma.local @!p0 [hbm:s6], $0xF7A  }
0x23: {  	s9 =	sor.u32 $0xD0000000, s2;
	s6 =	simm.s32 $0x108;
	_ =	swait.ge @!p0 [sflag:s8], $0x0  }
0x24: {  	s3 =	sadd.s32 $0x88, s3;
	s6 =	simm.s32 @!p1 $0x1082;
	[sflag:s4] =	ssyncset.s32 $0xFFFFF086  }
0x25: {  	[simem:s6], [sflag:s4] =	dma.local [hbm:s3], $0xF7A  }
0x26: {  	[smem:$0x3F93] =	sst s1;
	(tag) =	ssettag s2;
	_ =	strace s9  }
0x27: {  	s1 =	sld [smem:$0x3FA3]  }
0x28: {  	s2 =	sld [smem:$0x3FA4]  }
0x29: {  	s4 =	sld [smem:$0x3FA6]  }
0x2a: {  	p0 =	seq.s32 s5, $0x0;
	s5 =	sld [smem:$0x3FA7]  }
0x2b: {  	s6 =	sld [smem:$0x3FA8]  }
0x2c: {  	s7 =	sld [smem:$0x3FA9]  }
0x2d: {  	s3 =	simm.s32 $0x108;
	s8 =	sld [smem:$0x3FAA]  }
0x2e: {  	s3 =	simm.s32 @!p0 $0x1082;
	s9 =	sld [smem:$0x3FAB]  }
0x2f: {  	lr =	sadd.s32 s0, s3;
	s0 =	sld [smem:$0x3FA2]  }
0x30: {  	s3 =	sld [smem:$0x3FA5]  }
0x31: {  	[smem:$0x3FAE] =	sst s10  }
0x32: {  	s10 =	sld [smem:$0x3FAC];
	_ =	sdelay $0x3  }
0x33: {  	p0 =	seq.s32 s10, $0x1;
	s10 =	sld [smem:$0x3FAE];
	_ =	sdelay $0x3  }
0x34: {  	[smem:$0x3FAE] =	sst s10  }
0x35: {  	s10 =	sld [smem:$0x3FAD];
	_ =	sdelay $0x3  }
0x36: {  	p1 =	seq.s32 s10, $0x1;
	s10 =	sld [smem:$0x3FAE];
	_ =	sdelay $0x3  }
0x37: {  	[smem:$0x3FAE] =	sst s10  }
0x38: {  	s10 =	sld [smem:$0x3FAF]  }
0x39: {  	_ = 	snop;
	(pc) =	sbr.ind lr, $3  }
0x3a: {  	_ = 	snop  }
0x3b: {  	_ = 	snop  }
0x3c: {  	p2 =	seq.s32 s10, $0x1;
	s10 =	sld [smem:$0x3FAE]  }
0x3d: {  	_ =	shalt  }
0x3e: {  	_ =	shalt  }
0x3f: {  	_ =	shalt  }
0x40: {  	_ =	shalt  }
0x41: {  	_ =	shalt  }
0x42: {  	_ =	shalt  }
0x43: {  	_ =	shalt  }
0x44: {  	_ =	shalt  }
0x45: {  	_ =	shalt  }
0x46: {  	_ =	shalt  }
0x47: {  	_ =	shalt  }
0x48: {  	_ =	shalt  }
0x49: {  	_ =	shalt  }
0x4a: {  	_ =	shalt  }
0x4b: {  	_ =	shalt  }
0x4c: {  	_ =	shalt  }
0x4d: {  	_ =	shalt  }
0x4e: {  	_ =	shalt  }
0x4f: {  	_ =	shalt  }
0x50: {  	_ =	shalt  }
0x51: {  	_ =	shalt  }
0x52: {  	_ =	shalt  }
0x53: {  	_ =	shalt  }
0x54: {  	_ =	shalt  }
0x55: {  	_ =	shalt  }
0x56: {  	_ =	shalt  }
0x57: {  	_ =	shalt  }
0x58: {  	_ =	shalt  }
0x59: {  	_ =	shalt  }
0x5a: {  	_ =	shalt  }
0x5b: {  	_ =	shalt  }
0x5c: {  	_ =	shalt  }
0x5d: {  	_ =	shalt  }
0x5e: {  	_ =	shalt  }
0x5f: {  	_ =	shalt  }
0x60: {  	_ =	shalt  }
0x61: {  	_ =	shalt  }
0x62: {  	_ =	shalt  }
0x63: {  	_ =	shalt  }
0x64: {  	_ =	shalt  }
0x65: {  	_ =	shalt  }
0x66: {  	_ =	shalt  }
0x67: {  	_ =	shalt  }
0x68: {  	_ =	shalt  }
0x69: {  	_ =	shalt  }
0x6a: {  	_ =	shalt  }
0x6b: {  	_ =	shalt  }
0x6c: {  	_ =	shalt  }
0x6d: {  	_ =	shalt  }
0x6e: {  	_ =	shalt  }
0x6f: {  	_ =	shalt  }
0x70: {  	_ =	shalt  }
0x71: {  	_ =	shalt  }
0x72: {  	_ =	shalt  }
0x73: {  	_ =	shalt  }
0x74: {  	_ =	shalt  }
0x75: {  	_ =	shalt  }
0x76: {  	_ =	shalt  }
0x77: {  	_ =	shalt  }
0x78: {  	_ =	shalt  }
0x79: {  	_ =	shalt  }
0x7a: {  	_ =	shalt  }
0x7b: {  	_ =	shalt  }
0x7c: {  	_ =	shalt  }
0x7d: {  	_ =	shalt  }
0x7e: {  	_ =	shalt  }
0x7f: {  	_ =	shalt  }
0x80: {  	_ =	shalt  }
0x81: {  	_ =	shalt  }
0x82: {  	_ =	shalt  }
0x83: {  	_ =	shalt  }
0x84: {  	_ =	shalt  }
0x85: {  	_ =	shalt  }
0x86: {  	_ =	shalt  }
0x87: {  	_ =	shalt  }
.Lfunc_end0:
.L_simem_size_0:
called_computation.2_lowered:
.L_overlay_start_0:
0x88: {  	s2 =	sld [smem:$0x3FD9]  }
0x89: {  	s3 =	sld [smem:$0x3FFE];
	_ =	sdelay $0x1  }
0x8a: {  	s1 =	srdreg.scid  }
0x8b: {  	s0 =	sand.u32 $0x1, s1  }
0x8c: {  	s17 =	sshll.u32 s0, $0xA;
	s2 =	sadd.s32 s3, s2  }
0x8d: {  	s2 =	sadd.s32 s2, s17  }
0x8e: {  	[smem:$0x3FBA] =	sst s2  }
0x8f: {  	_ = 	snop  }
0x90: {  	s2 =	sld [smem:$0x3FD0];
	(tm) =	ssettm $0x1  }
0x91: {  	s18 =	sld [smem:$0x3FFB];
	_ =	sdelay $0x3  }
0x92: {  	_ =	strace s18  }
0x93: {  	s3 =	sld [smem:$0x3FFC];
	_ =	sdelay $0x3  }
0x94: {  	_ =	strace s3  }
0x95: {  	s3 =	sld [smem:$0x3FFD];
	_ =	sdelay $0x3  }
0x96: {  	_ =	strace s3  }
0x97: {  	_ =	strace $0x8FFFFFFF  }
0x98: {  	s19 =	sld [smem:$0x3FDB];
	_ =	sdelay $0x1  }
0x99: {  	s4 =	simm.s32 $_scs_section_size  }
0x9a: {  	s5 =	simm.s32 $_size__tile_overlayer_lowered;
	s6 =	simm.s32 $_tile_overlayer_lowered  }
0x9b: {  	s22 =	simm.s32 $0x1BFF;
	s21 =	sshll.u32 s6, $0x1;
	s3 =	sadd.s32 s4, s19  }
0x9c: {  	s7 =	simm.s32 $0x0;
	s20 =	sshll.u32 s5, $0x1;
	s5 =	sadd.s32 s21, s3  }
0x9d: {  	[timem:s7], [sflag:s22] =	dma.local [hbm:s5], s20  }
0x9e: {  	_ =	swait.ge [sflag:s22], s20  }
0x9f: {  	s4 =	ssub.s32 $0x0, s20;
	[sflag:s22] =	ssyncset.done $0x0  }
0xa0: {  	[sflag:s22] =	ssyncadd.s32 s4;
	_ =	sdelay $0x1  }
0xa1: {  	s23 =	simm.s32 $0x1B8B  }
0xa2: {  	_ =	swait.ge [sflag:s23], $0x1  }
0xa3: {  	[sflag:s23] =	ssyncset.done $0x0  }
0xa4: {  	s25 =	simm.s32 $0x1B8E;
	s24 =	sld [smem:$0x3FFE];
	[sflag:s23] =	ssyncadd.s32 $0xFFFFFFFF  }
0xa5: {  	s26 =	simm.s32 $execute0_lowered;
	[smem:$0x3FD2] =	sst s25  }
0xa6: {  	s5 =	sshll.u32 s26, $0x1;
	_ =	strace $0x8000004C;
	[dreg:$0x1] =	wrdreg $0xFFFFFFFF  }
0xa7: {  	s28 =	simm.s32 $_size_execute0_lowered;
	s3 =	sadd.s32 s3, s5;
	[dreg:$0x0] =	wrdreg $0x0  }
0xa8: {  	s5 =	sshll.u32 s28, $0x1;
	[dreg:$0x2] =	wrdreg s3  }
0xa9: {  	[dreg:$0x3] =	wrdreg s5  }
0xaa: {  	[dreg:$0x4] =	wrdreg $0xC0  }
0xab: {  	_ =	task [dreg:s7], $0x5FFFF  }
0xac: {  	[dreg:$0x1] =	wrdreg $0xFFFFFFFF  }
0xad: {  	[dreg:$0x0] =	wrdreg $0x60  }
0xae: {  	[dreg:$0x2] =	wrdreg s2  }
0xaf: {  	[dreg:$0x3] =	wrdreg s24  }
0xb0: {  	[dreg:$0x4] =	wrdreg $0x90000  }
0xb1: {  	[dreg:$0x5] =	wrdreg $0x9  }
0xb2: {  	_ =	task.clear_ibuf [dreg:s7], $0x6FFFF;
	_ =	strace $0x9000004C  }
0xb3: {  	s29 =	simm.s32 $0x9;
	_ =	strace $0x8000004E  }
0xb4: {  	_ =	swait.ge [sflag:s29], $0x1  }
0xb5: {  	[sflag:s29] =	ssyncadd.s32 $0xFFFFFFFF  }
0xb6: {  	_ =	strace $0x9000004E  }
0xb7: {  	_ =	sfence  }
0xb8: {  	s30 =	sld [smem:$0x0];
	_ =	sdelay $0x2  }
0xb9: {  	s31 =	sshll.u32 s1, $0xD;
	s1 =	sshrl.u32 s1, $0x2  }
0xba: {  	s3 =	sand.u32 $0x4000, s31;
	s1 =	sadd.s32 s1, s30  }
0xbb: {  	s0 =	sor.u32 s3, s0;
	s1 =	sshll.u32 s1, $0x11  }
0xbc: {  	s0 =	sor.u32 s1, s0  }
0xbd: {  	s0 =	sadd.s32 $0x8F2B, s0  }
0xbe: {  	[sflag:s0] =	ssyncadd.remote.s32 $0x1  }
0xbf: {  	_ =	sfence.sel $0xFFFF  }
0xc0: {  	[dreg:$0x0] =	wrdreg $0xFFFFFFFF;
	(pc) =	sbr.abs _section_cstart, $3  }
0xc1: {  	[dreg:$0x1] =	wrdreg $0xFFFFFFFF  }
0xc2: {  	_ =	task.clear_ibuf [dreg:s7], $0x2FFFF;
	_ =	strace $0x9FFFFFFF  }
0xc3: {  	(tm) =	ssettm $0x7FFFFFFF  }
tec
execute0_lowered:
.L_overlay_start_1:
0x0: {  	(tag) =	ssettag $0x1  }
0x1: {  	s1 =	rddreg [dreg:$0x0]  }
0x2: {  	s5 =	rddreg [dreg:$0x1]  }
0x3: {  	s2 =	rddreg [dreg:$0x2]  }
0x4: {  	s3 =	srdreg.scid;
	s0 =	rddreg [dreg:$0x3];
	s4 =	simm.s32 $0x0  }
0x5: {  	s18 =	simm.s32 $0x5000;
	s19 =	simm.s32 $0x1;
	s6 =	sand.u32 $0x1, s3  }
0x6: {  	s20 =	simm.s32 $0x2;
	s3 =	stileid.u32;
	s7 =	smul.u32 $0x140000, s6  }
0x7: {  	[smem:$0x7FF] =	sst s4;
	s11 =	sadd.s32 $0x4200, s5;
	s8 =	smul.u32 $0x14000, s3  }
0x8: {  	s12 =	sadd.s32 $0x18200, s5;
	_ =	strace $0x8000004D;
	s9 =	smul.u32 $0x50000, s3  }
0x9: {  	s24 =	ssub.s32 $0x2, s6;
	s26 =	smul.u32 $0x140, s6;
	s6 =	sshll.u32 s6, $0x4  }
0xa: {  	s10 =	smul.u32 $0x14, s3;
	s25 =	sshrl.u32 s24, $0x1;
	s28 =	sor.u32 s3, s6  }
0xb: {  	s7 =	sadd.s32 s8, s7;
	s9 =	sshrl.u32 s9, $0x2;
	s14 =	ssub.s32 s24, s25  }
0xc: {  	s15 =	smul.u32 $0xA00, s28;
	s29 =	sadd.s32 s10, s26;
	s7 =	sshrl.u32 s7, $0x3  }
0xd: {  	s16 =	sshll.u32 s29, $0x7;
	s13 =	sadd.s32 s7, s5;
	s5 =	sadd.s32 s9, s2  }
0xe: {  	s10 =	sadd.s32 s11, s15;
	s17 =	sadd.s32 s16, s11;
	s11 =	sadd.s32 s12, s15  }
0xf: {  	s16 =	sadd.s32 s16, s12;
	s15 =	simm.s32 $0x3;
	s6 =	sadd.s32 $0x4000, s5  }
0x10: {  	s7 =	sadd.s32 $0x8000, s5;
	s8 =	sadd.s32 $0xC000, s5;
	s9 =	sadd.s32 $0x10000, s5  }
0x11: {  	s30 =	sadd.s32 $0x80, s17;
	s12 =	sadd.s32 $0x2C200, s13;
	s31 =	sadd.s32 $0x80, s16  }
0x12: {  	s13 =	smax.u32 s14, $0x1;
	s14 =	simm.s32 $0x1000;
	[dreg:$0x4] =	wrdreg s30  }
0x13: {  	v0 =	vimm.f32 $0.0e+00;
	s16 =	simm.s32 $0x800;
	s17 =	simm.s32 $0x80;
	[dreg:$0x5] =	wrdreg s31  }
.LBB2_1:
0x14: {  	s21 =	simm.s32 $0x0;
	s22 =	simm.s32 $0x200  }
.LBB2_2:
0x15: {  	p0 =	sne.s32 s22, $0xFE00;
	[tilespmem:s21+$0x1070] =	vst v0  }
0x16: {  	[tilespmem:s21+$0x1000] =	vst v0  }
0x17: {  	[tilespmem:s21+$0x1010] =	vst v0  }
.Ltmp0:
0x18: {  	[tilespmem:s21+$0x1020] =	vst v0;
	(pc) =	sbr.rel @p0 .LBB2_2-.Ltmp0, $4  }
0x19: {  	[tilespmem:s21+$0x1030] =	vst v0  }
0x1a: {  	[tilespmem:s21+$0x1040] =	vst v0  }
0x1b: {  	[tilespmem:s21+$0x1050] =	vst v0  }
0x1c: {  	[tilespmem:s21+$0x1060] =	vst v0;
	s21 =	sshra.s32 s22, $0x2;
	s22 =	sadd.s32 $0x200, s22  }
0x1d: {  	[tilespmem:s21+$0x1070] =	vst v0  }
0x1e: {  	[tilespmem:s21+$0x1000] =	vst v0  }
0x1f: {  	[tilespmem:s21+$0x1010] =	vst v0  }
0x20: {  	[tilespmem:s21+$0x1020] =	vst v0  }
0x21: {  	[tilespmem:s21+$0x1030] =	vst v0  }
0x22: {  	[tilespmem:s21+$0x1040] =	vst v0  }
0x23: {  	[tilespmem:s21+$0x1050] =	vst v0  }
0x24: {  	[tilespmem:s21+$0x1060] =	vst v0  }
0x25: {  	[spmem:s5] =	stream.linear.scatter [tilespmem:s14], [sflag:$0x3], $0x4000, $0x38;
	[tilespmem:$0x1D000] =	vst v63  }
0x26: {  	_ =	swait.ge [sflag:s15], $0x4000  }
0x27: {  	[sflag:s15] =	ssyncset.done $0x0  }
0x28: {  	[sflag:s15] =	ssyncadd.s32 $0xFFFFC000  }
0x29: {  	[spmem:s6] =	stream.linear.scatter [tilespmem:s14], [sflag:$0x3], $0x4000, $0x38;
	[tilespmem:$0x1D000] =	vst v63  }
0x2a: {  	_ =	swait.ge [sflag:s15], $0x4000  }
0x2b: {  	[sflag:s15] =	ssyncset.done $0x0  }
0x2c: {  	[sflag:s15] =	ssyncadd.s32 $0xFFFFC000  }
0x2d: {  	[spmem:s7] =	stream.linear.scatter [tilespmem:s14], [sflag:$0x3], $0x4000, $0x38;
	[tilespmem:$0x1D000] =	vst v63  }
0x2e: {  	_ =	swait.ge [sflag:s15], $0x4000  }
0x2f: {  	[sflag:s15] =	ssyncset.done $0x0  }
0x30: {  	[sflag:s15] =	ssyncadd.s32 $0xFFFFC000  }
0x31: {  	[spmem:s8] =	stream.linear.scatter [tilespmem:s14], [sflag:$0x3], $0x4000, $0x38;
	[tilespmem:$0x1D000] =	vst v63  }
0x32: {  	_ =	swait.ge [sflag:s15], $0x4000  }
0x33: {  	[sflag:s15] =	ssyncset.done $0x0  }
0x34: {  	[sflag:s15] =	ssyncadd.s32 $0xFFFFC000  }
0x35: {  	[spmem:s9] =	stream.linear.scatter [tilespmem:s14], [sflag:$0x3], $0x4000, $0x38;
	[tilespmem:$0x1D000] =	vst v63  }
0x36: {  	_ =	swait.ge [sflag:s15], $0x4000  }
0x37: {  	[sflag:s15] =	ssyncset.done $0x0  }
0x38: {  	[sflag:s15] =	ssyncadd.s32 $0xFFFFC000  }
0x39: {  	s21 =	simm.s32 $0x0;
	[bflag:$0x0] =	sbarrier.arrive $0xFFFF  }
0x3a: {  	[tilespmem:s21], [sflag:$0x3] =	stream.linear.gather [hbm4b:s10+s21], $0x400, $0x38;
	[tilespmem:$0x1D000] =	vst v63  }
0x3b: {  	_ =	swait.ge [sflag:s15], $0x400  }
0x3c: {  	[sflag:s15] =	ssyncset.done $0x0  }
0x3d: {  	[sflag:s15] =	ssyncadd.s32 $0xFFFFFC00  }
0x3e: {  	[tilespmem:s16], [sflag:$0x3] =	stream.linear.gather [hbm4b:s11+s21], $0x400, $0x38;
	[tilespmem:$0x1D000] =	vst v63  }
0x3f: {  	s22 =	simm.s32 $0x1;
	_ =	swait.ge [sflag:s15], $0x400  }
0x40: {  	p0 =	por $0x0, $0x0;
	s23 =	sand.u32 $0x1, s22;
	[sflag:s15] =	ssyncset.done $0x0  }
0x41: {  	s25 =	simm.s32 @!p0 $0x0;
	s24 =	rddreg [dreg:$0x4];
	[sflag:s15] =	ssyncadd.s32 $0xFFFFFC00  }
0x42: {  	[tilespmem:s14], [sflag:$0x1] =	stream.indirect.gather [hbm4b:s1+s17], $0x80, s21, s17, $0xb8;
	[tilespmem:$0x1D000] =	vst v63  }
0x43: {  	s26 =	simm.s32 @!p0 $0x3;
	s23 =	sshll.u32 @!p0 s23, $0xA;
	s24 =	sadd.s32 @!p0 $0x0, s24  }
0x44: {  	[tilespmem:s23], [sflag:$0x3] =	stream.linear.gather @!p0 [hbm4b:s24+s25], $0x400, $0x38;
	[tilespmem:$0x1D000] =	vst v63  }
0x45: {  	_ =	swait.ge @!p0 [sflag:s26], $0x400  }
0x46: {  	s24 =	rddreg [dreg:$0x5];
	[sflag:s26] =	ssyncset.done @!p0 $0x0  }
0x47: {  	s28 =	sor.u32 @!p0 $0x800, s23;
	[sflag:s26] =	ssyncadd.s32 @!p0 $0xFFFFFC00;
	s24 =	sadd.s32 @!p0 $0x0, s24  }
0x48: {  	[tilespmem:s28], [sflag:$0x3] =	stream.linear.gather @!p0 [hbm4b:s24+s25], $0x400, $0x38;
	[tilespmem:$0x1D000] =	vst v63  }
0x49: {  	_ =	swait.ge @!p0 [sflag:s26], $0x400  }
0x4a: {  	s24 =	sand.u32 $0x400, s21;
	[sflag:s26] =	ssyncset.done @!p0 $0x0  }
0x4b: {  	s28 =	sor.u32 $0x80, s24;
	[sflag:s26] =	ssyncadd.s32 @!p0 $0xFFFFFC00  }
0x4c: {  	[tilespmem:s18], [sflag:$0x2] =	stream.indirect.gather [hbm4b:s1+s17], $0x80, s28, s17, $0xb8;
	[tilespmem:$0x1D000] =	vst v63  }
0x4d: {  	_ =	swait.ge [sflag:s19], $0x4000  }
0x4e: {  	[sflag:s19] =	ssyncset.done $0x0  }
0x4f: {  	s29 =	sor.u32 $0x800, s24;
	[sflag:s19] =	ssyncadd.s32 $0xFFFFC000  }
0x50: {  	[spmem:s2] =	stream.indirect.scatter.add.f32 [tilespmem:s14], [sflag:$0x3], $0x80, s29, s17, $0xb8;
	[tilespmem:$0x1D000] =	vst v63  }
0x51: {  	_ =	swait.ge [sflag:s15], $0x4000  }
0x52: {  	[sflag:s15] =	ssyncset.done $0x0  }
0x53: {  	s30 =	sor.u32 $0x100, s24;
	[sflag:s15] =	ssyncadd.s32 $0xFFFFC000  }
0x54: {  	[tilespmem:s14], [sflag:$0x1] =	stream.indirect.gather [hbm4b:s1+s17], $0x80, s30, s17, $0xb8;
	[tilespmem:$0x1D000] =	vst v63  }
0x55: {  	_ =	swait.ge [sflag:s20], $0x4000  }
0x56: {  	[sflag:s20] =	ssyncset.done $0x0  }
0x57: {  	s31 =	sor.u32 $0x880, s24;
	[sflag:s20] =	ssyncadd.s32 $0xFFFFC000  }
0x58: {  	[spmem:s2] =	stream.indirect.scatter.add.f32 [tilespmem:s18], [sflag:$0x3], $0x80, s31, s17, $0xb8;
	[tilespmem:$0x1D000] =	vst v63  }
0x59: {  	_ =	swait.ge [sflag:s15], $0x4000  }
0x5a: {  	[sflag:s15] =	ssyncset.done $0x0  }
0x5b: {  	s26 =	sor.u32 $0x180, s24;
	[sflag:s15] =	ssyncadd.s32 $0xFFFFC000  }
0x5c: {  	[tilespmem:s18], [sflag:$0x2] =	stream.indirect.gather [hbm4b:s1+s17], $0x80, s26, s17, $0xb8;
	[tilespmem:$0x1D000] =	vst v63  }
0x5d: {  	_ =	swait.ge [sflag:s19], $0x4000  }
0x5e: {  	[sflag:s19] =	ssyncset.done $0x0  }
0x5f: {  	s28 =	sor.u32 $0x900, s24;
	[sflag:s19] =	ssyncadd.s32 $0xFFFFC000  }
0x60: {  	[spmem:s2] =	stream.indirect.scatter.add.f32 [tilespmem:s14], [sflag:$0x3], $0x80, s28, s17, $0xb8;
	[tilespmem:$0x1D000] =	vst v63  }
0x61: {  	_ =	swait.ge [sflag:s15], $0x4000  }
0x62: {  	[sflag:s15] =	ssyncset.done $0x0  }
0x63: {  	s29 =	sor.u32 $0x200, s24;
	[sflag:s15] =	ssyncadd.s32 $0xFFFFC000  }
0x64: {  	[tilespmem:s14], [sflag:$0x1] =	stream.indirect.gather [hbm4b:s1+s17], $0x80, s29, s17, $0xb8;
	[tilespmem:$0x1D000] =	vst v63  }
0x65: {  	_ =	swait.ge [sflag:s20], $0x4000  }
0x66: {  	[sflag:s20] =	ssyncset.done $0x0  }
0x67: {  	s30 =	sor.u32 $0x980, s24;
	[sflag:s20] =	ssyncadd.s32 $0xFFFFC000  }
0x68: {  	[spmem:s2] =	stream.indirect.scatter.add.f32 [tilespmem:s18], [sflag:$0x3], $0x80, s30, s17, $0xb8;
	[tilespmem:$0x1D000] =	vst v63  }
0x69: {  	_ =	swait.ge [sflag:s15], $0x4000  }
0x6a: {  	[sflag:s15] =	ssyncset.done $0x0  }
0x6b: {  	s31 =	sor.u32 $0x280, s24;
	[sflag:s15] =	ssyncadd.s32 $0xFFFFC000  }
0x6c: {  	[tilespmem:s18], [sflag:$0x2] =	stream.indirect.gather [hbm4b:s1+s17], $0x80, s31, s17, $0xb8;
	[tilespmem:$0x1D000] =	vst v63  }
0x6d: {  	_ =	swait.ge [sflag:s19], $0x4000  }
0x6e: {  	[sflag:s19] =	ssyncset.done $0x0  }
0x6f: {  	s26 =	sor.u32 $0xA00, s24;
	[sflag:s19] =	ssyncadd.s32 $0xFFFFC000  }
0x70: {  	[spmem:s2] =	stream.indirect.scatter.add.f32 [tilespmem:s14], [sflag:$0x3], $0x80, s26, s17, $0xb8;
	[tilespmem:$0x1D000] =	vst v63  }
0x71: {  	_ =	swait.ge [sflag:s15], $0x4000  }
0x72: {  	[sflag:s15] =	ssyncset.done $0x0  }
0x73: {  	s28 =	sor.u32 $0x300, s24;
	[sflag:s15] =	ssyncadd.s32 $0xFFFFC000  }
0x74: {  	[tilespmem:s14], [sflag:$0x1] =	stream.indirect.gather [hbm4b:s1+s17], $0x80, s28, s17, $0xb8;
	[tilespmem:$0x1D000] =	vst v63  }
0x75: {  	_ =	swait.ge [sflag:s20], $0x4000  }
0x76: {  	[sflag:s20] =	ssyncset.done $0x0  }
0x77: {  	s29 =	sor.u32 $0xA80, s24;
	[sflag:s20] =	ssyncadd.s32 $0xFFFFC000  }
0x78: {  	[spmem:s2] =	stream.indirect.scatter.add.f32 [tilespmem:s18], [sflag:$0x3], $0x80, s29, s17, $0xb8;
	[tilespmem:$0x1D000] =	vst v63  }
0x79: {  	_ =	swait.ge [sflag:s15], $0x4000  }
0x7a: {  	[sflag:s15] =	ssyncset.done $0x0  }
0x7b: {  	s30 =	sor.u32 $0x380, s24;
	[sflag:s15] =	ssyncadd.s32 $0xFFFFC000  }
0x7c: {  	[tilespmem:s18], [sflag:$0x2] =	stream.indirect.gather [hbm4b:s1+s17], $0x80, s30, s17, $0xb8;
	[tilespmem:$0x1D000] =	vst v63  }
0x7d: {  	_ =	swait.ge [sflag:s19], $0x4000  }
0x7e: {  	[sflag:s19] =	ssyncset.done $0x0  }
0x7f: {  	s24 =	sor.u32 $0xB00, s24;
	[sflag:s19] =	ssyncadd.s32 $0xFFFFC000  }
0x80: {  	[spmem:s2] =	stream.indirect.scatter.add.f32 [tilespmem:s14], [sflag:$0x3], $0x80, s24, s17, $0xb8;
	[tilespmem:$0x1D000] =	vst v63  }
0x81: {  	_ =	swait.ge [sflag:s15], $0x4000  }
0x82: {  	[sflag:s15] =	ssyncset.done $0x0  }
0x83: {  	s26 =	simm.s32 @!p0 $0x1000;
	s24 =	simm.s32 @!p0 $0x80;
	[sflag:s15] =	ssyncadd.s32 $0xFFFFC000  }
0x84: {  	[tilespmem:s26], [sflag:$0x1] =	stream.indirect.gather @!p0 [hbm4b:s1+s24], $0x80, s23, s24, $0xb8;
	[tilespmem:$0x1D000] =	vst v63  }
0x85: {  	_ =	swait.ge [sflag:s20], $0x4000  }
0x86: {  	[sflag:s20] =	ssyncset.done $0x0  }
0x87: {  	s31 =	sor.u32 $0x800, s30;
	[sflag:s20] =	ssyncadd.s32 $0xFFFFC000  }
0x88: {  	[spmem:s2] =	stream.indirect.scatter.add.f32 [tilespmem:s18], [sflag:$0x3], $0x80, s31, s17, $0xb8;
	[tilespmem:$0x1D000] =	vst v63  }
0x89: {  	s23 =	simm.s32 $0x80;
	_ =	swait.ge [sflag:s15], $0x4000  }
.LBB2_4:
0x8a: {  	s26 =	smov.u32 s23;
	s22 =	sadd.s32 $0x1, s22  }
0x8b: {  	[sflag:s15] =	ssyncset.done $0x0;
	s24 =	sand.u32 $0x1, s22;
	p1 =	seq.s32 s26, $0x980  }
0x8c: {  	s25 =	rddreg [dreg:$0x4];
	[sflag:s15] =	ssyncadd.s32 $0xFFFFC000;
	s24 =	sshll.u32 @!p1 s24, $0xA  }
0x8d: {  	s25 =	sadd.s32 @!p1 s26, s25;
	s28 =	simm.s32 @!p1 $0x0;
	s29 =	simm.s32 @!p1 $0x3  }
0x8e: {  	[tilespmem:s24], [sflag:$0x3] =	stream.linear.gather @!p1 [hbm4b:s25+s28], $0x400, $0x38;
	[tilespmem:$0x1D000] =	vst v63  }
0x8f: {  	_ =	swait.ge @!p1 [sflag:s29], $0x400  }
0x90: {  	[sflag:s29] =	ssyncset.done @!p1 $0x0;
	s25 =	rddreg [dreg:$0x5]  }
0x91: {  	s30 =	sor.u32 @!p1 $0x800, s24;
	[sflag:s29] =	ssyncadd.s32 @!p1 $0xFFFFFC00;
	s25 =	sadd.s32 @!p1 s26, s25  }
0x92: {  	[tilespmem:s30], [sflag:$0x3] =	stream.linear.gather @!p1 [hbm4b:s25+s28], $0x400, $0x38;
	[tilespmem:$0x1D000] =	vst v63  }
0x93: {  	s21 =	sadd.s32 $0x400, s21;
	_ =	swait.ge @!p1 [sflag:s29], $0x400  }
0x94: {  	s25 =	sand.u32 $0x400, s21;
	[sflag:s29] =	ssyncset.done @!p1 $0x0  }
0x95: {  	s30 =	sor.u32 $0x80, s25;
	[sflag:s29] =	ssyncadd.s32 @!p1 $0xFFFFFC00  }
0x96: {  	[tilespmem:s18], [sflag:$0x2] =	stream.indirect.gather [hbm4b:s1+s17], $0x80, s30, s17, $0xb8;
	[tilespmem:$0x1D000] =	vst v63  }
0x97: {  	_ =	swait.ge [sflag:s19], $0x4000  }
0x98: {  	[sflag:s19] =	ssyncset.done $0x0  }
0x99: {  	s31 =	sor.u32 $0x800, s25;
	[sflag:s19] =	ssyncadd.s32 $0xFFFFC000  }
0x9a: {  	[spmem:s2] =	stream.indirect.scatter.add.f32 [tilespmem:s14], [sflag:$0x3], $0x80, s31, s17, $0xb8;
	[tilespmem:$0x1D000] =	vst v63  }
0x9b: {  	_ =	swait.ge [sflag:s15], $0x4000  }
0x9c: {  	[sflag:s15] =	ssyncset.done $0x0  }
0x9d: {  	s28 =	sor.u32 $0x100, s25;
	[sflag:s15] =	ssyncadd.s32 $0xFFFFC000  }
0x9e: {  	[tilespmem:s14], [sflag:$0x1] =	stream.indirect.gather [hbm4b:s1+s17], $0x80, s28, s17, $0xb8;
	[tilespmem:$0x1D000] =	vst v63  }
0x9f: {  	_ =	swait.ge [sflag:s20], $0x4000  }
0xa0: {  	[sflag:s20] =	ssyncset.done $0x0  }
0xa1: {  	s29 =	sor.u32 $0x880, s25;
	[sflag:s20] =	ssyncadd.s32 $0xFFFFC000  }
0xa2: {  	[spmem:s2] =	stream.indirect.scatter.add.f32 [tilespmem:s18], [sflag:$0x3], $0x80, s29, s17, $0xb8;
	[tilespmem:$0x1D000] =	vst v63  }
0xa3: {  	_ =	swait.ge [sflag:s15], $0x4000  }
0xa4: {  	[sflag:s15] =	ssyncset.done $0x0  }
0xa5: {  	s30 =	sor.u32 $0x180, s25;
	[sflag:s15] =	ssyncadd.s32 $0xFFFFC000  }
0xa6: {  	[tilespmem:s18], [sflag:$0x2] =	stream.indirect.gather [hbm4b:s1+s17], $0x80, s30, s17, $0xb8;
	[tilespmem:$0x1D000] =	vst v63  }
0xa7: {  	_ =	swait.ge [sflag:s19], $0x4000  }
0xa8: {  	[sflag:s19] =	ssyncset.done $0x0  }
0xa9: {  	s31 =	sor.u32 $0x900, s25;
	[sflag:s19] =	ssyncadd.s32 $0xFFFFC000  }
0xaa: {  	[spmem:s2] =	stream.indirect.scatter.add.f32 [tilespmem:s14], [sflag:$0x3], $0x80, s31, s17, $0xb8;
	[tilespmem:$0x1D000] =	vst v63  }
0xab: {  	_ =	swait.ge [sflag:s15], $0x4000  }
0xac: {  	[sflag:s15] =	ssyncset.done $0x0  }
0xad: {  	s28 =	sor.u32 $0x200, s25;
	[sflag:s15] =	ssyncadd.s32 $0xFFFFC000  }
0xae: {  	[tilespmem:s14], [sflag:$0x1] =	stream.indirect.gather [hbm4b:s1+s17], $0x80, s28, s17, $0xb8;
	[tilespmem:$0x1D000] =	vst v63  }
0xaf: {  	_ =	swait.ge [sflag:s20], $0x4000  }
0xb0: {  	[sflag:s20] =	ssyncset.done $0x0  }
0xb1: {  	s29 =	sor.u32 $0x980, s25;
	[sflag:s20] =	ssyncadd.s32 $0xFFFFC000  }
0xb2: {  	[spmem:s2] =	stream.indirect.scatter.add.f32 [tilespmem:s18], [sflag:$0x3], $0x80, s29, s17, $0xb8;
	[tilespmem:$0x1D000] =	vst v63  }
0xb3: {  	_ =	swait.ge [sflag:s15], $0x4000  }
0xb4: {  	[sflag:s15] =	ssyncset.done $0x0  }
0xb5: {  	s30 =	sor.u32 $0x280, s25;
	[sflag:s15] =	ssyncadd.s32 $0xFFFFC000  }
0xb6: {  	[tilespmem:s18], [sflag:$0x2] =	stream.indirect.gather [hbm4b:s1+s17], $0x80, s30, s17, $0xb8;
	[tilespmem:$0x1D000] =	vst v63  }
0xb7: {  	_ =	swait.ge [sflag:s19], $0x4000  }
0xb8: {  	[sflag:s19] =	ssyncset.done $0x0  }
0xb9: {  	s31 =	sor.u32 $0xA00, s25;
	[sflag:s19] =	ssyncadd.s32 $0xFFFFC000  }
0xba: {  	[spmem:s2] =	stream.indirect.scatter.add.f32 [tilespmem:s14], [sflag:$0x3], $0x80, s31, s17, $0xb8;
	[tilespmem:$0x1D000] =	vst v63  }
0xbb: {  	_ =	swait.ge [sflag:s15], $0x4000  }
0xbc: {  	[sflag:s15] =	ssyncset.done $0x0  }
0xbd: {  	s28 =	sor.u32 $0x300, s25;
	[sflag:s15] =	ssyncadd.s32 $0xFFFFC000  }
0xbe: {  	[tilespmem:s14], [sflag:$0x1] =	stream.indirect.gather [hbm4b:s1+s17], $0x80, s28, s17, $0xb8;
	[tilespmem:$0x1D000] =	vst v63  }
0xbf: {  	_ =	swait.ge [sflag:s20], $0x4000  }
0xc0: {  	[sflag:s20] =	ssyncset.done $0x0  }
0xc1: {  	s29 =	sor.u32 $0xA80, s25;
	[sflag:s20] =	ssyncadd.s32 $0xFFFFC000  }
0xc2: {  	[spmem:s2] =	stream.indirect.scatter.add.f32 [tilespmem:s18], [sflag:$0x3], $0x80, s29, s17, $0xb8;
	[tilespmem:$0x1D000] =	vst v63  }
0xc3: {  	_ =	swait.ge [sflag:s15], $0x4000  }
0xc4: {  	[sflag:s15] =	ssyncset.done $0x0  }
0xc5: {  	s30 =	sor.u32 $0x380, s25;
	[sflag:s15] =	ssyncadd.s32 $0xFFFFC000  }
0xc6: {  	[tilespmem:s18], [sflag:$0x2] =	stream.indirect.gather [hbm4b:s1+s17], $0x80, s30, s17, $0xb8;
	[tilespmem:$0x1D000] =	vst v63  }
0xc7: {  	_ =	swait.ge [sflag:s19], $0x4000  }
0xc8: {  	[sflag:s19] =	ssyncset.done $0x0  }
0xc9: {  	s25 =	sor.u32 $0xB00, s25;
	[sflag:s19] =	ssyncadd.s32 $0xFFFFC000  }
0xca: {  	[spmem:s2] =	stream.indirect.scatter.add.f32 [tilespmem:s14], [sflag:$0x3], $0x80, s25, s17, $0xb8;
	[tilespmem:$0x1D000] =	vst v63  }
0xcb: {  	s23 =	sadd.s32 $0x80, s23;
	_ =	swait.ge [sflag:s15], $0x4000  }
0xcc: {  	p0 =	sne.s32 s23, $0xA00;
	[sflag:s15] =	ssyncset.done $0x0  }
0xcd: {  	s28 =	simm.s32 @!p1 $0x1000;
	s25 =	simm.s32 @!p1 $0x80;
	[sflag:s15] =	ssyncadd.s32 $0xFFFFC000  }
0xce: {  	[tilespmem:s28], [sflag:$0x1] =	stream.indirect.gather @!p1 [hbm4b:s1+s25], $0x80, s24, s25, $0xb8;
	[tilespmem:$0x1D000] =	vst v63  }
.Ltmp1:
0xcf: {  	_ =	swait.ge [sflag:s20], $0x4000;
	(pc) =	sbr.rel @p0 .LBB2_4-.Ltmp1, $4  }
0xd0: {  	[sflag:s20] =	ssyncset.done $0x0  }
0xd1: {  	s31 =	sor.u32 $0x800, s30;
	[sflag:s20] =	ssyncadd.s32 $0xFFFFC000  }
0xd2: {  	[spmem:s2] =	stream.indirect.scatter.add.f32 [tilespmem:s18], [sflag:$0x3], $0x80, s31, s17, $0xb8;
	[tilespmem:$0x1D000] =	vst v63  }
0xd3: {  	_ =	swait.ge [sflag:s15], $0x4000  }
0xd4: {  	[sflag:s15] =	ssyncset.done $0x0;
	s21 =	sshll.u32 s3, $0x6;
	s4 =	sadd.s32 $0x1, s4  }
0xd5: {  	s22 =	sshrl.u32 s5, $0x3;
	[sflag:s15] =	ssyncadd.s32 $0xFFFFC000;
	p0 =	sne.s32 s4, s13  }
.Ltmp2:
0xd6: {  	s21 =	sor.u32 $0x1C03, s21;
	[bflag:$0x0] =	sbarrier.arrive $0xFFFF;
	(pc) =	sbr.rel @p0 .LBB2_1-.Ltmp2, $4  }
0xd7: {  	[hbm:s12], [sflag:s21] =	dma.local [spmem:s22], $0x2800  }
0xd8: {  	_ =	swait.ge [sflag:s15], $0x2800  }
0xd9: {  	[sflag:s15] =	ssyncset.done $0x0  }
0xda: {  	[sflag:s15] =	ssyncadd.s32 $0xFFFFD800  }
0xdb: {  	_ =	sfence.sel $0x180000  }
0xdc: {  	[bflag:$0x0] =	sbarrier.arrive $0xFFFF  }
0xdd: {  	p0 =	sne.s32 s3, $0x0;
	_ =	strace $0x9000004D  }
0xde: {  	s0 =	sadd.s32 @!p0 $0x100000, s0;
	[bflag:$0x2] =	sbarrier.arrive $0xFFFF  }
0xdf: {  	[sflag:s0] =	ssyncadd.tile.s32 @!p0 $0x1;
	_ =	shalt  }
.Lfunc_end2:
_tile_overlayer_lowered:
.L_overlay_start_2:
0xe0: {  	(tag) =	ssettag $0x2  }
0xe1: {  	s0 =	rddreg [dreg:$0x0];
	s2 =	stileid.u32  }
0xe2: {  	s1 =	rddreg [dreg:$0x1];
	p0 =	sne.s32 s2, $0x0  }
0xe3: {  	s3 =	rddreg [dreg:$0x2];
	[bflag:$0x3] =	sbarrier.arrive $0xFFFF;
	s2 =	simm.s32 @!p0 $0x1C03  }
0xe4: {  	[timem:s3], [sflag:s2] =	dma.local @!p0 [hbm:s0], s1  }
0xe5: {  	s0 =	simm.s32 @!p0 $0x3  }
0xe6: {  	_ =	swait.ge @!p0 [sflag:s0], s1  }
0xe7: {  	s1 =	ssub.s32 @!p0 $0x0, s1;
	[sflag:s0] =	ssyncset.done @!p0 $0x0  }
0xe8: {  	[sflag:s0] =	ssyncadd.s32 @!p0 s1  }
0xe9: {  	[bflag:$0x3] =	sbarrier.arrive $0xFFFF  }
0xea: {  	_ =	shalt  }

// kernel: kernel.19.cloned.1.call-start
scs
__scs_entry_jumppad:
0x0: {  	(pc) =	sbr.rel $0x88, $3  }
0x1: {  	(tag) =	ssettag $0x0;
	lr =	simm.s32 $0x1  }
0x2: {  	[smem:$0x3F93] =	sst lr;
	_ =	strace $0xD0000000  }
0x3: {  	_ = 	snop  }
0x4: {  	_ = 	snop  }
0x5: {  	_ = 	snop  }
0x6: {  	_ = 	snop  }
0x7: {  	_ = 	snop  }
__scs_overlays_trampoline_lowered:
0x8: {  	[smem:$0x3FA2] =	sst s0  }
0x9: {  	[smem:$0x3FA3] =	sst s1  }
0xa: {  	[smem:$0x3FA4] =	sst s2  }
0xb: {  	[smem:$0x3FA5] =	sst s3  }
0xc: {  	[smem:$0x3FA6] =	sst s4  }
0xd: {  	[smem:$0x3FA7] =	sst s5  }
0xe: {  	[smem:$0x3FA8] =	sst s6  }
0xf: {  	[smem:$0x3FA9] =	sst s7  }
0x10: {  	[smem:$0x3FAA] =	sst s8  }
0x11: {  	[smem:$0x3FAB] =	sst s9;
	s0 =	simm.s32 @!p0 $0x0  }
0x12: {  	s1 =	sld [smem:$0x3F91];
	s0 =	simm.s32 @p0 $0x1  }
0x13: {  	[smem:$0x3FAC] =	sst s0;
	s0 =	simm.s32 @!p1 $0x0  }
0x14: {  	s2 =	sld [smem:$0x3F90];
	s0 =	simm.s32 @p1 $0x1  }
0x15: {  	[smem:$0x3FAD] =	sst s0;
	s0 =	simm.s32 @!p2 $0x0  }
0x16: {  	s3 =	sld [smem:$0x3FDB];
	s0 =	simm.s32 @p2 $0x1  }
0x17: {  	s4 =	simm.s32 $0x1BF5;
	[smem:$0x3FAF] =	sst s0  }
0x18: {  	s0 =	sld [smem:$0x3F92];
	_ =	swait.ge [sflag:s4], $0x0  }
0x19: {  	s7 =	sld [smem:$0x3F93]  }
0x1a: {  	s8 =	sadd.s32 $0xFFFFE003, lr  }
0x1b: {  	s9 =	sadd.s32 $0xFFFFFEF7, lr;
	s5 =	simm.s32 $0xFFFFFFFF;
	p2 =	slt.u32 s8, $0xFFFFF086  }
0x1c: {  	p1 =	slt.u32 s9, $0xF7A;
	s5 =	simm.s32 @!p2 $0x0  }
0x1d: {  	s5 =	simm.s32 @p1 $0x1;
	p0 =	seq.s32 s7, s2  }
0x1e: {  	s7 =	smul.u32 @!p0 $0xF7A, s2;
	p2 =	seq.s32 @!p0 s5, $0x0  }
0x1f: {  	s9 =	smul.u32 $0xF7A, s1;
	s8 =	simm.s32 @!p0 $0x1BF5;
	p2 =	por !p2, p0  }
0x20: {  	[sflag:s8] =	ssyncset.s32 @!p0 $0xFFFFF086;
	s6 =	sadd.s32 @!p0 s3, s7;
	s7 =	simm.s32 @!p0 $0x108  }
0x21: {  	s3 =	sadd.s32 s3, s9;
	s6 =	sadd.s32 @!p0 $0x88, s6;
	s7 =	simm.s32 @p2 $0x1082  }
0x22: {  	[simem:s7], [sflag:s8] =	dma.local @!p0 [hbm:s6], $0xF7A  }
0x23: {  	s9 =	sor.u32 $0xD0000000, s2;
	s6 =	simm.s32 $0x108;
	_ =	swait.ge @!p0 [sflag:s8], $0x0  }
0x24: {  	s3 =	sadd.s32 $0x88, s3;
	s6 =	simm.s32 @!p1 $0x1082;
	[sflag:s4] =	ssyncset.s32 $0xFFFFF086  }
0x25: {  	[simem:s6], [sflag:s4] =	dma.local [hbm:s3], $0xF7A  }
0x26: {  	[smem:$0x3F93] =	sst s1;
	(tag) =	ssettag s2;
	_ =	strace s9  }
0x27: {  	s1 =	sld [smem:$0x3FA3]  }
0x28: {  	s2 =	sld [smem:$0x3FA4]  }
0x29: {  	s4 =	sld [smem:$0x3FA6]  }
0x2a: {  	p0 =	seq.s32 s5, $0x0;
	s5 =	sld [smem:$0x3FA7]  }
0x2b: {  	s6 =	sld [smem:$0x3FA8]  }
0x2c: {  	s7 =	sld [smem:$0x3FA9]  }
0x2d: {  	s3 =	simm.s32 $0x108;
	s8 =	sld [smem:$0x3FAA]  }
0x2e: {  	s3 =	simm.s32 @!p0 $0x1082;
	s9 =	sld [smem:$0x3FAB]  }
0x2f: {  	lr =	sadd.s32 s0, s3;
	s0 =	sld [smem:$0x3FA2]  }
0x30: {  	s3 =	sld [smem:$0x3FA5]  }
0x31: {  	[smem:$0x3FAE] =	sst s10  }
0x32: {  	s10 =	sld [smem:$0x3FAC];
	_ =	sdelay $0x3  }
0x33: {  	p0 =	seq.s32 s10, $0x1;
	s10 =	sld [smem:$0x3FAE];
	_ =	sdelay $0x3  }
0x34: {  	[smem:$0x3FAE] =	sst s10  }
0x35: {  	s10 =	sld [smem:$0x3FAD];
	_ =	sdelay $0x3  }
0x36: {  	p1 =	seq.s32 s10, $0x1;
	s10 =	sld [smem:$0x3FAE];
	_ =	sdelay $0x3  }
0x37: {  	[smem:$0x3FAE] =	sst s10  }
0x38: {  	s10 =	sld [smem:$0x3FAF]  }
0x39: {  	_ = 	snop;
	(pc) =	sbr.ind lr, $3  }
0x3a: {  	_ = 	snop  }
0x3b: {  	_ = 	snop  }
0x3c: {  	p2 =	seq.s32 s10, $0x1;
	s10 =	sld [smem:$0x3FAE]  }
0x3d: {  	_ =	shalt  }
0x3e: {  	_ =	shalt  }
0x3f: {  	_ =	shalt  }
0x40: {  	_ =	shalt  }
0x41: {  	_ =	shalt  }
0x42: {  	_ =	shalt  }
0x43: {  	_ =	shalt  }
0x44: {  	_ =	shalt  }
0x45: {  	_ =	shalt  }
0x46: {  	_ =	shalt  }
0x47: {  	_ =	shalt  }
0x48: {  	_ =	shalt  }
0x49: {  	_ =	shalt  }
0x4a: {  	_ =	shalt  }
0x4b: {  	_ =	shalt  }
0x4c: {  	_ =	shalt  }
0x4d: {  	_ =	shalt  }
0x4e: {  	_ =	shalt  }
0x4f: {  	_ =	shalt  }
0x50: {  	_ =	shalt  }
0x51: {  	_ =	shalt  }
0x52: {  	_ =	shalt  }
0x53: {  	_ =	shalt  }
0x54: {  	_ =	shalt  }
0x55: {  	_ =	shalt  }
0x56: {  	_ =	shalt  }
0x57: {  	_ =	shalt  }
0x58: {  	_ =	shalt  }
0x59: {  	_ =	shalt  }
0x5a: {  	_ =	shalt  }
0x5b: {  	_ =	shalt  }
0x5c: {  	_ =	shalt  }
0x5d: {  	_ =	shalt  }
0x5e: {  	_ =	shalt  }
0x5f: {  	_ =	shalt  }
0x60: {  	_ =	shalt  }
0x61: {  	_ =	shalt  }
0x62: {  	_ =	shalt  }
0x63: {  	_ =	shalt  }
0x64: {  	_ =	shalt  }
0x65: {  	_ =	shalt  }
0x66: {  	_ =	shalt  }
0x67: {  	_ =	shalt  }
0x68: {  	_ =	shalt  }
0x69: {  	_ =	shalt  }
0x6a: {  	_ =	shalt  }
0x6b: {  	_ =	shalt  }
0x6c: {  	_ =	shalt  }
0x6d: {  	_ =	shalt  }
0x6e: {  	_ =	shalt  }
0x6f: {  	_ =	shalt  }
0x70: {  	_ =	shalt  }
0x71: {  	_ =	shalt  }
0x72: {  	_ =	shalt  }
0x73: {  	_ =	shalt  }
0x74: {  	_ =	shalt  }
0x75: {  	_ =	shalt  }
0x76: {  	_ =	shalt  }
0x77: {  	_ =	shalt  }
0x78: {  	_ =	shalt  }
0x79: {  	_ =	shalt  }
0x7a: {  	_ =	shalt  }
0x7b: {  	_ =	shalt  }
0x7c: {  	_ =	shalt  }
0x7d: {  	_ =	shalt  }
0x7e: {  	_ =	shalt  }
0x7f: {  	_ =	shalt  }
0x80: {  	_ =	shalt  }
0x81: {  	_ =	shalt  }
0x82: {  	_ =	shalt  }
0x83: {  	_ =	shalt  }
0x84: {  	_ =	shalt  }
0x85: {  	_ =	shalt  }
0x86: {  	_ =	shalt  }
0x87: {  	_ =	shalt  }
.Lfunc_end0:
.L_simem_size_0:
called_computation.3_lowered:
.L_overlay_start_0:
0x88: {  	s2 =	sld [smem:$0x3FD9]  }
0x89: {  	s3 =	sld [smem:$0x3FFE];
	_ =	sdelay $0x1  }
0x8a: {  	s1 =	srdreg.scid  }
0x8b: {  	s0 =	sand.u32 $0x1, s1  }
0x8c: {  	s17 =	sshll.u32 s0, $0xA;
	s2 =	sadd.s32 s3, s2  }
0x8d: {  	s2 =	sadd.s32 s2, s17  }
0x8e: {  	[smem:$0x3FBA] =	sst s2  }
0x8f: {  	_ = 	snop  }
0x90: {  	s2 =	sld [smem:$0x3FD0];
	(tm) =	ssettm $0x1  }
0x91: {  	s18 =	sld [smem:$0x3FFB];
	_ =	sdelay $0x3  }
0x92: {  	_ =	strace s18  }
0x93: {  	s3 =	sld [smem:$0x3FFC];
	_ =	sdelay $0x3  }
0x94: {  	_ =	strace s3  }
0x95: {  	s3 =	sld [smem:$0x3FFD];
	_ =	sdelay $0x3  }
0x96: {  	_ =	strace s3  }
0x97: {  	_ =	strace $0x8FFFFFFF  }
0x98: {  	s19 =	sld [smem:$0x3FDB];
	_ =	sdelay $0x1  }
0x99: {  	s4 =	simm.s32 $_scs_section_size  }
0x9a: {  	s5 =	simm.s32 $_size__tile_overlayer_lowered;
	s6 =	simm.s32 $_tile_overlayer_lowered  }
0x9b: {  	s22 =	simm.s32 $0x1BFF;
	s21 =	sshll.u32 s6, $0x1;
	s3 =	sadd.s32 s4, s19  }
0x9c: {  	s7 =	simm.s32 $0x0;
	s20 =	sshll.u32 s5, $0x1;
	s5 =	sadd.s32 s21, s3  }
0x9d: {  	[timem:s7], [sflag:s22] =	dma.local [hbm:s5], s20  }
0x9e: {  	_ =	swait.ge [sflag:s22], s20  }
0x9f: {  	s4 =	ssub.s32 $0x0, s20;
	[sflag:s22] =	ssyncset.done $0x0  }
0xa0: {  	[sflag:s22] =	ssyncadd.s32 s4;
	_ =	sdelay $0x1  }
0xa1: {  	s23 =	simm.s32 $0x1B8B  }
0xa2: {  	_ =	swait.ge [sflag:s23], $0x1  }
0xa3: {  	[sflag:s23] =	ssyncset.done $0x0  }
0xa4: {  	s25 =	simm.s32 $0x1B8E;
	s24 =	sld [smem:$0x3FFE];
	[sflag:s23] =	ssyncadd.s32 $0xFFFFFFFF  }
0xa5: {  	s26 =	simm.s32 $execute0_lowered;
	[smem:$0x3FD2] =	sst s25  }
0xa6: {  	s5 =	sshll.u32 s26, $0x1;
	_ =	strace $0x8000004F;
	[dreg:$0x1] =	wrdreg $0xFFFFFFFF  }
0xa7: {  	s28 =	simm.s32 $_size_execute0_lowered;
	s3 =	sadd.s32 s3, s5;
	[dreg:$0x0] =	wrdreg $0x0  }
0xa8: {  	s5 =	sshll.u32 s28, $0x1;
	[dreg:$0x2] =	wrdreg s3  }
0xa9: {  	[dreg:$0x3] =	wrdreg s5  }
0xaa: {  	[dreg:$0x4] =	wrdreg $0xC0  }
0xab: {  	_ =	task [dreg:s7], $0x5FFFF  }
0xac: {  	[dreg:$0x1] =	wrdreg $0xFFFFFFFF  }
0xad: {  	[dreg:$0x0] =	wrdreg $0x60  }
0xae: {  	[dreg:$0x2] =	wrdreg s2  }
0xaf: {  	[dreg:$0x3] =	wrdreg s24  }
0xb0: {  	[dreg:$0x4] =	wrdreg $0x90000  }
0xb1: {  	[dreg:$0x5] =	wrdreg $0x9  }
0xb2: {  	_ =	task.clear_ibuf [dreg:s7], $0x6FFFF;
	_ =	strace $0x9000004F  }
0xb3: {  	s29 =	simm.s32 $0x9;
	_ =	strace $0x80000051  }
0xb4: {  	_ =	swait.ge [sflag:s29], $0x1  }
0xb5: {  	[sflag:s29] =	ssyncadd.s32 $0xFFFFFFFF  }
0xb6: {  	_ =	strace $0x90000051  }
0xb7: {  	_ =	sfence  }
0xb8: {  	s30 =	sld [smem:$0x0];
	_ =	sdelay $0x2  }
0xb9: {  	s31 =	sshll.u32 s1, $0xD;
	s1 =	sshrl.u32 s1, $0x2  }
0xba: {  	s3 =	sand.u32 $0x4000, s31;
	s1 =	sadd.s32 s1, s30  }
0xbb: {  	s0 =	sor.u32 s3, s0;
	s1 =	sshll.u32 s1, $0x11  }
0xbc: {  	s0 =	sor.u32 s1, s0  }
0xbd: {  	s0 =	sadd.s32 $0x8F2B, s0  }
0xbe: {  	[sflag:s0] =	ssyncadd.remote.s32 $0x1  }
0xbf: {  	_ =	sfence.sel $0xFFFF  }
0xc0: {  	[dreg:$0x0] =	wrdreg $0xFFFFFFFF;
	(pc) =	sbr.abs _section_cstart, $3  }
0xc1: {  	[dreg:$0x1] =	wrdreg $0xFFFFFFFF  }
0xc2: {  	_ =	task.clear_ibuf [dreg:s7], $0x2FFFF;
	_ =	strace $0x9FFFFFFF  }
0xc3: {  	(tm) =	ssettm $0x7FFFFFFF  }
tec
execute0_lowered:
.L_overlay_start_1:
0x0: {  	(tag) =	ssettag $0x1  }
0x1: {  	s1 =	rddreg [dreg:$0x0]  }
0x2: {  	s5 =	rddreg [dreg:$0x1]  }
0x3: {  	s2 =	rddreg [dreg:$0x2]  }
0x4: {  	s3 =	srdreg.scid;
	s0 =	rddreg [dreg:$0x3];
	s4 =	simm.s32 $0x0  }
0x5: {  	s18 =	simm.s32 $0x5000;
	s19 =	simm.s32 $0x1;
	s6 =	sand.u32 $0x1, s3  }
0x6: {  	s20 =	simm.s32 $0x2;
	s3 =	stileid.u32;
	s7 =	smul.u32 $0x140000, s6  }
0x7: {  	[smem:$0x7FF] =	sst s4;
	s11 =	sadd.s32 $0x4200, s5;
	s8 =	smul.u32 $0x14000, s3  }
0x8: {  	s12 =	sadd.s32 $0x18200, s5;
	_ =	strace $0x80000050;
	s9 =	smul.u32 $0x50000, s3  }
0x9: {  	s24 =	ssub.s32 $0x2, s6;
	s26 =	smul.u32 $0x140, s6;
	s6 =	sshll.u32 s6, $0x4  }
0xa: {  	s10 =	smul.u32 $0x14, s3;
	s25 =	sshrl.u32 s24, $0x1;
	s28 =	sor.u32 s3, s6  }
0xb: {  	s7 =	sadd.s32 s8, s7;
	s9 =	sshrl.u32 s9, $0x2;
	s14 =	ssub.s32 s24, s25  }
0xc: {  	s15 =	smul.u32 $0xA00, s28;
	s29 =	sadd.s32 s10, s26;
	s7 =	sshrl.u32 s7, $0x3  }
0xd: {  	s16 =	sshll.u32 s29, $0x7;
	s13 =	sadd.s32 s7, s5;
	s5 =	sadd.s32 s9, s2  }
0xe: {  	s10 =	sadd.s32 s11, s15;
	s17 =	sadd.s32 s16, s11;
	s11 =	sadd.s32 s12, s15  }
0xf: {  	s16 =	sadd.s32 s16, s12;
	s15 =	simm.s32 $0x3;
	s6 =	sadd.s32 $0x4000, s5  }
0x10: {  	s7 =	sadd.s32 $0x8000, s5;
	s8 =	sadd.s32 $0xC000, s5;
	s9 =	sadd.s32 $0x10000, s5  }
0x11: {  	s30 =	sadd.s32 $0x80, s17;
	s12 =	sadd.s32 $0x2C200, s13;
	s31 =	sadd.s32 $0x80, s16  }
0x12: {  	s13 =	smax.u32 s14, $0x1;
	s14 =	simm.s32 $0x1000;
	[dreg:$0x4] =	wrdreg s30  }
0x13: {  	v0 =	vimm.f32 $0.0e+00;
	s16 =	simm.s32 $0x800;
	s17 =	simm.s32 $0x80;
	[dreg:$0x5] =	wrdreg s31  }
.LBB2_1:
0x14: {  	s21 =	simm.s32 $0x0;
	s22 =	simm.s32 $0x200  }
.LBB2_2:
0x15: {  	p0 =	sne.s32 s22, $0xFE00;
	[tilespmem:s21+$0x1070] =	vst v0  }
0x16: {  	[tilespmem:s21+$0x1000] =	vst v0  }
0x17: {  	[tilespmem:s21+$0x1010] =	vst v0  }
.Ltmp0:
0x18: {  	[tilespmem:s21+$0x1020] =	vst v0;
	(pc) =	sbr.rel @p0 .LBB2_2-.Ltmp0, $4  }
0x19: {  	[tilespmem:s21+$0x1030] =	vst v0  }
0x1a: {  	[tilespmem:s21+$0x1040] =	vst v0  }
0x1b: {  	[tilespmem:s21+$0x1050] =	vst v0  }
0x1c: {  	[tilespmem:s21+$0x1060] =	vst v0;
	s21 =	sshra.s32 s22, $0x2;
	s22 =	sadd.s32 $0x200, s22  }
0x1d: {  	[tilespmem:s21+$0x1070] =	vst v0  }
0x1e: {  	[tilespmem:s21+$0x1000] =	vst v0  }
0x1f: {  	[tilespmem:s21+$0x1010] =	vst v0  }
0x20: {  	[tilespmem:s21+$0x1020] =	vst v0  }
0x21: {  	[tilespmem:s21+$0x1030] =	vst v0  }
0x22: {  	[tilespmem:s21+$0x1040] =	vst v0  }
0x23: {  	[tilespmem:s21+$0x1050] =	vst v0  }
0x24: {  	[tilespmem:s21+$0x1060] =	vst v0  }
0x25: {  	[spmem:s5] =	stream.linear.scatter [tilespmem:s14], [sflag:$0x3], $0x4000, $0x38;
	[tilespmem:$0x1D000] =	vst v63  }
0x26: {  	_ =	swait.ge [sflag:s15], $0x4000  }
0x27: {  	[sflag:s15] =	ssyncset.done $0x0  }
0x28: {  	[sflag:s15] =	ssyncadd.s32 $0xFFFFC000  }
0x29: {  	[spmem:s6] =	stream.linear.scatter [tilespmem:s14], [sflag:$0x3], $0x4000, $0x38;
	[tilespmem:$0x1D000] =	vst v63  }
0x2a: {  	_ =	swait.ge [sflag:s15], $0x4000  }
0x2b: {  	[sflag:s15] =	ssyncset.done $0x0  }
0x2c: {  	[sflag:s15] =	ssyncadd.s32 $0xFFFFC000  }
0x2d: {  	[spmem:s7] =	stream.linear.scatter [tilespmem:s14], [sflag:$0x3], $0x4000, $0x38;
	[tilespmem:$0x1D000] =	vst v63  }
0x2e: {  	_ =	swait.ge [sflag:s15], $0x4000  }
0x2f: {  	[sflag:s15] =	ssyncset.done $0x0  }
0x30: {  	[sflag:s15] =	ssyncadd.s32 $0xFFFFC000  }
0x31: {  	[spmem:s8] =	stream.linear.scatter [tilespmem:s14], [sflag:$0x3], $0x4000, $0x38;
	[tilespmem:$0x1D000] =	vst v63  }
0x32: {  	_ =	swait.ge [sflag:s15], $0x4000  }
0x33: {  	[sflag:s15] =	ssyncset.done $0x0  }
0x34: {  	[sflag:s15] =	ssyncadd.s32 $0xFFFFC000  }
0x35: {  	[spmem:s9] =	stream.linear.scatter [tilespmem:s14], [sflag:$0x3], $0x4000, $0x38;
	[tilespmem:$0x1D000] =	vst v63  }
0x36: {  	_ =	swait.ge [sflag:s15], $0x4000  }
0x37: {  	[sflag:s15] =	ssyncset.done $0x0  }
0x38: {  	[sflag:s15] =	ssyncadd.s32 $0xFFFFC000  }
0x39: {  	s21 =	simm.s32 $0x0;
	[bflag:$0x0] =	sbarrier.arrive $0xFFFF  }
0x3a: {  	[tilespmem:s21], [sflag:$0x3] =	stream.linear.gather [hbm4b:s10+s21], $0x400, $0x38;
	[tilespmem:$0x1D000] =	vst v63  }
0x3b: {  	_ =	swait.ge [sflag:s15], $0x400  }
0x3c: {  	[sflag:s15] =	ssyncset.done $0x0  }
0x3d: {  	[sflag:s15] =	ssyncadd.s32 $0xFFFFFC00  }
0x3e: {  	[tilespmem:s16], [sflag:$0x3] =	stream.linear.gather [hbm4b:s11+s21], $0x400, $0x38;
	[tilespmem:$0x1D000] =	vst v63  }
0x3f: {  	s22 =	simm.s32 $0x1;
	_ =	swait.ge [sflag:s15], $0x400  }
0x40: {  	p0 =	por $0x0, $0x0;
	s23 =	sand.u32 $0x1, s22;
	[sflag:s15] =	ssyncset.done $0x0  }
0x41: {  	s25 =	simm.s32 @!p0 $0x0;
	s24 =	rddreg [dreg:$0x4];
	[sflag:s15] =	ssyncadd.s32 $0xFFFFFC00  }
0x42: {  	[tilespmem:s14], [sflag:$0x1] =	stream.indirect.gather [hbm4b:s1+s17], $0x80, s21, s17, $0xb8;
	[tilespmem:$0x1D000] =	vst v63  }
0x43: {  	s26 =	simm.s32 @!p0 $0x3;
	s23 =	sshll.u32 @!p0 s23, $0xA;
	s24 =	sadd.s32 @!p0 $0x0, s24  }
0x44: {  	[tilespmem:s23], [sflag:$0x3] =	stream.linear.gather @!p0 [hbm4b:s24+s25], $0x400, $0x38;
	[tilespmem:$0x1D000] =	vst v63  }
0x45: {  	_ =	swait.ge @!p0 [sflag:s26], $0x400  }
0x46: {  	s24 =	rddreg [dreg:$0x5];
	[sflag:s26] =	ssyncset.done @!p0 $0x0  }
0x47: {  	s28 =	sor.u32 @!p0 $0x800, s23;
	[sflag:s26] =	ssyncadd.s32 @!p0 $0xFFFFFC00;
	s24 =	sadd.s32 @!p0 $0x0, s24  }
0x48: {  	[tilespmem:s28], [sflag:$0x3] =	stream.linear.gather @!p0 [hbm4b:s24+s25], $0x400, $0x38;
	[tilespmem:$0x1D000] =	vst v63  }
0x49: {  	_ =	swait.ge @!p0 [sflag:s26], $0x400  }
0x4a: {  	s24 =	sand.u32 $0x400, s21;
	[sflag:s26] =	ssyncset.done @!p0 $0x0  }
0x4b: {  	s28 =	sor.u32 $0x80, s24;
	[sflag:s26] =	ssyncadd.s32 @!p0 $0xFFFFFC00  }
0x4c: {  	[tilespmem:s18], [sflag:$0x2] =	stream.indirect.gather [hbm4b:s1+s17], $0x80, s28, s17, $0xb8;
	[tilespmem:$0x1D000] =	vst v63  }
0x4d: {  	_ =	swait.ge [sflag:s19], $0x4000  }
0x4e: {  	[sflag:s19] =	ssyncset.done $0x0  }
0x4f: {  	s29 =	sor.u32 $0x800, s24;
	[sflag:s19] =	ssyncadd.s32 $0xFFFFC000  }
0x50: {  	[spmem:s2] =	stream.indirect.scatter.add.f32 [tilespmem:s14], [sflag:$0x3], $0x80, s29, s17, $0xb8;
	[tilespmem:$0x1D000] =	vst v63  }
0x51: {  	_ =	swait.ge [sflag:s15], $0x4000  }
0x52: {  	[sflag:s15] =	ssyncset.done $0x0  }
0x53: {  	s30 =	sor.u32 $0x100, s24;
	[sflag:s15] =	ssyncadd.s32 $0xFFFFC000  }
0x54: {  	[tilespmem:s14], [sflag:$0x1] =	stream.indirect.gather [hbm4b:s1+s17], $0x80, s30, s17, $0xb8;
	[tilespmem:$0x1D000] =	vst v63  }
0x55: {  	_ =	swait.ge [sflag:s20], $0x4000  }
0x56: {  	[sflag:s20] =	ssyncset.done $0x0  }
0x57: {  	s31 =	sor.u32 $0x880, s24;
	[sflag:s20] =	ssyncadd.s32 $0xFFFFC000  }
0x58: {  	[spmem:s2] =	stream.indirect.scatter.add.f32 [tilespmem:s18], [sflag:$0x3], $0x80, s31, s17, $0xb8;
	[tilespmem:$0x1D000] =	vst v63  }
0x59: {  	_ =	swait.ge [sflag:s15], $0x4000  }
0x5a: {  	[sflag:s15] =	ssyncset.done $0x0  }
0x5b: {  	s26 =	sor.u32 $0x180, s24;
	[sflag:s15] =	ssyncadd.s32 $0xFFFFC000  }
0x5c: {  	[tilespmem:s18], [sflag:$0x2] =	stream.indirect.gather [hbm4b:s1+s17], $0x80, s26, s17, $0xb8;
	[tilespmem:$0x1D000] =	vst v63  }
0x5d: {  	_ =	swait.ge [sflag:s19], $0x4000  }
0x5e: {  	[sflag:s19] =	ssyncset.done $0x0  }
0x5f: {  	s28 =	sor.u32 $0x900, s24;
	[sflag:s19] =	ssyncadd.s32 $0xFFFFC000  }
0x60: {  	[spmem:s2] =	stream.indirect.scatter.add.f32 [tilespmem:s14], [sflag:$0x3], $0x80, s28, s17, $0xb8;
	[tilespmem:$0x1D000] =	vst v63  }
0x61: {  	_ =	swait.ge [sflag:s15], $0x4000  }
0x62: {  	[sflag:s15] =	ssyncset.done $0x0  }
0x63: {  	s29 =	sor.u32 $0x200, s24;
	[sflag:s15] =	ssyncadd.s32 $0xFFFFC000  }
0x64: {  	[tilespmem:s14], [sflag:$0x1] =	stream.indirect.gather [hbm4b:s1+s17], $0x80, s29, s17, $0xb8;
	[tilespmem:$0x1D000] =	vst v63  }
0x65: {  	_ =	swait.ge [sflag:s20], $0x4000  }
0x66: {  	[sflag:s20] =	ssyncset.done $0x0  }
0x67: {  	s30 =	sor.u32 $0x980, s24;
	[sflag:s20] =	ssyncadd.s32 $0xFFFFC000  }
0x68: {  	[spmem:s2] =	stream.indirect.scatter.add.f32 [tilespmem:s18], [sflag:$0x3], $0x80, s30, s17, $0xb8;
	[tilespmem:$0x1D000] =	vst v63  }
0x69: {  	_ =	swait.ge [sflag:s15], $0x4000  }
0x6a: {  	[sflag:s15] =	ssyncset.done $0x0  }
0x6b: {  	s31 =	sor.u32 $0x280, s24;
	[sflag:s15] =	ssyncadd.s32 $0xFFFFC000  }
0x6c: {  	[tilespmem:s18], [sflag:$0x2] =	stream.indirect.gather [hbm4b:s1+s17], $0x80, s31, s17, $0xb8;
	[tilespmem:$0x1D000] =	vst v63  }
0x6d: {  	_ =	swait.ge [sflag:s19], $0x4000  }
0x6e: {  	[sflag:s19] =	ssyncset.done $0x0  }
0x6f: {  	s26 =	sor.u32 $0xA00, s24;
	[sflag:s19] =	ssyncadd.s32 $0xFFFFC000  }
0x70: {  	[spmem:s2] =	stream.indirect.scatter.add.f32 [tilespmem:s14], [sflag:$0x3], $0x80, s26, s17, $0xb8;
	[tilespmem:$0x1D000] =	vst v63  }
0x71: {  	_ =	swait.ge [sflag:s15], $0x4000  }
0x72: {  	[sflag:s15] =	ssyncset.done $0x0  }
0x73: {  	s28 =	sor.u32 $0x300, s24;
	[sflag:s15] =	ssyncadd.s32 $0xFFFFC000  }
0x74: {  	[tilespmem:s14], [sflag:$0x1] =	stream.indirect.gather [hbm4b:s1+s17], $0x80, s28, s17, $0xb8;
	[tilespmem:$0x1D000] =	vst v63  }
0x75: {  	_ =	swait.ge [sflag:s20], $0x4000  }
0x76: {  	[sflag:s20] =	ssyncset.done $0x0  }
0x77: {  	s29 =	sor.u32 $0xA80, s24;
	[sflag:s20] =	ssyncadd.s32 $0xFFFFC000  }
0x78: {  	[spmem:s2] =	stream.indirect.scatter.add.f32 [tilespmem:s18], [sflag:$0x3], $0x80, s29, s17, $0xb8;
	[tilespmem:$0x1D000] =	vst v63  }
0x79: {  	_ =	swait.ge [sflag:s15], $0x4000  }
0x7a: {  	[sflag:s15] =	ssyncset.done $0x0  }
0x7b: {  	s30 =	sor.u32 $0x380, s24;
	[sflag:s15] =	ssyncadd.s32 $0xFFFFC000  }
0x7c: {  	[tilespmem:s18], [sflag:$0x2] =	stream.indirect.gather [hbm4b:s1+s17], $0x80, s30, s17, $0xb8;
	[tilespmem:$0x1D000] =	vst v63  }
0x7d: {  	_ =	swait.ge [sflag:s19], $0x4000  }
0x7e: {  	[sflag:s19] =	ssyncset.done $0x0  }
0x7f: {  	s24 =	sor.u32 $0xB00, s24;
	[sflag:s19] =	ssyncadd.s32 $0xFFFFC000  }
0x80: {  	[spmem:s2] =	stream.indirect.scatter.add.f32 [tilespmem:s14], [sflag:$0x3], $0x80, s24, s17, $0xb8;
	[tilespmem:$0x1D000] =	vst v63  }
0x81: {  	_ =	swait.ge [sflag:s15], $0x4000  }
0x82: {  	[sflag:s15] =	ssyncset.done $0x0  }
0x83: {  	s26 =	simm.s32 @!p0 $0x1000;
	s24 =	simm.s32 @!p0 $0x80;
	[sflag:s15] =	ssyncadd.s32 $0xFFFFC000  }
0x84: {  	[tilespmem:s26], [sflag:$0x1] =	stream.indirect.gather @!p0 [hbm4b:s1+s24], $0x80, s23, s24, $0xb8;
	[tilespmem:$0x1D000] =	vst v63  }
0x85: {  	_ =	swait.ge [sflag:s20], $0x4000  }
0x86: {  	[sflag:s20] =	ssyncset.done $0x0  }
0x87: {  	s31 =	sor.u32 $0x800, s30;
	[sflag:s20] =	ssyncadd.s32 $0xFFFFC000  }
0x88: {  	[spmem:s2] =	stream.indirect.scatter.add.f32 [tilespmem:s18], [sflag:$0x3], $0x80, s31, s17, $0xb8;
	[tilespmem:$0x1D000] =	vst v63  }
0x89: {  	s23 =	simm.s32 $0x80;
	_ =	swait.ge [sflag:s15], $0x4000  }
.LBB2_4:
0x8a: {  	s26 =	smov.u32 s23;
	s22 =	sadd.s32 $0x1, s22  }
0x8b: {  	[sflag:s15] =	ssyncset.done $0x0;
	s24 =	sand.u32 $0x1, s22;
	p1 =	seq.s32 s26, $0x980  }
0x8c: {  	s25 =	rddreg [dreg:$0x4];
	[sflag:s15] =	ssyncadd.s32 $0xFFFFC000;
	s24 =	sshll.u32 @!p1 s24, $0xA  }
0x8d: {  	s25 =	sadd.s32 @!p1 s26, s25;
	s28 =	simm.s32 @!p1 $0x0;
	s29 =	simm.s32 @!p1 $0x3  }
0x8e: {  	[tilespmem:s24], [sflag:$0x3] =	stream.linear.gather @!p1 [hbm4b:s25+s28], $0x400, $0x38;
	[tilespmem:$0x1D000] =	vst v63  }
0x8f: {  	_ =	swait.ge @!p1 [sflag:s29], $0x400  }
0x90: {  	[sflag:s29] =	ssyncset.done @!p1 $0x0;
	s25 =	rddreg [dreg:$0x5]  }
0x91: {  	s30 =	sor.u32 @!p1 $0x800, s24;
	[sflag:s29] =	ssyncadd.s32 @!p1 $0xFFFFFC00;
	s25 =	sadd.s32 @!p1 s26, s25  }
0x92: {  	[tilespmem:s30], [sflag:$0x3] =	stream.linear.gather @!p1 [hbm4b:s25+s28], $0x400, $0x38;
	[tilespmem:$0x1D000] =	vst v63  }
0x93: {  	s21 =	sadd.s32 $0x400, s21;
	_ =	swait.ge @!p1 [sflag:s29], $0x400  }
0x94: {  	s25 =	sand.u32 $0x400, s21;
	[sflag:s29] =	ssyncset.done @!p1 $0x0  }
0x95: {  	s30 =	sor.u32 $0x80, s25;
	[sflag:s29] =	ssyncadd.s32 @!p1 $0xFFFFFC00  }
0x96: {  	[tilespmem:s18], [sflag:$0x2] =	stream.indirect.gather [hbm4b:s1+s17], $0x80, s30, s17, $0xb8;
	[tilespmem:$0x1D000] =	vst v63  }
0x97: {  	_ =	swait.ge [sflag:s19], $0x4000  }
0x98: {  	[sflag:s19] =	ssyncset.done $0x0  }
0x99: {  	s31 =	sor.u32 $0x800, s25;
	[sflag:s19] =	ssyncadd.s32 $0xFFFFC000  }
0x9a: {  	[spmem:s2] =	stream.indirect.scatter.add.f32 [tilespmem:s14], [sflag:$0x3], $0x80, s31, s17, $0xb8;
	[tilespmem:$0x1D000] =	vst v63  }
0x9b: {  	_ =	swait.ge [sflag:s15], $0x4000  }
0x9c: {  	[sflag:s15] =	ssyncset.done $0x0  }
0x9d: {  	s28 =	sor.u32 $0x100, s25;
	[sflag:s15] =	ssyncadd.s32 $0xFFFFC000  }
0x9e: {  	[tilespmem:s14], [sflag:$0x1] =	stream.indirect.gather [hbm4b:s1+s17], $0x80, s28, s17, $0xb8;
	[tilespmem:$0x1D000] =	vst v63  }
0x9f: {  	_ =	swait.ge [sflag:s20], $0x4000  }
0xa0: {  	[sflag:s20] =	ssyncset.done $0x0  }
0xa1: {  	s29 =	sor.u32 $0x880, s25;
	[sflag:s20] =	ssyncadd.s32 $0xFFFFC000  }
0xa2: {  	[spmem:s2] =	stream.indirect.scatter.add.f32 [tilespmem:s18], [sflag:$0x3], $0x80, s29, s17, $0xb8;
	[tilespmem:$0x1D000] =	vst v63  }
0xa3: {  	_ =	swait.ge [sflag:s15], $0x4000  }
0xa4: {  	[sflag:s15] =	ssyncset.done $0x0  }
0xa5: {  	s30 =	sor.u32 $0x180, s25;
	[sflag:s15] =	ssyncadd.s32 $0xFFFFC000  }
0xa6: {  	[tilespmem:s18], [sflag:$0x2] =	stream.indirect.gather [hbm4b:s1+s17], $0x80, s30, s17, $0xb8;
	[tilespmem:$0x1D000] =	vst v63  }
0xa7: {  	_ =	swait.ge [sflag:s19], $0x4000  }
0xa8: {  	[sflag:s19] =	ssyncset.done $0x0  }
0xa9: {  	s31 =	sor.u32 $0x900, s25;
	[sflag:s19] =	ssyncadd.s32 $0xFFFFC000  }
0xaa: {  	[spmem:s2] =	stream.indirect.scatter.add.f32 [tilespmem:s14], [sflag:$0x3], $0x80, s31, s17, $0xb8;
	[tilespmem:$0x1D000] =	vst v63  }
0xab: {  	_ =	swait.ge [sflag:s15], $0x4000  }
0xac: {  	[sflag:s15] =	ssyncset.done $0x0  }
0xad: {  	s28 =	sor.u32 $0x200, s25;
	[sflag:s15] =	ssyncadd.s32 $0xFFFFC000  }
0xae: {  	[tilespmem:s14], [sflag:$0x1] =	stream.indirect.gather [hbm4b:s1+s17], $0x80, s28, s17, $0xb8;
	[tilespmem:$0x1D000] =	vst v63  }
0xaf: {  	_ =	swait.ge [sflag:s20], $0x4000  }
0xb0: {  	[sflag:s20] =	ssyncset.done $0x0  }
0xb1: {  	s29 =	sor.u32 $0x980, s25;
	[sflag:s20] =	ssyncadd.s32 $0xFFFFC000  }
0xb2: {  	[spmem:s2] =	stream.indirect.scatter.add.f32 [tilespmem:s18], [sflag:$0x3], $0x80, s29, s17, $0xb8;
	[tilespmem:$0x1D000] =	vst v63  }
0xb3: {  	_ =	swait.ge [sflag:s15], $0x4000  }
0xb4: {  	[sflag:s15] =	ssyncset.done $0x0  }
0xb5: {  	s30 =	sor.u32 $0x280, s25;
	[sflag:s15] =	ssyncadd.s32 $0xFFFFC000  }
0xb6: {  	[tilespmem:s18], [sflag:$0x2] =	stream.indirect.gather [hbm4b:s1+s17], $0x80, s30, s17, $0xb8;
	[tilespmem:$0x1D000] =	vst v63  }
0xb7: {  	_ =	swait.ge [sflag:s19], $0x4000  }
0xb8: {  	[sflag:s19] =	ssyncset.done $0x0  }
0xb9: {  	s31 =	sor.u32 $0xA00, s25;
	[sflag:s19] =	ssyncadd.s32 $0xFFFFC000  }
0xba: {  	[spmem:s2] =	stream.indirect.scatter.add.f32 [tilespmem:s14], [sflag:$0x3], $0x80, s31, s17, $0xb8;
	[tilespmem:$0x1D000] =	vst v63  }
0xbb: {  	_ =	swait.ge [sflag:s15], $0x4000  }
0xbc: {  	[sflag:s15] =	ssyncset.done $0x0  }
0xbd: {  	s28 =	sor.u32 $0x300, s25;
	[sflag:s15] =	ssyncadd.s32 $0xFFFFC000  }
0xbe: {  	[tilespmem:s14], [sflag:$0x1] =	stream.indirect.gather [hbm4b:s1+s17], $0x80, s28, s17, $0xb8;
	[tilespmem:$0x1D000] =	vst v63  }
0xbf: {  	_ =	swait.ge [sflag:s20], $0x4000  }
0xc0: {  	[sflag:s20] =	ssyncset.done $0x0  }
0xc1: {  	s29 =	sor.u32 $0xA80, s25;
	[sflag:s20] =	ssyncadd.s32 $0xFFFFC000  }
0xc2: {  	[spmem:s2] =	stream.indirect.scatter.add.f32 [tilespmem:s18], [sflag:$0x3], $0x80, s29, s17, $0xb8;
	[tilespmem:$0x1D000] =	vst v63  }
0xc3: {  	_ =	swait.ge [sflag:s15], $0x4000  }
0xc4: {  	[sflag:s15] =	ssyncset.done $0x0  }
0xc5: {  	s30 =	sor.u32 $0x380, s25;
	[sflag:s15] =	ssyncadd.s32 $0xFFFFC000  }
0xc6: {  	[tilespmem:s18], [sflag:$0x2] =	stream.indirect.gather [hbm4b:s1+s17], $0x80, s30, s17, $0xb8;
	[tilespmem:$0x1D000] =	vst v63  }
0xc7: {  	_ =	swait.ge [sflag:s19], $0x4000  }
0xc8: {  	[sflag:s19] =	ssyncset.done $0x0  }
0xc9: {  	s25 =	sor.u32 $0xB00, s25;
	[sflag:s19] =	ssyncadd.s32 $0xFFFFC000  }
0xca: {  	[spmem:s2] =	stream.indirect.scatter.add.f32 [tilespmem:s14], [sflag:$0x3], $0x80, s25, s17, $0xb8;
	[tilespmem:$0x1D000] =	vst v63  }
0xcb: {  	s23 =	sadd.s32 $0x80, s23;
	_ =	swait.ge [sflag:s15], $0x4000  }
0xcc: {  	p0 =	sne.s32 s23, $0xA00;
	[sflag:s15] =	ssyncset.done $0x0  }
0xcd: {  	s28 =	simm.s32 @!p1 $0x1000;
	s25 =	simm.s32 @!p1 $0x80;
	[sflag:s15] =	ssyncadd.s32 $0xFFFFC000  }
0xce: {  	[tilespmem:s28], [sflag:$0x1] =	stream.indirect.gather @!p1 [hbm4b:s1+s25], $0x80, s24, s25, $0xb8;
	[tilespmem:$0x1D000] =	vst v63  }
.Ltmp1:
0xcf: {  	_ =	swait.ge [sflag:s20], $0x4000;
	(pc) =	sbr.rel @p0 .LBB2_4-.Ltmp1, $4  }
0xd0: {  	[sflag:s20] =	ssyncset.done $0x0  }
0xd1: {  	s31 =	sor.u32 $0x800, s30;
	[sflag:s20] =	ssyncadd.s32 $0xFFFFC000  }
0xd2: {  	[spmem:s2] =	stream.indirect.scatter.add.f32 [tilespmem:s18], [sflag:$0x3], $0x80, s31, s17, $0xb8;
	[tilespmem:$0x1D000] =	vst v63  }
0xd3: {  	_ =	swait.ge [sflag:s15], $0x4000  }
0xd4: {  	[sflag:s15] =	ssyncset.done $0x0;
	s21 =	sshll.u32 s3, $0x6;
	s4 =	sadd.s32 $0x1, s4  }
0xd5: {  	s22 =	sshrl.u32 s5, $0x3;
	[sflag:s15] =	ssyncadd.s32 $0xFFFFC000;
	p0 =	sne.s32 s4, s13  }
.Ltmp2:
0xd6: {  	s21 =	sor.u32 $0x1C03, s21;
	[bflag:$0x0] =	sbarrier.arrive $0xFFFF;
	(pc) =	sbr.rel @p0 .LBB2_1-.Ltmp2, $4  }
0xd7: {  	[hbm:s12], [sflag:s21] =	dma.local [spmem:s22], $0x2800  }
0xd8: {  	_ =	swait.ge [sflag:s15], $0x2800  }
0xd9: {  	[sflag:s15] =	ssyncset.done $0x0  }
0xda: {  	[sflag:s15] =	ssyncadd.s32 $0xFFFFD800  }
0xdb: {  	_ =	sfence.sel $0x180000  }
0xdc: {  	[bflag:$0x0] =	sbarrier.arrive $0xFFFF  }
0xdd: {  	p0 =	sne.s32 s3, $0x0;
	_ =	strace $0x90000050  }
0xde: {  	s0 =	sadd.s32 @!p0 $0x100000, s0;
	[bflag:$0x2] =	sbarrier.arrive $0xFFFF  }
0xdf: {  	[sflag:s0] =	ssyncadd.tile.s32 @!p0 $0x1;
	_ =	shalt  }
.Lfunc_end2:
_tile_overlayer_lowered:
.L_overlay_start_2:
0xe0: {  	(tag) =	ssettag $0x2  }
0xe1: {  	s0 =	rddreg [dreg:$0x0];
	s2 =	stileid.u32  }
0xe2: {  	s1 =	rddreg [dreg:$0x1];
	p0 =	sne.s32 s2, $0x0  }
0xe3: {  	s3 =	rddreg [dreg:$0x2];
	[bflag:$0x3] =	sbarrier.arrive $0xFFFF;
	s2 =	simm.s32 @!p0 $0x1C03  }
0xe4: {  	[timem:s3], [sflag:s2] =	dma.local @!p0 [hbm:s0], s1  }
0xe5: {  	s0 =	simm.s32 @!p0 $0x3  }
0xe6: {  	_ =	swait.ge @!p0 [sflag:s0], s1  }
0xe7: {  	s1 =	ssub.s32 @!p0 $0x0, s1;
	[sflag:s0] =	ssyncset.done @!p0 $0x0  }
0xe8: {  	[sflag:s0] =	ssyncadd.s32 @!p0 s1  }
0xe9: {  	[bflag:$0x3] =	sbarrier.arrive $0xFFFF  }
0xea: {  	_ =	shalt  }

</sc_bundles>
